<compile_context>
chip_gen: v7x
topology: tpu7x:2x2x1
jax: 0.10.2.dev20260603
libtpu: 0.0.44.dev20260713+nightly
codegen_flags: <defaults>
</compile_context>

<pallas_src>
import functools

import jax
import jax.numpy as jnp
from jax import lax
from jax.experimental import pallas as pl
from jax.experimental.pallas import tpu as pltpu
from jax.experimental.pallas import tpu_sc as plsc

N = 10000
E = 320000
D = 128
NC = 2
NS = 16
NW = NC * NS
CHUNK = 128
TOT_CHUNKS = E // CHUNK
K0 = 80
K1B = (TOT_CHUNKS - NS * K0) // NS
K1N = TOT_CHUNKS - NS * K0 - NS * K1B
K1A = K1B + 1
AGG_ROWS = 10016
ZROWS = 632
ZROWS_LAST = AGG_ROWS - (NS - 1) * ZROWS
OROWS = 632
OROWS_LAST = N - (NS - 1) * OROWS


def _sc_aggregate(h, ei):
    mesh = plsc.VectorSubcoreMesh(core_axis_name="c", subcore_axis_name="s",
                                  num_cores=NC, num_subcores=NS)

    @functools.partial(
        pl.kernel,
        out_type=jax.ShapeDtypeStruct((NC, N, D), jnp.float32),
        mesh=mesh,
        scratch_types=[
            [pltpu.VMEM((CHUNK,), jnp.int32) for _ in range(3)],
            [pltpu.VMEM((CHUNK,), jnp.int32) for _ in range(3)],
            [pltpu.VMEM((CHUNK, D), jnp.float32) for _ in range(3)],
            [pltpu.SemaphoreType.DMA for _ in range(12)],
            pltpu.VMEM_SHARED((AGG_ROWS, D), jnp.float32),
        ],
    )
    def agg_kernel(h_hbm, ei_hbm, out_hbm,
                   srcb, dstb, rows, sems, acc_sh):
        ssem, dsem, gsem, asem = sems[0:3], sems[3:6], sems[6:9], sems[9:12]
        c = lax.axis_index("c")
        s = lax.axis_index("s")

        zv = jnp.zeros((16,), jnp.float32)

        def zbody(i, carry):
            for j in range(8):
                rows[0][i, pl.ds(j * 16, 16)] = zv
            return carry

        lax.fori_loop(0, CHUNK, zbody, 0)
        for j in range(ZROWS // CHUNK):
            pltpu.sync_copy(rows[0],
                            acc_sh.at[pl.ds(s * ZROWS + j * CHUNK, CHUNK)])
        ztail = ZROWS - (ZROWS // CHUNK) * CHUNK
        ztail_last = ZROWS_LAST - (ZROWS // CHUNK) * CHUNK

        @pl.when(s < NS - 1)
        def _():
            pltpu.sync_copy(rows[0].at[pl.ds(0, ztail)],
                            acc_sh.at[pl.ds(s * ZROWS + ZROWS - ztail, ztail)])

        @pl.when(s == NS - 1)
        def _():
            pltpu.sync_copy(
                rows[0].at[pl.ds(0, ztail_last)],
                acc_sh.at[pl.ds(s * ZROWS + ZROWS_LAST - ztail_last,
                                ztail_last)])

        plsc.subcore_barrier()

        base = jnp.where(c == 0, s * K0,
                         NS * K0 + s * K1B + jnp.minimum(s, K1N))

        def run_loop(ktile):
            for j in range(3):
                pltpu.async_copy(ei_hbm.at[0, base + j], srcb[j], ssem[j])
            for j in range(2):
                pltpu.async_copy(ei_hbm.at[1, base + j], dstb[j], dsem[j])
            for j in range(2):
                pltpu.make_async_copy(ei_hbm.at[0, base + j],
                                      srcb[j], ssem[j]).wait()
                pltpu.async_copy(h_hbm.at[srcb[j]], rows[j], gsem[j])

            def step(k, a, b_, c_):
                pltpu.make_async_copy(h_hbm.at[srcb[a]], rows[a], gsem[a]).wait()

                @pl.when(k >= 1)
                def _():
                    pltpu.make_async_copy(rows[c_], acc_sh.at[dstb[c_]],
                                          asem[c_]).wait()

                @pl.when(k + 2 < ktile)
                def _():
                    pltpu.make_async_copy(ei_hbm.at[0, base + k + 2],
                                          srcb[c_], ssem[c_]).wait()
                    pltpu.async_copy(h_hbm.at[srcb[c_]], rows[c_], gsem[c_])

                @pl.when(k + 3 < ktile)
                def _():
                    pltpu.async_copy(ei_hbm.at[0, base + k + 3], srcb[a], ssem[a])

                pltpu.make_async_copy(ei_hbm.at[1, base + k],
                                      dstb[a], dsem[a]).wait()
                pltpu.async_copy(rows[a], acc_sh.at[dstb[a]], asem[a], add=True)

                @pl.when(k + 2 < ktile)
                def _():
                    pltpu.async_copy(ei_hbm.at[1, base + k + 2], dstb[c_], dsem[c_])

            def body(k, carry):
                m = lax.rem(k, 3)

                @pl.when(m == 0)
                def _():
                    step(k, 0, 1, 2)

                @pl.when(m == 1)
                def _():
                    step(k, 1, 2, 0)

                @pl.when(m == 2)
                def _():
                    step(k, 2, 0, 1)

                return carry

            lax.fori_loop(0, ktile, body, 0)
            last = (ktile - 1) % 3
            pltpu.make_async_copy(rows[last], acc_sh.at[dstb[last]],
                                  asem[last]).wait()

        @pl.when(c == 0)
        def _():
            run_loop(K0)

        @pl.when(jnp.logical_and(c == 1, s < K1N))
        def _():
            run_loop(K1A)

        @pl.when(jnp.logical_and(c == 1, s >= K1N))
        def _():
            run_loop(K1B)

        plsc.subcore_barrier()

        @pl.when(s < NS - 1)
        def _():
            pltpu.sync_copy(acc_sh.at[pl.ds(s * OROWS, OROWS)],
                            out_hbm.at[c, pl.ds(s * OROWS, OROWS)])

        @pl.when(s == NS - 1)
        def _():
            pltpu.sync_copy(acc_sh.at[pl.ds((NS - 1) * OROWS, OROWS_LAST)],
                            out_hbm.at[c, pl.ds((NS - 1) * OROWS, OROWS_LAST)])

    return agg_kernel(h, ei)


_BLK = 1000


def _part_specs():
    return [pl.BlockSpec((1, _BLK, D), lambda i: (0, i, 0)),
            pl.BlockSpec((1, _BLK, D), lambda i: (1, i, 0))]


def _w_spec():
    return pl.BlockSpec((D, D), lambda i: (0, 0))


def _b_spec():
    return pl.BlockSpec((1, D), lambda i: (0, 0))


def _tc_layer(parts, w_t, b):

    def body(a0_ref, a1_ref, w_ref, b_ref, o_ref):
        h = a0_ref[0] + a1_ref[0]
        y = jnp.dot(h, w_ref[...], preferred_element_type=jnp.float32) + b_ref[...]
        o_ref[...] = jnp.maximum(y, 0.0)

    return pl.pallas_call(
        body,
        grid=(N // _BLK,),
        in_specs=_part_specs() + [_w_spec(), _b_spec()],
        out_specs=pl.BlockSpec((_BLK, D), lambda i: (i, 0)),
        out_shape=jax.ShapeDtypeStruct((N, D), jnp.float32),
    )(parts, parts, w_t, b)


def _tc_final(parts, wc_t, bc, wo_t, bo):

    def body(a0_ref, a1_ref, wc_ref, bc_ref, wo_ref, bo_ref, o_ref):
        h = a0_ref[0] + a1_ref[0]
        t = jnp.dot(h, wc_ref[...], preferred_element_type=jnp.float32)
        t = jnp.maximum(t + bc_ref[...], 0.0)
        y = jnp.dot(t, wo_ref[...], preferred_element_type=jnp.float32)
        o_ref[...] = y + bo_ref[...]

    return pl.pallas_call(
        body,
        grid=(N // _BLK,),
        in_specs=_part_specs() + [_w_spec(), _b_spec(), _w_spec(), _b_spec()],
        out_specs=pl.BlockSpec((_BLK, D), lambda i: (i, 0)),
        out_shape=jax.ShapeDtypeStruct((N, D), jnp.float32),
    )(parts, parts, wc_t, bc, wo_t, bo)


def kernel(x, edge_index, W_conv, b_conv, W_out, b_out):
    ei = edge_index.astype(jnp.int32).reshape(2, TOT_CHUNKS, CHUNK)
    wc_t = W_conv.T
    wo_t = W_out.T
    bc = b_conv.reshape(1, D)
    bo = b_out.reshape(1, D)

    parts1 = _sc_aggregate(x, ei)
    h1 = _tc_layer(parts1, wc_t, bc)
    parts2 = _sc_aggregate(h1, ei)
    return _tc_final(parts2, wc_t, bc, wo_t, bo)

# --- scband reference (transcript-rebuilt; emitter-appended) ---
"""Pipeline reference for scband-hyper-gnn-81157702025498 (READ-ONLY COPY).

The authoritative reference and input builder live on the scoring server;
editing this copy changes nothing except your own understanding.
"""

import jax, jax.numpy as jnp
import numpy as np

N_NODES = 10000
N_EDGES = 320000
D = 128
D_OUT = 128
NUM_CONV = 2


def setup_inputs(seed: int = 0) -> dict:
    key = jax.random.key(seed)
    k1, k2, k3, k4, k5, k6, k7 = jax.random.split(key, 7)
    x = jax.random.normal(k1, (N_NODES, D), dtype=jnp.float32)
    edge_index = jax.random.randint(k2, (2, N_EDGES), 0, N_NODES, dtype=jnp.int64)
    # GCNLayer linear (shared across num_conv iterations)
    lim1 = 1.0 / np.sqrt(D)
    W_conv = jax.random.uniform(k3, (D_OUT if False else D, D), dtype=jnp.float32, minval=-lim1, maxval=lim1)
    b_conv = jax.random.uniform(k4, (D,), dtype=jnp.float32, minval=-lim1, maxval=lim1)
    # output linear
    lim2 = 1.0 / np.sqrt(D)
    W_out = jax.random.uniform(k5, (D_OUT, D), dtype=jnp.float32, minval=-lim2, maxval=lim2)
    b_out = jax.random.uniform(k6, (D_OUT,), dtype=jnp.float32, minval=-lim2, maxval=lim2)
    return {"x": x, "edge_index": edge_index, "W_conv": W_conv, "b_conv": b_conv, "W_out": W_out, "b_out": b_out}


def reference(x, edge_index, W_conv, b_conv, W_out, b_out):
    src = edge_index[0]
    dst = edge_index[1]
    N = x.shape[0]
    h = x
    for _ in range(NUM_CONV):
        gathered = jnp.take(h, src, axis=0)               # gather x[src]
        agg = jax.ops.segment_sum(gathered, dst, num_segments=N)  # scatter-add by dst
        h = agg @ W_conv.T + b_conv                        # GCNLayer linear
        h = jax.nn.relu(h)                                 # activation
        # dropout p=0 -> identity (eval mode)
    result = h @ W_out.T + b_out
    # output dropout p=0 -> identity
    return result

if __name__ == "__main__":
    import jax
    _d = setup_inputs()
    print(jax.jit(kernel)(*tuple(_d.values())))

</pallas_src>

<mosaic_0001>
#map = affine_map<(d0, d1) -> (0, 0)>
#map1 = affine_map<(d0, d1) -> (0, 0, 0)>
module attributes {stable_mosaic.version = 14 : i64} {
  func.func @agg_kernel(%arg0: i32, %arg1: i32, %arg2: memref<10000x128xf32, #tpu.memory_space<hbm>>, %arg3: memref<2x2500x128xi32, #tpu.memory_space<hbm>>, %arg4: memref<2x10000x128xf32, #tpu.memory_space<hbm>>, %arg5: memref<128xi32, #tpu.memory_space<vmem>>, %arg6: memref<128xi32, #tpu.memory_space<vmem>>, %arg7: memref<128xi32, #tpu.memory_space<vmem>>, %arg8: memref<128xi32, #tpu.memory_space<vmem>>, %arg9: memref<128xi32, #tpu.memory_space<vmem>>, %arg10: memref<128xi32, #tpu.memory_space<vmem>>, %arg11: memref<128x128xf32, #tpu.memory_space<vmem>>, %arg12: memref<128x128xf32, #tpu.memory_space<vmem>>, %arg13: memref<128x128xf32, #tpu.memory_space<vmem>>, %arg14: memref<!tpu.dma_semaphore, #tpu.memory_space<semaphore_mem>>, %arg15: memref<!tpu.dma_semaphore, #tpu.memory_space<semaphore_mem>>, %arg16: memref<!tpu.dma_semaphore, #tpu.memory_space<semaphore_mem>>, %arg17: memref<!tpu.dma_semaphore, #tpu.memory_space<semaphore_mem>>, %arg18: memref<!tpu.dma_semaphore, #tpu.memory_space<semaphore_mem>>, %arg19: memref<!tpu.dma_semaphore, #tpu.memory_space<semaphore_mem>>, %arg20: memref<!tpu.dma_semaphore, #tpu.memory_space<semaphore_mem>>, %arg21: memref<!tpu.dma_semaphore, #tpu.memory_space<semaphore_mem>>, %arg22: memref<!tpu.dma_semaphore, #tpu.memory_space<semaphore_mem>>, %arg23: memref<!tpu.dma_semaphore, #tpu.memory_space<semaphore_mem>>, %arg24: memref<!tpu.dma_semaphore, #tpu.memory_space<semaphore_mem>>, %arg25: memref<!tpu.dma_semaphore, #tpu.memory_space<semaphore_mem>>, %arg26: memref<10016x128xf32, #tpu.memory_space<vmem_shared>>) attributes {dimension_semantics = [#tpu.dimension_semantics<core_parallel>, #tpu.dimension_semantics<subcore_parallel>], iteration_bounds = array<i64: 2, 16>, scalar_prefetch = 0 : i64, scratch_operands = 22 : i64, tpu.core_type = #tpu.core_type<sc_vector_subcore>, window_params = [{transform_indices = #map}, {transform_indices = #map1}, {transform_indices = #map1}]} {
    %broadcast_in_dim3A = arith.constant 0.000000e+00 : f32
    %broadcast_in_dim3A_0 = vector.broadcast %broadcast_in_dim3A : f32 to vector<16xf32>
    %scan3A = arith.constant 0 : i32
    %scan3A_1 = arith.constant 0 : i32
    %scan3A_2 = arith.constant 128 : i32
    %scan3A_3 = arith.addi %scan3A_1, %scan3A_2 : i32
    %scan3A_4 = arith.constant 1 : i32
    scf.for %scan3A_66 = %scan3A_1 to %scan3A_3 step %scan3A_4  : i32 {
      %swap3A = arith.index_cast %scan3A_66 : i32 to index
      %swap3A_67 = arith.constant 0 : index
      %swap3A_68 = tpu.vector_load %arg11[%swap3A, %swap3A_67] {strides = array<i32>} : memref<128x128xf32, #tpu.memory_space<vmem>>, vector<1x16xf32>,
      %swap3A_69 = vector.shape_cast %swap3A_68 : vector<1x16xf32> to vector<16xf32>
      %swap3A_70 = vector.shape_cast %broadcast_in_dim3A_0 : vector<16xf32> to vector<1x16xf32>
      tpu.vector_store %arg11[%swap3A, %swap3A_67], %swap3A_70 {strides = array<i32>} : memref<128x128xf32, #tpu.memory_space<vmem>>, vector<1x16xf32>,
      %swap3A_71 = arith.index_cast %scan3A_66 : i32 to index
      %swap3A_72 = arith.constant 16 : index
      %swap3A_73 = tpu.vector_load %arg11[%swap3A_71, %swap3A_72] {strides = array<i32>} : memref<128x128xf32, #tpu.memory_space<vmem>>, vector<1x16xf32>,
      %swap3A_74 = vector.shape_cast %swap3A_73 : vector<1x16xf32> to vector<16xf32>
      %swap3A_75 = vector.shape_cast %broadcast_in_dim3A_0 : vector<16xf32> to vector<1x16xf32>
      tpu.vector_store %arg11[%swap3A_71, %swap3A_72], %swap3A_75 {strides = array<i32>} : memref<128x128xf32, #tpu.memory_space<vmem>>, vector<1x16xf32>,
      %swap3A_76 = arith.index_cast %scan3A_66 : i32 to index
      %swap3A_77 = arith.constant 32 : index
      %swap3A_78 = tpu.vector_load %arg11[%swap3A_76, %swap3A_77] {strides = array<i32>} : memref<128x128xf32, #tpu.memory_space<vmem>>, vector<1x16xf32>,
      %swap3A_79 = vector.shape_cast %swap3A_78 : vector<1x16xf32> to vector<16xf32>
      %swap3A_80 = vector.shape_cast %broadcast_in_dim3A_0 : vector<16xf32> to vector<1x16xf32>
      tpu.vector_store %arg11[%swap3A_76, %swap3A_77], %swap3A_80 {strides = array<i32>} : memref<128x128xf32, #tpu.memory_space<vmem>>, vector<1x16xf32>,
      %swap3A_81 = arith.index_cast %scan3A_66 : i32 to index
      %swap3A_82 = arith.constant 48 : index
      %swap3A_83 = tpu.vector_load %arg11[%swap3A_81, %swap3A_82] {strides = array<i32>} : memref<128x128xf32, #tpu.memory_space<vmem>>, vector<1x16xf32>,
      %swap3A_84 = vector.shape_cast %swap3A_83 : vector<1x16xf32> to vector<16xf32>
      %swap3A_85 = vector.shape_cast %broadcast_in_dim3A_0 : vector<16xf32> to vector<1x16xf32>
      tpu.vector_store %arg11[%swap3A_81, %swap3A_82], %swap3A_85 {strides = array<i32>} : memref<128x128xf32, #tpu.memory_space<vmem>>, vector<1x16xf32>,
      %swap3A_86 = arith.index_cast %scan3A_66 : i32 to index
      %swap3A_87 = arith.constant 64 : index
      %swap3A_88 = tpu.vector_load %arg11[%swap3A_86, %swap3A_87] {strides = array<i32>} : memref<128x128xf32, #tpu.memory_space<vmem>>, vector<1x16xf32>,
      %swap3A_89 = vector.shape_cast %swap3A_88 : vector<1x16xf32> to vector<16xf32>
      %swap3A_90 = vector.shape_cast %broadcast_in_dim3A_0 : vector<16xf32> to vector<1x16xf32>
      tpu.vector_store %arg11[%swap3A_86, %swap3A_87], %swap3A_90 {strides = array<i32>} : memref<128x128xf32, #tpu.memory_space<vmem>>, vector<1x16xf32>,
      %swap3A_91 = arith.index_cast %scan3A_66 : i32 to index
      %swap3A_92 = arith.constant 80 : index
      %swap3A_93 = tpu.vector_load %arg11[%swap3A_91, %swap3A_92] {strides = array<i32>} : memref<128x128xf32, #tpu.memory_space<vmem>>, vector<1x16xf32>,
      %swap3A_94 = vector.shape_cast %swap3A_93 : vector<1x16xf32> to vector<16xf32>
      %swap3A_95 = vector.shape_cast %broadcast_in_dim3A_0 : vector<16xf32> to vector<1x16xf32>
      tpu.vector_store %arg11[%swap3A_91, %swap3A_92], %swap3A_95 {strides = array<i32>} : memref<128x128xf32, #tpu.memory_space<vmem>>, vector<1x16xf32>,
      %swap3A_96 = arith.index_cast %scan3A_66 : i32 to index
      %swap3A_97 = arith.constant 96 : index
      %swap3A_98 = tpu.vector_load %arg11[%swap3A_96, %swap3A_97] {strides = array<i32>} : memref<128x128xf32, #tpu.memory_space<vmem>>, vector<1x16xf32>,
      %swap3A_99 = vector.shape_cast %swap3A_98 : vector<1x16xf32> to vector<16xf32>
      %swap3A_100 = vector.shape_cast %broadcast_in_dim3A_0 : vector<16xf32> to vector<1x16xf32>
      tpu.vector_store %arg11[%swap3A_96, %swap3A_97], %swap3A_100 {strides = array<i32>} : memref<128x128xf32, #tpu.memory_space<vmem>>, vector<1x16xf32>,
      %swap3A_101 = arith.index_cast %scan3A_66 : i32 to index
      %swap3A_102 = arith.constant 112 : index
      %swap3A_103 = tpu.vector_load %arg11[%swap3A_101, %swap3A_102] {strides = array<i32>} : memref<128x128xf32, #tpu.memory_space<vmem>>, vector<1x16xf32>,
      %swap3A_104 = vector.shape_cast %swap3A_103 : vector<1x16xf32> to vector<16xf32>
      %swap3A_105 = vector.shape_cast %broadcast_in_dim3A_0 : vector<16xf32> to vector<1x16xf32>
      tpu.vector_store %arg11[%swap3A_101, %swap3A_102], %swap3A_105 {strides = array<i32>} : memref<128x128xf32, #tpu.memory_space<vmem>>, vector<1x16xf32>,
    }
    %scan3A_5 = arith.constant 128 : i32
    %mul3A = arith.constant 632 : i32
    %mul3A_6 = arith.muli %arg1, %mul3A : i32
    %add3A = arith.constant 0 : i32
    %add3A_7 = arith.addi %mul3A_6, %add3A : i32
    "tpu.region"() ({
      %run_scoped3A = tpu.sem_alloc : memref<!tpu.dma_semaphore, #tpu.memory_space<semaphore_mem>>
      %dma_start3A = arith.constant 0 : i32
      %dma_start3A_66 = tpu.memref_slice %arg26[%add3A_7, %dma_start3A] : memref<10016x128xf32, #tpu.memory_space<vmem_shared>> -> memref<128x128xf32, #tpu.memory_space<vmem_shared>>
      %dma_start3A_67 = arith.constant 0 : i32
      %dma_start3A_68 = tpu.memref_slice %arg26[%add3A_7, %dma_start3A_67] : memref<10016x128xf32, #tpu.memory_space<vmem_shared>> -> memref<128x128xf32, #tpu.memory_space<vmem_shared>>
      tpu.enqueue_dma source(%arg11 : memref<128x128xf32, #tpu.memory_space<vmem>>) target(%dma_start3A_68 : memref<128x128xf32, #tpu.memory_space<vmem_shared>>) target_semaphore(%run_scoped3A : memref<!tpu.dma_semaphore, #tpu.memory_space<semaphore_mem>>)
      %dma_wait3A = arith.constant 0 : i32
      %dma_wait3A_69 = tpu.memref_slice %arg26[%add3A_7, %dma_wait3A] : memref<10016x128xf32, #tpu.memory_space<vmem_shared>> -> memref<128x128xf32, #tpu.memory_space<vmem_shared>>
      %dma_wait3A_70 = arith.constant 0 : i32
      %dma_wait3A_71 = tpu.memref_slice %arg26[%add3A_7, %dma_wait3A_70] : memref<10016x128xf32, #tpu.memory_space<vmem_shared>> -> memref<128x128xf32, #tpu.memory_space<vmem_shared>>
      tpu.wait_dma2 semaphore(%run_scoped3A : memref<!tpu.dma_semaphore, #tpu.memory_space<semaphore_mem>>) src(%arg11 : memref<128x128xf32, #tpu.memory_space<vmem>>) dst(%dma_wait3A_71 : memref<128x128xf32, #tpu.memory_space<vmem_shared>>)
      tpu.yield
    }) : () -> ()
    %mul3A_8 = arith.constant 632 : i32
    %mul3A_9 = arith.muli %arg1, %mul3A_8 : i32
    %add3A_10 = arith.constant 128 : i32
    %add3A_11 = arith.addi %mul3A_9, %add3A_10 : i32
    "tpu.region"() ({
      %run_scoped3A = tpu.sem_alloc : memref<!tpu.dma_semaphore, #tpu.memory_space<semaphore_mem>>
      %dma_start3A = arith.constant 0 : i32
      %dma_start3A_66 = tpu.memref_slice %arg26[%add3A_11, %dma_start3A] : memref<10016x128xf32, #tpu.memory_space<vmem_shared>> -> memref<128x128xf32, #tpu.memory_space<vmem_shared>>
      %dma_start3A_67 = arith.constant 0 : i32
      %dma_start3A_68 = tpu.memref_slice %arg26[%add3A_11, %dma_start3A_67] : memref<10016x128xf32, #tpu.memory_space<vmem_shared>> -> memref<128x128xf32, #tpu.memory_space<vmem_shared>>
      tpu.enqueue_dma source(%arg11 : memref<128x128xf32, #tpu.memory_space<vmem>>) target(%dma_start3A_68 : memref<128x128xf32, #tpu.memory_space<vmem_shared>>) target_semaphore(%run_scoped3A : memref<!tpu.dma_semaphore, #tpu.memory_space<semaphore_mem>>)
      %dma_wait3A = arith.constant 0 : i32
      %dma_wait3A_69 = tpu.memref_slice %arg26[%add3A_11, %dma_wait3A] : memref<10016x128xf32, #tpu.memory_space<vmem_shared>> -> memref<128x128xf32, #tpu.memory_space<vmem_shared>>
      %dma_wait3A_70 = arith.constant 0 : i32
      %dma_wait3A_71 = tpu.memref_slice %arg26[%add3A_11, %dma_wait3A_70] : memref<10016x128xf32, #tpu.memory_space<vmem_shared>> -> memref<128x128xf32, #tpu.memory_space<vmem_shared>>
      tpu.wait_dma2 semaphore(%run_scoped3A : memref<!tpu.dma_semaphore, #tpu.memory_space<semaphore_mem>>) src(%arg11 : memref<128x128xf32, #tpu.memory_space<vmem>>) dst(%dma_wait3A_71 : memref<128x128xf32, #tpu.memory_space<vmem_shared>>)
      tpu.yield
    }) : () -> ()
    %mul3A_12 = arith.constant 632 : i32
    %mul3A_13 = arith.muli %arg1, %mul3A_12 : i32
    %add3A_14 = arith.constant 256 : i32
    %add3A_15 = arith.addi %mul3A_13, %add3A_14 : i32
    "tpu.region"() ({
      %run_scoped3A = tpu.sem_alloc : memref<!tpu.dma_semaphore, #tpu.memory_space<semaphore_mem>>
      %dma_start3A = arith.constant 0 : i32
      %dma_start3A_66 = tpu.memref_slice %arg26[%add3A_15, %dma_start3A] : memref<10016x128xf32, #tpu.memory_space<vmem_shared>> -> memref<128x128xf32, #tpu.memory_space<vmem_shared>>
      %dma_start3A_67 = arith.constant 0 : i32
      %dma_start3A_68 = tpu.memref_slice %arg26[%add3A_15, %dma_start3A_67] : memref<10016x128xf32, #tpu.memory_space<vmem_shared>> -> memref<128x128xf32, #tpu.memory_space<vmem_shared>>
      tpu.enqueue_dma source(%arg11 : memref<128x128xf32, #tpu.memory_space<vmem>>) target(%dma_start3A_68 : memref<128x128xf32, #tpu.memory_space<vmem_shared>>) target_semaphore(%run_scoped3A : memref<!tpu.dma_semaphore, #tpu.memory_space<semaphore_mem>>)
      %dma_wait3A = arith.constant 0 : i32
      %dma_wait3A_69 = tpu.memref_slice %arg26[%add3A_15, %dma_wait3A] : memref<10016x128xf32, #tpu.memory_space<vmem_shared>> -> memref<128x128xf32, #tpu.memory_space<vmem_shared>>
      %dma_wait3A_70 = arith.constant 0 : i32
      %dma_wait3A_71 = tpu.memref_slice %arg26[%add3A_15, %dma_wait3A_70] : memref<10016x128xf32, #tpu.memory_space<vmem_shared>> -> memref<128x128xf32, #tpu.memory_space<vmem_shared>>
      tpu.wait_dma2 semaphore(%run_scoped3A : memref<!tpu.dma_semaphore, #tpu.memory_space<semaphore_mem>>) src(%arg11 : memref<128x128xf32, #tpu.memory_space<vmem>>) dst(%dma_wait3A_71 : memref<128x128xf32, #tpu.memory_space<vmem_shared>>)
      tpu.yield
    }) : () -> ()
    %mul3A_16 = arith.constant 632 : i32
    %mul3A_17 = arith.muli %arg1, %mul3A_16 : i32
    %add3A_18 = arith.constant 384 : i32
    %add3A_19 = arith.addi %mul3A_17, %add3A_18 : i32
    "tpu.region"() ({
      %run_scoped3A = tpu.sem_alloc : memref<!tpu.dma_semaphore, #tpu.memory_space<semaphore_mem>>
      %dma_start3A = arith.constant 0 : i32
      %dma_start3A_66 = tpu.memref_slice %arg26[%add3A_19, %dma_start3A] : memref<10016x128xf32, #tpu.memory_space<vmem_shared>> -> memref<128x128xf32, #tpu.memory_space<vmem_shared>>
      %dma_start3A_67 = arith.constant 0 : i32
      %dma_start3A_68 = tpu.memref_slice %arg26[%add3A_19, %dma_start3A_67] : memref<10016x128xf32, #tpu.memory_space<vmem_shared>> -> memref<128x128xf32, #tpu.memory_space<vmem_shared>>
      tpu.enqueue_dma source(%arg11 : memref<128x128xf32, #tpu.memory_space<vmem>>) target(%dma_start3A_68 : memref<128x128xf32, #tpu.memory_space<vmem_shared>>) target_semaphore(%run_scoped3A : memref<!tpu.dma_semaphore, #tpu.memory_space<semaphore_mem>>)
      %dma_wait3A = arith.constant 0 : i32
      %dma_wait3A_69 = tpu.memref_slice %arg26[%add3A_19, %dma_wait3A] : memref<10016x128xf32, #tpu.memory_space<vmem_shared>> -> memref<128x128xf32, #tpu.memory_space<vmem_shared>>
      %dma_wait3A_70 = arith.constant 0 : i32
      %dma_wait3A_71 = tpu.memref_slice %arg26[%add3A_19, %dma_wait3A_70] : memref<10016x128xf32, #tpu.memory_space<vmem_shared>> -> memref<128x128xf32, #tpu.memory_space<vmem_shared>>
      tpu.wait_dma2 semaphore(%run_scoped3A : memref<!tpu.dma_semaphore, #tpu.memory_space<semaphore_mem>>) src(%arg11 : memref<128x128xf32, #tpu.memory_space<vmem>>) dst(%dma_wait3A_71 : memref<128x128xf32, #tpu.memory_space<vmem_shared>>)
      tpu.yield
    }) : () -> ()
    %lt3A = arith.constant 15 : i32
    %lt3A_20 = arith.cmpi slt, %arg1, %lt3A : i32
    %convert_element_type3A = arith.extui %lt3A_20 : i1 to i32
    %cond3A = arith.constant 0 : i32
    %cond3A_21 = arith.cmpi ne, %convert_element_type3A, %cond3A : i32
    scf.if %cond3A_21 {
      %mul3A_66 = arith.constant 632 : i32
      %mul3A_67 = arith.muli %arg1, %mul3A_66 : i32
      %add3A_68 = arith.constant 632 : i32
      %add3A_69 = arith.addi %mul3A_67, %add3A_68 : i32
      %sub3A = arith.constant 120 : i32
      %sub3A_70 = arith.subi %add3A_69, %sub3A : i32
      "tpu.region"() ({
        %run_scoped3A = tpu.sem_alloc : memref<!tpu.dma_semaphore, #tpu.memory_space<semaphore_mem>>
        %dma_start3A = arith.constant 0 : i32
        %dma_start3A_71 = arith.constant 0 : i32
        %dma_start3A_72 = tpu.memref_slice %arg11[%dma_start3A, %dma_start3A_71] : memref<128x128xf32, #tpu.memory_space<vmem>> -> memref<120x128xf32, #tpu.memory_space<vmem>>
        %dma_start3A_73 = arith.constant 0 : i32
        %dma_start3A_74 = tpu.memref_slice %arg26[%sub3A_70, %dma_start3A_73] : memref<10016x128xf32, #tpu.memory_space<vmem_shared>> -> memref<120x128xf32, #tpu.memory_space<vmem_shared>>
        %dma_start3A_75 = arith.constant 0 : i32
        %dma_start3A_76 = tpu.memref_slice %arg26[%sub3A_70, %dma_start3A_75] : memref<10016x128xf32, #tpu.memory_space<vmem_shared>> -> memref<120x128xf32, #tpu.memory_space<vmem_shared>>
        %dma_start3A_77 = arith.constant 0 : i32
        %dma_start3A_78 = arith.constant 0 : i32
        %dma_start3A_79 = tpu.memref_slice %arg11[%dma_start3A_77, %dma_start3A_78] : memref<128x128xf32, #tpu.memory_space<vmem>> -> memref<120x128xf32, #tpu.memory_space<vmem>>
        tpu.enqueue_dma source(%dma_start3A_79 : memref<120x128xf32, #tpu.memory_space<vmem>>) target(%dma_start3A_76 : memref<120x128xf32, #tpu.memory_space<vmem_shared>>) target_semaphore(%run_scoped3A : memref<!tpu.dma_semaphore, #tpu.memory_space<semaphore_mem>>)
        %dma_wait3A = arith.constant 0 : i32
        %dma_wait3A_80 = arith.constant 0 : i32
        %dma_wait3A_81 = tpu.memref_slice %arg11[%dma_wait3A, %dma_wait3A_80] : memref<128x128xf32, #tpu.memory_space<vmem>> -> memref<120x128xf32, #tpu.memory_space<vmem>>
        %dma_wait3A_82 = arith.constant 0 : i32
        %dma_wait3A_83 = tpu.memref_slice %arg26[%sub3A_70, %dma_wait3A_82] : memref<10016x128xf32, #tpu.memory_space<vmem_shared>> -> memref<120x128xf32, #tpu.memory_space<vmem_shared>>
        %dma_wait3A_84 = arith.constant 0 : i32
        %dma_wait3A_85 = tpu.memref_slice %arg26[%sub3A_70, %dma_wait3A_84] : memref<10016x128xf32, #tpu.memory_space<vmem_shared>> -> memref<120x128xf32, #tpu.memory_space<vmem_shared>>
        %dma_wait3A_86 = arith.constant 0 : i32
        %dma_wait3A_87 = arith.constant 0 : i32
        %dma_wait3A_88 = tpu.memref_slice %arg11[%dma_wait3A_86, %dma_wait3A_87] : memref<128x128xf32, #tpu.memory_space<vmem>> -> memref<120x128xf32, #tpu.memory_space<vmem>>
        tpu.wait_dma2 semaphore(%run_scoped3A : memref<!tpu.dma_semaphore, #tpu.memory_space<semaphore_mem>>) src(%dma_wait3A_88 : memref<120x128xf32, #tpu.memory_space<vmem>>) dst(%dma_wait3A_85 : memref<120x128xf32, #tpu.memory_space<vmem_shared>>)
        tpu.yield
      }) : () -> ()
    } else {
    }
    %eq3A = arith.constant 15 : i32
    %eq3A_22 = arith.cmpi eq, %arg1, %eq3A : i32
    %convert_element_type3A_23 = arith.extui %eq3A_22 : i1 to i32
    %cond3A_24 = arith.constant 0 : i32
    %cond3A_25 = arith.cmpi ne, %convert_element_type3A_23, %cond3A_24 : i32
    scf.if %cond3A_25 {
      %mul3A_66 = arith.constant 632 : i32
      %mul3A_67 = arith.muli %arg1, %mul3A_66 : i32
      %add3A_68 = arith.constant 536 : i32
      %add3A_69 = arith.addi %mul3A_67, %add3A_68 : i32
      %sub3A = arith.constant 24 : i32
      %sub3A_70 = arith.subi %add3A_69, %sub3A : i32
      "tpu.region"() ({
        %run_scoped3A = tpu.sem_alloc : memref<!tpu.dma_semaphore, #tpu.memory_space<semaphore_mem>>
        %dma_start3A = arith.constant 0 : i32
        %dma_start3A_71 = arith.constant 0 : i32
        %dma_start3A_72 = tpu.memref_slice %arg11[%dma_start3A, %dma_start3A_71] : memref<128x128xf32, #tpu.memory_space<vmem>> -> memref<24x128xf32, #tpu.memory_space<vmem>>
        %dma_start3A_73 = arith.constant 0 : i32
        %dma_start3A_74 = tpu.memref_slice %arg26[%sub3A_70, %dma_start3A_73] : memref<10016x128xf32, #tpu.memory_space<vmem_shared>> -> memref<24x128xf32, #tpu.memory_space<vmem_shared>>
        %dma_start3A_75 = arith.constant 0 : i32
        %dma_start3A_76 = tpu.memref_slice %arg26[%sub3A_70, %dma_start3A_75] : memref<10016x128xf32, #tpu.memory_space<vmem_shared>> -> memref<24x128xf32, #tpu.memory_space<vmem_shared>>
        %dma_start3A_77 = arith.constant 0 : i32
        %dma_start3A_78 = arith.constant 0 : i32
        %dma_start3A_79 = tpu.memref_slice %arg11[%dma_start3A_77, %dma_start3A_78] : memref<128x128xf32, #tpu.memory_space<vmem>> -> memref<24x128xf32, #tpu.memory_space<vmem>>
        tpu.enqueue_dma source(%dma_start3A_79 : memref<24x128xf32, #tpu.memory_space<vmem>>) target(%dma_start3A_76 : memref<24x128xf32, #tpu.memory_space<vmem_shared>>) target_semaphore(%run_scoped3A : memref<!tpu.dma_semaphore, #tpu.memory_space<semaphore_mem>>)
        %dma_wait3A = arith.constant 0 : i32
        %dma_wait3A_80 = arith.constant 0 : i32
        %dma_wait3A_81 = tpu.memref_slice %arg11[%dma_wait3A, %dma_wait3A_80] : memref<128x128xf32, #tpu.memory_space<vmem>> -> memref<24x128xf32, #tpu.memory_space<vmem>>
        %dma_wait3A_82 = arith.constant 0 : i32
        %dma_wait3A_83 = tpu.memref_slice %arg26[%sub3A_70, %dma_wait3A_82] : memref<10016x128xf32, #tpu.memory_space<vmem_shared>> -> memref<24x128xf32, #tpu.memory_space<vmem_shared>>
        %dma_wait3A_84 = arith.constant 0 : i32
        %dma_wait3A_85 = tpu.memref_slice %arg26[%sub3A_70, %dma_wait3A_84] : memref<10016x128xf32, #tpu.memory_space<vmem_shared>> -> memref<24x128xf32, #tpu.memory_space<vmem_shared>>
        %dma_wait3A_86 = arith.constant 0 : i32
        %dma_wait3A_87 = arith.constant 0 : i32
        %dma_wait3A_88 = tpu.memref_slice %arg11[%dma_wait3A_86, %dma_wait3A_87] : memref<128x128xf32, #tpu.memory_space<vmem>> -> memref<24x128xf32, #tpu.memory_space<vmem>>
        tpu.wait_dma2 semaphore(%run_scoped3A : memref<!tpu.dma_semaphore, #tpu.memory_space<semaphore_mem>>) src(%dma_wait3A_88 : memref<24x128xf32, #tpu.memory_space<vmem>>) dst(%dma_wait3A_85 : memref<24x128xf32, #tpu.memory_space<vmem_shared>>)
        tpu.yield
      }) : () -> ()
    } else {
    }
    %barrier3A = arith.constant 0 : index
    tpu.barrier barrier_id(%barrier3A)
    %eq3A_26 = arith.constant 0 : i32
    %eq3A_27 = arith.cmpi eq, %arg0, %eq3A_26 : i32
    %mul3A_28 = arith.constant 80 : i32
    %mul3A_29 = arith.muli %arg1, %mul3A_28 : i32
    %mul3A_30 = arith.constant 76 : i32
    %mul3A_31 = arith.muli %arg1, %mul3A_30 : i32
    %add3A_32 = arith.constant 1280 : i32
    %add3A_33 = arith.addi %add3A_32, %mul3A_31 : i32
    %min3A = arith.constant 4 : i32
    %min3A_34 = arith.minsi %arg1, %min3A : i32
    %add3A_35 = arith.addi %add3A_33, %min3A_34 : i32
    %select_n3A = arith.select %eq3A_27, %mul3A_29, %add3A_35 : i32
    %eq3A_36 = arith.constant 0 : i32
    %eq3A_37 = arith.cmpi eq, %arg0, %eq3A_36 : i32
    %convert_element_type3A_38 = arith.extui %eq3A_37 : i1 to i32
    %cond3A_39 = arith.constant 0 : i32
    %cond3A_40 = arith.cmpi ne, %convert_element_type3A_38, %cond3A_39 : i32
    scf.if %cond3A_40 {
      %add3A_66 = arith.constant 0 : i32
      %add3A_67 = arith.addi %select_n3A, %add3A_66 : i32
      %dma_start3A = arith.constant 0 : i32
      %dma_start3A_68 = arith.constant 0 : i32
      %dma_start3A_69 = tpu.memref_slice %arg3[%dma_start3A, %add3A_67, %dma_start3A_68] : memref<2x2500x128xi32, #tpu.memory_space<hbm>> -> memref<1x1x128xi32, #tpu.memory_space<hbm>>
      %dma_start3A_70 = tpu.memref_squeeze %dma_start3A_69 : memref<1x1x128xi32, #tpu.memory_space<hbm>> -> memref<128xi32, #tpu.memory_space<hbm>>
      %dma_start3A_71 = arith.constant 0 : i32
      %dma_start3A_72 = tpu.memref_slice %arg3[%dma_start3A, %add3A_67, %dma_start3A_71] : memref<2x2500x128xi32, #tpu.memory_space<hbm>> -> memref<1x1x128xi32, #tpu.memory_space<hbm>>
      %dma_start3A_73 = tpu.memref_squeeze %dma_start3A_72 : memref<1x1x128xi32, #tpu.memory_space<hbm>> -> memref<128xi32, #tpu.memory_space<hbm>>
      tpu.enqueue_dma source(%dma_start3A_73 : memref<128xi32, #tpu.memory_space<hbm>>) target(%arg5 : memref<128xi32, #tpu.memory_space<vmem>>) target_semaphore(%arg14 : memref<!tpu.dma_semaphore, #tpu.memory_space<semaphore_mem>>)
      %add3A_74 = arith.constant 1 : i32
      %add3A_75 = arith.addi %select_n3A, %add3A_74 : i32
      %dma_start3A_76 = arith.constant 0 : i32
      %dma_start3A_77 = arith.constant 0 : i32
      %dma_start3A_78 = tpu.memref_slice %arg3[%dma_start3A_76, %add3A_75, %dma_start3A_77] : memref<2x2500x128xi32, #tpu.memory_space<hbm>> -> memref<1x1x128xi32, #tpu.memory_space<hbm>>
      %dma_start3A_79 = tpu.memref_squeeze %dma_start3A_78 : memref<1x1x128xi32, #tpu.memory_space<hbm>> -> memref<128xi32, #tpu.memory_space<hbm>>
      %dma_start3A_80 = arith.constant 0 : i32
      %dma_start3A_81 = tpu.memref_slice %arg3[%dma_start3A_76, %add3A_75, %dma_start3A_80] : memref<2x2500x128xi32, #tpu.memory_space<hbm>> -> memref<1x1x128xi32, #tpu.memory_space<hbm>>
      %dma_start3A_82 = tpu.memref_squeeze %dma_start3A_81 : memref<1x1x128xi32, #tpu.memory_space<hbm>> -> memref<128xi32, #tpu.memory_space<hbm>>
      tpu.enqueue_dma source(%dma_start3A_82 : memref<128xi32, #tpu.memory_space<hbm>>) target(%arg6 : memref<128xi32, #tpu.memory_space<vmem>>) target_semaphore(%arg15 : memref<!tpu.dma_semaphore, #tpu.memory_space<semaphore_mem>>)
      %add3A_83 = arith.constant 2 : i32
      %add3A_84 = arith.addi %select_n3A, %add3A_83 : i32
      %dma_start3A_85 = arith.constant 0 : i32
      %dma_start3A_86 = arith.constant 0 : i32
      %dma_start3A_87 = tpu.memref_slice %arg3[%dma_start3A_85, %add3A_84, %dma_start3A_86] : memref<2x2500x128xi32, #tpu.memory_space<hbm>> -> memref<1x1x128xi32, #tpu.memory_space<hbm>>
      %dma_start3A_88 = tpu.memref_squeeze %dma_start3A_87 : memref<1x1x128xi32, #tpu.memory_space<hbm>> -> memref<128xi32, #tpu.memory_space<hbm>>
      %dma_start3A_89 = arith.constant 0 : i32
      %dma_start3A_90 = tpu.memref_slice %arg3[%dma_start3A_85, %add3A_84, %dma_start3A_89] : memref<2x2500x128xi32, #tpu.memory_space<hbm>> -> memref<1x1x128xi32, #tpu.memory_space<hbm>>
      %dma_start3A_91 = tpu.memref_squeeze %dma_start3A_90 : memref<1x1x128xi32, #tpu.memory_space<hbm>> -> memref<128xi32, #tpu.memory_space<hbm>>
      tpu.enqueue_dma source(%dma_start3A_91 : memref<128xi32, #tpu.memory_space<hbm>>) target(%arg7 : memref<128xi32, #tpu.memory_space<vmem>>) target_semaphore(%arg16 : memref<!tpu.dma_semaphore, #tpu.memory_space<semaphore_mem>>)
      %add3A_92 = arith.constant 0 : i32
      %add3A_93 = arith.addi %select_n3A, %add3A_92 : i32
      %dma_start3A_94 = arith.constant 1 : i32
      %dma_start3A_95 = arith.constant 0 : i32
      %dma_start3A_96 = tpu.memref_slice %arg3[%dma_start3A_94, %add3A_93, %dma_start3A_95] : memref<2x2500x128xi32, #tpu.memory_space<hbm>> -> memref<1x1x128xi32, #tpu.memory_space<hbm>>
      %dma_start3A_97 = tpu.memref_squeeze %dma_start3A_96 : memref<1x1x128xi32, #tpu.memory_space<hbm>> -> memref<128xi32, #tpu.memory_space<hbm>>
      %dma_start3A_98 = arith.constant 0 : i32
      %dma_start3A_99 = tpu.memref_slice %arg3[%dma_start3A_94, %add3A_93, %dma_start3A_98] : memref<2x2500x128xi32, #tpu.memory_space<hbm>> -> memref<1x1x128xi32, #tpu.memory_space<hbm>>
      %dma_start3A_100 = tpu.memref_squeeze %dma_start3A_99 : memref<1x1x128xi32, #tpu.memory_space<hbm>> -> memref<128xi32, #tpu.memory_space<hbm>>
      tpu.enqueue_dma source(%dma_start3A_100 : memref<128xi32, #tpu.memory_space<hbm>>) target(%arg8 : memref<128xi32, #tpu.memory_space<vmem>>) target_semaphore(%arg17 : memref<!tpu.dma_semaphore, #tpu.memory_space<semaphore_mem>>)
      %add3A_101 = arith.constant 1 : i32
      %add3A_102 = arith.addi %select_n3A, %add3A_101 : i32
      %dma_start3A_103 = arith.constant 1 : i32
      %dma_start3A_104 = arith.constant 0 : i32
      %dma_start3A_105 = tpu.memref_slice %arg3[%dma_start3A_103, %add3A_102, %dma_start3A_104] : memref<2x2500x128xi32, #tpu.memory_space<hbm>> -> memref<1x1x128xi32, #tpu.memory_space<hbm>>
      %dma_start3A_106 = tpu.memref_squeeze %dma_start3A_105 : memref<1x1x128xi32, #tpu.memory_space<hbm>> -> memref<128xi32, #tpu.memory_space<hbm>>
      %dma_start3A_107 = arith.constant 0 : i32
      %dma_start3A_108 = tpu.memref_slice %arg3[%dma_start3A_103, %add3A_102, %dma_start3A_107] : memref<2x2500x128xi32, #tpu.memory_space<hbm>> -> memref<1x1x128xi32, #tpu.memory_space<hbm>>
      %dma_start3A_109 = tpu.memref_squeeze %dma_start3A_108 : memref<1x1x128xi32, #tpu.memory_space<hbm>> -> memref<128xi32, #tpu.memory_space<hbm>>
      tpu.enqueue_dma source(%dma_start3A_109 : memref<128xi32, #tpu.memory_space<hbm>>) target(%arg9 : memref<128xi32, #tpu.memory_space<vmem>>) target_semaphore(%arg18 : memref<!tpu.dma_semaphore, #tpu.memory_space<semaphore_mem>>)
      %add3A_110 = arith.constant 0 : i32
      %add3A_111 = arith.addi %select_n3A, %add3A_110 : i32
      %dma_wait3A = arith.constant 0 : i32
      %dma_wait3A_112 = arith.constant 0 : i32
      %dma_wait3A_113 = tpu.memref_slice %arg3[%dma_wait3A, %add3A_111, %dma_wait3A_112] : memref<2x2500x128xi32, #tpu.memory_space<hbm>> -> memref<1x1x128xi32, #tpu.memory_space<hbm>>
      %dma_wait3A_114 = tpu.memref_squeeze %dma_wait3A_113 : memref<1x1x128xi32, #tpu.memory_space<hbm>> -> memref<128xi32, #tpu.memory_space<hbm>>
      %dma_wait3A_115 = arith.constant 0 : i32
      %dma_wait3A_116 = tpu.memref_slice %arg3[%dma_wait3A, %add3A_111, %dma_wait3A_115] : memref<2x2500x128xi32, #tpu.memory_space<hbm>> -> memref<1x1x128xi32, #tpu.memory_space<hbm>>
      %dma_wait3A_117 = tpu.memref_squeeze %dma_wait3A_116 : memref<1x1x128xi32, #tpu.memory_space<hbm>> -> memref<128xi32, #tpu.memory_space<hbm>>
      tpu.wait_dma2 semaphore(%arg14 : memref<!tpu.dma_semaphore, #tpu.memory_space<semaphore_mem>>) src(%dma_wait3A_117 : memref<128xi32, #tpu.memory_space<hbm>>) dst(%arg5 : memref<128xi32, #tpu.memory_space<vmem>>)
      %dma_start3A_118 = arith.constant 0 : i32
      %dma_start3A_119 = arith.constant 0 : i32
      %dma_start3A_120 = tpu.memref_slice %arg2[%dma_start3A_118, %dma_start3A_119] : memref<10000x128xf32, #tpu.memory_space<hbm>> -> memref<10000x128xf32, #tpu.memory_space<hbm>>
      tpu.enqueue_indirect_dma source(%dma_start3A_120 : memref<10000x128xf32, #tpu.memory_space<hbm>>) target(%arg11 : memref<128x128xf32, #tpu.memory_space<vmem>>) offsets(%arg5 : memref<128xi32, #tpu.memory_space<vmem>>) semaphore(%arg20 : memref<!tpu.dma_semaphore, #tpu.memory_space<semaphore_mem>>)
      %add3A_121 = arith.constant 1 : i32
      %add3A_122 = arith.addi %select_n3A, %add3A_121 : i32
      %dma_wait3A_123 = arith.constant 0 : i32
      %dma_wait3A_124 = arith.constant 0 : i32
      %dma_wait3A_125 = tpu.memref_slice %arg3[%dma_wait3A_123, %add3A_122, %dma_wait3A_124] : memref<2x2500x128xi32, #tpu.memory_space<hbm>> -> memref<1x1x128xi32, #tpu.memory_space<hbm>>
      %dma_wait3A_126 = tpu.memref_squeeze %dma_wait3A_125 : memref<1x1x128xi32, #tpu.memory_space<hbm>> -> memref<128xi32, #tpu.memory_space<hbm>>
      %dma_wait3A_127 = arith.constant 0 : i32
      %dma_wait3A_128 = tpu.memref_slice %arg3[%dma_wait3A_123, %add3A_122, %dma_wait3A_127] : memref<2x2500x128xi32, #tpu.memory_space<hbm>> -> memref<1x1x128xi32, #tpu.memory_space<hbm>>
      %dma_wait3A_129 = tpu.memref_squeeze %dma_wait3A_128 : memref<1x1x128xi32, #tpu.memory_space<hbm>> -> memref<128xi32, #tpu.memory_space<hbm>>
      tpu.wait_dma2 semaphore(%arg15 : memref<!tpu.dma_semaphore, #tpu.memory_space<semaphore_mem>>) src(%dma_wait3A_129 : memref<128xi32, #tpu.memory_space<hbm>>) dst(%arg6 : memref<128xi32, #tpu.memory_space<vmem>>)
      %dma_start3A_130 = arith.constant 0 : i32
      %dma_start3A_131 = arith.constant 0 : i32
      %dma_start3A_132 = tpu.memref_slice %arg2[%dma_start3A_130, %dma_start3A_131] : memref<10000x128xf32, #tpu.memory_space<hbm>> -> memref<10000x128xf32, #tpu.memory_space<hbm>>
      tpu.enqueue_indirect_dma source(%dma_start3A_132 : memref<10000x128xf32, #tpu.memory_space<hbm>>) target(%arg12 : memref<128x128xf32, #tpu.memory_space<vmem>>) offsets(%arg6 : memref<128xi32, #tpu.memory_space<vmem>>) semaphore(%arg21 : memref<!tpu.dma_semaphore, #tpu.memory_space<semaphore_mem>>)
      %scan3A_133 = arith.constant 0 : i32
      %scan3A_134 = arith.constant 0 : i32
      %scan3A_135 = arith.constant 80 : i32
      %scan3A_136 = arith.addi %scan3A_134, %scan3A_135 : i32
      %scan3A_137 = arith.constant 1 : i32
      scf.for %scan3A_142 = %scan3A_134 to %scan3A_136 step %scan3A_137  : i32 {
        %rem3A = arith.constant 3 : i32
        %rem3A_143 = arith.remsi %scan3A_142, %rem3A : i32
        %eq3A_144 = arith.constant 0 : i32
        %eq3A_145 = arith.cmpi eq, %rem3A_143, %eq3A_144 : i32
        %convert_element_type3A_146 = arith.extui %eq3A_145 : i1 to i32
        %cond3A_147 = arith.constant 0 : i32
        %cond3A_148 = arith.cmpi ne, %convert_element_type3A_146, %cond3A_147 : i32
        scf.if %cond3A_148 {
          %dma_wait3A_159 = arith.constant 0 : i32
          %dma_wait3A_160 = arith.constant 0 : i32
          %dma_wait3A_161 = tpu.memref_slice %arg2[%dma_wait3A_159, %dma_wait3A_160] : memref<10000x128xf32, #tpu.memory_space<hbm>> -> memref<10000x128xf32, #tpu.memory_space<hbm>>
          tpu.wait_indirect_dma semaphore(%arg20 : memref<!tpu.dma_semaphore, #tpu.memory_space<semaphore_mem>>) src(%dma_wait3A_161 : memref<10000x128xf32, #tpu.memory_space<hbm>>) dst(%arg11 : memref<128x128xf32, #tpu.memory_space<vmem>>)
          %ge3A_162 = arith.constant 1 : i32
          %ge3A_163 = arith.cmpi sge, %scan3A_142, %ge3A_162 : i32
          %convert_element_type3A_164 = arith.extui %ge3A_163 : i1 to i32
          %cond3A_165 = arith.constant 0 : i32
          %cond3A_166 = arith.cmpi ne, %convert_element_type3A_164, %cond3A_165 : i32
          scf.if %cond3A_166 {
            %dma_wait3A_199 = arith.constant 0 : i32
            %dma_wait3A_200 = arith.constant 0 : i32
            %dma_wait3A_201 = tpu.memref_slice %arg26[%dma_wait3A_199, %dma_wait3A_200] : memref<10016x128xf32, #tpu.memory_space<vmem_shared>> -> memref<10016x128xf32, #tpu.memory_space<vmem_shared>>
            tpu.wait_indirect_dma semaphore(%arg25 : memref<!tpu.dma_semaphore, #tpu.memory_space<semaphore_mem>>) src(%arg13 : memref<128x128xf32, #tpu.memory_space<vmem>>) dst(%dma_wait3A_201 : memref<10016x128xf32, #tpu.memory_space<vmem_shared>>)
          } else {
          }
          %add3A_167 = arith.constant 2 : i32
          %add3A_168 = arith.addi %scan3A_142, %add3A_167 : i32
          %lt3A_169 = arith.constant 80 : i32
          %lt3A_170 = arith.cmpi slt, %add3A_168, %lt3A_169 : i32
          %convert_element_type3A_171 = arith.extui %lt3A_170 : i1 to i32
          %cond3A_172 = arith.constant 0 : i32
          %cond3A_173 = arith.cmpi ne, %convert_element_type3A_171, %cond3A_172 : i32
          scf.if %cond3A_173 {
            %add3A_199 = arith.addi %select_n3A, %scan3A_142 : i32
            %add3A_200 = arith.constant 2 : i32
            %add3A_201 = arith.addi %add3A_199, %add3A_200 : i32
            %dma_wait3A_202 = arith.constant 0 : i32
            %dma_wait3A_203 = arith.constant 0 : i32
            %dma_wait3A_204 = tpu.memref_slice %arg3[%dma_wait3A_202, %add3A_201, %dma_wait3A_203] : memref<2x2500x128xi32, #tpu.memory_space<hbm>> -> memref<1x1x128xi32, #tpu.memory_space<hbm>>
            %dma_wait3A_205 = tpu.memref_squeeze %dma_wait3A_204 : memref<1x1x128xi32, #tpu.memory_space<hbm>> -> memref<128xi32, #tpu.memory_space<hbm>>
            %dma_wait3A_206 = arith.constant 0 : i32
            %dma_wait3A_207 = tpu.memref_slice %arg3[%dma_wait3A_202, %add3A_201, %dma_wait3A_206] : memref<2x2500x128xi32, #tpu.memory_space<hbm>> -> memref<1x1x128xi32, #tpu.memory_space<hbm>>
            %dma_wait3A_208 = tpu.memref_squeeze %dma_wait3A_207 : memref<1x1x128xi32, #tpu.memory_space<hbm>> -> memref<128xi32, #tpu.memory_space<hbm>>
            tpu.wait_dma2 semaphore(%arg16 : memref<!tpu.dma_semaphore, #tpu.memory_space<semaphore_mem>>) src(%dma_wait3A_208 : memref<128xi32, #tpu.memory_space<hbm>>) dst(%arg7 : memref<128xi32, #tpu.memory_space<vmem>>)
            %dma_start3A_209 = arith.constant 0 : i32
            %dma_start3A_210 = arith.constant 0 : i32
            %dma_start3A_211 = tpu.memref_slice %arg2[%dma_start3A_209, %dma_start3A_210] : memref<10000x128xf32, #tpu.memory_space<hbm>> -> memref<10000x128xf32, #tpu.memory_space<hbm>>
            tpu.enqueue_indirect_dma source(%dma_start3A_211 : memref<10000x128xf32, #tpu.memory_space<hbm>>) target(%arg13 : memref<128x128xf32, #tpu.memory_space<vmem>>) offsets(%arg7 : memref<128xi32, #tpu.memory_space<vmem>>) semaphore(%arg22 : memref<!tpu.dma_semaphore, #tpu.memory_space<semaphore_mem>>)
          } else {
          }
          %add3A_174 = arith.constant 3 : i32
          %add3A_175 = arith.addi %scan3A_142, %add3A_174 : i32
          %lt3A_176 = arith.constant 80 : i32
          %lt3A_177 = arith.cmpi slt, %add3A_175, %lt3A_176 : i32
          %convert_element_type3A_178 = arith.extui %lt3A_177 : i1 to i32
          %cond3A_179 = arith.constant 0 : i32
          %cond3A_180 = arith.cmpi ne, %convert_element_type3A_178, %cond3A_179 : i32
          scf.if %cond3A_180 {
            %add3A_199 = arith.addi %select_n3A, %scan3A_142 : i32
            %add3A_200 = arith.constant 3 : i32
            %add3A_201 = arith.addi %add3A_199, %add3A_200 : i32
            %dma_start3A_202 = arith.constant 0 : i32
            %dma_start3A_203 = arith.constant 0 : i32
            %dma_start3A_204 = tpu.memref_slice %arg3[%dma_start3A_202, %add3A_201, %dma_start3A_203] : memref<2x2500x128xi32, #tpu.memory_space<hbm>> -> memref<1x1x128xi32, #tpu.memory_space<hbm>>
            %dma_start3A_205 = tpu.memref_squeeze %dma_start3A_204 : memref<1x1x128xi32, #tpu.memory_space<hbm>> -> memref<128xi32, #tpu.memory_space<hbm>>
            %dma_start3A_206 = arith.constant 0 : i32
            %dma_start3A_207 = tpu.memref_slice %arg3[%dma_start3A_202, %add3A_201, %dma_start3A_206] : memref<2x2500x128xi32, #tpu.memory_space<hbm>> -> memref<1x1x128xi32, #tpu.memory_space<hbm>>
            %dma_start3A_208 = tpu.memref_squeeze %dma_start3A_207 : memref<1x1x128xi32, #tpu.memory_space<hbm>> -> memref<128xi32, #tpu.memory_space<hbm>>
            tpu.enqueue_dma source(%dma_start3A_208 : memref<128xi32, #tpu.memory_space<hbm>>) target(%arg5 : memref<128xi32, #tpu.memory_space<vmem>>) target_semaphore(%arg14 : memref<!tpu.dma_semaphore, #tpu.memory_space<semaphore_mem>>)
          } else {
          }
          %add3A_181 = arith.addi %select_n3A, %scan3A_142 : i32
          %dma_wait3A_182 = arith.constant 1 : i32
          %dma_wait3A_183 = arith.constant 0 : i32
          %dma_wait3A_184 = tpu.memref_slice %arg3[%dma_wait3A_182, %add3A_181, %dma_wait3A_183] : memref<2x2500x128xi32, #tpu.memory_space<hbm>> -> memref<1x1x128xi32, #tpu.memory_space<hbm>>
          %dma_wait3A_185 = tpu.memref_squeeze %dma_wait3A_184 : memref<1x1x128xi32, #tpu.memory_space<hbm>> -> memref<128xi32, #tpu.memory_space<hbm>>
          %dma_wait3A_186 = arith.constant 0 : i32
          %dma_wait3A_187 = tpu.memref_slice %arg3[%dma_wait3A_182, %add3A_181, %dma_wait3A_186] : memref<2x2500x128xi32, #tpu.memory_space<hbm>> -> memref<1x1x128xi32, #tpu.memory_space<hbm>>
          %dma_wait3A_188 = tpu.memref_squeeze %dma_wait3A_187 : memref<1x1x128xi32, #tpu.memory_space<hbm>> -> memref<128xi32, #tpu.memory_space<hbm>>
          tpu.wait_dma2 semaphore(%arg17 : memref<!tpu.dma_semaphore, #tpu.memory_space<semaphore_mem>>) src(%dma_wait3A_188 : memref<128xi32, #tpu.memory_space<hbm>>) dst(%arg8 : memref<128xi32, #tpu.memory_space<vmem>>)
          %dma_start3A_189 = arith.constant 0 : i32
          %dma_start3A_190 = arith.constant 0 : i32
          %dma_start3A_191 = tpu.memref_slice %arg26[%dma_start3A_189, %dma_start3A_190] : memref<10016x128xf32, #tpu.memory_space<vmem_shared>> -> memref<10016x128xf32, #tpu.memory_space<vmem_shared>>
          tpu.enqueue_indirect_dma source(%arg11 : memref<128x128xf32, #tpu.memory_space<vmem>>) target(%dma_start3A_191 : memref<10016x128xf32, #tpu.memory_space<vmem_shared>>) offsets(%arg8 : memref<128xi32, #tpu.memory_space<vmem>>) semaphore(%arg23 : memref<!tpu.dma_semaphore, #tpu.memory_space<semaphore_mem>>) {add = true}
          %add3A_192 = arith.constant 2 : i32
          %add3A_193 = arith.addi %scan3A_142, %add3A_192 : i32
          %lt3A_194 = arith.constant 80 : i32
          %lt3A_195 = arith.cmpi slt, %add3A_193, %lt3A_194 : i32
          %convert_element_type3A_196 = arith.extui %lt3A_195 : i1 to i32
          %cond3A_197 = arith.constant 0 : i32
          %cond3A_198 = arith.cmpi ne, %convert_element_type3A_196, %cond3A_197 : i32
          scf.if %cond3A_198 {
            %add3A_199 = arith.addi %select_n3A, %scan3A_142 : i32
            %add3A_200 = arith.constant 2 : i32
            %add3A_201 = arith.addi %add3A_199, %add3A_200 : i32
            %dma_start3A_202 = arith.constant 1 : i32
            %dma_start3A_203 = arith.constant 0 : i32
            %dma_start3A_204 = tpu.memref_slice %arg3[%dma_start3A_202, %add3A_201, %dma_start3A_203] : memref<2x2500x128xi32, #tpu.memory_space<hbm>> -> memref<1x1x128xi32, #tpu.memory_space<hbm>>
            %dma_start3A_205 = tpu.memref_squeeze %dma_start3A_204 : memref<1x1x128xi32, #tpu.memory_space<hbm>> -> memref<128xi32, #tpu.memory_space<hbm>>
            %dma_start3A_206 = arith.constant 0 : i32
            %dma_start3A_207 = tpu.memref_slice %arg3[%dma_start3A_202, %add3A_201, %dma_start3A_206] : memref<2x2500x128xi32, #tpu.memory_space<hbm>> -> memref<1x1x128xi32, #tpu.memory_space<hbm>>
            %dma_start3A_208 = tpu.memref_squeeze %dma_start3A_207 : memref<1x1x128xi32, #tpu.memory_space<hbm>> -> memref<128xi32, #tpu.memory_space<hbm>>
            tpu.enqueue_dma source(%dma_start3A_208 : memref<128xi32, #tpu.memory_space<hbm>>) target(%arg10 : memref<128xi32, #tpu.memory_space<vmem>>) target_semaphore(%arg19 : memref<!tpu.dma_semaphore, #tpu.memory_space<semaphore_mem>>)
          } else {
          }
        } else {
        }
        %eq3A_149 = arith.constant 1 : i32
        %eq3A_150 = arith.cmpi eq, %rem3A_143, %eq3A_149 : i32
        %convert_element_type3A_151 = arith.extui %eq3A_150 : i1 to i32
        %cond3A_152 = arith.constant 0 : i32
        %cond3A_153 = arith.cmpi ne, %convert_element_type3A_151, %cond3A_152 : i32
        scf.if %cond3A_153 {
          %dma_wait3A_159 = arith.constant 0 : i32
          %dma_wait3A_160 = arith.constant 0 : i32
          %dma_wait3A_161 = tpu.memref_slice %arg2[%dma_wait3A_159, %dma_wait3A_160] : memref<10000x128xf32, #tpu.memory_space<hbm>> -> memref<10000x128xf32, #tpu.memory_space<hbm>>
          tpu.wait_indirect_dma semaphore(%arg21 : memref<!tpu.dma_semaphore, #tpu.memory_space<semaphore_mem>>) src(%dma_wait3A_161 : memref<10000x128xf32, #tpu.memory_space<hbm>>) dst(%arg12 : memref<128x128xf32, #tpu.memory_space<vmem>>)
          %ge3A_162 = arith.constant 1 : i32
          %ge3A_163 = arith.cmpi sge, %scan3A_142, %ge3A_162 : i32
          %convert_element_type3A_164 = arith.extui %ge3A_163 : i1 to i32
          %cond3A_165 = arith.constant 0 : i32
          %cond3A_166 = arith.cmpi ne, %convert_element_type3A_164, %cond3A_165 : i32
          scf.if %cond3A_166 {
            %dma_wait3A_199 = arith.constant 0 : i32
            %dma_wait3A_200 = arith.constant 0 : i32
            %dma_wait3A_201 = tpu.memref_slice %arg26[%dma_wait3A_199, %dma_wait3A_200] : memref<10016x128xf32, #tpu.memory_space<vmem_shared>> -> memref<10016x128xf32, #tpu.memory_space<vmem_shared>>
            tpu.wait_indirect_dma semaphore(%arg23 : memref<!tpu.dma_semaphore, #tpu.memory_space<semaphore_mem>>) src(%arg11 : memref<128x128xf32, #tpu.memory_space<vmem>>) dst(%dma_wait3A_201 : memref<10016x128xf32, #tpu.memory_space<vmem_shared>>)
          } else {
          }
          %add3A_167 = arith.constant 2 : i32
          %add3A_168 = arith.addi %scan3A_142, %add3A_167 : i32
          %lt3A_169 = arith.constant 80 : i32
          %lt3A_170 = arith.cmpi slt, %add3A_168, %lt3A_169 : i32
          %convert_element_type3A_171 = arith.extui %lt3A_170 : i1 to i32
          %cond3A_172 = arith.constant 0 : i32
          %cond3A_173 = arith.cmpi ne, %convert_element_type3A_171, %cond3A_172 : i32
          scf.if %cond3A_173 {
            %add3A_199 = arith.addi %select_n3A, %scan3A_142 : i32
            %add3A_200 = arith.constant 2 : i32
            %add3A_201 = arith.addi %add3A_199, %add3A_200 : i32
            %dma_wait3A_202 = arith.constant 0 : i32
            %dma_wait3A_203 = arith.constant 0 : i32
            %dma_wait3A_204 = tpu.memref_slice %arg3[%dma_wait3A_202, %add3A_201, %dma_wait3A_203] : memref<2x2500x128xi32, #tpu.memory_space<hbm>> -> memref<1x1x128xi32, #tpu.memory_space<hbm>>
            %dma_wait3A_205 = tpu.memref_squeeze %dma_wait3A_204 : memref<1x1x128xi32, #tpu.memory_space<hbm>> -> memref<128xi32, #tpu.memory_space<hbm>>
            %dma_wait3A_206 = arith.constant 0 : i32
            %dma_wait3A_207 = tpu.memref_slice %arg3[%dma_wait3A_202, %add3A_201, %dma_wait3A_206] : memref<2x2500x128xi32, #tpu.memory_space<hbm>> -> memref<1x1x128xi32, #tpu.memory_space<hbm>>
            %dma_wait3A_208 = tpu.memref_squeeze %dma_wait3A_207 : memref<1x1x128xi32, #tpu.memory_space<hbm>> -> memref<128xi32, #tpu.memory_space<hbm>>
            tpu.wait_dma2 semaphore(%arg14 : memref<!tpu.dma_semaphore, #tpu.memory_space<semaphore_mem>>) src(%dma_wait3A_208 : memref<128xi32, #tpu.memory_space<hbm>>) dst(%arg5 : memref<128xi32, #tpu.memory_space<vmem>>)
            %dma_start3A_209 = arith.constant 0 : i32
            %dma_start3A_210 = arith.constant 0 : i32
            %dma_start3A_211 = tpu.memref_slice %arg2[%dma_start3A_209, %dma_start3A_210] : memref<10000x128xf32, #tpu.memory_space<hbm>> -> memref<10000x128xf32, #tpu.memory_space<hbm>>
            tpu.enqueue_indirect_dma source(%dma_start3A_211 : memref<10000x128xf32, #tpu.memory_space<hbm>>) target(%arg11 : memref<128x128xf32, #tpu.memory_space<vmem>>) offsets(%arg5 : memref<128xi32, #tpu.memory_space<vmem>>) semaphore(%arg20 : memref<!tpu.dma_semaphore, #tpu.memory_space<semaphore_mem>>)
          } else {
          }
          %add3A_174 = arith.constant 3 : i32
          %add3A_175 = arith.addi %scan3A_142, %add3A_174 : i32
          %lt3A_176 = arith.constant 80 : i32
          %lt3A_177 = arith.cmpi slt, %add3A_175, %lt3A_176 : i32
          %convert_element_type3A_178 = arith.extui %lt3A_177 : i1 to i32
          %cond3A_179 = arith.constant 0 : i32
          %cond3A_180 = arith.cmpi ne, %convert_element_type3A_178, %cond3A_179 : i32
          scf.if %cond3A_180 {
            %add3A_199 = arith.addi %select_n3A, %scan3A_142 : i32
            %add3A_200 = arith.constant 3 : i32
            %add3A_201 = arith.addi %add3A_199, %add3A_200 : i32
            %dma_start3A_202 = arith.constant 0 : i32
            %dma_start3A_203 = arith.constant 0 : i32
            %dma_start3A_204 = tpu.memref_slice %arg3[%dma_start3A_202, %add3A_201, %dma_start3A_203] : memref<2x2500x128xi32, #tpu.memory_space<hbm>> -> memref<1x1x128xi32, #tpu.memory_space<hbm>>
            %dma_start3A_205 = tpu.memref_squeeze %dma_start3A_204 : memref<1x1x128xi32, #tpu.memory_space<hbm>> -> memref<128xi32, #tpu.memory_space<hbm>>
            %dma_start3A_206 = arith.constant 0 : i32
            %dma_start3A_207 = tpu.memref_slice %arg3[%dma_start3A_202, %add3A_201, %dma_start3A_206] : memref<2x2500x128xi32, #tpu.memory_space<hbm>> -> memref<1x1x128xi32, #tpu.memory_space<hbm>>
            %dma_start3A_208 = tpu.memref_squeeze %dma_start3A_207 : memref<1x1x128xi32, #tpu.memory_space<hbm>> -> memref<128xi32, #tpu.memory_space<hbm>>
            tpu.enqueue_dma source(%dma_start3A_208 : memref<128xi32, #tpu.memory_space<hbm>>) target(%arg6 : memref<128xi32, #tpu.memory_space<vmem>>) target_semaphore(%arg15 : memref<!tpu.dma_semaphore, #tpu.memory_space<semaphore_mem>>)
          } else {
          }
          %add3A_181 = arith.addi %select_n3A, %scan3A_142 : i32
          %dma_wait3A_182 = arith.constant 1 : i32
          %dma_wait3A_183 = arith.constant 0 : i32
          %dma_wait3A_184 = tpu.memref_slice %arg3[%dma_wait3A_182, %add3A_181, %dma_wait3A_183] : memref<2x2500x128xi32, #tpu.memory_space<hbm>> -> memref<1x1x128xi32, #tpu.memory_space<hbm>>
          %dma_wait3A_185 = tpu.memref_squeeze %dma_wait3A_184 : memref<1x1x128xi32, #tpu.memory_space<hbm>> -> memref<128xi32, #tpu.memory_space<hbm>>
          %dma_wait3A_186 = arith.constant 0 : i32
          %dma_wait3A_187 = tpu.memref_slice %arg3[%dma_wait3A_182, %add3A_181, %dma_wait3A_186] : memref<2x2500x128xi32, #tpu.memory_space<hbm>> -> memref<1x1x128xi32, #tpu.memory_space<hbm>>
          %dma_wait3A_188 = tpu.memref_squeeze %dma_wait3A_187 : memref<1x1x128xi32, #tpu.memory_space<hbm>> -> memref<128xi32, #tpu.memory_space<hbm>>
          tpu.wait_dma2 semaphore(%arg18 : memref<!tpu.dma_semaphore, #tpu.memory_space<semaphore_mem>>) src(%dma_wait3A_188 : memref<128xi32, #tpu.memory_space<hbm>>) dst(%arg9 : memref<128xi32, #tpu.memory_space<vmem>>)
          %dma_start3A_189 = arith.constant 0 : i32
          %dma_start3A_190 = arith.constant 0 : i32
          %dma_start3A_191 = tpu.memref_slice %arg26[%dma_start3A_189, %dma_start3A_190] : memref<10016x128xf32, #tpu.memory_space<vmem_shared>> -> memref<10016x128xf32, #tpu.memory_space<vmem_shared>>
          tpu.enqueue_indirect_dma source(%arg12 : memref<128x128xf32, #tpu.memory_space<vmem>>) target(%dma_start3A_191 : memref<10016x128xf32, #tpu.memory_space<vmem_shared>>) offsets(%arg9 : memref<128xi32, #tpu.memory_space<vmem>>) semaphore(%arg24 : memref<!tpu.dma_semaphore, #tpu.memory_space<semaphore_mem>>) {add = true}
          %add3A_192 = arith.constant 2 : i32
          %add3A_193 = arith.addi %scan3A_142, %add3A_192 : i32
          %lt3A_194 = arith.constant 80 : i32
          %lt3A_195 = arith.cmpi slt, %add3A_193, %lt3A_194 : i32
          %convert_element_type3A_196 = arith.extui %lt3A_195 : i1 to i32
          %cond3A_197 = arith.constant 0 : i32
          %cond3A_198 = arith.cmpi ne, %convert_element_type3A_196, %cond3A_197 : i32
          scf.if %cond3A_198 {
            %add3A_199 = arith.addi %select_n3A, %scan3A_142 : i32
            %add3A_200 = arith.constant 2 : i32
            %add3A_201 = arith.addi %add3A_199, %add3A_200 : i32
            %dma_start3A_202 = arith.constant 1 : i32
            %dma_start3A_203 = arith.constant 0 : i32
            %dma_start3A_204 = tpu.memref_slice %arg3[%dma_start3A_202, %add3A_201, %dma_start3A_203] : memref<2x2500x128xi32, #tpu.memory_space<hbm>> -> memref<1x1x128xi32, #tpu.memory_space<hbm>>
            %dma_start3A_205 = tpu.memref_squeeze %dma_start3A_204 : memref<1x1x128xi32, #tpu.memory_space<hbm>> -> memref<128xi32, #tpu.memory_space<hbm>>
            %dma_start3A_206 = arith.constant 0 : i32
            %dma_start3A_207 = tpu.memref_slice %arg3[%dma_start3A_202, %add3A_201, %dma_start3A_206] : memref<2x2500x128xi32, #tpu.memory_space<hbm>> -> memref<1x1x128xi32, #tpu.memory_space<hbm>>
            %dma_start3A_208 = tpu.memref_squeeze %dma_start3A_207 : memref<1x1x128xi32, #tpu.memory_space<hbm>> -> memref<128xi32, #tpu.memory_space<hbm>>
            tpu.enqueue_dma source(%dma_start3A_208 : memref<128xi32, #tpu.memory_space<hbm>>) target(%arg8 : memref<128xi32, #tpu.memory_space<vmem>>) target_semaphore(%arg17 : memref<!tpu.dma_semaphore, #tpu.memory_space<semaphore_mem>>)
          } else {
          }
        } else {
        }
        %eq3A_154 = arith.constant 2 : i32
        %eq3A_155 = arith.cmpi eq, %rem3A_143, %eq3A_154 : i32
        %convert_element_type3A_156 = arith.extui %eq3A_155 : i1 to i32
        %cond3A_157 = arith.constant 0 : i32
        %cond3A_158 = arith.cmpi ne, %convert_element_type3A_156, %cond3A_157 : i32
        scf.if %cond3A_158 {
          %dma_wait3A_159 = arith.constant 0 : i32
          %dma_wait3A_160 = arith.constant 0 : i32
          %dma_wait3A_161 = tpu.memref_slice %arg2[%dma_wait3A_159, %dma_wait3A_160] : memref<10000x128xf32, #tpu.memory_space<hbm>> -> memref<10000x128xf32, #tpu.memory_space<hbm>>
          tpu.wait_indirect_dma semaphore(%arg22 : memref<!tpu.dma_semaphore, #tpu.memory_space<semaphore_mem>>) src(%dma_wait3A_161 : memref<10000x128xf32, #tpu.memory_space<hbm>>) dst(%arg13 : memref<128x128xf32, #tpu.memory_space<vmem>>)
          %ge3A_162 = arith.constant 1 : i32
          %ge3A_163 = arith.cmpi sge, %scan3A_142, %ge3A_162 : i32
          %convert_element_type3A_164 = arith.extui %ge3A_163 : i1 to i32
          %cond3A_165 = arith.constant 0 : i32
          %cond3A_166 = arith.cmpi ne, %convert_element_type3A_164, %cond3A_165 : i32
          scf.if %cond3A_166 {
            %dma_wait3A_199 = arith.constant 0 : i32
            %dma_wait3A_200 = arith.constant 0 : i32
            %dma_wait3A_201 = tpu.memref_slice %arg26[%dma_wait3A_199, %dma_wait3A_200] : memref<10016x128xf32, #tpu.memory_space<vmem_shared>> -> memref<10016x128xf32, #tpu.memory_space<vmem_shared>>
            tpu.wait_indirect_dma semaphore(%arg24 : memref<!tpu.dma_semaphore, #tpu.memory_space<semaphore_mem>>) src(%arg12 : memref<128x128xf32, #tpu.memory_space<vmem>>) dst(%dma_wait3A_201 : memref<10016x128xf32, #tpu.memory_space<vmem_shared>>)
          } else {
          }
          %add3A_167 = arith.constant 2 : i32
          %add3A_168 = arith.addi %scan3A_142, %add3A_167 : i32
          %lt3A_169 = arith.constant 80 : i32
          %lt3A_170 = arith.cmpi slt, %add3A_168, %lt3A_169 : i32
          %convert_element_type3A_171 = arith.extui %lt3A_170 : i1 to i32
          %cond3A_172 = arith.constant 0 : i32
          %cond3A_173 = arith.cmpi ne, %convert_element_type3A_171, %cond3A_172 : i32
          scf.if %cond3A_173 {
            %add3A_199 = arith.addi %select_n3A, %scan3A_142 : i32
            %add3A_200 = arith.constant 2 : i32
            %add3A_201 = arith.addi %add3A_199, %add3A_200 : i32
            %dma_wait3A_202 = arith.constant 0 : i32
            %dma_wait3A_203 = arith.constant 0 : i32
            %dma_wait3A_204 = tpu.memref_slice %arg3[%dma_wait3A_202, %add3A_201, %dma_wait3A_203] : memref<2x2500x128xi32, #tpu.memory_space<hbm>> -> memref<1x1x128xi32, #tpu.memory_space<hbm>>
            %dma_wait3A_205 = tpu.memref_squeeze %dma_wait3A_204 : memref<1x1x128xi32, #tpu.memory_space<hbm>> -> memref<128xi32, #tpu.memory_space<hbm>>
            %dma_wait3A_206 = arith.constant 0 : i32
            %dma_wait3A_207 = tpu.memref_slice %arg3[%dma_wait3A_202, %add3A_201, %dma_wait3A_206] : memref<2x2500x128xi32, #tpu.memory_space<hbm>> -> memref<1x1x128xi32, #tpu.memory_space<hbm>>
            %dma_wait3A_208 = tpu.memref_squeeze %dma_wait3A_207 : memref<1x1x128xi32, #tpu.memory_space<hbm>> -> memref<128xi32, #tpu.memory_space<hbm>>
            tpu.wait_dma2 semaphore(%arg15 : memref<!tpu.dma_semaphore, #tpu.memory_space<semaphore_mem>>) src(%dma_wait3A_208 : memref<128xi32, #tpu.memory_space<hbm>>) dst(%arg6 : memref<128xi32, #tpu.memory_space<vmem>>)
            %dma_start3A_209 = arith.constant 0 : i32
            %dma_start3A_210 = arith.constant 0 : i32
            %dma_start3A_211 = tpu.memref_slice %arg2[%dma_start3A_209, %dma_start3A_210] : memref<10000x128xf32, #tpu.memory_space<hbm>> -> memref<10000x128xf32, #tpu.memory_space<hbm>>
            tpu.enqueue_indirect_dma source(%dma_start3A_211 : memref<10000x128xf32, #tpu.memory_space<hbm>>) target(%arg12 : memref<128x128xf32, #tpu.memory_space<vmem>>) offsets(%arg6 : memref<128xi32, #tpu.memory_space<vmem>>) semaphore(%arg21 : memref<!tpu.dma_semaphore, #tpu.memory_space<semaphore_mem>>)
          } else {
          }
          %add3A_174 = arith.constant 3 : i32
          %add3A_175 = arith.addi %scan3A_142, %add3A_174 : i32
          %lt3A_176 = arith.constant 80 : i32
          %lt3A_177 = arith.cmpi slt, %add3A_175, %lt3A_176 : i32
          %convert_element_type3A_178 = arith.extui %lt3A_177 : i1 to i32
          %cond3A_179 = arith.constant 0 : i32
          %cond3A_180 = arith.cmpi ne, %convert_element_type3A_178, %cond3A_179 : i32
          scf.if %cond3A_180 {
            %add3A_199 = arith.addi %select_n3A, %scan3A_142 : i32
            %add3A_200 = arith.constant 3 : i32
            %add3A_201 = arith.addi %add3A_199, %add3A_200 : i32
            %dma_start3A_202 = arith.constant 0 : i32
            %dma_start3A_203 = arith.constant 0 : i32
            %dma_start3A_204 = tpu.memref_slice %arg3[%dma_start3A_202, %add3A_201, %dma_start3A_203] : memref<2x2500x128xi32, #tpu.memory_space<hbm>> -> memref<1x1x128xi32, #tpu.memory_space<hbm>>
            %dma_start3A_205 = tpu.memref_squeeze %dma_start3A_204 : memref<1x1x128xi32, #tpu.memory_space<hbm>> -> memref<128xi32, #tpu.memory_space<hbm>>
            %dma_start3A_206 = arith.constant 0 : i32
            %dma_start3A_207 = tpu.memref_slice %arg3[%dma_start3A_202, %add3A_201, %dma_start3A_206] : memref<2x2500x128xi32, #tpu.memory_space<hbm>> -> memref<1x1x128xi32, #tpu.memory_space<hbm>>
            %dma_start3A_208 = tpu.memref_squeeze %dma_start3A_207 : memref<1x1x128xi32, #tpu.memory_space<hbm>> -> memref<128xi32, #tpu.memory_space<hbm>>
            tpu.enqueue_dma source(%dma_start3A_208 : memref<128xi32, #tpu.memory_space<hbm>>) target(%arg7 : memref<128xi32, #tpu.memory_space<vmem>>) target_semaphore(%arg16 : memref<!tpu.dma_semaphore, #tpu.memory_space<semaphore_mem>>)
          } else {
          }
          %add3A_181 = arith.addi %select_n3A, %scan3A_142 : i32
          %dma_wait3A_182 = arith.constant 1 : i32
          %dma_wait3A_183 = arith.constant 0 : i32
          %dma_wait3A_184 = tpu.memref_slice %arg3[%dma_wait3A_182, %add3A_181, %dma_wait3A_183] : memref<2x2500x128xi32, #tpu.memory_space<hbm>> -> memref<1x1x128xi32, #tpu.memory_space<hbm>>
          %dma_wait3A_185 = tpu.memref_squeeze %dma_wait3A_184 : memref<1x1x128xi32, #tpu.memory_space<hbm>> -> memref<128xi32, #tpu.memory_space<hbm>>
          %dma_wait3A_186 = arith.constant 0 : i32
          %dma_wait3A_187 = tpu.memref_slice %arg3[%dma_wait3A_182, %add3A_181, %dma_wait3A_186] : memref<2x2500x128xi32, #tpu.memory_space<hbm>> -> memref<1x1x128xi32, #tpu.memory_space<hbm>>
          %dma_wait3A_188 = tpu.memref_squeeze %dma_wait3A_187 : memref<1x1x128xi32, #tpu.memory_space<hbm>> -> memref<128xi32, #tpu.memory_space<hbm>>
          tpu.wait_dma2 semaphore(%arg19 : memref<!tpu.dma_semaphore, #tpu.memory_space<semaphore_mem>>) src(%dma_wait3A_188 : memref<128xi32, #tpu.memory_space<hbm>>) dst(%arg10 : memref<128xi32, #tpu.memory_space<vmem>>)
          %dma_start3A_189 = arith.constant 0 : i32
          %dma_start3A_190 = arith.constant 0 : i32
          %dma_start3A_191 = tpu.memref_slice %arg26[%dma_start3A_189, %dma_start3A_190] : memref<10016x128xf32, #tpu.memory_space<vmem_shared>> -> memref<10016x128xf32, #tpu.memory_space<vmem_shared>>
          tpu.enqueue_indirect_dma source(%arg13 : memref<128x128xf32, #tpu.memory_space<vmem>>) target(%dma_start3A_191 : memref<10016x128xf32, #tpu.memory_space<vmem_shared>>) offsets(%arg10 : memref<128xi32, #tpu.memory_space<vmem>>) semaphore(%arg25 : memref<!tpu.dma_semaphore, #tpu.memory_space<semaphore_mem>>) {add = true}
          %add3A_192 = arith.constant 2 : i32
          %add3A_193 = arith.addi %scan3A_142, %add3A_192 : i32
          %lt3A_194 = arith.constant 80 : i32
          %lt3A_195 = arith.cmpi slt, %add3A_193, %lt3A_194 : i32
          %convert_element_type3A_196 = arith.extui %lt3A_195 : i1 to i32
          %cond3A_197 = arith.constant 0 : i32
          %cond3A_198 = arith.cmpi ne, %convert_element_type3A_196, %cond3A_197 : i32
          scf.if %cond3A_198 {
            %add3A_199 = arith.addi %select_n3A, %scan3A_142 : i32
            %add3A_200 = arith.constant 2 : i32
            %add3A_201 = arith.addi %add3A_199, %add3A_200 : i32
            %dma_start3A_202 = arith.constant 1 : i32
            %dma_start3A_203 = arith.constant 0 : i32
            %dma_start3A_204 = tpu.memref_slice %arg3[%dma_start3A_202, %add3A_201, %dma_start3A_203] : memref<2x2500x128xi32, #tpu.memory_space<hbm>> -> memref<1x1x128xi32, #tpu.memory_space<hbm>>
            %dma_start3A_205 = tpu.memref_squeeze %dma_start3A_204 : memref<1x1x128xi32, #tpu.memory_space<hbm>> -> memref<128xi32, #tpu.memory_space<hbm>>
            %dma_start3A_206 = arith.constant 0 : i32
            %dma_start3A_207 = tpu.memref_slice %arg3[%dma_start3A_202, %add3A_201, %dma_start3A_206] : memref<2x2500x128xi32, #tpu.memory_space<hbm>> -> memref<1x1x128xi32, #tpu.memory_space<hbm>>
            %dma_start3A_208 = tpu.memref_squeeze %dma_start3A_207 : memref<1x1x128xi32, #tpu.memory_space<hbm>> -> memref<128xi32, #tpu.memory_space<hbm>>
            tpu.enqueue_dma source(%dma_start3A_208 : memref<128xi32, #tpu.memory_space<hbm>>) target(%arg9 : memref<128xi32, #tpu.memory_space<vmem>>) target_semaphore(%arg18 : memref<!tpu.dma_semaphore, #tpu.memory_space<semaphore_mem>>)
          } else {
          }
        } else {
        }
      }
      %scan3A_138 = arith.constant 80 : i32
      %dma_wait3A_139 = arith.constant 0 : i32
      %dma_wait3A_140 = arith.constant 0 : i32
      %dma_wait3A_141 = tpu.memref_slice %arg26[%dma_wait3A_139, %dma_wait3A_140] : memref<10016x128xf32, #tpu.memory_space<vmem_shared>> -> memref<10016x128xf32, #tpu.memory_space<vmem_shared>>
      tpu.wait_indirect_dma semaphore(%arg24 : memref<!tpu.dma_semaphore, #tpu.memory_space<semaphore_mem>>) src(%arg12 : memref<128x128xf32, #tpu.memory_space<vmem>>) dst(%dma_wait3A_141 : memref<10016x128xf32, #tpu.memory_space<vmem_shared>>)
    } else {
    }
    %eq3A_41 = arith.constant 1 : i32
    %eq3A_42 = arith.cmpi eq, %arg0, %eq3A_41 : i32
    %lt3A_43 = arith.constant 4 : i32
    %lt3A_44 = arith.cmpi slt, %arg1, %lt3A_43 : i32
    %and3A = arith.andi %eq3A_42, %lt3A_44 : i1
    %convert_element_type3A_45 = arith.extui %and3A : i1 to i32
    %cond3A_46 = arith.constant 0 : i32
    %cond3A_47 = arith.cmpi ne, %convert_element_type3A_45, %cond3A_46 : i32
    scf.if %cond3A_47 {
      %add3A_66 = arith.constant 0 : i32
      %add3A_67 = arith.addi %select_n3A, %add3A_66 : i32
      %dma_start3A = arith.constant 0 : i32
      %dma_start3A_68 = arith.constant 0 : i32
      %dma_start3A_69 = tpu.memref_slice %arg3[%dma_start3A, %add3A_67, %dma_start3A_68] : memref<2x2500x128xi32, #tpu.memory_space<hbm>> -> memref<1x1x128xi32, #tpu.memory_space<hbm>>
      %dma_start3A_70 = tpu.memref_squeeze %dma_start3A_69 : memref<1x1x128xi32, #tpu.memory_space<hbm>> -> memref<128xi32, #tpu.memory_space<hbm>>
      %dma_start3A_71 = arith.constant 0 : i32
      %dma_start3A_72 = tpu.memref_slice %arg3[%dma_start3A, %add3A_67, %dma_start3A_71] : memref<2x2500x128xi32, #tpu.memory_space<hbm>> -> memref<1x1x128xi32, #tpu.memory_space<hbm>>
      %dma_start3A_73 = tpu.memref_squeeze %dma_start3A_72 : memref<1x1x128xi32, #tpu.memory_space<hbm>> -> memref<128xi32, #tpu.memory_space<hbm>>
      tpu.enqueue_dma source(%dma_start3A_73 : memref<128xi32, #tpu.memory_space<hbm>>) target(%arg5 : memref<128xi32, #tpu.memory_space<vmem>>) target_semaphore(%arg14 : memref<!tpu.dma_semaphore, #tpu.memory_space<semaphore_mem>>)
      %add3A_74 = arith.constant 1 : i32
      %add3A_75 = arith.addi %select_n3A, %add3A_74 : i32
      %dma_start3A_76 = arith.constant 0 : i32
      %dma_start3A_77 = arith.constant 0 : i32
      %dma_start3A_78 = tpu.memref_slice %arg3[%dma_start3A_76, %add3A_75, %dma_start3A_77] : memref<2x2500x128xi32, #tpu.memory_space<hbm>> -> memref<1x1x128xi32, #tpu.memory_space<hbm>>
      %dma_start3A_79 = tpu.memref_squeeze %dma_start3A_78 : memref<1x1x128xi32, #tpu.memory_space<hbm>> -> memref<128xi32, #tpu.memory_space<hbm>>
      %dma_start3A_80 = arith.constant 0 : i32
      %dma_start3A_81 = tpu.memref_slice %arg3[%dma_start3A_76, %add3A_75, %dma_start3A_80] : memref<2x2500x128xi32, #tpu.memory_space<hbm>> -> memref<1x1x128xi32, #tpu.memory_space<hbm>>
      %dma_start3A_82 = tpu.memref_squeeze %dma_start3A_81 : memref<1x1x128xi32, #tpu.memory_space<hbm>> -> memref<128xi32, #tpu.memory_space<hbm>>
      tpu.enqueue_dma source(%dma_start3A_82 : memref<128xi32, #tpu.memory_space<hbm>>) target(%arg6 : memref<128xi32, #tpu.memory_space<vmem>>) target_semaphore(%arg15 : memref<!tpu.dma_semaphore, #tpu.memory_space<semaphore_mem>>)
      %add3A_83 = arith.constant 2 : i32
      %add3A_84 = arith.addi %select_n3A, %add3A_83 : i32
      %dma_start3A_85 = arith.constant 0 : i32
      %dma_start3A_86 = arith.constant 0 : i32
      %dma_start3A_87 = tpu.memref_slice %arg3[%dma_start3A_85, %add3A_84, %dma_start3A_86] : memref<2x2500x128xi32, #tpu.memory_space<hbm>> -> memref<1x1x128xi32, #tpu.memory_space<hbm>>
      %dma_start3A_88 = tpu.memref_squeeze %dma_start3A_87 : memref<1x1x128xi32, #tpu.memory_space<hbm>> -> memref<128xi32, #tpu.memory_space<hbm>>
      %dma_start3A_89 = arith.constant 0 : i32
      %dma_start3A_90 = tpu.memref_slice %arg3[%dma_start3A_85, %add3A_84, %dma_start3A_89] : memref<2x2500x128xi32, #tpu.memory_space<hbm>> -> memref<1x1x128xi32, #tpu.memory_space<hbm>>
      %dma_start3A_91 = tpu.memref_squeeze %dma_start3A_90 : memref<1x1x128xi32, #tpu.memory_space<hbm>> -> memref<128xi32, #tpu.memory_space<hbm>>
      tpu.enqueue_dma source(%dma_start3A_91 : memref<128xi32, #tpu.memory_space<hbm>>) target(%arg7 : memref<128xi32, #tpu.memory_space<vmem>>) target_semaphore(%arg16 : memref<!tpu.dma_semaphore, #tpu.memory_space<semaphore_mem>>)
      %add3A_92 = arith.constant 0 : i32
      %add3A_93 = arith.addi %select_n3A, %add3A_92 : i32
      %dma_start3A_94 = arith.constant 1 : i32
      %dma_start3A_95 = arith.constant 0 : i32
      %dma_start3A_96 = tpu.memref_slice %arg3[%dma_start3A_94, %add3A_93, %dma_start3A_95] : memref<2x2500x128xi32, #tpu.memory_space<hbm>> -> memref<1x1x128xi32, #tpu.memory_space<hbm>>
      %dma_start3A_97 = tpu.memref_squeeze %dma_start3A_96 : memref<1x1x128xi32, #tpu.memory_space<hbm>> -> memref<128xi32, #tpu.memory_space<hbm>>
      %dma_start3A_98 = arith.constant 0 : i32
      %dma_start3A_99 = tpu.memref_slice %arg3[%dma_start3A_94, %add3A_93, %dma_start3A_98] : memref<2x2500x128xi32, #tpu.memory_space<hbm>> -> memref<1x1x128xi32, #tpu.memory_space<hbm>>
      %dma_start3A_100 = tpu.memref_squeeze %dma_start3A_99 : memref<1x1x128xi32, #tpu.memory_space<hbm>> -> memref<128xi32, #tpu.memory_space<hbm>>
      tpu.enqueue_dma source(%dma_start3A_100 : memref<128xi32, #tpu.memory_space<hbm>>) target(%arg8 : memref<128xi32, #tpu.memory_space<vmem>>) target_semaphore(%arg17 : memref<!tpu.dma_semaphore, #tpu.memory_space<semaphore_mem>>)
      %add3A_101 = arith.constant 1 : i32
      %add3A_102 = arith.addi %select_n3A, %add3A_101 : i32
      %dma_start3A_103 = arith.constant 1 : i32
      %dma_start3A_104 = arith.constant 0 : i32
      %dma_start3A_105 = tpu.memref_slice %arg3[%dma_start3A_103, %add3A_102, %dma_start3A_104] : memref<2x2500x128xi32, #tpu.memory_space<hbm>> -> memref<1x1x128xi32, #tpu.memory_space<hbm>>
      %dma_start3A_106 = tpu.memref_squeeze %dma_start3A_105 : memref<1x1x128xi32, #tpu.memory_space<hbm>> -> memref<128xi32, #tpu.memory_space<hbm>>
      %dma_start3A_107 = arith.constant 0 : i32
      %dma_start3A_108 = tpu.memref_slice %arg3[%dma_start3A_103, %add3A_102, %dma_start3A_107] : memref<2x2500x128xi32, #tpu.memory_space<hbm>> -> memref<1x1x128xi32, #tpu.memory_space<hbm>>
      %dma_start3A_109 = tpu.memref_squeeze %dma_start3A_108 : memref<1x1x128xi32, #tpu.memory_space<hbm>> -> memref<128xi32, #tpu.memory_space<hbm>>
      tpu.enqueue_dma source(%dma_start3A_109 : memref<128xi32, #tpu.memory_space<hbm>>) target(%arg9 : memref<128xi32, #tpu.memory_space<vmem>>) target_semaphore(%arg18 : memref<!tpu.dma_semaphore, #tpu.memory_space<semaphore_mem>>)
      %add3A_110 = arith.constant 0 : i32
      %add3A_111 = arith.addi %select_n3A, %add3A_110 : i32
      %dma_wait3A = arith.constant 0 : i32
      %dma_wait3A_112 = arith.constant 0 : i32
      %dma_wait3A_113 = tpu.memref_slice %arg3[%dma_wait3A, %add3A_111, %dma_wait3A_112] : memref<2x2500x128xi32, #tpu.memory_space<hbm>> -> memref<1x1x128xi32, #tpu.memory_space<hbm>>
      %dma_wait3A_114 = tpu.memref_squeeze %dma_wait3A_113 : memref<1x1x128xi32, #tpu.memory_space<hbm>> -> memref<128xi32, #tpu.memory_space<hbm>>
      %dma_wait3A_115 = arith.constant 0 : i32
      %dma_wait3A_116 = tpu.memref_slice %arg3[%dma_wait3A, %add3A_111, %dma_wait3A_115] : memref<2x2500x128xi32, #tpu.memory_space<hbm>> -> memref<1x1x128xi32, #tpu.memory_space<hbm>>
      %dma_wait3A_117 = tpu.memref_squeeze %dma_wait3A_116 : memref<1x1x128xi32, #tpu.memory_space<hbm>> -> memref<128xi32, #tpu.memory_space<hbm>>
      tpu.wait_dma2 semaphore(%arg14 : memref<!tpu.dma_semaphore, #tpu.memory_space<semaphore_mem>>) src(%dma_wait3A_117 : memref<128xi32, #tpu.memory_space<hbm>>) dst(%arg5 : memref<128xi32, #tpu.memory_space<vmem>>)
      %dma_start3A_118 = arith.constant 0 : i32
      %dma_start3A_119 = arith.constant 0 : i32
      %dma_start3A_120 = tpu.memref_slice %arg2[%dma_start3A_118, %dma_start3A_119] : memref<10000x128xf32, #tpu.memory_space<hbm>> -> memref<10000x128xf32, #tpu.memory_space<hbm>>
      tpu.enqueue_indirect_dma source(%dma_start3A_120 : memref<10000x128xf32, #tpu.memory_space<hbm>>) target(%arg11 : memref<128x128xf32, #tpu.memory_space<vmem>>) offsets(%arg5 : memref<128xi32, #tpu.memory_space<vmem>>) semaphore(%arg20 : memref<!tpu.dma_semaphore, #tpu.memory_space<semaphore_mem>>)
      %add3A_121 = arith.constant 1 : i32
      %add3A_122 = arith.addi %select_n3A, %add3A_121 : i32
      %dma_wait3A_123 = arith.constant 0 : i32
      %dma_wait3A_124 = arith.constant 0 : i32
      %dma_wait3A_125 = tpu.memref_slice %arg3[%dma_wait3A_123, %add3A_122, %dma_wait3A_124] : memref<2x2500x128xi32, #tpu.memory_space<hbm>> -> memref<1x1x128xi32, #tpu.memory_space<hbm>>
      %dma_wait3A_126 = tpu.memref_squeeze %dma_wait3A_125 : memref<1x1x128xi32, #tpu.memory_space<hbm>> -> memref<128xi32, #tpu.memory_space<hbm>>
      %dma_wait3A_127 = arith.constant 0 : i32
      %dma_wait3A_128 = tpu.memref_slice %arg3[%dma_wait3A_123, %add3A_122, %dma_wait3A_127] : memref<2x2500x128xi32, #tpu.memory_space<hbm>> -> memref<1x1x128xi32, #tpu.memory_space<hbm>>
      %dma_wait3A_129 = tpu.memref_squeeze %dma_wait3A_128 : memref<1x1x128xi32, #tpu.memory_space<hbm>> -> memref<128xi32, #tpu.memory_space<hbm>>
      tpu.wait_dma2 semaphore(%arg15 : memref<!tpu.dma_semaphore, #tpu.memory_space<semaphore_mem>>) src(%dma_wait3A_129 : memref<128xi32, #tpu.memory_space<hbm>>) dst(%arg6 : memref<128xi32, #tpu.memory_space<vmem>>)
      %dma_start3A_130 = arith.constant 0 : i32
      %dma_start3A_131 = arith.constant 0 : i32
      %dma_start3A_132 = tpu.memref_slice %arg2[%dma_start3A_130, %dma_start3A_131] : memref<10000x128xf32, #tpu.memory_space<hbm>> -> memref<10000x128xf32, #tpu.memory_space<hbm>>
      tpu.enqueue_indirect_dma source(%dma_start3A_132 : memref<10000x128xf32, #tpu.memory_space<hbm>>) target(%arg12 : memref<128x128xf32, #tpu.memory_space<vmem>>) offsets(%arg6 : memref<128xi32, #tpu.memory_space<vmem>>) semaphore(%arg21 : memref<!tpu.dma_semaphore, #tpu.memory_space<semaphore_mem>>)
      %scan3A_133 = arith.constant 0 : i32
      %scan3A_134 = arith.constant 0 : i32
      %scan3A_135 = arith.constant 77 : i32
      %scan3A_136 = arith.addi %scan3A_134, %scan3A_135 : i32
      %scan3A_137 = arith.constant 1 : i32
      scf.for %scan3A_142 = %scan3A_134 to %scan3A_136 step %scan3A_137  : i32 {
        %rem3A = arith.constant 3 : i32
        %rem3A_143 = arith.remsi %scan3A_142, %rem3A : i32
        %eq3A_144 = arith.constant 0 : i32
        %eq3A_145 = arith.cmpi eq, %rem3A_143, %eq3A_144 : i32
        %convert_element_type3A_146 = arith.extui %eq3A_145 : i1 to i32
        %cond3A_147 = arith.constant 0 : i32
        %cond3A_148 = arith.cmpi ne, %convert_element_type3A_146, %cond3A_147 : i32
        scf.if %cond3A_148 {
          %dma_wait3A_159 = arith.constant 0 : i32
          %dma_wait3A_160 = arith.constant 0 : i32
          %dma_wait3A_161 = tpu.memref_slice %arg2[%dma_wait3A_159, %dma_wait3A_160] : memref<10000x128xf32, #tpu.memory_space<hbm>> -> memref<10000x128xf32, #tpu.memory_space<hbm>>
          tpu.wait_indirect_dma semaphore(%arg20 : memref<!tpu.dma_semaphore, #tpu.memory_space<semaphore_mem>>) src(%dma_wait3A_161 : memref<10000x128xf32, #tpu.memory_space<hbm>>) dst(%arg11 : memref<128x128xf32, #tpu.memory_space<vmem>>)
          %ge3A_162 = arith.constant 1 : i32
          %ge3A_163 = arith.cmpi sge, %scan3A_142, %ge3A_162 : i32
          %convert_element_type3A_164 = arith.extui %ge3A_163 : i1 to i32
          %cond3A_165 = arith.constant 0 : i32
          %cond3A_166 = arith.cmpi ne, %convert_element_type3A_164, %cond3A_165 : i32
          scf.if %cond3A_166 {
            %dma_wait3A_199 = arith.constant 0 : i32
            %dma_wait3A_200 = arith.constant 0 : i32
            %dma_wait3A_201 = tpu.memref_slice %arg26[%dma_wait3A_199, %dma_wait3A_200] : memref<10016x128xf32, #tpu.memory_space<vmem_shared>> -> memref<10016x128xf32, #tpu.memory_space<vmem_shared>>
            tpu.wait_indirect_dma semaphore(%arg25 : memref<!tpu.dma_semaphore, #tpu.memory_space<semaphore_mem>>) src(%arg13 : memref<128x128xf32, #tpu.memory_space<vmem>>) dst(%dma_wait3A_201 : memref<10016x128xf32, #tpu.memory_space<vmem_shared>>)
          } else {
          }
          %add3A_167 = arith.constant 2 : i32
          %add3A_168 = arith.addi %scan3A_142, %add3A_167 : i32
          %lt3A_169 = arith.constant 77 : i32
          %lt3A_170 = arith.cmpi slt, %add3A_168, %lt3A_169 : i32
          %convert_element_type3A_171 = arith.extui %lt3A_170 : i1 to i32
          %cond3A_172 = arith.constant 0 : i32
          %cond3A_173 = arith.cmpi ne, %convert_element_type3A_171, %cond3A_172 : i32
          scf.if %cond3A_173 {
            %add3A_199 = arith.addi %select_n3A, %scan3A_142 : i32
            %add3A_200 = arith.constant 2 : i32
            %add3A_201 = arith.addi %add3A_199, %add3A_200 : i32
            %dma_wait3A_202 = arith.constant 0 : i32
            %dma_wait3A_203 = arith.constant 0 : i32
            %dma_wait3A_204 = tpu.memref_slice %arg3[%dma_wait3A_202, %add3A_201, %dma_wait3A_203] : memref<2x2500x128xi32, #tpu.memory_space<hbm>> -> memref<1x1x128xi32, #tpu.memory_space<hbm>>
            %dma_wait3A_205 = tpu.memref_squeeze %dma_wait3A_204 : memref<1x1x128xi32, #tpu.memory_space<hbm>> -> memref<128xi32, #tpu.memory_space<hbm>>
            %dma_wait3A_206 = arith.constant 0 : i32
            %dma_wait3A_207 = tpu.memref_slice %arg3[%dma_wait3A_202, %add3A_201, %dma_wait3A_206] : memref<2x2500x128xi32, #tpu.memory_space<hbm>> -> memref<1x1x128xi32, #tpu.memory_space<hbm>>
            %dma_wait3A_208 = tpu.memref_squeeze %dma_wait3A_207 : memref<1x1x128xi32, #tpu.memory_space<hbm>> -> memref<128xi32, #tpu.memory_space<hbm>>
            tpu.wait_dma2 semaphore(%arg16 : memref<!tpu.dma_semaphore, #tpu.memory_space<semaphore_mem>>) src(%dma_wait3A_208 : memref<128xi32, #tpu.memory_space<hbm>>) dst(%arg7 : memref<128xi32, #tpu.memory_space<vmem>>)
            %dma_start3A_209 = arith.constant 0 : i32
            %dma_start3A_210 = arith.constant 0 : i32
            %dma_start3A_211 = tpu.memref_slice %arg2[%dma_start3A_209, %dma_start3A_210] : memref<10000x128xf32, #tpu.memory_space<hbm>> -> memref<10000x128xf32, #tpu.memory_space<hbm>>
            tpu.enqueue_indirect_dma source(%dma_start3A_211 : memref<10000x128xf32, #tpu.memory_space<hbm>>) target(%arg13 : memref<128x128xf32, #tpu.memory_space<vmem>>) offsets(%arg7 : memref<128xi32, #tpu.memory_space<vmem>>) semaphore(%arg22 : memref<!tpu.dma_semaphore, #tpu.memory_space<semaphore_mem>>)
          } else {
          }
          %add3A_174 = arith.constant 3 : i32
          %add3A_175 = arith.addi %scan3A_142, %add3A_174 : i32
          %lt3A_176 = arith.constant 77 : i32
          %lt3A_177 = arith.cmpi slt, %add3A_175, %lt3A_176 : i32
          %convert_element_type3A_178 = arith.extui %lt3A_177 : i1 to i32
          %cond3A_179 = arith.constant 0 : i32
          %cond3A_180 = arith.cmpi ne, %convert_element_type3A_178, %cond3A_179 : i32
          scf.if %cond3A_180 {
            %add3A_199 = arith.addi %select_n3A, %scan3A_142 : i32
            %add3A_200 = arith.constant 3 : i32
            %add3A_201 = arith.addi %add3A_199, %add3A_200 : i32
            %dma_start3A_202 = arith.constant 0 : i32
            %dma_start3A_203 = arith.constant 0 : i32
            %dma_start3A_204 = tpu.memref_slice %arg3[%dma_start3A_202, %add3A_201, %dma_start3A_203] : memref<2x2500x128xi32, #tpu.memory_space<hbm>> -> memref<1x1x128xi32, #tpu.memory_space<hbm>>
            %dma_start3A_205 = tpu.memref_squeeze %dma_start3A_204 : memref<1x1x128xi32, #tpu.memory_space<hbm>> -> memref<128xi32, #tpu.memory_space<hbm>>
            %dma_start3A_206 = arith.constant 0 : i32
            %dma_start3A_207 = tpu.memref_slice %arg3[%dma_start3A_202, %add3A_201, %dma_start3A_206] : memref<2x2500x128xi32, #tpu.memory_space<hbm>> -> memref<1x1x128xi32, #tpu.memory_space<hbm>>
            %dma_start3A_208 = tpu.memref_squeeze %dma_start3A_207 : memref<1x1x128xi32, #tpu.memory_space<hbm>> -> memref<128xi32, #tpu.memory_space<hbm>>
            tpu.enqueue_dma source(%dma_start3A_208 : memref<128xi32, #tpu.memory_space<hbm>>) target(%arg5 : memref<128xi32, #tpu.memory_space<vmem>>) target_semaphore(%arg14 : memref<!tpu.dma_semaphore, #tpu.memory_space<semaphore_mem>>)
          } else {
          }
          %add3A_181 = arith.addi %select_n3A, %scan3A_142 : i32
          %dma_wait3A_182 = arith.constant 1 : i32
          %dma_wait3A_183 = arith.constant 0 : i32
          %dma_wait3A_184 = tpu.memref_slice %arg3[%dma_wait3A_182, %add3A_181, %dma_wait3A_183] : memref<2x2500x128xi32, #tpu.memory_space<hbm>> -> memref<1x1x128xi32, #tpu.memory_space<hbm>>
          %dma_wait3A_185 = tpu.memref_squeeze %dma_wait3A_184 : memref<1x1x128xi32, #tpu.memory_space<hbm>> -> memref<128xi32, #tpu.memory_space<hbm>>
          %dma_wait3A_186 = arith.constant 0 : i32
          %dma_wait3A_187 = tpu.memref_slice %arg3[%dma_wait3A_182, %add3A_181, %dma_wait3A_186] : memref<2x2500x128xi32, #tpu.memory_space<hbm>> -> memref<1x1x128xi32, #tpu.memory_space<hbm>>
          %dma_wait3A_188 = tpu.memref_squeeze %dma_wait3A_187 : memref<1x1x128xi32, #tpu.memory_space<hbm>> -> memref<128xi32, #tpu.memory_space<hbm>>
          tpu.wait_dma2 semaphore(%arg17 : memref<!tpu.dma_semaphore, #tpu.memory_space<semaphore_mem>>) src(%dma_wait3A_188 : memref<128xi32, #tpu.memory_space<hbm>>) dst(%arg8 : memref<128xi32, #tpu.memory_space<vmem>>)
          %dma_start3A_189 = arith.constant 0 : i32
          %dma_start3A_190 = arith.constant 0 : i32
          %dma_start3A_191 = tpu.memref_slice %arg26[%dma_start3A_189, %dma_start3A_190] : memref<10016x128xf32, #tpu.memory_space<vmem_shared>> -> memref<10016x128xf32, #tpu.memory_space<vmem_shared>>
          tpu.enqueue_indirect_dma source(%arg11 : memref<128x128xf32, #tpu.memory_space<vmem>>) target(%dma_start3A_191 : memref<10016x128xf32, #tpu.memory_space<vmem_shared>>) offsets(%arg8 : memref<128xi32, #tpu.memory_space<vmem>>) semaphore(%arg23 : memref<!tpu.dma_semaphore, #tpu.memory_space<semaphore_mem>>) {add = true}
          %add3A_192 = arith.constant 2 : i32
          %add3A_193 = arith.addi %scan3A_142, %add3A_192 : i32
          %lt3A_194 = arith.constant 77 : i32
          %lt3A_195 = arith.cmpi slt, %add3A_193, %lt3A_194 : i32
          %convert_element_type3A_196 = arith.extui %lt3A_195 : i1 to i32
          %cond3A_197 = arith.constant 0 : i32
          %cond3A_198 = arith.cmpi ne, %convert_element_type3A_196, %cond3A_197 : i32
          scf.if %cond3A_198 {
            %add3A_199 = arith.addi %select_n3A, %scan3A_142 : i32
            %add3A_200 = arith.constant 2 : i32
            %add3A_201 = arith.addi %add3A_199, %add3A_200 : i32
            %dma_start3A_202 = arith.constant 1 : i32
            %dma_start3A_203 = arith.constant 0 : i32
            %dma_start3A_204 = tpu.memref_slice %arg3[%dma_start3A_202, %add3A_201, %dma_start3A_203] : memref<2x2500x128xi32, #tpu.memory_space<hbm>> -> memref<1x1x128xi32, #tpu.memory_space<hbm>>
            %dma_start3A_205 = tpu.memref_squeeze %dma_start3A_204 : memref<1x1x128xi32, #tpu.memory_space<hbm>> -> memref<128xi32, #tpu.memory_space<hbm>>
            %dma_start3A_206 = arith.constant 0 : i32
            %dma_start3A_207 = tpu.memref_slice %arg3[%dma_start3A_202, %add3A_201, %dma_start3A_206] : memref<2x2500x128xi32, #tpu.memory_space<hbm>> -> memref<1x1x128xi32, #tpu.memory_space<hbm>>
            %dma_start3A_208 = tpu.memref_squeeze %dma_start3A_207 : memref<1x1x128xi32, #tpu.memory_space<hbm>> -> memref<128xi32, #tpu.memory_space<hbm>>
            tpu.enqueue_dma source(%dma_start3A_208 : memref<128xi32, #tpu.memory_space<hbm>>) target(%arg10 : memref<128xi32, #tpu.memory_space<vmem>>) target_semaphore(%arg19 : memref<!tpu.dma_semaphore, #tpu.memory_space<semaphore_mem>>)
          } else {
          }
        } else {
        }
        %eq3A_149 = arith.constant 1 : i32
        %eq3A_150 = arith.cmpi eq, %rem3A_143, %eq3A_149 : i32
        %convert_element_type3A_151 = arith.extui %eq3A_150 : i1 to i32
        %cond3A_152 = arith.constant 0 : i32
        %cond3A_153 = arith.cmpi ne, %convert_element_type3A_151, %cond3A_152 : i32
        scf.if %cond3A_153 {
          %dma_wait3A_159 = arith.constant 0 : i32
          %dma_wait3A_160 = arith.constant 0 : i32
          %dma_wait3A_161 = tpu.memref_slice %arg2[%dma_wait3A_159, %dma_wait3A_160] : memref<10000x128xf32, #tpu.memory_space<hbm>> -> memref<10000x128xf32, #tpu.memory_space<hbm>>
          tpu.wait_indirect_dma semaphore(%arg21 : memref<!tpu.dma_semaphore, #tpu.memory_space<semaphore_mem>>) src(%dma_wait3A_161 : memref<10000x128xf32, #tpu.memory_space<hbm>>) dst(%arg12 : memref<128x128xf32, #tpu.memory_space<vmem>>)
          %ge3A_162 = arith.constant 1 : i32
          %ge3A_163 = arith.cmpi sge, %scan3A_142, %ge3A_162 : i32
          %convert_element_type3A_164 = arith.extui %ge3A_163 : i1 to i32
          %cond3A_165 = arith.constant 0 : i32
          %cond3A_166 = arith.cmpi ne, %convert_element_type3A_164, %cond3A_165 : i32
          scf.if %cond3A_166 {
            %dma_wait3A_199 = arith.constant 0 : i32
            %dma_wait3A_200 = arith.constant 0 : i32
            %dma_wait3A_201 = tpu.memref_slice %arg26[%dma_wait3A_199, %dma_wait3A_200] : memref<10016x128xf32, #tpu.memory_space<vmem_shared>> -> memref<10016x128xf32, #tpu.memory_space<vmem_shared>>
            tpu.wait_indirect_dma semaphore(%arg23 : memref<!tpu.dma_semaphore, #tpu.memory_space<semaphore_mem>>) src(%arg11 : memref<128x128xf32, #tpu.memory_space<vmem>>) dst(%dma_wait3A_201 : memref<10016x128xf32, #tpu.memory_space<vmem_shared>>)
          } else {
          }
          %add3A_167 = arith.constant 2 : i32
          %add3A_168 = arith.addi %scan3A_142, %add3A_167 : i32
          %lt3A_169 = arith.constant 77 : i32
          %lt3A_170 = arith.cmpi slt, %add3A_168, %lt3A_169 : i32
          %convert_element_type3A_171 = arith.extui %lt3A_170 : i1 to i32
          %cond3A_172 = arith.constant 0 : i32
          %cond3A_173 = arith.cmpi ne, %convert_element_type3A_171, %cond3A_172 : i32
          scf.if %cond3A_173 {
            %add3A_199 = arith.addi %select_n3A, %scan3A_142 : i32
            %add3A_200 = arith.constant 2 : i32
            %add3A_201 = arith.addi %add3A_199, %add3A_200 : i32
            %dma_wait3A_202 = arith.constant 0 : i32
            %dma_wait3A_203 = arith.constant 0 : i32
            %dma_wait3A_204 = tpu.memref_slice %arg3[%dma_wait3A_202, %add3A_201, %dma_wait3A_203] : memref<2x2500x128xi32, #tpu.memory_space<hbm>> -> memref<1x1x128xi32, #tpu.memory_space<hbm>>
            %dma_wait3A_205 = tpu.memref_squeeze %dma_wait3A_204 : memref<1x1x128xi32, #tpu.memory_space<hbm>> -> memref<128xi32, #tpu.memory_space<hbm>>
            %dma_wait3A_206 = arith.constant 0 : i32
            %dma_wait3A_207 = tpu.memref_slice %arg3[%dma_wait3A_202, %add3A_201, %dma_wait3A_206] : memref<2x2500x128xi32, #tpu.memory_space<hbm>> -> memref<1x1x128xi32, #tpu.memory_space<hbm>>
            %dma_wait3A_208 = tpu.memref_squeeze %dma_wait3A_207 : memref<1x1x128xi32, #tpu.memory_space<hbm>> -> memref<128xi32, #tpu.memory_space<hbm>>
            tpu.wait_dma2 semaphore(%arg14 : memref<!tpu.dma_semaphore, #tpu.memory_space<semaphore_mem>>) src(%dma_wait3A_208 : memref<128xi32, #tpu.memory_space<hbm>>) dst(%arg5 : memref<128xi32, #tpu.memory_space<vmem>>)
            %dma_start3A_209 = arith.constant 0 : i32
            %dma_start3A_210 = arith.constant 0 : i32
            %dma_start3A_211 = tpu.memref_slice %arg2[%dma_start3A_209, %dma_start3A_210] : memref<10000x128xf32, #tpu.memory_space<hbm>> -> memref<10000x128xf32, #tpu.memory_space<hbm>>
            tpu.enqueue_indirect_dma source(%dma_start3A_211 : memref<10000x128xf32, #tpu.memory_space<hbm>>) target(%arg11 : memref<128x128xf32, #tpu.memory_space<vmem>>) offsets(%arg5 : memref<128xi32, #tpu.memory_space<vmem>>) semaphore(%arg20 : memref<!tpu.dma_semaphore, #tpu.memory_space<semaphore_mem>>)
          } else {
          }
          %add3A_174 = arith.constant 3 : i32
          %add3A_175 = arith.addi %scan3A_142, %add3A_174 : i32
          %lt3A_176 = arith.constant 77 : i32
          %lt3A_177 = arith.cmpi slt, %add3A_175, %lt3A_176 : i32
          %convert_element_type3A_178 = arith.extui %lt3A_177 : i1 to i32
          %cond3A_179 = arith.constant 0 : i32
          %cond3A_180 = arith.cmpi ne, %convert_element_type3A_178, %cond3A_179 : i32
          scf.if %cond3A_180 {
            %add3A_199 = arith.addi %select_n3A, %scan3A_142 : i32
            %add3A_200 = arith.constant 3 : i32
            %add3A_201 = arith.addi %add3A_199, %add3A_200 : i32
            %dma_start3A_202 = arith.constant 0 : i32
            %dma_start3A_203 = arith.constant 0 : i32
            %dma_start3A_204 = tpu.memref_slice %arg3[%dma_start3A_202, %add3A_201, %dma_start3A_203] : memref<2x2500x128xi32, #tpu.memory_space<hbm>> -> memref<1x1x128xi32, #tpu.memory_space<hbm>>
            %dma_start3A_205 = tpu.memref_squeeze %dma_start3A_204 : memref<1x1x128xi32, #tpu.memory_space<hbm>> -> memref<128xi32, #tpu.memory_space<hbm>>
            %dma_start3A_206 = arith.constant 0 : i32
            %dma_start3A_207 = tpu.memref_slice %arg3[%dma_start3A_202, %add3A_201, %dma_start3A_206] : memref<2x2500x128xi32, #tpu.memory_space<hbm>> -> memref<1x1x128xi32, #tpu.memory_space<hbm>>
            %dma_start3A_208 = tpu.memref_squeeze %dma_start3A_207 : memref<1x1x128xi32, #tpu.memory_space<hbm>> -> memref<128xi32, #tpu.memory_space<hbm>>
            tpu.enqueue_dma source(%dma_start3A_208 : memref<128xi32, #tpu.memory_space<hbm>>) target(%arg6 : memref<128xi32, #tpu.memory_space<vmem>>) target_semaphore(%arg15 : memref<!tpu.dma_semaphore, #tpu.memory_space<semaphore_mem>>)
          } else {
          }
          %add3A_181 = arith.addi %select_n3A, %scan3A_142 : i32
          %dma_wait3A_182 = arith.constant 1 : i32
          %dma_wait3A_183 = arith.constant 0 : i32
          %dma_wait3A_184 = tpu.memref_slice %arg3[%dma_wait3A_182, %add3A_181, %dma_wait3A_183] : memref<2x2500x128xi32, #tpu.memory_space<hbm>> -> memref<1x1x128xi32, #tpu.memory_space<hbm>>
          %dma_wait3A_185 = tpu.memref_squeeze %dma_wait3A_184 : memref<1x1x128xi32, #tpu.memory_space<hbm>> -> memref<128xi32, #tpu.memory_space<hbm>>
          %dma_wait3A_186 = arith.constant 0 : i32
          %dma_wait3A_187 = tpu.memref_slice %arg3[%dma_wait3A_182, %add3A_181, %dma_wait3A_186] : memref<2x2500x128xi32, #tpu.memory_space<hbm>> -> memref<1x1x128xi32, #tpu.memory_space<hbm>>
          %dma_wait3A_188 = tpu.memref_squeeze %dma_wait3A_187 : memref<1x1x128xi32, #tpu.memory_space<hbm>> -> memref<128xi32, #tpu.memory_space<hbm>>
          tpu.wait_dma2 semaphore(%arg18 : memref<!tpu.dma_semaphore, #tpu.memory_space<semaphore_mem>>) src(%dma_wait3A_188 : memref<128xi32, #tpu.memory_space<hbm>>) dst(%arg9 : memref<128xi32, #tpu.memory_space<vmem>>)
          %dma_start3A_189 = arith.constant 0 : i32
          %dma_start3A_190 = arith.constant 0 : i32
          %dma_start3A_191 = tpu.memref_slice %arg26[%dma_start3A_189, %dma_start3A_190] : memref<10016x128xf32, #tpu.memory_space<vmem_shared>> -> memref<10016x128xf32, #tpu.memory_space<vmem_shared>>
          tpu.enqueue_indirect_dma source(%arg12 : memref<128x128xf32, #tpu.memory_space<vmem>>) target(%dma_start3A_191 : memref<10016x128xf32, #tpu.memory_space<vmem_shared>>) offsets(%arg9 : memref<128xi32, #tpu.memory_space<vmem>>) semaphore(%arg24 : memref<!tpu.dma_semaphore, #tpu.memory_space<semaphore_mem>>) {add = true}
          %add3A_192 = arith.constant 2 : i32
          %add3A_193 = arith.addi %scan3A_142, %add3A_192 : i32
          %lt3A_194 = arith.constant 77 : i32
          %lt3A_195 = arith.cmpi slt, %add3A_193, %lt3A_194 : i32
          %convert_element_type3A_196 = arith.extui %lt3A_195 : i1 to i32
          %cond3A_197 = arith.constant 0 : i32
          %cond3A_198 = arith.cmpi ne, %convert_element_type3A_196, %cond3A_197 : i32
          scf.if %cond3A_198 {
            %add3A_199 = arith.addi %select_n3A, %scan3A_142 : i32
            %add3A_200 = arith.constant 2 : i32
            %add3A_201 = arith.addi %add3A_199, %add3A_200 : i32
            %dma_start3A_202 = arith.constant 1 : i32
            %dma_start3A_203 = arith.constant 0 : i32
            %dma_start3A_204 = tpu.memref_slice %arg3[%dma_start3A_202, %add3A_201, %dma_start3A_203] : memref<2x2500x128xi32, #tpu.memory_space<hbm>> -> memref<1x1x128xi32, #tpu.memory_space<hbm>>
            %dma_start3A_205 = tpu.memref_squeeze %dma_start3A_204 : memref<1x1x128xi32, #tpu.memory_space<hbm>> -> memref<128xi32, #tpu.memory_space<hbm>>
            %dma_start3A_206 = arith.constant 0 : i32
            %dma_start3A_207 = tpu.memref_slice %arg3[%dma_start3A_202, %add3A_201, %dma_start3A_206] : memref<2x2500x128xi32, #tpu.memory_space<hbm>> -> memref<1x1x128xi32, #tpu.memory_space<hbm>>
            %dma_start3A_208 = tpu.memref_squeeze %dma_start3A_207 : memref<1x1x128xi32, #tpu.memory_space<hbm>> -> memref<128xi32, #tpu.memory_space<hbm>>
            tpu.enqueue_dma source(%dma_start3A_208 : memref<128xi32, #tpu.memory_space<hbm>>) target(%arg8 : memref<128xi32, #tpu.memory_space<vmem>>) target_semaphore(%arg17 : memref<!tpu.dma_semaphore, #tpu.memory_space<semaphore_mem>>)
          } else {
          }
        } else {
        }
        %eq3A_154 = arith.constant 2 : i32
        %eq3A_155 = arith.cmpi eq, %rem3A_143, %eq3A_154 : i32
        %convert_element_type3A_156 = arith.extui %eq3A_155 : i1 to i32
        %cond3A_157 = arith.constant 0 : i32
        %cond3A_158 = arith.cmpi ne, %convert_element_type3A_156, %cond3A_157 : i32
        scf.if %cond3A_158 {
          %dma_wait3A_159 = arith.constant 0 : i32
          %dma_wait3A_160 = arith.constant 0 : i32
          %dma_wait3A_161 = tpu.memref_slice %arg2[%dma_wait3A_159, %dma_wait3A_160] : memref<10000x128xf32, #tpu.memory_space<hbm>> -> memref<10000x128xf32, #tpu.memory_space<hbm>>
          tpu.wait_indirect_dma semaphore(%arg22 : memref<!tpu.dma_semaphore, #tpu.memory_space<semaphore_mem>>) src(%dma_wait3A_161 : memref<10000x128xf32, #tpu.memory_space<hbm>>) dst(%arg13 : memref<128x128xf32, #tpu.memory_space<vmem>>)
          %ge3A_162 = arith.constant 1 : i32
          %ge3A_163 = arith.cmpi sge, %scan3A_142, %ge3A_162 : i32
          %convert_element_type3A_164 = arith.extui %ge3A_163 : i1 to i32
          %cond3A_165 = arith.constant 0 : i32
          %cond3A_166 = arith.cmpi ne, %convert_element_type3A_164, %cond3A_165 : i32
          scf.if %cond3A_166 {
            %dma_wait3A_199 = arith.constant 0 : i32
            %dma_wait3A_200 = arith.constant 0 : i32
            %dma_wait3A_201 = tpu.memref_slice %arg26[%dma_wait3A_199, %dma_wait3A_200] : memref<10016x128xf32, #tpu.memory_space<vmem_shared>> -> memref<10016x128xf32, #tpu.memory_space<vmem_shared>>
            tpu.wait_indirect_dma semaphore(%arg24 : memref<!tpu.dma_semaphore, #tpu.memory_space<semaphore_mem>>) src(%arg12 : memref<128x128xf32, #tpu.memory_space<vmem>>) dst(%dma_wait3A_201 : memref<10016x128xf32, #tpu.memory_space<vmem_shared>>)
          } else {
          }
          %add3A_167 = arith.constant 2 : i32
          %add3A_168 = arith.addi %scan3A_142, %add3A_167 : i32
          %lt3A_169 = arith.constant 77 : i32
          %lt3A_170 = arith.cmpi slt, %add3A_168, %lt3A_169 : i32
          %convert_element_type3A_171 = arith.extui %lt3A_170 : i1 to i32
          %cond3A_172 = arith.constant 0 : i32
          %cond3A_173 = arith.cmpi ne, %convert_element_type3A_171, %cond3A_172 : i32
          scf.if %cond3A_173 {
            %add3A_199 = arith.addi %select_n3A, %scan3A_142 : i32
            %add3A_200 = arith.constant 2 : i32
            %add3A_201 = arith.addi %add3A_199, %add3A_200 : i32
            %dma_wait3A_202 = arith.constant 0 : i32
            %dma_wait3A_203 = arith.constant 0 : i32
            %dma_wait3A_204 = tpu.memref_slice %arg3[%dma_wait3A_202, %add3A_201, %dma_wait3A_203] : memref<2x2500x128xi32, #tpu.memory_space<hbm>> -> memref<1x1x128xi32, #tpu.memory_space<hbm>>
            %dma_wait3A_205 = tpu.memref_squeeze %dma_wait3A_204 : memref<1x1x128xi32, #tpu.memory_space<hbm>> -> memref<128xi32, #tpu.memory_space<hbm>>
            %dma_wait3A_206 = arith.constant 0 : i32
            %dma_wait3A_207 = tpu.memref_slice %arg3[%dma_wait3A_202, %add3A_201, %dma_wait3A_206] : memref<2x2500x128xi32, #tpu.memory_space<hbm>> -> memref<1x1x128xi32, #tpu.memory_space<hbm>>
            %dma_wait3A_208 = tpu.memref_squeeze %dma_wait3A_207 : memref<1x1x128xi32, #tpu.memory_space<hbm>> -> memref<128xi32, #tpu.memory_space<hbm>>
            tpu.wait_dma2 semaphore(%arg15 : memref<!tpu.dma_semaphore, #tpu.memory_space<semaphore_mem>>) src(%dma_wait3A_208 : memref<128xi32, #tpu.memory_space<hbm>>) dst(%arg6 : memref<128xi32, #tpu.memory_space<vmem>>)
            %dma_start3A_209 = arith.constant 0 : i32
            %dma_start3A_210 = arith.constant 0 : i32
            %dma_start3A_211 = tpu.memref_slice %arg2[%dma_start3A_209, %dma_start3A_210] : memref<10000x128xf32, #tpu.memory_space<hbm>> -> memref<10000x128xf32, #tpu.memory_space<hbm>>
            tpu.enqueue_indirect_dma source(%dma_start3A_211 : memref<10000x128xf32, #tpu.memory_space<hbm>>) target(%arg12 : memref<128x128xf32, #tpu.memory_space<vmem>>) offsets(%arg6 : memref<128xi32, #tpu.memory_space<vmem>>) semaphore(%arg21 : memref<!tpu.dma_semaphore, #tpu.memory_space<semaphore_mem>>)
          } else {
          }
          %add3A_174 = arith.constant 3 : i32
          %add3A_175 = arith.addi %scan3A_142, %add3A_174 : i32
          %lt3A_176 = arith.constant 77 : i32
          %lt3A_177 = arith.cmpi slt, %add3A_175, %lt3A_176 : i32
          %convert_element_type3A_178 = arith.extui %lt3A_177 : i1 to i32
          %cond3A_179 = arith.constant 0 : i32
          %cond3A_180 = arith.cmpi ne, %convert_element_type3A_178, %cond3A_179 : i32
          scf.if %cond3A_180 {
            %add3A_199 = arith.addi %select_n3A, %scan3A_142 : i32
            %add3A_200 = arith.constant 3 : i32
            %add3A_201 = arith.addi %add3A_199, %add3A_200 : i32
            %dma_start3A_202 = arith.constant 0 : i32
            %dma_start3A_203 = arith.constant 0 : i32
            %dma_start3A_204 = tpu.memref_slice %arg3[%dma_start3A_202, %add3A_201, %dma_start3A_203] : memref<2x2500x128xi32, #tpu.memory_space<hbm>> -> memref<1x1x128xi32, #tpu.memory_space<hbm>>
            %dma_start3A_205 = tpu.memref_squeeze %dma_start3A_204 : memref<1x1x128xi32, #tpu.memory_space<hbm>> -> memref<128xi32, #tpu.memory_space<hbm>>
            %dma_start3A_206 = arith.constant 0 : i32
            %dma_start3A_207 = tpu.memref_slice %arg3[%dma_start3A_202, %add3A_201, %dma_start3A_206] : memref<2x2500x128xi32, #tpu.memory_space<hbm>> -> memref<1x1x128xi32, #tpu.memory_space<hbm>>
            %dma_start3A_208 = tpu.memref_squeeze %dma_start3A_207 : memref<1x1x128xi32, #tpu.memory_space<hbm>> -> memref<128xi32, #tpu.memory_space<hbm>>
            tpu.enqueue_dma source(%dma_start3A_208 : memref<128xi32, #tpu.memory_space<hbm>>) target(%arg7 : memref<128xi32, #tpu.memory_space<vmem>>) target_semaphore(%arg16 : memref<!tpu.dma_semaphore, #tpu.memory_space<semaphore_mem>>)
          } else {
          }
          %add3A_181 = arith.addi %select_n3A, %scan3A_142 : i32
          %dma_wait3A_182 = arith.constant 1 : i32
          %dma_wait3A_183 = arith.constant 0 : i32
          %dma_wait3A_184 = tpu.memref_slice %arg3[%dma_wait3A_182, %add3A_181, %dma_wait3A_183] : memref<2x2500x128xi32, #tpu.memory_space<hbm>> -> memref<1x1x128xi32, #tpu.memory_space<hbm>>
          %dma_wait3A_185 = tpu.memref_squeeze %dma_wait3A_184 : memref<1x1x128xi32, #tpu.memory_space<hbm>> -> memref<128xi32, #tpu.memory_space<hbm>>
          %dma_wait3A_186 = arith.constant 0 : i32
          %dma_wait3A_187 = tpu.memref_slice %arg3[%dma_wait3A_182, %add3A_181, %dma_wait3A_186] : memref<2x2500x128xi32, #tpu.memory_space<hbm>> -> memref<1x1x128xi32, #tpu.memory_space<hbm>>
          %dma_wait3A_188 = tpu.memref_squeeze %dma_wait3A_187 : memref<1x1x128xi32, #tpu.memory_space<hbm>> -> memref<128xi32, #tpu.memory_space<hbm>>
          tpu.wait_dma2 semaphore(%arg19 : memref<!tpu.dma_semaphore, #tpu.memory_space<semaphore_mem>>) src(%dma_wait3A_188 : memref<128xi32, #tpu.memory_space<hbm>>) dst(%arg10 : memref<128xi32, #tpu.memory_space<vmem>>)
          %dma_start3A_189 = arith.constant 0 : i32
          %dma_start3A_190 = arith.constant 0 : i32
          %dma_start3A_191 = tpu.memref_slice %arg26[%dma_start3A_189, %dma_start3A_190] : memref<10016x128xf32, #tpu.memory_space<vmem_shared>> -> memref<10016x128xf32, #tpu.memory_space<vmem_shared>>
          tpu.enqueue_indirect_dma source(%arg13 : memref<128x128xf32, #tpu.memory_space<vmem>>) target(%dma_start3A_191 : memref<10016x128xf32, #tpu.memory_space<vmem_shared>>) offsets(%arg10 : memref<128xi32, #tpu.memory_space<vmem>>) semaphore(%arg25 : memref<!tpu.dma_semaphore, #tpu.memory_space<semaphore_mem>>) {add = true}
          %add3A_192 = arith.constant 2 : i32
          %add3A_193 = arith.addi %scan3A_142, %add3A_192 : i32
          %lt3A_194 = arith.constant 77 : i32
          %lt3A_195 = arith.cmpi slt, %add3A_193, %lt3A_194 : i32
          %convert_element_type3A_196 = arith.extui %lt3A_195 : i1 to i32
          %cond3A_197 = arith.constant 0 : i32
          %cond3A_198 = arith.cmpi ne, %convert_element_type3A_196, %cond3A_197 : i32
          scf.if %cond3A_198 {
            %add3A_199 = arith.addi %select_n3A, %scan3A_142 : i32
            %add3A_200 = arith.constant 2 : i32
            %add3A_201 = arith.addi %add3A_199, %add3A_200 : i32
            %dma_start3A_202 = arith.constant 1 : i32
            %dma_start3A_203 = arith.constant 0 : i32
            %dma_start3A_204 = tpu.memref_slice %arg3[%dma_start3A_202, %add3A_201, %dma_start3A_203] : memref<2x2500x128xi32, #tpu.memory_space<hbm>> -> memref<1x1x128xi32, #tpu.memory_space<hbm>>
            %dma_start3A_205 = tpu.memref_squeeze %dma_start3A_204 : memref<1x1x128xi32, #tpu.memory_space<hbm>> -> memref<128xi32, #tpu.memory_space<hbm>>
            %dma_start3A_206 = arith.constant 0 : i32
            %dma_start3A_207 = tpu.memref_slice %arg3[%dma_start3A_202, %add3A_201, %dma_start3A_206] : memref<2x2500x128xi32, #tpu.memory_space<hbm>> -> memref<1x1x128xi32, #tpu.memory_space<hbm>>
            %dma_start3A_208 = tpu.memref_squeeze %dma_start3A_207 : memref<1x1x128xi32, #tpu.memory_space<hbm>> -> memref<128xi32, #tpu.memory_space<hbm>>
            tpu.enqueue_dma source(%dma_start3A_208 : memref<128xi32, #tpu.memory_space<hbm>>) target(%arg9 : memref<128xi32, #tpu.memory_space<vmem>>) target_semaphore(%arg18 : memref<!tpu.dma_semaphore, #tpu.memory_space<semaphore_mem>>)
          } else {
          }
        } else {
        }
      }
      %scan3A_138 = arith.constant 77 : i32
      %dma_wait3A_139 = arith.constant 0 : i32
      %dma_wait3A_140 = arith.constant 0 : i32
      %dma_wait3A_141 = tpu.memref_slice %arg26[%dma_wait3A_139, %dma_wait3A_140] : memref<10016x128xf32, #tpu.memory_space<vmem_shared>> -> memref<10016x128xf32, #tpu.memory_space<vmem_shared>>
      tpu.wait_indirect_dma semaphore(%arg24 : memref<!tpu.dma_semaphore, #tpu.memory_space<semaphore_mem>>) src(%arg12 : memref<128x128xf32, #tpu.memory_space<vmem>>) dst(%dma_wait3A_141 : memref<10016x128xf32, #tpu.memory_space<vmem_shared>>)
    } else {
    }
    %eq3A_48 = arith.constant 1 : i32
    %eq3A_49 = arith.cmpi eq, %arg0, %eq3A_48 : i32
    %ge3A = arith.constant 4 : i32
    %ge3A_50 = arith.cmpi sge, %arg1, %ge3A : i32
    %and3A_51 = arith.andi %eq3A_49, %ge3A_50 : i1
    %convert_element_type3A_52 = arith.extui %and3A_51 : i1 to i32
    %cond3A_53 = arith.constant 0 : i32
    %cond3A_54 = arith.cmpi ne, %convert_element_type3A_52, %cond3A_53 : i32
    scf.if %cond3A_54 {
      %add3A_66 = arith.constant 0 : i32
      %add3A_67 = arith.addi %select_n3A, %add3A_66 : i32
      %dma_start3A = arith.constant 0 : i32
      %dma_start3A_68 = arith.constant 0 : i32
      %dma_start3A_69 = tpu.memref_slice %arg3[%dma_start3A, %add3A_67, %dma_start3A_68] : memref<2x2500x128xi32, #tpu.memory_space<hbm>> -> memref<1x1x128xi32, #tpu.memory_space<hbm>>
      %dma_start3A_70 = tpu.memref_squeeze %dma_start3A_69 : memref<1x1x128xi32, #tpu.memory_space<hbm>> -> memref<128xi32, #tpu.memory_space<hbm>>
      %dma_start3A_71 = arith.constant 0 : i32
      %dma_start3A_72 = tpu.memref_slice %arg3[%dma_start3A, %add3A_67, %dma_start3A_71] : memref<2x2500x128xi32, #tpu.memory_space<hbm>> -> memref<1x1x128xi32, #tpu.memory_space<hbm>>
      %dma_start3A_73 = tpu.memref_squeeze %dma_start3A_72 : memref<1x1x128xi32, #tpu.memory_space<hbm>> -> memref<128xi32, #tpu.memory_space<hbm>>
      tpu.enqueue_dma source(%dma_start3A_73 : memref<128xi32, #tpu.memory_space<hbm>>) target(%arg5 : memref<128xi32, #tpu.memory_space<vmem>>) target_semaphore(%arg14 : memref<!tpu.dma_semaphore, #tpu.memory_space<semaphore_mem>>)
      %add3A_74 = arith.constant 1 : i32
      %add3A_75 = arith.addi %select_n3A, %add3A_74 : i32
      %dma_start3A_76 = arith.constant 0 : i32
      %dma_start3A_77 = arith.constant 0 : i32
      %dma_start3A_78 = tpu.memref_slice %arg3[%dma_start3A_76, %add3A_75, %dma_start3A_77] : memref<2x2500x128xi32, #tpu.memory_space<hbm>> -> memref<1x1x128xi32, #tpu.memory_space<hbm>>
      %dma_start3A_79 = tpu.memref_squeeze %dma_start3A_78 : memref<1x1x128xi32, #tpu.memory_space<hbm>> -> memref<128xi32, #tpu.memory_space<hbm>>
      %dma_start3A_80 = arith.constant 0 : i32
      %dma_start3A_81 = tpu.memref_slice %arg3[%dma_start3A_76, %add3A_75, %dma_start3A_80] : memref<2x2500x128xi32, #tpu.memory_space<hbm>> -> memref<1x1x128xi32, #tpu.memory_space<hbm>>
      %dma_start3A_82 = tpu.memref_squeeze %dma_start3A_81 : memref<1x1x128xi32, #tpu.memory_space<hbm>> -> memref<128xi32, #tpu.memory_space<hbm>>
      tpu.enqueue_dma source(%dma_start3A_82 : memref<128xi32, #tpu.memory_space<hbm>>) target(%arg6 : memref<128xi32, #tpu.memory_space<vmem>>) target_semaphore(%arg15 : memref<!tpu.dma_semaphore, #tpu.memory_space<semaphore_mem>>)
      %add3A_83 = arith.constant 2 : i32
      %add3A_84 = arith.addi %select_n3A, %add3A_83 : i32
      %dma_start3A_85 = arith.constant 0 : i32
      %dma_start3A_86 = arith.constant 0 : i32
      %dma_start3A_87 = tpu.memref_slice %arg3[%dma_start3A_85, %add3A_84, %dma_start3A_86] : memref<2x2500x128xi32, #tpu.memory_space<hbm>> -> memref<1x1x128xi32, #tpu.memory_space<hbm>>
      %dma_start3A_88 = tpu.memref_squeeze %dma_start3A_87 : memref<1x1x128xi32, #tpu.memory_space<hbm>> -> memref<128xi32, #tpu.memory_space<hbm>>
      %dma_start3A_89 = arith.constant 0 : i32
      %dma_start3A_90 = tpu.memref_slice %arg3[%dma_start3A_85, %add3A_84, %dma_start3A_89] : memref<2x2500x128xi32, #tpu.memory_space<hbm>> -> memref<1x1x128xi32, #tpu.memory_space<hbm>>
      %dma_start3A_91 = tpu.memref_squeeze %dma_start3A_90 : memref<1x1x128xi32, #tpu.memory_space<hbm>> -> memref<128xi32, #tpu.memory_space<hbm>>
      tpu.enqueue_dma source(%dma_start3A_91 : memref<128xi32, #tpu.memory_space<hbm>>) target(%arg7 : memref<128xi32, #tpu.memory_space<vmem>>) target_semaphore(%arg16 : memref<!tpu.dma_semaphore, #tpu.memory_space<semaphore_mem>>)
      %add3A_92 = arith.constant 0 : i32
      %add3A_93 = arith.addi %select_n3A, %add3A_92 : i32
      %dma_start3A_94 = arith.constant 1 : i32
      %dma_start3A_95 = arith.constant 0 : i32
      %dma_start3A_96 = tpu.memref_slice %arg3[%dma_start3A_94, %add3A_93, %dma_start3A_95] : memref<2x2500x128xi32, #tpu.memory_space<hbm>> -> memref<1x1x128xi32, #tpu.memory_space<hbm>>
      %dma_start3A_97 = tpu.memref_squeeze %dma_start3A_96 : memref<1x1x128xi32, #tpu.memory_space<hbm>> -> memref<128xi32, #tpu.memory_space<hbm>>
      %dma_start3A_98 = arith.constant 0 : i32
      %dma_start3A_99 = tpu.memref_slice %arg3[%dma_start3A_94, %add3A_93, %dma_start3A_98] : memref<2x2500x128xi32, #tpu.memory_space<hbm>> -> memref<1x1x128xi32, #tpu.memory_space<hbm>>
      %dma_start3A_100 = tpu.memref_squeeze %dma_start3A_99 : memref<1x1x128xi32, #tpu.memory_space<hbm>> -> memref<128xi32, #tpu.memory_space<hbm>>
      tpu.enqueue_dma source(%dma_start3A_100 : memref<128xi32, #tpu.memory_space<hbm>>) target(%arg8 : memref<128xi32, #tpu.memory_space<vmem>>) target_semaphore(%arg17 : memref<!tpu.dma_semaphore, #tpu.memory_space<semaphore_mem>>)
      %add3A_101 = arith.constant 1 : i32
      %add3A_102 = arith.addi %select_n3A, %add3A_101 : i32
      %dma_start3A_103 = arith.constant 1 : i32
      %dma_start3A_104 = arith.constant 0 : i32
      %dma_start3A_105 = tpu.memref_slice %arg3[%dma_start3A_103, %add3A_102, %dma_start3A_104] : memref<2x2500x128xi32, #tpu.memory_space<hbm>> -> memref<1x1x128xi32, #tpu.memory_space<hbm>>
      %dma_start3A_106 = tpu.memref_squeeze %dma_start3A_105 : memref<1x1x128xi32, #tpu.memory_space<hbm>> -> memref<128xi32, #tpu.memory_space<hbm>>
      %dma_start3A_107 = arith.constant 0 : i32
      %dma_start3A_108 = tpu.memref_slice %arg3[%dma_start3A_103, %add3A_102, %dma_start3A_107] : memref<2x2500x128xi32, #tpu.memory_space<hbm>> -> memref<1x1x128xi32, #tpu.memory_space<hbm>>
      %dma_start3A_109 = tpu.memref_squeeze %dma_start3A_108 : memref<1x1x128xi32, #tpu.memory_space<hbm>> -> memref<128xi32, #tpu.memory_space<hbm>>
      tpu.enqueue_dma source(%dma_start3A_109 : memref<128xi32, #tpu.memory_space<hbm>>) target(%arg9 : memref<128xi32, #tpu.memory_space<vmem>>) target_semaphore(%arg18 : memref<!tpu.dma_semaphore, #tpu.memory_space<semaphore_mem>>)
      %add3A_110 = arith.constant 0 : i32
      %add3A_111 = arith.addi %select_n3A, %add3A_110 : i32
      %dma_wait3A = arith.constant 0 : i32
      %dma_wait3A_112 = arith.constant 0 : i32
      %dma_wait3A_113 = tpu.memref_slice %arg3[%dma_wait3A, %add3A_111, %dma_wait3A_112] : memref<2x2500x128xi32, #tpu.memory_space<hbm>> -> memref<1x1x128xi32, #tpu.memory_space<hbm>>
      %dma_wait3A_114 = tpu.memref_squeeze %dma_wait3A_113 : memref<1x1x128xi32, #tpu.memory_space<hbm>> -> memref<128xi32, #tpu.memory_space<hbm>>
      %dma_wait3A_115 = arith.constant 0 : i32
      %dma_wait3A_116 = tpu.memref_slice %arg3[%dma_wait3A, %add3A_111, %dma_wait3A_115] : memref<2x2500x128xi32, #tpu.memory_space<hbm>> -> memref<1x1x128xi32, #tpu.memory_space<hbm>>
      %dma_wait3A_117 = tpu.memref_squeeze %dma_wait3A_116 : memref<1x1x128xi32, #tpu.memory_space<hbm>> -> memref<128xi32, #tpu.memory_space<hbm>>
      tpu.wait_dma2 semaphore(%arg14 : memref<!tpu.dma_semaphore, #tpu.memory_space<semaphore_mem>>) src(%dma_wait3A_117 : memref<128xi32, #tpu.memory_space<hbm>>) dst(%arg5 : memref<128xi32, #tpu.memory_space<vmem>>)
      %dma_start3A_118 = arith.constant 0 : i32
      %dma_start3A_119 = arith.constant 0 : i32
      %dma_start3A_120 = tpu.memref_slice %arg2[%dma_start3A_118, %dma_start3A_119] : memref<10000x128xf32, #tpu.memory_space<hbm>> -> memref<10000x128xf32, #tpu.memory_space<hbm>>
      tpu.enqueue_indirect_dma source(%dma_start3A_120 : memref<10000x128xf32, #tpu.memory_space<hbm>>) target(%arg11 : memref<128x128xf32, #tpu.memory_space<vmem>>) offsets(%arg5 : memref<128xi32, #tpu.memory_space<vmem>>) semaphore(%arg20 : memref<!tpu.dma_semaphore, #tpu.memory_space<semaphore_mem>>)
      %add3A_121 = arith.constant 1 : i32
      %add3A_122 = arith.addi %select_n3A, %add3A_121 : i32
      %dma_wait3A_123 = arith.constant 0 : i32
      %dma_wait3A_124 = arith.constant 0 : i32
      %dma_wait3A_125 = tpu.memref_slice %arg3[%dma_wait3A_123, %add3A_122, %dma_wait3A_124] : memref<2x2500x128xi32, #tpu.memory_space<hbm>> -> memref<1x1x128xi32, #tpu.memory_space<hbm>>
      %dma_wait3A_126 = tpu.memref_squeeze %dma_wait3A_125 : memref<1x1x128xi32, #tpu.memory_space<hbm>> -> memref<128xi32, #tpu.memory_space<hbm>>
      %dma_wait3A_127 = arith.constant 0 : i32
      %dma_wait3A_128 = tpu.memref_slice %arg3[%dma_wait3A_123, %add3A_122, %dma_wait3A_127] : memref<2x2500x128xi32, #tpu.memory_space<hbm>> -> memref<1x1x128xi32, #tpu.memory_space<hbm>>
      %dma_wait3A_129 = tpu.memref_squeeze %dma_wait3A_128 : memref<1x1x128xi32, #tpu.memory_space<hbm>> -> memref<128xi32, #tpu.memory_space<hbm>>
      tpu.wait_dma2 semaphore(%arg15 : memref<!tpu.dma_semaphore, #tpu.memory_space<semaphore_mem>>) src(%dma_wait3A_129 : memref<128xi32, #tpu.memory_space<hbm>>) dst(%arg6 : memref<128xi32, #tpu.memory_space<vmem>>)
      %dma_start3A_130 = arith.constant 0 : i32
      %dma_start3A_131 = arith.constant 0 : i32
      %dma_start3A_132 = tpu.memref_slice %arg2[%dma_start3A_130, %dma_start3A_131] : memref<10000x128xf32, #tpu.memory_space<hbm>> -> memref<10000x128xf32, #tpu.memory_space<hbm>>
      tpu.enqueue_indirect_dma source(%dma_start3A_132 : memref<10000x128xf32, #tpu.memory_space<hbm>>) target(%arg12 : memref<128x128xf32, #tpu.memory_space<vmem>>) offsets(%arg6 : memref<128xi32, #tpu.memory_space<vmem>>) semaphore(%arg21 : memref<!tpu.dma_semaphore, #tpu.memory_space<semaphore_mem>>)
      %scan3A_133 = arith.constant 0 : i32
      %scan3A_134 = arith.constant 0 : i32
      %scan3A_135 = arith.constant 76 : i32
      %scan3A_136 = arith.addi %scan3A_134, %scan3A_135 : i32
      %scan3A_137 = arith.constant 1 : i32
      scf.for %scan3A_142 = %scan3A_134 to %scan3A_136 step %scan3A_137  : i32 {
        %rem3A = arith.constant 3 : i32
        %rem3A_143 = arith.remsi %scan3A_142, %rem3A : i32
        %eq3A_144 = arith.constant 0 : i32
        %eq3A_145 = arith.cmpi eq, %rem3A_143, %eq3A_144 : i32
        %convert_element_type3A_146 = arith.extui %eq3A_145 : i1 to i32
        %cond3A_147 = arith.constant 0 : i32
        %cond3A_148 = arith.cmpi ne, %convert_element_type3A_146, %cond3A_147 : i32
        scf.if %cond3A_148 {
          %dma_wait3A_159 = arith.constant 0 : i32
          %dma_wait3A_160 = arith.constant 0 : i32
          %dma_wait3A_161 = tpu.memref_slice %arg2[%dma_wait3A_159, %dma_wait3A_160] : memref<10000x128xf32, #tpu.memory_space<hbm>> -> memref<10000x128xf32, #tpu.memory_space<hbm>>
          tpu.wait_indirect_dma semaphore(%arg20 : memref<!tpu.dma_semaphore, #tpu.memory_space<semaphore_mem>>) src(%dma_wait3A_161 : memref<10000x128xf32, #tpu.memory_space<hbm>>) dst(%arg11 : memref<128x128xf32, #tpu.memory_space<vmem>>)
          %ge3A_162 = arith.constant 1 : i32
          %ge3A_163 = arith.cmpi sge, %scan3A_142, %ge3A_162 : i32
          %convert_element_type3A_164 = arith.extui %ge3A_163 : i1 to i32
          %cond3A_165 = arith.constant 0 : i32
          %cond3A_166 = arith.cmpi ne, %convert_element_type3A_164, %cond3A_165 : i32
          scf.if %cond3A_166 {
            %dma_wait3A_199 = arith.constant 0 : i32
            %dma_wait3A_200 = arith.constant 0 : i32
            %dma_wait3A_201 = tpu.memref_slice %arg26[%dma_wait3A_199, %dma_wait3A_200] : memref<10016x128xf32, #tpu.memory_space<vmem_shared>> -> memref<10016x128xf32, #tpu.memory_space<vmem_shared>>
            tpu.wait_indirect_dma semaphore(%arg25 : memref<!tpu.dma_semaphore, #tpu.memory_space<semaphore_mem>>) src(%arg13 : memref<128x128xf32, #tpu.memory_space<vmem>>) dst(%dma_wait3A_201 : memref<10016x128xf32, #tpu.memory_space<vmem_shared>>)
          } else {
          }
          %add3A_167 = arith.constant 2 : i32
          %add3A_168 = arith.addi %scan3A_142, %add3A_167 : i32
          %lt3A_169 = arith.constant 76 : i32
          %lt3A_170 = arith.cmpi slt, %add3A_168, %lt3A_169 : i32
          %convert_element_type3A_171 = arith.extui %lt3A_170 : i1 to i32
          %cond3A_172 = arith.constant 0 : i32
          %cond3A_173 = arith.cmpi ne, %convert_element_type3A_171, %cond3A_172 : i32
          scf.if %cond3A_173 {
            %add3A_199 = arith.addi %select_n3A, %scan3A_142 : i32
            %add3A_200 = arith.constant 2 : i32
            %add3A_201 = arith.addi %add3A_199, %add3A_200 : i32
            %dma_wait3A_202 = arith.constant 0 : i32
            %dma_wait3A_203 = arith.constant 0 : i32
            %dma_wait3A_204 = tpu.memref_slice %arg3[%dma_wait3A_202, %add3A_201, %dma_wait3A_203] : memref<2x2500x128xi32, #tpu.memory_space<hbm>> -> memref<1x1x128xi32, #tpu.memory_space<hbm>>
            %dma_wait3A_205 = tpu.memref_squeeze %dma_wait3A_204 : memref<1x1x128xi32, #tpu.memory_space<hbm>> -> memref<128xi32, #tpu.memory_space<hbm>>
            %dma_wait3A_206 = arith.constant 0 : i32
            %dma_wait3A_207 = tpu.memref_slice %arg3[%dma_wait3A_202, %add3A_201, %dma_wait3A_206] : memref<2x2500x128xi32, #tpu.memory_space<hbm>> -> memref<1x1x128xi32, #tpu.memory_space<hbm>>
            %dma_wait3A_208 = tpu.memref_squeeze %dma_wait3A_207 : memref<1x1x128xi32, #tpu.memory_space<hbm>> -> memref<128xi32, #tpu.memory_space<hbm>>
            tpu.wait_dma2 semaphore(%arg16 : memref<!tpu.dma_semaphore, #tpu.memory_space<semaphore_mem>>) src(%dma_wait3A_208 : memref<128xi32, #tpu.memory_space<hbm>>) dst(%arg7 : memref<128xi32, #tpu.memory_space<vmem>>)
            %dma_start3A_209 = arith.constant 0 : i32
            %dma_start3A_210 = arith.constant 0 : i32
            %dma_start3A_211 = tpu.memref_slice %arg2[%dma_start3A_209, %dma_start3A_210] : memref<10000x128xf32, #tpu.memory_space<hbm>> -> memref<10000x128xf32, #tpu.memory_space<hbm>>
            tpu.enqueue_indirect_dma source(%dma_start3A_211 : memref<10000x128xf32, #tpu.memory_space<hbm>>) target(%arg13 : memref<128x128xf32, #tpu.memory_space<vmem>>) offsets(%arg7 : memref<128xi32, #tpu.memory_space<vmem>>) semaphore(%arg22 : memref<!tpu.dma_semaphore, #tpu.memory_space<semaphore_mem>>)
          } else {
          }
          %add3A_174 = arith.constant 3 : i32
          %add3A_175 = arith.addi %scan3A_142, %add3A_174 : i32
          %lt3A_176 = arith.constant 76 : i32
          %lt3A_177 = arith.cmpi slt, %add3A_175, %lt3A_176 : i32
          %convert_element_type3A_178 = arith.extui %lt3A_177 : i1 to i32
          %cond3A_179 = arith.constant 0 : i32
          %cond3A_180 = arith.cmpi ne, %convert_element_type3A_178, %cond3A_179 : i32
          scf.if %cond3A_180 {
            %add3A_199 = arith.addi %select_n3A, %scan3A_142 : i32
            %add3A_200 = arith.constant 3 : i32
            %add3A_201 = arith.addi %add3A_199, %add3A_200 : i32
            %dma_start3A_202 = arith.constant 0 : i32
            %dma_start3A_203 = arith.constant 0 : i32
            %dma_start3A_204 = tpu.memref_slice %arg3[%dma_start3A_202, %add3A_201, %dma_start3A_203] : memref<2x2500x128xi32, #tpu.memory_space<hbm>> -> memref<1x1x128xi32, #tpu.memory_space<hbm>>
            %dma_start3A_205 = tpu.memref_squeeze %dma_start3A_204 : memref<1x1x128xi32, #tpu.memory_space<hbm>> -> memref<128xi32, #tpu.memory_space<hbm>>
            %dma_start3A_206 = arith.constant 0 : i32
            %dma_start3A_207 = tpu.memref_slice %arg3[%dma_start3A_202, %add3A_201, %dma_start3A_206] : memref<2x2500x128xi32, #tpu.memory_space<hbm>> -> memref<1x1x128xi32, #tpu.memory_space<hbm>>
            %dma_start3A_208 = tpu.memref_squeeze %dma_start3A_207 : memref<1x1x128xi32, #tpu.memory_space<hbm>> -> memref<128xi32, #tpu.memory_space<hbm>>
            tpu.enqueue_dma source(%dma_start3A_208 : memref<128xi32, #tpu.memory_space<hbm>>) target(%arg5 : memref<128xi32, #tpu.memory_space<vmem>>) target_semaphore(%arg14 : memref<!tpu.dma_semaphore, #tpu.memory_space<semaphore_mem>>)
          } else {
          }
          %add3A_181 = arith.addi %select_n3A, %scan3A_142 : i32
          %dma_wait3A_182 = arith.constant 1 : i32
          %dma_wait3A_183 = arith.constant 0 : i32
          %dma_wait3A_184 = tpu.memref_slice %arg3[%dma_wait3A_182, %add3A_181, %dma_wait3A_183] : memref<2x2500x128xi32, #tpu.memory_space<hbm>> -> memref<1x1x128xi32, #tpu.memory_space<hbm>>
          %dma_wait3A_185 = tpu.memref_squeeze %dma_wait3A_184 : memref<1x1x128xi32, #tpu.memory_space<hbm>> -> memref<128xi32, #tpu.memory_space<hbm>>
          %dma_wait3A_186 = arith.constant 0 : i32
          %dma_wait3A_187 = tpu.memref_slice %arg3[%dma_wait3A_182, %add3A_181, %dma_wait3A_186] : memref<2x2500x128xi32, #tpu.memory_space<hbm>> -> memref<1x1x128xi32, #tpu.memory_space<hbm>>
          %dma_wait3A_188 = tpu.memref_squeeze %dma_wait3A_187 : memref<1x1x128xi32, #tpu.memory_space<hbm>> -> memref<128xi32, #tpu.memory_space<hbm>>
          tpu.wait_dma2 semaphore(%arg17 : memref<!tpu.dma_semaphore, #tpu.memory_space<semaphore_mem>>) src(%dma_wait3A_188 : memref<128xi32, #tpu.memory_space<hbm>>) dst(%arg8 : memref<128xi32, #tpu.memory_space<vmem>>)
          %dma_start3A_189 = arith.constant 0 : i32
          %dma_start3A_190 = arith.constant 0 : i32
          %dma_start3A_191 = tpu.memref_slice %arg26[%dma_start3A_189, %dma_start3A_190] : memref<10016x128xf32, #tpu.memory_space<vmem_shared>> -> memref<10016x128xf32, #tpu.memory_space<vmem_shared>>
          tpu.enqueue_indirect_dma source(%arg11 : memref<128x128xf32, #tpu.memory_space<vmem>>) target(%dma_start3A_191 : memref<10016x128xf32, #tpu.memory_space<vmem_shared>>) offsets(%arg8 : memref<128xi32, #tpu.memory_space<vmem>>) semaphore(%arg23 : memref<!tpu.dma_semaphore, #tpu.memory_space<semaphore_mem>>) {add = true}
          %add3A_192 = arith.constant 2 : i32
          %add3A_193 = arith.addi %scan3A_142, %add3A_192 : i32
          %lt3A_194 = arith.constant 76 : i32
          %lt3A_195 = arith.cmpi slt, %add3A_193, %lt3A_194 : i32
          %convert_element_type3A_196 = arith.extui %lt3A_195 : i1 to i32
          %cond3A_197 = arith.constant 0 : i32
          %cond3A_198 = arith.cmpi ne, %convert_element_type3A_196, %cond3A_197 : i32
          scf.if %cond3A_198 {
            %add3A_199 = arith.addi %select_n3A, %scan3A_142 : i32
            %add3A_200 = arith.constant 2 : i32
            %add3A_201 = arith.addi %add3A_199, %add3A_200 : i32
            %dma_start3A_202 = arith.constant 1 : i32
            %dma_start3A_203 = arith.constant 0 : i32
            %dma_start3A_204 = tpu.memref_slice %arg3[%dma_start3A_202, %add3A_201, %dma_start3A_203] : memref<2x2500x128xi32, #tpu.memory_space<hbm>> -> memref<1x1x128xi32, #tpu.memory_space<hbm>>
            %dma_start3A_205 = tpu.memref_squeeze %dma_start3A_204 : memref<1x1x128xi32, #tpu.memory_space<hbm>> -> memref<128xi32, #tpu.memory_space<hbm>>
            %dma_start3A_206 = arith.constant 0 : i32
            %dma_start3A_207 = tpu.memref_slice %arg3[%dma_start3A_202, %add3A_201, %dma_start3A_206] : memref<2x2500x128xi32, #tpu.memory_space<hbm>> -> memref<1x1x128xi32, #tpu.memory_space<hbm>>
            %dma_start3A_208 = tpu.memref_squeeze %dma_start3A_207 : memref<1x1x128xi32, #tpu.memory_space<hbm>> -> memref<128xi32, #tpu.memory_space<hbm>>
            tpu.enqueue_dma source(%dma_start3A_208 : memref<128xi32, #tpu.memory_space<hbm>>) target(%arg10 : memref<128xi32, #tpu.memory_space<vmem>>) target_semaphore(%arg19 : memref<!tpu.dma_semaphore, #tpu.memory_space<semaphore_mem>>)
          } else {
          }
        } else {
        }
        %eq3A_149 = arith.constant 1 : i32
        %eq3A_150 = arith.cmpi eq, %rem3A_143, %eq3A_149 : i32
        %convert_element_type3A_151 = arith.extui %eq3A_150 : i1 to i32
        %cond3A_152 = arith.constant 0 : i32
        %cond3A_153 = arith.cmpi ne, %convert_element_type3A_151, %cond3A_152 : i32
        scf.if %cond3A_153 {
          %dma_wait3A_159 = arith.constant 0 : i32
          %dma_wait3A_160 = arith.constant 0 : i32
          %dma_wait3A_161 = tpu.memref_slice %arg2[%dma_wait3A_159, %dma_wait3A_160] : memref<10000x128xf32, #tpu.memory_space<hbm>> -> memref<10000x128xf32, #tpu.memory_space<hbm>>
          tpu.wait_indirect_dma semaphore(%arg21 : memref<!tpu.dma_semaphore, #tpu.memory_space<semaphore_mem>>) src(%dma_wait3A_161 : memref<10000x128xf32, #tpu.memory_space<hbm>>) dst(%arg12 : memref<128x128xf32, #tpu.memory_space<vmem>>)
          %ge3A_162 = arith.constant 1 : i32
          %ge3A_163 = arith.cmpi sge, %scan3A_142, %ge3A_162 : i32
          %convert_element_type3A_164 = arith.extui %ge3A_163 : i1 to i32
          %cond3A_165 = arith.constant 0 : i32
          %cond3A_166 = arith.cmpi ne, %convert_element_type3A_164, %cond3A_165 : i32
          scf.if %cond3A_166 {
            %dma_wait3A_199 = arith.constant 0 : i32
            %dma_wait3A_200 = arith.constant 0 : i32
            %dma_wait3A_201 = tpu.memref_slice %arg26[%dma_wait3A_199, %dma_wait3A_200] : memref<10016x128xf32, #tpu.memory_space<vmem_shared>> -> memref<10016x128xf32, #tpu.memory_space<vmem_shared>>
            tpu.wait_indirect_dma semaphore(%arg23 : memref<!tpu.dma_semaphore, #tpu.memory_space<semaphore_mem>>) src(%arg11 : memref<128x128xf32, #tpu.memory_space<vmem>>) dst(%dma_wait3A_201 : memref<10016x128xf32, #tpu.memory_space<vmem_shared>>)
          } else {
          }
          %add3A_167 = arith.constant 2 : i32
          %add3A_168 = arith.addi %scan3A_142, %add3A_167 : i32
          %lt3A_169 = arith.constant 76 : i32
          %lt3A_170 = arith.cmpi slt, %add3A_168, %lt3A_169 : i32
          %convert_element_type3A_171 = arith.extui %lt3A_170 : i1 to i32
          %cond3A_172 = arith.constant 0 : i32
          %cond3A_173 = arith.cmpi ne, %convert_element_type3A_171, %cond3A_172 : i32
          scf.if %cond3A_173 {
            %add3A_199 = arith.addi %select_n3A, %scan3A_142 : i32
            %add3A_200 = arith.constant 2 : i32
            %add3A_201 = arith.addi %add3A_199, %add3A_200 : i32
            %dma_wait3A_202 = arith.constant 0 : i32
            %dma_wait3A_203 = arith.constant 0 : i32
            %dma_wait3A_204 = tpu.memref_slice %arg3[%dma_wait3A_202, %add3A_201, %dma_wait3A_203] : memref<2x2500x128xi32, #tpu.memory_space<hbm>> -> memref<1x1x128xi32, #tpu.memory_space<hbm>>
            %dma_wait3A_205 = tpu.memref_squeeze %dma_wait3A_204 : memref<1x1x128xi32, #tpu.memory_space<hbm>> -> memref<128xi32, #tpu.memory_space<hbm>>
            %dma_wait3A_206 = arith.constant 0 : i32
            %dma_wait3A_207 = tpu.memref_slice %arg3[%dma_wait3A_202, %add3A_201, %dma_wait3A_206] : memref<2x2500x128xi32, #tpu.memory_space<hbm>> -> memref<1x1x128xi32, #tpu.memory_space<hbm>>
            %dma_wait3A_208 = tpu.memref_squeeze %dma_wait3A_207 : memref<1x1x128xi32, #tpu.memory_space<hbm>> -> memref<128xi32, #tpu.memory_space<hbm>>
            tpu.wait_dma2 semaphore(%arg14 : memref<!tpu.dma_semaphore, #tpu.memory_space<semaphore_mem>>) src(%dma_wait3A_208 : memref<128xi32, #tpu.memory_space<hbm>>) dst(%arg5 : memref<128xi32, #tpu.memory_space<vmem>>)
            %dma_start3A_209 = arith.constant 0 : i32
            %dma_start3A_210 = arith.constant 0 : i32
            %dma_start3A_211 = tpu.memref_slice %arg2[%dma_start3A_209, %dma_start3A_210] : memref<10000x128xf32, #tpu.memory_space<hbm>> -> memref<10000x128xf32, #tpu.memory_space<hbm>>
            tpu.enqueue_indirect_dma source(%dma_start3A_211 : memref<10000x128xf32, #tpu.memory_space<hbm>>) target(%arg11 : memref<128x128xf32, #tpu.memory_space<vmem>>) offsets(%arg5 : memref<128xi32, #tpu.memory_space<vmem>>) semaphore(%arg20 : memref<!tpu.dma_semaphore, #tpu.memory_space<semaphore_mem>>)
          } else {
          }
          %add3A_174 = arith.constant 3 : i32
          %add3A_175 = arith.addi %scan3A_142, %add3A_174 : i32
          %lt3A_176 = arith.constant 76 : i32
          %lt3A_177 = arith.cmpi slt, %add3A_175, %lt3A_176 : i32
          %convert_element_type3A_178 = arith.extui %lt3A_177 : i1 to i32
          %cond3A_179 = arith.constant 0 : i32
          %cond3A_180 = arith.cmpi ne, %convert_element_type3A_178, %cond3A_179 : i32
          scf.if %cond3A_180 {
            %add3A_199 = arith.addi %select_n3A, %scan3A_142 : i32
            %add3A_200 = arith.constant 3 : i32
            %add3A_201 = arith.addi %add3A_199, %add3A_200 : i32
            %dma_start3A_202 = arith.constant 0 : i32
            %dma_start3A_203 = arith.constant 0 : i32
            %dma_start3A_204 = tpu.memref_slice %arg3[%dma_start3A_202, %add3A_201, %dma_start3A_203] : memref<2x2500x128xi32, #tpu.memory_space<hbm>> -> memref<1x1x128xi32, #tpu.memory_space<hbm>>
            %dma_start3A_205 = tpu.memref_squeeze %dma_start3A_204 : memref<1x1x128xi32, #tpu.memory_space<hbm>> -> memref<128xi32, #tpu.memory_space<hbm>>
            %dma_start3A_206 = arith.constant 0 : i32
            %dma_start3A_207 = tpu.memref_slice %arg3[%dma_start3A_202, %add3A_201, %dma_start3A_206] : memref<2x2500x128xi32, #tpu.memory_space<hbm>> -> memref<1x1x128xi32, #tpu.memory_space<hbm>>
            %dma_start3A_208 = tpu.memref_squeeze %dma_start3A_207 : memref<1x1x128xi32, #tpu.memory_space<hbm>> -> memref<128xi32, #tpu.memory_space<hbm>>
            tpu.enqueue_dma source(%dma_start3A_208 : memref<128xi32, #tpu.memory_space<hbm>>) target(%arg6 : memref<128xi32, #tpu.memory_space<vmem>>) target_semaphore(%arg15 : memref<!tpu.dma_semaphore, #tpu.memory_space<semaphore_mem>>)
          } else {
          }
          %add3A_181 = arith.addi %select_n3A, %scan3A_142 : i32
          %dma_wait3A_182 = arith.constant 1 : i32
          %dma_wait3A_183 = arith.constant 0 : i32
          %dma_wait3A_184 = tpu.memref_slice %arg3[%dma_wait3A_182, %add3A_181, %dma_wait3A_183] : memref<2x2500x128xi32, #tpu.memory_space<hbm>> -> memref<1x1x128xi32, #tpu.memory_space<hbm>>
          %dma_wait3A_185 = tpu.memref_squeeze %dma_wait3A_184 : memref<1x1x128xi32, #tpu.memory_space<hbm>> -> memref<128xi32, #tpu.memory_space<hbm>>
          %dma_wait3A_186 = arith.constant 0 : i32
          %dma_wait3A_187 = tpu.memref_slice %arg3[%dma_wait3A_182, %add3A_181, %dma_wait3A_186] : memref<2x2500x128xi32, #tpu.memory_space<hbm>> -> memref<1x1x128xi32, #tpu.memory_space<hbm>>
          %dma_wait3A_188 = tpu.memref_squeeze %dma_wait3A_187 : memref<1x1x128xi32, #tpu.memory_space<hbm>> -> memref<128xi32, #tpu.memory_space<hbm>>
          tpu.wait_dma2 semaphore(%arg18 : memref<!tpu.dma_semaphore, #tpu.memory_space<semaphore_mem>>) src(%dma_wait3A_188 : memref<128xi32, #tpu.memory_space<hbm>>) dst(%arg9 : memref<128xi32, #tpu.memory_space<vmem>>)
          %dma_start3A_189 = arith.constant 0 : i32
          %dma_start3A_190 = arith.constant 0 : i32
          %dma_start3A_191 = tpu.memref_slice %arg26[%dma_start3A_189, %dma_start3A_190] : memref<10016x128xf32, #tpu.memory_space<vmem_shared>> -> memref<10016x128xf32, #tpu.memory_space<vmem_shared>>
          tpu.enqueue_indirect_dma source(%arg12 : memref<128x128xf32, #tpu.memory_space<vmem>>) target(%dma_start3A_191 : memref<10016x128xf32, #tpu.memory_space<vmem_shared>>) offsets(%arg9 : memref<128xi32, #tpu.memory_space<vmem>>) semaphore(%arg24 : memref<!tpu.dma_semaphore, #tpu.memory_space<semaphore_mem>>) {add = true}
          %add3A_192 = arith.constant 2 : i32
          %add3A_193 = arith.addi %scan3A_142, %add3A_192 : i32
          %lt3A_194 = arith.constant 76 : i32
          %lt3A_195 = arith.cmpi slt, %add3A_193, %lt3A_194 : i32
          %convert_element_type3A_196 = arith.extui %lt3A_195 : i1 to i32
          %cond3A_197 = arith.constant 0 : i32
          %cond3A_198 = arith.cmpi ne, %convert_element_type3A_196, %cond3A_197 : i32
          scf.if %cond3A_198 {
            %add3A_199 = arith.addi %select_n3A, %scan3A_142 : i32
            %add3A_200 = arith.constant 2 : i32
            %add3A_201 = arith.addi %add3A_199, %add3A_200 : i32
            %dma_start3A_202 = arith.constant 1 : i32
            %dma_start3A_203 = arith.constant 0 : i32
            %dma_start3A_204 = tpu.memref_slice %arg3[%dma_start3A_202, %add3A_201, %dma_start3A_203] : memref<2x2500x128xi32, #tpu.memory_space<hbm>> -> memref<1x1x128xi32, #tpu.memory_space<hbm>>
            %dma_start3A_205 = tpu.memref_squeeze %dma_start3A_204 : memref<1x1x128xi32, #tpu.memory_space<hbm>> -> memref<128xi32, #tpu.memory_space<hbm>>
            %dma_start3A_206 = arith.constant 0 : i32
            %dma_start3A_207 = tpu.memref_slice %arg3[%dma_start3A_202, %add3A_201, %dma_start3A_206] : memref<2x2500x128xi32, #tpu.memory_space<hbm>> -> memref<1x1x128xi32, #tpu.memory_space<hbm>>
            %dma_start3A_208 = tpu.memref_squeeze %dma_start3A_207 : memref<1x1x128xi32, #tpu.memory_space<hbm>> -> memref<128xi32, #tpu.memory_space<hbm>>
            tpu.enqueue_dma source(%dma_start3A_208 : memref<128xi32, #tpu.memory_space<hbm>>) target(%arg8 : memref<128xi32, #tpu.memory_space<vmem>>) target_semaphore(%arg17 : memref<!tpu.dma_semaphore, #tpu.memory_space<semaphore_mem>>)
          } else {
          }
        } else {
        }
        %eq3A_154 = arith.constant 2 : i32
        %eq3A_155 = arith.cmpi eq, %rem3A_143, %eq3A_154 : i32
        %convert_element_type3A_156 = arith.extui %eq3A_155 : i1 to i32
        %cond3A_157 = arith.constant 0 : i32
        %cond3A_158 = arith.cmpi ne, %convert_element_type3A_156, %cond3A_157 : i32
        scf.if %cond3A_158 {
          %dma_wait3A_159 = arith.constant 0 : i32
          %dma_wait3A_160 = arith.constant 0 : i32
          %dma_wait3A_161 = tpu.memref_slice %arg2[%dma_wait3A_159, %dma_wait3A_160] : memref<10000x128xf32, #tpu.memory_space<hbm>> -> memref<10000x128xf32, #tpu.memory_space<hbm>>
          tpu.wait_indirect_dma semaphore(%arg22 : memref<!tpu.dma_semaphore, #tpu.memory_space<semaphore_mem>>) src(%dma_wait3A_161 : memref<10000x128xf32, #tpu.memory_space<hbm>>) dst(%arg13 : memref<128x128xf32, #tpu.memory_space<vmem>>)
          %ge3A_162 = arith.constant 1 : i32
          %ge3A_163 = arith.cmpi sge, %scan3A_142, %ge3A_162 : i32
          %convert_element_type3A_164 = arith.extui %ge3A_163 : i1 to i32
          %cond3A_165 = arith.constant 0 : i32
          %cond3A_166 = arith.cmpi ne, %convert_element_type3A_164, %cond3A_165 : i32
          scf.if %cond3A_166 {
            %dma_wait3A_199 = arith.constant 0 : i32
            %dma_wait3A_200 = arith.constant 0 : i32
            %dma_wait3A_201 = tpu.memref_slice %arg26[%dma_wait3A_199, %dma_wait3A_200] : memref<10016x128xf32, #tpu.memory_space<vmem_shared>> -> memref<10016x128xf32, #tpu.memory_space<vmem_shared>>
            tpu.wait_indirect_dma semaphore(%arg24 : memref<!tpu.dma_semaphore, #tpu.memory_space<semaphore_mem>>) src(%arg12 : memref<128x128xf32, #tpu.memory_space<vmem>>) dst(%dma_wait3A_201 : memref<10016x128xf32, #tpu.memory_space<vmem_shared>>)
          } else {
          }
          %add3A_167 = arith.constant 2 : i32
          %add3A_168 = arith.addi %scan3A_142, %add3A_167 : i32
          %lt3A_169 = arith.constant 76 : i32
          %lt3A_170 = arith.cmpi slt, %add3A_168, %lt3A_169 : i32
          %convert_element_type3A_171 = arith.extui %lt3A_170 : i1 to i32
          %cond3A_172 = arith.constant 0 : i32
          %cond3A_173 = arith.cmpi ne, %convert_element_type3A_171, %cond3A_172 : i32
          scf.if %cond3A_173 {
            %add3A_199 = arith.addi %select_n3A, %scan3A_142 : i32
            %add3A_200 = arith.constant 2 : i32
            %add3A_201 = arith.addi %add3A_199, %add3A_200 : i32
            %dma_wait3A_202 = arith.constant 0 : i32
            %dma_wait3A_203 = arith.constant 0 : i32
            %dma_wait3A_204 = tpu.memref_slice %arg3[%dma_wait3A_202, %add3A_201, %dma_wait3A_203] : memref<2x2500x128xi32, #tpu.memory_space<hbm>> -> memref<1x1x128xi32, #tpu.memory_space<hbm>>
            %dma_wait3A_205 = tpu.memref_squeeze %dma_wait3A_204 : memref<1x1x128xi32, #tpu.memory_space<hbm>> -> memref<128xi32, #tpu.memory_space<hbm>>
            %dma_wait3A_206 = arith.constant 0 : i32
            %dma_wait3A_207 = tpu.memref_slice %arg3[%dma_wait3A_202, %add3A_201, %dma_wait3A_206] : memref<2x2500x128xi32, #tpu.memory_space<hbm>> -> memref<1x1x128xi32, #tpu.memory_space<hbm>>
            %dma_wait3A_208 = tpu.memref_squeeze %dma_wait3A_207 : memref<1x1x128xi32, #tpu.memory_space<hbm>> -> memref<128xi32, #tpu.memory_space<hbm>>
            tpu.wait_dma2 semaphore(%arg15 : memref<!tpu.dma_semaphore, #tpu.memory_space<semaphore_mem>>) src(%dma_wait3A_208 : memref<128xi32, #tpu.memory_space<hbm>>) dst(%arg6 : memref<128xi32, #tpu.memory_space<vmem>>)
            %dma_start3A_209 = arith.constant 0 : i32
            %dma_start3A_210 = arith.constant 0 : i32
            %dma_start3A_211 = tpu.memref_slice %arg2[%dma_start3A_209, %dma_start3A_210] : memref<10000x128xf32, #tpu.memory_space<hbm>> -> memref<10000x128xf32, #tpu.memory_space<hbm>>
            tpu.enqueue_indirect_dma source(%dma_start3A_211 : memref<10000x128xf32, #tpu.memory_space<hbm>>) target(%arg12 : memref<128x128xf32, #tpu.memory_space<vmem>>) offsets(%arg6 : memref<128xi32, #tpu.memory_space<vmem>>) semaphore(%arg21 : memref<!tpu.dma_semaphore, #tpu.memory_space<semaphore_mem>>)
          } else {
          }
          %add3A_174 = arith.constant 3 : i32
          %add3A_175 = arith.addi %scan3A_142, %add3A_174 : i32
          %lt3A_176 = arith.constant 76 : i32
          %lt3A_177 = arith.cmpi slt, %add3A_175, %lt3A_176 : i32
          %convert_element_type3A_178 = arith.extui %lt3A_177 : i1 to i32
          %cond3A_179 = arith.constant 0 : i32
          %cond3A_180 = arith.cmpi ne, %convert_element_type3A_178, %cond3A_179 : i32
          scf.if %cond3A_180 {
            %add3A_199 = arith.addi %select_n3A, %scan3A_142 : i32
            %add3A_200 = arith.constant 3 : i32
            %add3A_201 = arith.addi %add3A_199, %add3A_200 : i32
            %dma_start3A_202 = arith.constant 0 : i32
            %dma_start3A_203 = arith.constant 0 : i32
            %dma_start3A_204 = tpu.memref_slice %arg3[%dma_start3A_202, %add3A_201, %dma_start3A_203] : memref<2x2500x128xi32, #tpu.memory_space<hbm>> -> memref<1x1x128xi32, #tpu.memory_space<hbm>>
            %dma_start3A_205 = tpu.memref_squeeze %dma_start3A_204 : memref<1x1x128xi32, #tpu.memory_space<hbm>> -> memref<128xi32, #tpu.memory_space<hbm>>
            %dma_start3A_206 = arith.constant 0 : i32
            %dma_start3A_207 = tpu.memref_slice %arg3[%dma_start3A_202, %add3A_201, %dma_start3A_206] : memref<2x2500x128xi32, #tpu.memory_space<hbm>> -> memref<1x1x128xi32, #tpu.memory_space<hbm>>
            %dma_start3A_208 = tpu.memref_squeeze %dma_start3A_207 : memref<1x1x128xi32, #tpu.memory_space<hbm>> -> memref<128xi32, #tpu.memory_space<hbm>>
            tpu.enqueue_dma source(%dma_start3A_208 : memref<128xi32, #tpu.memory_space<hbm>>) target(%arg7 : memref<128xi32, #tpu.memory_space<vmem>>) target_semaphore(%arg16 : memref<!tpu.dma_semaphore, #tpu.memory_space<semaphore_mem>>)
          } else {
          }
          %add3A_181 = arith.addi %select_n3A, %scan3A_142 : i32
          %dma_wait3A_182 = arith.constant 1 : i32
          %dma_wait3A_183 = arith.constant 0 : i32
          %dma_wait3A_184 = tpu.memref_slice %arg3[%dma_wait3A_182, %add3A_181, %dma_wait3A_183] : memref<2x2500x128xi32, #tpu.memory_space<hbm>> -> memref<1x1x128xi32, #tpu.memory_space<hbm>>
          %dma_wait3A_185 = tpu.memref_squeeze %dma_wait3A_184 : memref<1x1x128xi32, #tpu.memory_space<hbm>> -> memref<128xi32, #tpu.memory_space<hbm>>
          %dma_wait3A_186 = arith.constant 0 : i32
          %dma_wait3A_187 = tpu.memref_slice %arg3[%dma_wait3A_182, %add3A_181, %dma_wait3A_186] : memref<2x2500x128xi32, #tpu.memory_space<hbm>> -> memref<1x1x128xi32, #tpu.memory_space<hbm>>
          %dma_wait3A_188 = tpu.memref_squeeze %dma_wait3A_187 : memref<1x1x128xi32, #tpu.memory_space<hbm>> -> memref<128xi32, #tpu.memory_space<hbm>>
          tpu.wait_dma2 semaphore(%arg19 : memref<!tpu.dma_semaphore, #tpu.memory_space<semaphore_mem>>) src(%dma_wait3A_188 : memref<128xi32, #tpu.memory_space<hbm>>) dst(%arg10 : memref<128xi32, #tpu.memory_space<vmem>>)
          %dma_start3A_189 = arith.constant 0 : i32
          %dma_start3A_190 = arith.constant 0 : i32
          %dma_start3A_191 = tpu.memref_slice %arg26[%dma_start3A_189, %dma_start3A_190] : memref<10016x128xf32, #tpu.memory_space<vmem_shared>> -> memref<10016x128xf32, #tpu.memory_space<vmem_shared>>
          tpu.enqueue_indirect_dma source(%arg13 : memref<128x128xf32, #tpu.memory_space<vmem>>) target(%dma_start3A_191 : memref<10016x128xf32, #tpu.memory_space<vmem_shared>>) offsets(%arg10 : memref<128xi32, #tpu.memory_space<vmem>>) semaphore(%arg25 : memref<!tpu.dma_semaphore, #tpu.memory_space<semaphore_mem>>) {add = true}
          %add3A_192 = arith.constant 2 : i32
          %add3A_193 = arith.addi %scan3A_142, %add3A_192 : i32
          %lt3A_194 = arith.constant 76 : i32
          %lt3A_195 = arith.cmpi slt, %add3A_193, %lt3A_194 : i32
          %convert_element_type3A_196 = arith.extui %lt3A_195 : i1 to i32
          %cond3A_197 = arith.constant 0 : i32
          %cond3A_198 = arith.cmpi ne, %convert_element_type3A_196, %cond3A_197 : i32
          scf.if %cond3A_198 {
            %add3A_199 = arith.addi %select_n3A, %scan3A_142 : i32
            %add3A_200 = arith.constant 2 : i32
            %add3A_201 = arith.addi %add3A_199, %add3A_200 : i32
            %dma_start3A_202 = arith.constant 1 : i32
            %dma_start3A_203 = arith.constant 0 : i32
            %dma_start3A_204 = tpu.memref_slice %arg3[%dma_start3A_202, %add3A_201, %dma_start3A_203] : memref<2x2500x128xi32, #tpu.memory_space<hbm>> -> memref<1x1x128xi32, #tpu.memory_space<hbm>>
            %dma_start3A_205 = tpu.memref_squeeze %dma_start3A_204 : memref<1x1x128xi32, #tpu.memory_space<hbm>> -> memref<128xi32, #tpu.memory_space<hbm>>
            %dma_start3A_206 = arith.constant 0 : i32
            %dma_start3A_207 = tpu.memref_slice %arg3[%dma_start3A_202, %add3A_201, %dma_start3A_206] : memref<2x2500x128xi32, #tpu.memory_space<hbm>> -> memref<1x1x128xi32, #tpu.memory_space<hbm>>
            %dma_start3A_208 = tpu.memref_squeeze %dma_start3A_207 : memref<1x1x128xi32, #tpu.memory_space<hbm>> -> memref<128xi32, #tpu.memory_space<hbm>>
            tpu.enqueue_dma source(%dma_start3A_208 : memref<128xi32, #tpu.memory_space<hbm>>) target(%arg9 : memref<128xi32, #tpu.memory_space<vmem>>) target_semaphore(%arg18 : memref<!tpu.dma_semaphore, #tpu.memory_space<semaphore_mem>>)
          } else {
          }
        } else {
        }
      }
      %scan3A_138 = arith.constant 76 : i32
      %dma_wait3A_139 = arith.constant 0 : i32
      %dma_wait3A_140 = arith.constant 0 : i32
      %dma_wait3A_141 = tpu.memref_slice %arg26[%dma_wait3A_139, %dma_wait3A_140] : memref<10016x128xf32, #tpu.memory_space<vmem_shared>> -> memref<10016x128xf32, #tpu.memory_space<vmem_shared>>
      tpu.wait_indirect_dma semaphore(%arg23 : memref<!tpu.dma_semaphore, #tpu.memory_space<semaphore_mem>>) src(%arg11 : memref<128x128xf32, #tpu.memory_space<vmem>>) dst(%dma_wait3A_141 : memref<10016x128xf32, #tpu.memory_space<vmem_shared>>)
    } else {
    }
    %barrier3A_55 = arith.constant 0 : index
    tpu.barrier barrier_id(%barrier3A_55)
    %lt3A_56 = arith.constant 15 : i32
    %lt3A_57 = arith.cmpi slt, %arg1, %lt3A_56 : i32
    %convert_element_type3A_58 = arith.extui %lt3A_57 : i1 to i32
    %cond3A_59 = arith.constant 0 : i32
    %cond3A_60 = arith.cmpi ne, %convert_element_type3A_58, %cond3A_59 : i32
    scf.if %cond3A_60 {
      %mul3A_66 = arith.constant 632 : i32
      %mul3A_67 = arith.muli %arg1, %mul3A_66 : i32
      %mul3A_68 = arith.constant 632 : i32
      %mul3A_69 = arith.muli %arg1, %mul3A_68 : i32
      "tpu.region"() ({
        %run_scoped3A = tpu.sem_alloc : memref<!tpu.dma_semaphore, #tpu.memory_space<semaphore_mem>>
        %dma_start3A = arith.constant 0 : i32
        %dma_start3A_70 = tpu.memref_slice %arg4[%arg0, %mul3A_69, %dma_start3A] : memref<2x10000x128xf32, #tpu.memory_space<hbm>> -> memref<1x632x128xf32, #tpu.memory_space<hbm>>
        %dma_start3A_71 = tpu.memref_squeeze %dma_start3A_70 : memref<1x632x128xf32, #tpu.memory_space<hbm>> -> memref<632x128xf32, #tpu.memory_space<hbm>>
        %dma_start3A_72 = arith.constant 0 : i32
        %dma_start3A_73 = tpu.memref_slice %arg26[%mul3A_67, %dma_start3A_72] : memref<10016x128xf32, #tpu.memory_space<vmem_shared>> -> memref<632x128xf32, #tpu.memory_space<vmem_shared>>
        tpu.enqueue_dma source(%dma_start3A_73 : memref<632x128xf32, #tpu.memory_space<vmem_shared>>) target(%dma_start3A_71 : memref<632x128xf32, #tpu.memory_space<hbm>>) target_semaphore(%run_scoped3A : memref<!tpu.dma_semaphore, #tpu.memory_space<semaphore_mem>>)
        %dma_wait3A = arith.constant 0 : i32
        %dma_wait3A_74 = tpu.memref_slice %arg4[%arg0, %mul3A_69, %dma_wait3A] : memref<2x10000x128xf32, #tpu.memory_space<hbm>> -> memref<1x632x128xf32, #tpu.memory_space<hbm>>
        %dma_wait3A_75 = tpu.memref_squeeze %dma_wait3A_74 : memref<1x632x128xf32, #tpu.memory_space<hbm>> -> memref<632x128xf32, #tpu.memory_space<hbm>>
        %dma_wait3A_76 = arith.constant 0 : i32
        %dma_wait3A_77 = tpu.memref_slice %arg26[%mul3A_67, %dma_wait3A_76] : memref<10016x128xf32, #tpu.memory_space<vmem_shared>> -> memref<632x128xf32, #tpu.memory_space<vmem_shared>>
        tpu.wait_dma2 semaphore(%run_scoped3A : memref<!tpu.dma_semaphore, #tpu.memory_space<semaphore_mem>>) src(%dma_wait3A_77 : memref<632x128xf32, #tpu.memory_space<vmem_shared>>) dst(%dma_wait3A_75 : memref<632x128xf32, #tpu.memory_space<hbm>>)
        tpu.yield
      }) : () -> ()
    } else {
    }
    %eq3A_61 = arith.constant 15 : i32
    %eq3A_62 = arith.cmpi eq, %arg1, %eq3A_61 : i32
    %convert_element_type3A_63 = arith.extui %eq3A_62 : i1 to i32
    %cond3A_64 = arith.constant 0 : i32
    %cond3A_65 = arith.cmpi ne, %convert_element_type3A_63, %cond3A_64 : i32
    scf.if %cond3A_65 {
      "tpu.region"() ({
        %run_scoped3A = tpu.sem_alloc : memref<!tpu.dma_semaphore, #tpu.memory_space<semaphore_mem>>
        %dma_start3A = arith.constant 9480 : i32
        %dma_start3A_66 = arith.constant 0 : i32
        %dma_start3A_67 = tpu.memref_slice %arg4[%arg0, %dma_start3A, %dma_start3A_66] : memref<2x10000x128xf32, #tpu.memory_space<hbm>> -> memref<1x520x128xf32, #tpu.memory_space<hbm>>
        %dma_start3A_68 = tpu.memref_squeeze %dma_start3A_67 : memref<1x520x128xf32, #tpu.memory_space<hbm>> -> memref<520x128xf32, #tpu.memory_space<hbm>>
        %dma_start3A_69 = arith.constant 9480 : i32
        %dma_start3A_70 = arith.constant 0 : i32
        %dma_start3A_71 = tpu.memref_slice %arg26[%dma_start3A_69, %dma_start3A_70] : memref<10016x128xf32, #tpu.memory_space<vmem_shared>> -> memref<520x128xf32, #tpu.memory_space<vmem_shared>>
        tpu.enqueue_dma source(%dma_start3A_71 : memref<520x128xf32, #tpu.memory_space<vmem_shared>>) target(%dma_start3A_68 : memref<520x128xf32, #tpu.memory_space<hbm>>) target_semaphore(%run_scoped3A : memref<!tpu.dma_semaphore, #tpu.memory_space<semaphore_mem>>)
        %dma_wait3A = arith.constant 9480 : i32
        %dma_wait3A_72 = arith.constant 0 : i32
        %dma_wait3A_73 = tpu.memref_slice %arg4[%arg0, %dma_wait3A, %dma_wait3A_72] : memref<2x10000x128xf32, #tpu.memory_space<hbm>> -> memref<1x520x128xf32, #tpu.memory_space<hbm>>
        %dma_wait3A_74 = tpu.memref_squeeze %dma_wait3A_73 : memref<1x520x128xf32, #tpu.memory_space<hbm>> -> memref<520x128xf32, #tpu.memory_space<hbm>>
        %dma_wait3A_75 = arith.constant 9480 : i32
        %dma_wait3A_76 = arith.constant 0 : i32
        %dma_wait3A_77 = tpu.memref_slice %arg26[%dma_wait3A_75, %dma_wait3A_76] : memref<10016x128xf32, #tpu.memory_space<vmem_shared>> -> memref<520x128xf32, #tpu.memory_space<vmem_shared>>
        tpu.wait_dma2 semaphore(%run_scoped3A : memref<!tpu.dma_semaphore, #tpu.memory_space<semaphore_mem>>) src(%dma_wait3A_77 : memref<520x128xf32, #tpu.memory_space<vmem_shared>>) dst(%dma_wait3A_74 : memref<520x128xf32, #tpu.memory_space<hbm>>)
        tpu.yield
      }) : () -> ()
    } else {
    }
    return
  }
}

#map = affine_map<(d0, d1) -> (0, 0)>
#map1 = affine_map<(d0, d1) -> (0, 0, 0)>
module attributes {stable_mosaic.version = 14 : i64} {
  func.func @agg_kernel(%arg0: i32, %arg1: i32, %arg2: memref<10000x128xf32, #tpu.memory_space<hbm>>, %arg3: memref<2x2500x128xi32, #tpu.memory_space<hbm>>, %arg4: memref<2x10000x128xf32, #tpu.memory_space<hbm>>, %arg5: memref<128xi32, #tpu.memory_space<vmem>>, %arg6: memref<128xi32, #tpu.memory_space<vmem>>, %arg7: memref<128xi32, #tpu.memory_space<vmem>>, %arg8: memref<128xi32, #tpu.memory_space<vmem>>, %arg9: memref<128xi32, #tpu.memory_space<vmem>>, %arg10: memref<128xi32, #tpu.memory_space<vmem>>, %arg11: memref<128x128xf32, #tpu.memory_space<vmem>>, %arg12: memref<128x128xf32, #tpu.memory_space<vmem>>, %arg13: memref<128x128xf32, #tpu.memory_space<vmem>>, %arg14: memref<!tpu.dma_semaphore, #tpu.memory_space<semaphore_mem>>, %arg15: memref<!tpu.dma_semaphore, #tpu.memory_space<semaphore_mem>>, %arg16: memref<!tpu.dma_semaphore, #tpu.memory_space<semaphore_mem>>, %arg17: memref<!tpu.dma_semaphore, #tpu.memory_space<semaphore_mem>>, %arg18: memref<!tpu.dma_semaphore, #tpu.memory_space<semaphore_mem>>, %arg19: memref<!tpu.dma_semaphore, #tpu.memory_space<semaphore_mem>>, %arg20: memref<!tpu.dma_semaphore, #tpu.memory_space<semaphore_mem>>, %arg21: memref<!tpu.dma_semaphore, #tpu.memory_space<semaphore_mem>>, %arg22: memref<!tpu.dma_semaphore, #tpu.memory_space<semaphore_mem>>, %arg23: memref<!tpu.dma_semaphore, #tpu.memory_space<semaphore_mem>>, %arg24: memref<!tpu.dma_semaphore, #tpu.memory_space<semaphore_mem>>, %arg25: memref<!tpu.dma_semaphore, #tpu.memory_space<semaphore_mem>>, %arg26: memref<10016x128xf32, #tpu.memory_space<vmem_shared>>) attributes {dimension_semantics = [#tpu.dimension_semantics<core_parallel>, #tpu.dimension_semantics<subcore_parallel>], iteration_bounds = array<i64: 2, 16>, scalar_prefetch = 0 : i64, scratch_operands = 22 : i64, tpu.core_type = #tpu.core_type<sc_vector_subcore>, window_params = [{transform_indices = #map}, {transform_indices = #map1}, {transform_indices = #map1}]} {
    %broadcast_in_dim3A = arith.constant 0.000000e+00 : f32
    %broadcast_in_dim3A_0 = vector.broadcast %broadcast_in_dim3A : f32 to vector<16xf32>
    %scan3A = arith.constant 0 : i32
    %scan3A_1 = arith.constant 0 : i32
    %scan3A_2 = arith.constant 128 : i32
    %scan3A_3 = arith.addi %scan3A_1, %scan3A_2 : i32
    %scan3A_4 = arith.constant 1 : i32
    scf.for %scan3A_66 = %scan3A_1 to %scan3A_3 step %scan3A_4  : i32 {
      %swap3A = arith.index_cast %scan3A_66 : i32 to index
      %swap3A_67 = arith.constant 0 : index
      %swap3A_68 = tpu.vector_load %arg11[%swap3A, %swap3A_67] {strides = array<i32>} : memref<128x128xf32, #tpu.memory_space<vmem>>, vector<1x16xf32>,
      %swap3A_69 = vector.shape_cast %swap3A_68 : vector<1x16xf32> to vector<16xf32>
      %swap3A_70 = vector.shape_cast %broadcast_in_dim3A_0 : vector<16xf32> to vector<1x16xf32>
      tpu.vector_store %arg11[%swap3A, %swap3A_67], %swap3A_70 {strides = array<i32>} : memref<128x128xf32, #tpu.memory_space<vmem>>, vector<1x16xf32>,
      %swap3A_71 = arith.index_cast %scan3A_66 : i32 to index
      %swap3A_72 = arith.constant 16 : index
      %swap3A_73 = tpu.vector_load %arg11[%swap3A_71, %swap3A_72] {strides = array<i32>} : memref<128x128xf32, #tpu.memory_space<vmem>>, vector<1x16xf32>,
      %swap3A_74 = vector.shape_cast %swap3A_73 : vector<1x16xf32> to vector<16xf32>
      %swap3A_75 = vector.shape_cast %broadcast_in_dim3A_0 : vector<16xf32> to vector<1x16xf32>
      tpu.vector_store %arg11[%swap3A_71, %swap3A_72], %swap3A_75 {strides = array<i32>} : memref<128x128xf32, #tpu.memory_space<vmem>>, vector<1x16xf32>,
      %swap3A_76 = arith.index_cast %scan3A_66 : i32 to index
      %swap3A_77 = arith.constant 32 : index
      %swap3A_78 = tpu.vector_load %arg11[%swap3A_76, %swap3A_77] {strides = array<i32>} : memref<128x128xf32, #tpu.memory_space<vmem>>, vector<1x16xf32>,
      %swap3A_79 = vector.shape_cast %swap3A_78 : vector<1x16xf32> to vector<16xf32>
      %swap3A_80 = vector.shape_cast %broadcast_in_dim3A_0 : vector<16xf32> to vector<1x16xf32>
      tpu.vector_store %arg11[%swap3A_76, %swap3A_77], %swap3A_80 {strides = array<i32>} : memref<128x128xf32, #tpu.memory_space<vmem>>, vector<1x16xf32>,
      %swap3A_81 = arith.index_cast %scan3A_66 : i32 to index
      %swap3A_82 = arith.constant 48 : index
      %swap3A_83 = tpu.vector_load %arg11[%swap3A_81, %swap3A_82] {strides = array<i32>} : memref<128x128xf32, #tpu.memory_space<vmem>>, vector<1x16xf32>,
      %swap3A_84 = vector.shape_cast %swap3A_83 : vector<1x16xf32> to vector<16xf32>
      %swap3A_85 = vector.shape_cast %broadcast_in_dim3A_0 : vector<16xf32> to vector<1x16xf32>
      tpu.vector_store %arg11[%swap3A_81, %swap3A_82], %swap3A_85 {strides = array<i32>} : memref<128x128xf32, #tpu.memory_space<vmem>>, vector<1x16xf32>,
      %swap3A_86 = arith.index_cast %scan3A_66 : i32 to index
      %swap3A_87 = arith.constant 64 : index
      %swap3A_88 = tpu.vector_load %arg11[%swap3A_86, %swap3A_87] {strides = array<i32>} : memref<128x128xf32, #tpu.memory_space<vmem>>, vector<1x16xf32>,
      %swap3A_89 = vector.shape_cast %swap3A_88 : vector<1x16xf32> to vector<16xf32>
      %swap3A_90 = vector.shape_cast %broadcast_in_dim3A_0 : vector<16xf32> to vector<1x16xf32>
      tpu.vector_store %arg11[%swap3A_86, %swap3A_87], %swap3A_90 {strides = array<i32>} : memref<128x128xf32, #tpu.memory_space<vmem>>, vector<1x16xf32>,
      %swap3A_91 = arith.index_cast %scan3A_66 : i32 to index
      %swap3A_92 = arith.constant 80 : index
      %swap3A_93 = tpu.vector_load %arg11[%swap3A_91, %swap3A_92] {strides = array<i32>} : memref<128x128xf32, #tpu.memory_space<vmem>>, vector<1x16xf32>,
      %swap3A_94 = vector.shape_cast %swap3A_93 : vector<1x16xf32> to vector<16xf32>
      %swap3A_95 = vector.shape_cast %broadcast_in_dim3A_0 : vector<16xf32> to vector<1x16xf32>
      tpu.vector_store %arg11[%swap3A_91, %swap3A_92], %swap3A_95 {strides = array<i32>} : memref<128x128xf32, #tpu.memory_space<vmem>>, vector<1x16xf32>,
      %swap3A_96 = arith.index_cast %scan3A_66 : i32 to index
      %swap3A_97 = arith.constant 96 : index
      %swap3A_98 = tpu.vector_load %arg11[%swap3A_96, %swap3A_97] {strides = array<i32>} : memref<128x128xf32, #tpu.memory_space<vmem>>, vector<1x16xf32>,
      %swap3A_99 = vector.shape_cast %swap3A_98 : vector<1x16xf32> to vector<16xf32>
      %swap3A_100 = vector.shape_cast %broadcast_in_dim3A_0 : vector<16xf32> to vector<1x16xf32>
      tpu.vector_store %arg11[%swap3A_96, %swap3A_97], %swap3A_100 {strides = array<i32>} : memref<128x128xf32, #tpu.memory_space<vmem>>, vector<1x16xf32>,
      %swap3A_101 = arith.index_cast %scan3A_66 : i32 to index
      %swap3A_102 = arith.constant 112 : index
      %swap3A_103 = tpu.vector_load %arg11[%swap3A_101, %swap3A_102] {strides = array<i32>} : memref<128x128xf32, #tpu.memory_space<vmem>>, vector<1x16xf32>,
      %swap3A_104 = vector.shape_cast %swap3A_103 : vector<1x16xf32> to vector<16xf32>
      %swap3A_105 = vector.shape_cast %broadcast_in_dim3A_0 : vector<16xf32> to vector<1x16xf32>
      tpu.vector_store %arg11[%swap3A_101, %swap3A_102], %swap3A_105 {strides = array<i32>} : memref<128x128xf32, #tpu.memory_space<vmem>>, vector<1x16xf32>,
    }
    %scan3A_5 = arith.constant 128 : i32
    %mul3A = arith.constant 632 : i32
    %mul3A_6 = arith.muli %arg1, %mul3A : i32
    %add3A = arith.constant 0 : i32
    %add3A_7 = arith.addi %mul3A_6, %add3A : i32
    "tpu.region"() ({
      %run_scoped3A = tpu.sem_alloc : memref<!tpu.dma_semaphore, #tpu.memory_space<semaphore_mem>>
      %dma_start3A = arith.constant 0 : i32
      %dma_start3A_66 = tpu.memref_slice %arg26[%add3A_7, %dma_start3A] : memref<10016x128xf32, #tpu.memory_space<vmem_shared>> -> memref<128x128xf32, #tpu.memory_space<vmem_shared>>
      %dma_start3A_67 = arith.constant 0 : i32
      %dma_start3A_68 = tpu.memref_slice %arg26[%add3A_7, %dma_start3A_67] : memref<10016x128xf32, #tpu.memory_space<vmem_shared>> -> memref<128x128xf32, #tpu.memory_space<vmem_shared>>
      tpu.enqueue_dma source(%arg11 : memref<128x128xf32, #tpu.memory_space<vmem>>) target(%dma_start3A_68 : memref<128x128xf32, #tpu.memory_space<vmem_shared>>) target_semaphore(%run_scoped3A : memref<!tpu.dma_semaphore, #tpu.memory_space<semaphore_mem>>)
      %dma_wait3A = arith.constant 0 : i32
      %dma_wait3A_69 = tpu.memref_slice %arg26[%add3A_7, %dma_wait3A] : memref<10016x128xf32, #tpu.memory_space<vmem_shared>> -> memref<128x128xf32, #tpu.memory_space<vmem_shared>>
      %dma_wait3A_70 = arith.constant 0 : i32
      %dma_wait3A_71 = tpu.memref_slice %arg26[%add3A_7, %dma_wait3A_70] : memref<10016x128xf32, #tpu.memory_space<vmem_shared>> -> memref<128x128xf32, #tpu.memory_space<vmem_shared>>
      tpu.wait_dma2 semaphore(%run_scoped3A : memref<!tpu.dma_semaphore, #tpu.memory_space<semaphore_mem>>) src(%arg11 : memref<128x128xf32, #tpu.memory_space<vmem>>) dst(%dma_wait3A_71 : memref<128x128xf32, #tpu.memory_space<vmem_shared>>)
      tpu.yield
    }) : () -> ()
    %mul3A_8 = arith.constant 632 : i32
    %mul3A_9 = arith.muli %arg1, %mul3A_8 : i32
    %add3A_10 = arith.constant 128 : i32
    %add3A_11 = arith.addi %mul3A_9, %add3A_10 : i32
    "tpu.region"() ({
      %run_scoped3A = tpu.sem_alloc : memref<!tpu.dma_semaphore, #tpu.memory_space<semaphore_mem>>
      %dma_start3A = arith.constant 0 : i32
      %dma_start3A_66 = tpu.memref_slice %arg26[%add3A_11, %dma_start3A] : memref<10016x128xf32, #tpu.memory_space<vmem_shared>> -> memref<128x128xf32, #tpu.memory_space<vmem_shared>>
      %dma_start3A_67 = arith.constant 0 : i32
      %dma_start3A_68 = tpu.memref_slice %arg26[%add3A_11, %dma_start3A_67] : memref<10016x128xf32, #tpu.memory_space<vmem_shared>> -> memref<128x128xf32, #tpu.memory_space<vmem_shared>>
      tpu.enqueue_dma source(%arg11 : memref<128x128xf32, #tpu.memory_space<vmem>>) target(%dma_start3A_68 : memref<128x128xf32, #tpu.memory_space<vmem_shared>>) target_semaphore(%run_scoped3A : memref<!tpu.dma_semaphore, #tpu.memory_space<semaphore_mem>>)
      %dma_wait3A = arith.constant 0 : i32
      %dma_wait3A_69 = tpu.memref_slice %arg26[%add3A_11, %dma_wait3A] : memref<10016x128xf32, #tpu.memory_space<vmem_shared>> -> memref<128x128xf32, #tpu.memory_space<vmem_shared>>
      %dma_wait3A_70 = arith.constant 0 : i32
      %dma_wait3A_71 = tpu.memref_slice %arg26[%add3A_11, %dma_wait3A_70] : memref<10016x128xf32, #tpu.memory_space<vmem_shared>> -> memref<128x128xf32, #tpu.memory_space<vmem_shared>>
      tpu.wait_dma2 semaphore(%run_scoped3A : memref<!tpu.dma_semaphore, #tpu.memory_space<semaphore_mem>>) src(%arg11 : memref<128x128xf32, #tpu.memory_space<vmem>>) dst(%dma_wait3A_71 : memref<128x128xf32, #tpu.memory_space<vmem_shared>>)
      tpu.yield
    }) : () -> ()
    %mul3A_12 = arith.constant 632 : i32
    %mul3A_13 = arith.muli %arg1, %mul3A_12 : i32
    %add3A_14 = arith.constant 256 : i32
    %add3A_15 = arith.addi %mul3A_13, %add3A_14 : i32
    "tpu.region"() ({
      %run_scoped3A = tpu.sem_alloc : memref<!tpu.dma_semaphore, #tpu.memory_space<semaphore_mem>>
      %dma_start3A = arith.constant 0 : i32
      %dma_start3A_66 = tpu.memref_slice %arg26[%add3A_15, %dma_start3A] : memref<10016x128xf32, #tpu.memory_space<vmem_shared>> -> memref<128x128xf32, #tpu.memory_space<vmem_shared>>
      %dma_start3A_67 = arith.constant 0 : i32
      %dma_start3A_68 = tpu.memref_slice %arg26[%add3A_15, %dma_start3A_67] : memref<10016x128xf32, #tpu.memory_space<vmem_shared>> -> memref<128x128xf32, #tpu.memory_space<vmem_shared>>
      tpu.enqueue_dma source(%arg11 : memref<128x128xf32, #tpu.memory_space<vmem>>) target(%dma_start3A_68 : memref<128x128xf32, #tpu.memory_space<vmem_shared>>) target_semaphore(%run_scoped3A : memref<!tpu.dma_semaphore, #tpu.memory_space<semaphore_mem>>)
      %dma_wait3A = arith.constant 0 : i32
      %dma_wait3A_69 = tpu.memref_slice %arg26[%add3A_15, %dma_wait3A] : memref<10016x128xf32, #tpu.memory_space<vmem_shared>> -> memref<128x128xf32, #tpu.memory_space<vmem_shared>>
      %dma_wait3A_70 = arith.constant 0 : i32
      %dma_wait3A_71 = tpu.memref_slice %arg26[%add3A_15, %dma_wait3A_70] : memref<10016x128xf32, #tpu.memory_space<vmem_shared>> -> memref<128x128xf32, #tpu.memory_space<vmem_shared>>
      tpu.wait_dma2 semaphore(%run_scoped3A : memref<!tpu.dma_semaphore, #tpu.memory_space<semaphore_mem>>) src(%arg11 : memref<128x128xf32, #tpu.memory_space<vmem>>) dst(%dma_wait3A_71 : memref<128x128xf32, #tpu.memory_space<vmem_shared>>)
      tpu.yield
    }) : () -> ()
    %mul3A_16 = arith.constant 632 : i32
    %mul3A_17 = arith.muli %arg1, %mul3A_16 : i32
    %add3A_18 = arith.constant 384 : i32
    %add3A_19 = arith.addi %mul3A_17, %add3A_18 : i32
    "tpu.region"() ({
      %run_scoped3A = tpu.sem_alloc : memref<!tpu.dma_semaphore, #tpu.memory_space<semaphore_mem>>
      %dma_start3A = arith.constant 0 : i32
      %dma_start3A_66 = tpu.memref_slice %arg26[%add3A_19, %dma_start3A] : memref<10016x128xf32, #tpu.memory_space<vmem_shared>> -> memref<128x128xf32, #tpu.memory_space<vmem_shared>>
      %dma_start3A_67 = arith.constant 0 : i32
      %dma_start3A_68 = tpu.memref_slice %arg26[%add3A_19, %dma_start3A_67] : memref<10016x128xf32, #tpu.memory_space<vmem_shared>> -> memref<128x128xf32, #tpu.memory_space<vmem_shared>>
      tpu.enqueue_dma source(%arg11 : memref<128x128xf32, #tpu.memory_space<vmem>>) target(%dma_start3A_68 : memref<128x128xf32, #tpu.memory_space<vmem_shared>>) target_semaphore(%run_scoped3A : memref<!tpu.dma_semaphore, #tpu.memory_space<semaphore_mem>>)
      %dma_wait3A = arith.constant 0 : i32
      %dma_wait3A_69 = tpu.memref_slice %arg26[%add3A_19, %dma_wait3A] : memref<10016x128xf32, #tpu.memory_space<vmem_shared>> -> memref<128x128xf32, #tpu.memory_space<vmem_shared>>
      %dma_wait3A_70 = arith.constant 0 : i32
      %dma_wait3A_71 = tpu.memref_slice %arg26[%add3A_19, %dma_wait3A_70] : memref<10016x128xf32, #tpu.memory_space<vmem_shared>> -> memref<128x128xf32, #tpu.memory_space<vmem_shared>>
      tpu.wait_dma2 semaphore(%run_scoped3A : memref<!tpu.dma_semaphore, #tpu.memory_space<semaphore_mem>>) src(%arg11 : memref<128x128xf32, #tpu.memory_space<vmem>>) dst(%dma_wait3A_71 : memref<128x128xf32, #tpu.memory_space<vmem_shared>>)
      tpu.yield
    }) : () -> ()
    %lt3A = arith.constant 15 : i32
    %lt3A_20 = arith.cmpi slt, %arg1, %lt3A : i32
    %convert_element_type3A = arith.extui %lt3A_20 : i1 to i32
    %cond3A = arith.constant 0 : i32
    %cond3A_21 = arith.cmpi ne, %convert_element_type3A, %cond3A : i32
    scf.if %cond3A_21 {
      %mul3A_66 = arith.constant 632 : i32
      %mul3A_67 = arith.muli %arg1, %mul3A_66 : i32
      %add3A_68 = arith.constant 632 : i32
      %add3A_69 = arith.addi %mul3A_67, %add3A_68 : i32
      %sub3A = arith.constant 120 : i32
      %sub3A_70 = arith.subi %add3A_69, %sub3A : i32
      "tpu.region"() ({
        %run_scoped3A = tpu.sem_alloc : memref<!tpu.dma_semaphore, #tpu.memory_space<semaphore_mem>>
        %dma_start3A = arith.constant 0 : i32
        %dma_start3A_71 = arith.constant 0 : i32
        %dma_start3A_72 = tpu.memref_slice %arg11[%dma_start3A, %dma_start3A_71] : memref<128x128xf32, #tpu.memory_space<vmem>> -> memref<120x128xf32, #tpu.memory_space<vmem>>
        %dma_start3A_73 = arith.constant 0 : i32
        %dma_start3A_74 = tpu.memref_slice %arg26[%sub3A_70, %dma_start3A_73] : memref<10016x128xf32, #tpu.memory_space<vmem_shared>> -> memref<120x128xf32, #tpu.memory_space<vmem_shared>>
        %dma_start3A_75 = arith.constant 0 : i32
        %dma_start3A_76 = tpu.memref_slice %arg26[%sub3A_70, %dma_start3A_75] : memref<10016x128xf32, #tpu.memory_space<vmem_shared>> -> memref<120x128xf32, #tpu.memory_space<vmem_shared>>
        %dma_start3A_77 = arith.constant 0 : i32
        %dma_start3A_78 = arith.constant 0 : i32
        %dma_start3A_79 = tpu.memref_slice %arg11[%dma_start3A_77, %dma_start3A_78] : memref<128x128xf32, #tpu.memory_space<vmem>> -> memref<120x128xf32, #tpu.memory_space<vmem>>
        tpu.enqueue_dma source(%dma_start3A_79 : memref<120x128xf32, #tpu.memory_space<vmem>>) target(%dma_start3A_76 : memref<120x128xf32, #tpu.memory_space<vmem_shared>>) target_semaphore(%run_scoped3A : memref<!tpu.dma_semaphore, #tpu.memory_space<semaphore_mem>>)
        %dma_wait3A = arith.constant 0 : i32
        %dma_wait3A_80 = arith.constant 0 : i32
        %dma_wait3A_81 = tpu.memref_slice %arg11[%dma_wait3A, %dma_wait3A_80] : memref<128x128xf32, #tpu.memory_space<vmem>> -> memref<120x128xf32, #tpu.memory_space<vmem>>
        %dma_wait3A_82 = arith.constant 0 : i32
        %dma_wait3A_83 = tpu.memref_slice %arg26[%sub3A_70, %dma_wait3A_82] : memref<10016x128xf32, #tpu.memory_space<vmem_shared>> -> memref<120x128xf32, #tpu.memory_space<vmem_shared>>
        %dma_wait3A_84 = arith.constant 0 : i32
        %dma_wait3A_85 = tpu.memref_slice %arg26[%sub3A_70, %dma_wait3A_84] : memref<10016x128xf32, #tpu.memory_space<vmem_shared>> -> memref<120x128xf32, #tpu.memory_space<vmem_shared>>
        %dma_wait3A_86 = arith.constant 0 : i32
        %dma_wait3A_87 = arith.constant 0 : i32
        %dma_wait3A_88 = tpu.memref_slice %arg11[%dma_wait3A_86, %dma_wait3A_87] : memref<128x128xf32, #tpu.memory_space<vmem>> -> memref<120x128xf32, #tpu.memory_space<vmem>>
        tpu.wait_dma2 semaphore(%run_scoped3A : memref<!tpu.dma_semaphore, #tpu.memory_space<semaphore_mem>>) src(%dma_wait3A_88 : memref<120x128xf32, #tpu.memory_space<vmem>>) dst(%dma_wait3A_85 : memref<120x128xf32, #tpu.memory_space<vmem_shared>>)
        tpu.yield
      }) : () -> ()
    } else {
    }
    %eq3A = arith.constant 15 : i32
    %eq3A_22 = arith.cmpi eq, %arg1, %eq3A : i32
    %convert_element_type3A_23 = arith.extui %eq3A_22 : i1 to i32
    %cond3A_24 = arith.constant 0 : i32
    %cond3A_25 = arith.cmpi ne, %convert_element_type3A_23, %cond3A_24 : i32
    scf.if %cond3A_25 {
      %mul3A_66 = arith.constant 632 : i32
      %mul3A_67 = arith.muli %arg1, %mul3A_66 : i32
      %add3A_68 = arith.constant 536 : i32
      %add3A_69 = arith.addi %mul3A_67, %add3A_68 : i32
      %sub3A = arith.constant 24 : i32
      %sub3A_70 = arith.subi %add3A_69, %sub3A : i32
      "tpu.region"() ({
        %run_scoped3A = tpu.sem_alloc : memref<!tpu.dma_semaphore, #tpu.memory_space<semaphore_mem>>
        %dma_start3A = arith.constant 0 : i32
        %dma_start3A_71 = arith.constant 0 : i32
        %dma_start3A_72 = tpu.memref_slice %arg11[%dma_start3A, %dma_start3A_71] : memref<128x128xf32, #tpu.memory_space<vmem>> -> memref<24x128xf32, #tpu.memory_space<vmem>>
        %dma_start3A_73 = arith.constant 0 : i32
        %dma_start3A_74 = tpu.memref_slice %arg26[%sub3A_70, %dma_start3A_73] : memref<10016x128xf32, #tpu.memory_space<vmem_shared>> -> memref<24x128xf32, #tpu.memory_space<vmem_shared>>
        %dma_start3A_75 = arith.constant 0 : i32
        %dma_start3A_76 = tpu.memref_slice %arg26[%sub3A_70, %dma_start3A_75] : memref<10016x128xf32, #tpu.memory_space<vmem_shared>> -> memref<24x128xf32, #tpu.memory_space<vmem_shared>>
        %dma_start3A_77 = arith.constant 0 : i32
        %dma_start3A_78 = arith.constant 0 : i32
        %dma_start3A_79 = tpu.memref_slice %arg11[%dma_start3A_77, %dma_start3A_78] : memref<128x128xf32, #tpu.memory_space<vmem>> -> memref<24x128xf32, #tpu.memory_space<vmem>>
        tpu.enqueue_dma source(%dma_start3A_79 : memref<24x128xf32, #tpu.memory_space<vmem>>) target(%dma_start3A_76 : memref<24x128xf32, #tpu.memory_space<vmem_shared>>) target_semaphore(%run_scoped3A : memref<!tpu.dma_semaphore, #tpu.memory_space<semaphore_mem>>)
        %dma_wait3A = arith.constant 0 : i32
        %dma_wait3A_80 = arith.constant 0 : i32
        %dma_wait3A_81 = tpu.memref_slice %arg11[%dma_wait3A, %dma_wait3A_80] : memref<128x128xf32, #tpu.memory_space<vmem>> -> memref<24x128xf32, #tpu.memory_space<vmem>>
        %dma_wait3A_82 = arith.constant 0 : i32
        %dma_wait3A_83 = tpu.memref_slice %arg26[%sub3A_70, %dma_wait3A_82] : memref<10016x128xf32, #tpu.memory_space<vmem_shared>> -> memref<24x128xf32, #tpu.memory_space<vmem_shared>>
        %dma_wait3A_84 = arith.constant 0 : i32
        %dma_wait3A_85 = tpu.memref_slice %arg26[%sub3A_70, %dma_wait3A_84] : memref<10016x128xf32, #tpu.memory_space<vmem_shared>> -> memref<24x128xf32, #tpu.memory_space<vmem_shared>>
        %dma_wait3A_86 = arith.constant 0 : i32
        %dma_wait3A_87 = arith.constant 0 : i32
        %dma_wait3A_88 = tpu.memref_slice %arg11[%dma_wait3A_86, %dma_wait3A_87] : memref<128x128xf32, #tpu.memory_space<vmem>> -> memref<24x128xf32, #tpu.memory_space<vmem>>
        tpu.wait_dma2 semaphore(%run_scoped3A : memref<!tpu.dma_semaphore, #tpu.memory_space<semaphore_mem>>) src(%dma_wait3A_88 : memref<24x128xf32, #tpu.memory_space<vmem>>) dst(%dma_wait3A_85 : memref<24x128xf32, #tpu.memory_space<vmem_shared>>)
        tpu.yield
      }) : () -> ()
    } else {
    }
    %barrier3A = arith.constant 0 : index
    tpu.barrier barrier_id(%barrier3A)
    %eq3A_26 = arith.constant 0 : i32
    %eq3A_27 = arith.cmpi eq, %arg0, %eq3A_26 : i32
    %mul3A_28 = arith.constant 80 : i32
    %mul3A_29 = arith.muli %arg1, %mul3A_28 : i32
    %mul3A_30 = arith.constant 76 : i32
    %mul3A_31 = arith.muli %arg1, %mul3A_30 : i32
    %add3A_32 = arith.constant 1280 : i32
    %add3A_33 = arith.addi %add3A_32, %mul3A_31 : i32
    %min3A = arith.constant 4 : i32
    %min3A_34 = arith.minsi %arg1, %min3A : i32
    %add3A_35 = arith.addi %add3A_33, %min3A_34 : i32
    %select_n3A = arith.select %eq3A_27, %mul3A_29, %add3A_35 : i32
    %eq3A_36 = arith.constant 0 : i32
    %eq3A_37 = arith.cmpi eq, %arg0, %eq3A_36 : i32
    %convert_element_type3A_38 = arith.extui %eq3A_37 : i1 to i32
    %cond3A_39 = arith.constant 0 : i32
    %cond3A_40 = arith.cmpi ne, %convert_element_type3A_38, %cond3A_39 : i32
    scf.if %cond3A_40 {
      %add3A_66 = arith.constant 0 : i32
      %add3A_67 = arith.addi %select_n3A, %add3A_66 : i32
      %dma_start3A = arith.constant 0 : i32
      %dma_start3A_68 = arith.constant 0 : i32
      %dma_start3A_69 = tpu.memref_slice %arg3[%dma_start3A, %add3A_67, %dma_start3A_68] : memref<2x2500x128xi32, #tpu.memory_space<hbm>> -> memref<1x1x128xi32, #tpu.memory_space<hbm>>
      %dma_start3A_70 = tpu.memref_squeeze %dma_start3A_69 : memref<1x1x128xi32, #tpu.memory_space<hbm>> -> memref<128xi32, #tpu.memory_space<hbm>>
      %dma_start3A_71 = arith.constant 0 : i32
      %dma_start3A_72 = tpu.memref_slice %arg3[%dma_start3A, %add3A_67, %dma_start3A_71] : memref<2x2500x128xi32, #tpu.memory_space<hbm>> -> memref<1x1x128xi32, #tpu.memory_space<hbm>>
      %dma_start3A_73 = tpu.memref_squeeze %dma_start3A_72 : memref<1x1x128xi32, #tpu.memory_space<hbm>> -> memref<128xi32, #tpu.memory_space<hbm>>
      tpu.enqueue_dma source(%dma_start3A_73 : memref<128xi32, #tpu.memory_space<hbm>>) target(%arg5 : memref<128xi32, #tpu.memory_space<vmem>>) target_semaphore(%arg14 : memref<!tpu.dma_semaphore, #tpu.memory_space<semaphore_mem>>)
      %add3A_74 = arith.constant 1 : i32
      %add3A_75 = arith.addi %select_n3A, %add3A_74 : i32
      %dma_start3A_76 = arith.constant 0 : i32
      %dma_start3A_77 = arith.constant 0 : i32
      %dma_start3A_78 = tpu.memref_slice %arg3[%dma_start3A_76, %add3A_75, %dma_start3A_77] : memref<2x2500x128xi32, #tpu.memory_space<hbm>> -> memref<1x1x128xi32, #tpu.memory_space<hbm>>
      %dma_start3A_79 = tpu.memref_squeeze %dma_start3A_78 : memref<1x1x128xi32, #tpu.memory_space<hbm>> -> memref<128xi32, #tpu.memory_space<hbm>>
      %dma_start3A_80 = arith.constant 0 : i32
      %dma_start3A_81 = tpu.memref_slice %arg3[%dma_start3A_76, %add3A_75, %dma_start3A_80] : memref<2x2500x128xi32, #tpu.memory_space<hbm>> -> memref<1x1x128xi32, #tpu.memory_space<hbm>>
      %dma_start3A_82 = tpu.memref_squeeze %dma_start3A_81 : memref<1x1x128xi32, #tpu.memory_space<hbm>> -> memref<128xi32, #tpu.memory_space<hbm>>
      tpu.enqueue_dma source(%dma_start3A_82 : memref<128xi32, #tpu.memory_space<hbm>>) target(%arg6 : memref<128xi32, #tpu.memory_space<vmem>>) target_semaphore(%arg15 : memref<!tpu.dma_semaphore, #tpu.memory_space<semaphore_mem>>)
      %add3A_83 = arith.constant 2 : i32
      %add3A_84 = arith.addi %select_n3A, %add3A_83 : i32
      %dma_start3A_85 = arith.constant 0 : i32
      %dma_start3A_86 = arith.constant 0 : i32
      %dma_start3A_87 = tpu.memref_slice %arg3[%dma_start3A_85, %add3A_84, %dma_start3A_86] : memref<2x2500x128xi32, #tpu.memory_space<hbm>> -> memref<1x1x128xi32, #tpu.memory_space<hbm>>
      %dma_start3A_88 = tpu.memref_squeeze %dma_start3A_87 : memref<1x1x128xi32, #tpu.memory_space<hbm>> -> memref<128xi32, #tpu.memory_space<hbm>>
      %dma_start3A_89 = arith.constant 0 : i32
      %dma_start3A_90 = tpu.memref_slice %arg3[%dma_start3A_85, %add3A_84, %dma_start3A_89] : memref<2x2500x128xi32, #tpu.memory_space<hbm>> -> memref<1x1x128xi32, #tpu.memory_space<hbm>>
      %dma_start3A_91 = tpu.memref_squeeze %dma_start3A_90 : memref<1x1x128xi32, #tpu.memory_space<hbm>> -> memref<128xi32, #tpu.memory_space<hbm>>
      tpu.enqueue_dma source(%dma_start3A_91 : memref<128xi32, #tpu.memory_space<hbm>>) target(%arg7 : memref<128xi32, #tpu.memory_space<vmem>>) target_semaphore(%arg16 : memref<!tpu.dma_semaphore, #tpu.memory_space<semaphore_mem>>)
      %add3A_92 = arith.constant 0 : i32
      %add3A_93 = arith.addi %select_n3A, %add3A_92 : i32
      %dma_start3A_94 = arith.constant 1 : i32
      %dma_start3A_95 = arith.constant 0 : i32
      %dma_start3A_96 = tpu.memref_slice %arg3[%dma_start3A_94, %add3A_93, %dma_start3A_95] : memref<2x2500x128xi32, #tpu.memory_space<hbm>> -> memref<1x1x128xi32, #tpu.memory_space<hbm>>
      %dma_start3A_97 = tpu.memref_squeeze %dma_start3A_96 : memref<1x1x128xi32, #tpu.memory_space<hbm>> -> memref<128xi32, #tpu.memory_space<hbm>>
      %dma_start3A_98 = arith.constant 0 : i32
      %dma_start3A_99 = tpu.memref_slice %arg3[%dma_start3A_94, %add3A_93, %dma_start3A_98] : memref<2x2500x128xi32, #tpu.memory_space<hbm>> -> memref<1x1x128xi32, #tpu.memory_space<hbm>>
      %dma_start3A_100 = tpu.memref_squeeze %dma_start3A_99 : memref<1x1x128xi32, #tpu.memory_space<hbm>> -> memref<128xi32, #tpu.memory_space<hbm>>
      tpu.enqueue_dma source(%dma_start3A_100 : memref<128xi32, #tpu.memory_space<hbm>>) target(%arg8 : memref<128xi32, #tpu.memory_space<vmem>>) target_semaphore(%arg17 : memref<!tpu.dma_semaphore, #tpu.memory_space<semaphore_mem>>)
      %add3A_101 = arith.constant 1 : i32
      %add3A_102 = arith.addi %select_n3A, %add3A_101 : i32
      %dma_start3A_103 = arith.constant 1 : i32
      %dma_start3A_104 = arith.constant 0 : i32
      %dma_start3A_105 = tpu.memref_slice %arg3[%dma_start3A_103, %add3A_102, %dma_start3A_104] : memref<2x2500x128xi32, #tpu.memory_space<hbm>> -> memref<1x1x128xi32, #tpu.memory_space<hbm>>
      %dma_start3A_106 = tpu.memref_squeeze %dma_start3A_105 : memref<1x1x128xi32, #tpu.memory_space<hbm>> -> memref<128xi32, #tpu.memory_space<hbm>>
      %dma_start3A_107 = arith.constant 0 : i32
      %dma_start3A_108 = tpu.memref_slice %arg3[%dma_start3A_103, %add3A_102, %dma_start3A_107] : memref<2x2500x128xi32, #tpu.memory_space<hbm>> -> memref<1x1x128xi32, #tpu.memory_space<hbm>>
      %dma_start3A_109 = tpu.memref_squeeze %dma_start3A_108 : memref<1x1x128xi32, #tpu.memory_space<hbm>> -> memref<128xi32, #tpu.memory_space<hbm>>
      tpu.enqueue_dma source(%dma_start3A_109 : memref<128xi32, #tpu.memory_space<hbm>>) target(%arg9 : memref<128xi32, #tpu.memory_space<vmem>>) target_semaphore(%arg18 : memref<!tpu.dma_semaphore, #tpu.memory_space<semaphore_mem>>)
      %add3A_110 = arith.constant 0 : i32
      %add3A_111 = arith.addi %select_n3A, %add3A_110 : i32
      %dma_wait3A = arith.constant 0 : i32
      %dma_wait3A_112 = arith.constant 0 : i32
      %dma_wait3A_113 = tpu.memref_slice %arg3[%dma_wait3A, %add3A_111, %dma_wait3A_112] : memref<2x2500x128xi32, #tpu.memory_space<hbm>> -> memref<1x1x128xi32, #tpu.memory_space<hbm>>
      %dma_wait3A_114 = tpu.memref_squeeze %dma_wait3A_113 : memref<1x1x128xi32, #tpu.memory_space<hbm>> -> memref<128xi32, #tpu.memory_space<hbm>>
      %dma_wait3A_115 = arith.constant 0 : i32
      %dma_wait3A_116 = tpu.memref_slice %arg3[%dma_wait3A, %add3A_111, %dma_wait3A_115] : memref<2x2500x128xi32, #tpu.memory_space<hbm>> -> memref<1x1x128xi32, #tpu.memory_space<hbm>>
      %dma_wait3A_117 = tpu.memref_squeeze %dma_wait3A_116 : memref<1x1x128xi32, #tpu.memory_space<hbm>> -> memref<128xi32, #tpu.memory_space<hbm>>
      tpu.wait_dma2 semaphore(%arg14 : memref<!tpu.dma_semaphore, #tpu.memory_space<semaphore_mem>>) src(%dma_wait3A_117 : memref<128xi32, #tpu.memory_space<hbm>>) dst(%arg5 : memref<128xi32, #tpu.memory_space<vmem>>)
      %dma_start3A_118 = arith.constant 0 : i32
      %dma_start3A_119 = arith.constant 0 : i32
      %dma_start3A_120 = tpu.memref_slice %arg2[%dma_start3A_118, %dma_start3A_119] : memref<10000x128xf32, #tpu.memory_space<hbm>> -> memref<10000x128xf32, #tpu.memory_space<hbm>>
      tpu.enqueue_indirect_dma source(%dma_start3A_120 : memref<10000x128xf32, #tpu.memory_space<hbm>>) target(%arg11 : memref<128x128xf32, #tpu.memory_space<vmem>>) offsets(%arg5 : memref<128xi32, #tpu.memory_space<vmem>>) semaphore(%arg20 : memref<!tpu.dma_semaphore, #tpu.memory_space<semaphore_mem>>)
      %add3A_121 = arith.constant 1 : i32
      %add3A_122 = arith.addi %select_n3A, %add3A_121 : i32
      %dma_wait3A_123 = arith.constant 0 : i32
      %dma_wait3A_124 = arith.constant 0 : i32
      %dma_wait3A_125 = tpu.memref_slice %arg3[%dma_wait3A_123, %add3A_122, %dma_wait3A_124] : memref<2x2500x128xi32, #tpu.memory_space<hbm>> -> memref<1x1x128xi32, #tpu.memory_space<hbm>>
      %dma_wait3A_126 = tpu.memref_squeeze %dma_wait3A_125 : memref<1x1x128xi32, #tpu.memory_space<hbm>> -> memref<128xi32, #tpu.memory_space<hbm>>
      %dma_wait3A_127 = arith.constant 0 : i32
      %dma_wait3A_128 = tpu.memref_slice %arg3[%dma_wait3A_123, %add3A_122, %dma_wait3A_127] : memref<2x2500x128xi32, #tpu.memory_space<hbm>> -> memref<1x1x128xi32, #tpu.memory_space<hbm>>
      %dma_wait3A_129 = tpu.memref_squeeze %dma_wait3A_128 : memref<1x1x128xi32, #tpu.memory_space<hbm>> -> memref<128xi32, #tpu.memory_space<hbm>>
      tpu.wait_dma2 semaphore(%arg15 : memref<!tpu.dma_semaphore, #tpu.memory_space<semaphore_mem>>) src(%dma_wait3A_129 : memref<128xi32, #tpu.memory_space<hbm>>) dst(%arg6 : memref<128xi32, #tpu.memory_space<vmem>>)
      %dma_start3A_130 = arith.constant 0 : i32
      %dma_start3A_131 = arith.constant 0 : i32
      %dma_start3A_132 = tpu.memref_slice %arg2[%dma_start3A_130, %dma_start3A_131] : memref<10000x128xf32, #tpu.memory_space<hbm>> -> memref<10000x128xf32, #tpu.memory_space<hbm>>
      tpu.enqueue_indirect_dma source(%dma_start3A_132 : memref<10000x128xf32, #tpu.memory_space<hbm>>) target(%arg12 : memref<128x128xf32, #tpu.memory_space<vmem>>) offsets(%arg6 : memref<128xi32, #tpu.memory_space<vmem>>) semaphore(%arg21 : memref<!tpu.dma_semaphore, #tpu.memory_space<semaphore_mem>>)
      %scan3A_133 = arith.constant 0 : i32
      %scan3A_134 = arith.constant 0 : i32
      %scan3A_135 = arith.constant 80 : i32
      %scan3A_136 = arith.addi %scan3A_134, %scan3A_135 : i32
      %scan3A_137 = arith.constant 1 : i32
      scf.for %scan3A_142 = %scan3A_134 to %scan3A_136 step %scan3A_137  : i32 {
        %rem3A = arith.constant 3 : i32
        %rem3A_143 = arith.remsi %scan3A_142, %rem3A : i32
        %eq3A_144 = arith.constant 0 : i32
        %eq3A_145 = arith.cmpi eq, %rem3A_143, %eq3A_144 : i32
        %convert_element_type3A_146 = arith.extui %eq3A_145 : i1 to i32
        %cond3A_147 = arith.constant 0 : i32
        %cond3A_148 = arith.cmpi ne, %convert_element_type3A_146, %cond3A_147 : i32
        scf.if %cond3A_148 {
          %dma_wait3A_159 = arith.constant 0 : i32
          %dma_wait3A_160 = arith.constant 0 : i32
          %dma_wait3A_161 = tpu.memref_slice %arg2[%dma_wait3A_159, %dma_wait3A_160] : memref<10000x128xf32, #tpu.memory_space<hbm>> -> memref<10000x128xf32, #tpu.memory_space<hbm>>
          tpu.wait_indirect_dma semaphore(%arg20 : memref<!tpu.dma_semaphore, #tpu.memory_space<semaphore_mem>>) src(%dma_wait3A_161 : memref<10000x128xf32, #tpu.memory_space<hbm>>) dst(%arg11 : memref<128x128xf32, #tpu.memory_space<vmem>>)
          %ge3A_162 = arith.constant 1 : i32
          %ge3A_163 = arith.cmpi sge, %scan3A_142, %ge3A_162 : i32
          %convert_element_type3A_164 = arith.extui %ge3A_163 : i1 to i32
          %cond3A_165 = arith.constant 0 : i32
          %cond3A_166 = arith.cmpi ne, %convert_element_type3A_164, %cond3A_165 : i32
          scf.if %cond3A_166 {
            %dma_wait3A_199 = arith.constant 0 : i32
            %dma_wait3A_200 = arith.constant 0 : i32
            %dma_wait3A_201 = tpu.memref_slice %arg26[%dma_wait3A_199, %dma_wait3A_200] : memref<10016x128xf32, #tpu.memory_space<vmem_shared>> -> memref<10016x128xf32, #tpu.memory_space<vmem_shared>>
            tpu.wait_indirect_dma semaphore(%arg25 : memref<!tpu.dma_semaphore, #tpu.memory_space<semaphore_mem>>) src(%arg13 : memref<128x128xf32, #tpu.memory_space<vmem>>) dst(%dma_wait3A_201 : memref<10016x128xf32, #tpu.memory_space<vmem_shared>>)
          } else {
          }
          %add3A_167 = arith.constant 2 : i32
          %add3A_168 = arith.addi %scan3A_142, %add3A_167 : i32
          %lt3A_169 = arith.constant 80 : i32
          %lt3A_170 = arith.cmpi slt, %add3A_168, %lt3A_169 : i32
          %convert_element_type3A_171 = arith.extui %lt3A_170 : i1 to i32
          %cond3A_172 = arith.constant 0 : i32
          %cond3A_173 = arith.cmpi ne, %convert_element_type3A_171, %cond3A_172 : i32
          scf.if %cond3A_173 {
            %add3A_199 = arith.addi %select_n3A, %scan3A_142 : i32
            %add3A_200 = arith.constant 2 : i32
            %add3A_201 = arith.addi %add3A_199, %add3A_200 : i32
            %dma_wait3A_202 = arith.constant 0 : i32
            %dma_wait3A_203 = arith.constant 0 : i32
            %dma_wait3A_204 = tpu.memref_slice %arg3[%dma_wait3A_202, %add3A_201, %dma_wait3A_203] : memref<2x2500x128xi32, #tpu.memory_space<hbm>> -> memref<1x1x128xi32, #tpu.memory_space<hbm>>
            %dma_wait3A_205 = tpu.memref_squeeze %dma_wait3A_204 : memref<1x1x128xi32, #tpu.memory_space<hbm>> -> memref<128xi32, #tpu.memory_space<hbm>>
            %dma_wait3A_206 = arith.constant 0 : i32
            %dma_wait3A_207 = tpu.memref_slice %arg3[%dma_wait3A_202, %add3A_201, %dma_wait3A_206] : memref<2x2500x128xi32, #tpu.memory_space<hbm>> -> memref<1x1x128xi32, #tpu.memory_space<hbm>>
            %dma_wait3A_208 = tpu.memref_squeeze %dma_wait3A_207 : memref<1x1x128xi32, #tpu.memory_space<hbm>> -> memref<128xi32, #tpu.memory_space<hbm>>
            tpu.wait_dma2 semaphore(%arg16 : memref<!tpu.dma_semaphore, #tpu.memory_space<semaphore_mem>>) src(%dma_wait3A_208 : memref<128xi32, #tpu.memory_space<hbm>>) dst(%arg7 : memref<128xi32, #tpu.memory_space<vmem>>)
            %dma_start3A_209 = arith.constant 0 : i32
            %dma_start3A_210 = arith.constant 0 : i32
            %dma_start3A_211 = tpu.memref_slice %arg2[%dma_start3A_209, %dma_start3A_210] : memref<10000x128xf32, #tpu.memory_space<hbm>> -> memref<10000x128xf32, #tpu.memory_space<hbm>>
            tpu.enqueue_indirect_dma source(%dma_start3A_211 : memref<10000x128xf32, #tpu.memory_space<hbm>>) target(%arg13 : memref<128x128xf32, #tpu.memory_space<vmem>>) offsets(%arg7 : memref<128xi32, #tpu.memory_space<vmem>>) semaphore(%arg22 : memref<!tpu.dma_semaphore, #tpu.memory_space<semaphore_mem>>)
          } else {
          }
          %add3A_174 = arith.constant 3 : i32
          %add3A_175 = arith.addi %scan3A_142, %add3A_174 : i32
          %lt3A_176 = arith.constant 80 : i32
          %lt3A_177 = arith.cmpi slt, %add3A_175, %lt3A_176 : i32
          %convert_element_type3A_178 = arith.extui %lt3A_177 : i1 to i32
          %cond3A_179 = arith.constant 0 : i32
          %cond3A_180 = arith.cmpi ne, %convert_element_type3A_178, %cond3A_179 : i32
          scf.if %cond3A_180 {
            %add3A_199 = arith.addi %select_n3A, %scan3A_142 : i32
            %add3A_200 = arith.constant 3 : i32
            %add3A_201 = arith.addi %add3A_199, %add3A_200 : i32
            %dma_start3A_202 = arith.constant 0 : i32
            %dma_start3A_203 = arith.constant 0 : i32
            %dma_start3A_204 = tpu.memref_slice %arg3[%dma_start3A_202, %add3A_201, %dma_start3A_203] : memref<2x2500x128xi32, #tpu.memory_space<hbm>> -> memref<1x1x128xi32, #tpu.memory_space<hbm>>
            %dma_start3A_205 = tpu.memref_squeeze %dma_start3A_204 : memref<1x1x128xi32, #tpu.memory_space<hbm>> -> memref<128xi32, #tpu.memory_space<hbm>>
            %dma_start3A_206 = arith.constant 0 : i32
            %dma_start3A_207 = tpu.memref_slice %arg3[%dma_start3A_202, %add3A_201, %dma_start3A_206] : memref<2x2500x128xi32, #tpu.memory_space<hbm>> -> memref<1x1x128xi32, #tpu.memory_space<hbm>>
            %dma_start3A_208 = tpu.memref_squeeze %dma_start3A_207 : memref<1x1x128xi32, #tpu.memory_space<hbm>> -> memref<128xi32, #tpu.memory_space<hbm>>
            tpu.enqueue_dma source(%dma_start3A_208 : memref<128xi32, #tpu.memory_space<hbm>>) target(%arg5 : memref<128xi32, #tpu.memory_space<vmem>>) target_semaphore(%arg14 : memref<!tpu.dma_semaphore, #tpu.memory_space<semaphore_mem>>)
          } else {
          }
          %add3A_181 = arith.addi %select_n3A, %scan3A_142 : i32
          %dma_wait3A_182 = arith.constant 1 : i32
          %dma_wait3A_183 = arith.constant 0 : i32
          %dma_wait3A_184 = tpu.memref_slice %arg3[%dma_wait3A_182, %add3A_181, %dma_wait3A_183] : memref<2x2500x128xi32, #tpu.memory_space<hbm>> -> memref<1x1x128xi32, #tpu.memory_space<hbm>>
          %dma_wait3A_185 = tpu.memref_squeeze %dma_wait3A_184 : memref<1x1x128xi32, #tpu.memory_space<hbm>> -> memref<128xi32, #tpu.memory_space<hbm>>
          %dma_wait3A_186 = arith.constant 0 : i32
          %dma_wait3A_187 = tpu.memref_slice %arg3[%dma_wait3A_182, %add3A_181, %dma_wait3A_186] : memref<2x2500x128xi32, #tpu.memory_space<hbm>> -> memref<1x1x128xi32, #tpu.memory_space<hbm>>
          %dma_wait3A_188 = tpu.memref_squeeze %dma_wait3A_187 : memref<1x1x128xi32, #tpu.memory_space<hbm>> -> memref<128xi32, #tpu.memory_space<hbm>>
          tpu.wait_dma2 semaphore(%arg17 : memref<!tpu.dma_semaphore, #tpu.memory_space<semaphore_mem>>) src(%dma_wait3A_188 : memref<128xi32, #tpu.memory_space<hbm>>) dst(%arg8 : memref<128xi32, #tpu.memory_space<vmem>>)
          %dma_start3A_189 = arith.constant 0 : i32
          %dma_start3A_190 = arith.constant 0 : i32
          %dma_start3A_191 = tpu.memref_slice %arg26[%dma_start3A_189, %dma_start3A_190] : memref<10016x128xf32, #tpu.memory_space<vmem_shared>> -> memref<10016x128xf32, #tpu.memory_space<vmem_shared>>
          tpu.enqueue_indirect_dma source(%arg11 : memref<128x128xf32, #tpu.memory_space<vmem>>) target(%dma_start3A_191 : memref<10016x128xf32, #tpu.memory_space<vmem_shared>>) offsets(%arg8 : memref<128xi32, #tpu.memory_space<vmem>>) semaphore(%arg23 : memref<!tpu.dma_semaphore, #tpu.memory_space<semaphore_mem>>) {add = true}
          %add3A_192 = arith.constant 2 : i32
          %add3A_193 = arith.addi %scan3A_142, %add3A_192 : i32
          %lt3A_194 = arith.constant 80 : i32
          %lt3A_195 = arith.cmpi slt, %add3A_193, %lt3A_194 : i32
          %convert_element_type3A_196 = arith.extui %lt3A_195 : i1 to i32
          %cond3A_197 = arith.constant 0 : i32
          %cond3A_198 = arith.cmpi ne, %convert_element_type3A_196, %cond3A_197 : i32
          scf.if %cond3A_198 {
            %add3A_199 = arith.addi %select_n3A, %scan3A_142 : i32
            %add3A_200 = arith.constant 2 : i32
            %add3A_201 = arith.addi %add3A_199, %add3A_200 : i32
            %dma_start3A_202 = arith.constant 1 : i32
            %dma_start3A_203 = arith.constant 0 : i32
            %dma_start3A_204 = tpu.memref_slice %arg3[%dma_start3A_202, %add3A_201, %dma_start3A_203] : memref<2x2500x128xi32, #tpu.memory_space<hbm>> -> memref<1x1x128xi32, #tpu.memory_space<hbm>>
            %dma_start3A_205 = tpu.memref_squeeze %dma_start3A_204 : memref<1x1x128xi32, #tpu.memory_space<hbm>> -> memref<128xi32, #tpu.memory_space<hbm>>
            %dma_start3A_206 = arith.constant 0 : i32
            %dma_start3A_207 = tpu.memref_slice %arg3[%dma_start3A_202, %add3A_201, %dma_start3A_206] : memref<2x2500x128xi32, #tpu.memory_space<hbm>> -> memref<1x1x128xi32, #tpu.memory_space<hbm>>
            %dma_start3A_208 = tpu.memref_squeeze %dma_start3A_207 : memref<1x1x128xi32, #tpu.memory_space<hbm>> -> memref<128xi32, #tpu.memory_space<hbm>>
            tpu.enqueue_dma source(%dma_start3A_208 : memref<128xi32, #tpu.memory_space<hbm>>) target(%arg10 : memref<128xi32, #tpu.memory_space<vmem>>) target_semaphore(%arg19 : memref<!tpu.dma_semaphore, #tpu.memory_space<semaphore_mem>>)
          } else {
          }
        } else {
        }
        %eq3A_149 = arith.constant 1 : i32
        %eq3A_150 = arith.cmpi eq, %rem3A_143, %eq3A_149 : i32
        %convert_element_type3A_151 = arith.extui %eq3A_150 : i1 to i32
        %cond3A_152 = arith.constant 0 : i32
        %cond3A_153 = arith.cmpi ne, %convert_element_type3A_151, %cond3A_152 : i32
        scf.if %cond3A_153 {
          %dma_wait3A_159 = arith.constant 0 : i32
          %dma_wait3A_160 = arith.constant 0 : i32
          %dma_wait3A_161 = tpu.memref_slice %arg2[%dma_wait3A_159, %dma_wait3A_160] : memref<10000x128xf32, #tpu.memory_space<hbm>> -> memref<10000x128xf32, #tpu.memory_space<hbm>>
          tpu.wait_indirect_dma semaphore(%arg21 : memref<!tpu.dma_semaphore, #tpu.memory_space<semaphore_mem>>) src(%dma_wait3A_161 : memref<10000x128xf32, #tpu.memory_space<hbm>>) dst(%arg12 : memref<128x128xf32, #tpu.memory_space<vmem>>)
          %ge3A_162 = arith.constant 1 : i32
          %ge3A_163 = arith.cmpi sge, %scan3A_142, %ge3A_162 : i32
          %convert_element_type3A_164 = arith.extui %ge3A_163 : i1 to i32
          %cond3A_165 = arith.constant 0 : i32
          %cond3A_166 = arith.cmpi ne, %convert_element_type3A_164, %cond3A_165 : i32
          scf.if %cond3A_166 {
            %dma_wait3A_199 = arith.constant 0 : i32
            %dma_wait3A_200 = arith.constant 0 : i32
            %dma_wait3A_201 = tpu.memref_slice %arg26[%dma_wait3A_199, %dma_wait3A_200] : memref<10016x128xf32, #tpu.memory_space<vmem_shared>> -> memref<10016x128xf32, #tpu.memory_space<vmem_shared>>
            tpu.wait_indirect_dma semaphore(%arg23 : memref<!tpu.dma_semaphore, #tpu.memory_space<semaphore_mem>>) src(%arg11 : memref<128x128xf32, #tpu.memory_space<vmem>>) dst(%dma_wait3A_201 : memref<10016x128xf32, #tpu.memory_space<vmem_shared>>)
          } else {
          }
          %add3A_167 = arith.constant 2 : i32
          %add3A_168 = arith.addi %scan3A_142, %add3A_167 : i32
          %lt3A_169 = arith.constant 80 : i32
          %lt3A_170 = arith.cmpi slt, %add3A_168, %lt3A_169 : i32
          %convert_element_type3A_171 = arith.extui %lt3A_170 : i1 to i32
          %cond3A_172 = arith.constant 0 : i32
          %cond3A_173 = arith.cmpi ne, %convert_element_type3A_171, %cond3A_172 : i32
          scf.if %cond3A_173 {
            %add3A_199 = arith.addi %select_n3A, %scan3A_142 : i32
            %add3A_200 = arith.constant 2 : i32
            %add3A_201 = arith.addi %add3A_199, %add3A_200 : i32
            %dma_wait3A_202 = arith.constant 0 : i32
            %dma_wait3A_203 = arith.constant 0 : i32
            %dma_wait3A_204 = tpu.memref_slice %arg3[%dma_wait3A_202, %add3A_201, %dma_wait3A_203] : memref<2x2500x128xi32, #tpu.memory_space<hbm>> -> memref<1x1x128xi32, #tpu.memory_space<hbm>>
            %dma_wait3A_205 = tpu.memref_squeeze %dma_wait3A_204 : memref<1x1x128xi32, #tpu.memory_space<hbm>> -> memref<128xi32, #tpu.memory_space<hbm>>
            %dma_wait3A_206 = arith.constant 0 : i32
            %dma_wait3A_207 = tpu.memref_slice %arg3[%dma_wait3A_202, %add3A_201, %dma_wait3A_206] : memref<2x2500x128xi32, #tpu.memory_space<hbm>> -> memref<1x1x128xi32, #tpu.memory_space<hbm>>
            %dma_wait3A_208 = tpu.memref_squeeze %dma_wait3A_207 : memref<1x1x128xi32, #tpu.memory_space<hbm>> -> memref<128xi32, #tpu.memory_space<hbm>>
            tpu.wait_dma2 semaphore(%arg14 : memref<!tpu.dma_semaphore, #tpu.memory_space<semaphore_mem>>) src(%dma_wait3A_208 : memref<128xi32, #tpu.memory_space<hbm>>) dst(%arg5 : memref<128xi32, #tpu.memory_space<vmem>>)
            %dma_start3A_209 = arith.constant 0 : i32
            %dma_start3A_210 = arith.constant 0 : i32
            %dma_start3A_211 = tpu.memref_slice %arg2[%dma_start3A_209, %dma_start3A_210] : memref<10000x128xf32, #tpu.memory_space<hbm>> -> memref<10000x128xf32, #tpu.memory_space<hbm>>
            tpu.enqueue_indirect_dma source(%dma_start3A_211 : memref<10000x128xf32, #tpu.memory_space<hbm>>) target(%arg11 : memref<128x128xf32, #tpu.memory_space<vmem>>) offsets(%arg5 : memref<128xi32, #tpu.memory_space<vmem>>) semaphore(%arg20 : memref<!tpu.dma_semaphore, #tpu.memory_space<semaphore_mem>>)
          } else {
          }
          %add3A_174 = arith.constant 3 : i32
          %add3A_175 = arith.addi %scan3A_142, %add3A_174 : i32
          %lt3A_176 = arith.constant 80 : i32
          %lt3A_177 = arith.cmpi slt, %add3A_175, %lt3A_176 : i32
          %convert_element_type3A_178 = arith.extui %lt3A_177 : i1 to i32
          %cond3A_179 = arith.constant 0 : i32
          %cond3A_180 = arith.cmpi ne, %convert_element_type3A_178, %cond3A_179 : i32
          scf.if %cond3A_180 {
            %add3A_199 = arith.addi %select_n3A, %scan3A_142 : i32
            %add3A_200 = arith.constant 3 : i32
            %add3A_201 = arith.addi %add3A_199, %add3A_200 : i32
            %dma_start3A_202 = arith.constant 0 : i32
            %dma_start3A_203 = arith.constant 0 : i32
            %dma_start3A_204 = tpu.memref_slice %arg3[%dma_start3A_202, %add3A_201, %dma_start3A_203] : memref<2x2500x128xi32, #tpu.memory_space<hbm>> -> memref<1x1x128xi32, #tpu.memory_space<hbm>>
            %dma_start3A_205 = tpu.memref_squeeze %dma_start3A_204 : memref<1x1x128xi32, #tpu.memory_space<hbm>> -> memref<128xi32, #tpu.memory_space<hbm>>
            %dma_start3A_206 = arith.constant 0 : i32
            %dma_start3A_207 = tpu.memref_slice %arg3[%dma_start3A_202, %add3A_201, %dma_start3A_206] : memref<2x2500x128xi32, #tpu.memory_space<hbm>> -> memref<1x1x128xi32, #tpu.memory_space<hbm>>
            %dma_start3A_208 = tpu.memref_squeeze %dma_start3A_207 : memref<1x1x128xi32, #tpu.memory_space<hbm>> -> memref<128xi32, #tpu.memory_space<hbm>>
            tpu.enqueue_dma source(%dma_start3A_208 : memref<128xi32, #tpu.memory_space<hbm>>) target(%arg6 : memref<128xi32, #tpu.memory_space<vmem>>) target_semaphore(%arg15 : memref<!tpu.dma_semaphore, #tpu.memory_space<semaphore_mem>>)
          } else {
          }
          %add3A_181 = arith.addi %select_n3A, %scan3A_142 : i32
          %dma_wait3A_182 = arith.constant 1 : i32
          %dma_wait3A_183 = arith.constant 0 : i32
          %dma_wait3A_184 = tpu.memref_slice %arg3[%dma_wait3A_182, %add3A_181, %dma_wait3A_183] : memref<2x2500x128xi32, #tpu.memory_space<hbm>> -> memref<1x1x128xi32, #tpu.memory_space<hbm>>
          %dma_wait3A_185 = tpu.memref_squeeze %dma_wait3A_184 : memref<1x1x128xi32, #tpu.memory_space<hbm>> -> memref<128xi32, #tpu.memory_space<hbm>>
          %dma_wait3A_186 = arith.constant 0 : i32
          %dma_wait3A_187 = tpu.memref_slice %arg3[%dma_wait3A_182, %add3A_181, %dma_wait3A_186] : memref<2x2500x128xi32, #tpu.memory_space<hbm>> -> memref<1x1x128xi32, #tpu.memory_space<hbm>>
          %dma_wait3A_188 = tpu.memref_squeeze %dma_wait3A_187 : memref<1x1x128xi32, #tpu.memory_space<hbm>> -> memref<128xi32, #tpu.memory_space<hbm>>
          tpu.wait_dma2 semaphore(%arg18 : memref<!tpu.dma_semaphore, #tpu.memory_space<semaphore_mem>>) src(%dma_wait3A_188 : memref<128xi32, #tpu.memory_space<hbm>>) dst(%arg9 : memref<128xi32, #tpu.memory_space<vmem>>)
          %dma_start3A_189 = arith.constant 0 : i32
          %dma_start3A_190 = arith.constant 0 : i32
          %dma_start3A_191 = tpu.memref_slice %arg26[%dma_start3A_189, %dma_start3A_190] : memref<10016x128xf32, #tpu.memory_space<vmem_shared>> -> memref<10016x128xf32, #tpu.memory_space<vmem_shared>>
          tpu.enqueue_indirect_dma source(%arg12 : memref<128x128xf32, #tpu.memory_space<vmem>>) target(%dma_start3A_191 : memref<10016x128xf32, #tpu.memory_space<vmem_shared>>) offsets(%arg9 : memref<128xi32, #tpu.memory_space<vmem>>) semaphore(%arg24 : memref<!tpu.dma_semaphore, #tpu.memory_space<semaphore_mem>>) {add = true}
          %add3A_192 = arith.constant 2 : i32
          %add3A_193 = arith.addi %scan3A_142, %add3A_192 : i32
          %lt3A_194 = arith.constant 80 : i32
          %lt3A_195 = arith.cmpi slt, %add3A_193, %lt3A_194 : i32
          %convert_element_type3A_196 = arith.extui %lt3A_195 : i1 to i32
          %cond3A_197 = arith.constant 0 : i32
          %cond3A_198 = arith.cmpi ne, %convert_element_type3A_196, %cond3A_197 : i32
          scf.if %cond3A_198 {
            %add3A_199 = arith.addi %select_n3A, %scan3A_142 : i32
            %add3A_200 = arith.constant 2 : i32
            %add3A_201 = arith.addi %add3A_199, %add3A_200 : i32
            %dma_start3A_202 = arith.constant 1 : i32
            %dma_start3A_203 = arith.constant 0 : i32
            %dma_start3A_204 = tpu.memref_slice %arg3[%dma_start3A_202, %add3A_201, %dma_start3A_203] : memref<2x2500x128xi32, #tpu.memory_space<hbm>> -> memref<1x1x128xi32, #tpu.memory_space<hbm>>
            %dma_start3A_205 = tpu.memref_squeeze %dma_start3A_204 : memref<1x1x128xi32, #tpu.memory_space<hbm>> -> memref<128xi32, #tpu.memory_space<hbm>>
            %dma_start3A_206 = arith.constant 0 : i32
            %dma_start3A_207 = tpu.memref_slice %arg3[%dma_start3A_202, %add3A_201, %dma_start3A_206] : memref<2x2500x128xi32, #tpu.memory_space<hbm>> -> memref<1x1x128xi32, #tpu.memory_space<hbm>>
            %dma_start3A_208 = tpu.memref_squeeze %dma_start3A_207 : memref<1x1x128xi32, #tpu.memory_space<hbm>> -> memref<128xi32, #tpu.memory_space<hbm>>
            tpu.enqueue_dma source(%dma_start3A_208 : memref<128xi32, #tpu.memory_space<hbm>>) target(%arg8 : memref<128xi32, #tpu.memory_space<vmem>>) target_semaphore(%arg17 : memref<!tpu.dma_semaphore, #tpu.memory_space<semaphore_mem>>)
          } else {
          }
        } else {
        }
        %eq3A_154 = arith.constant 2 : i32
        %eq3A_155 = arith.cmpi eq, %rem3A_143, %eq3A_154 : i32
        %convert_element_type3A_156 = arith.extui %eq3A_155 : i1 to i32
        %cond3A_157 = arith.constant 0 : i32
        %cond3A_158 = arith.cmpi ne, %convert_element_type3A_156, %cond3A_157 : i32
        scf.if %cond3A_158 {
          %dma_wait3A_159 = arith.constant 0 : i32
          %dma_wait3A_160 = arith.constant 0 : i32
          %dma_wait3A_161 = tpu.memref_slice %arg2[%dma_wait3A_159, %dma_wait3A_160] : memref<10000x128xf32, #tpu.memory_space<hbm>> -> memref<10000x128xf32, #tpu.memory_space<hbm>>
          tpu.wait_indirect_dma semaphore(%arg22 : memref<!tpu.dma_semaphore, #tpu.memory_space<semaphore_mem>>) src(%dma_wait3A_161 : memref<10000x128xf32, #tpu.memory_space<hbm>>) dst(%arg13 : memref<128x128xf32, #tpu.memory_space<vmem>>)
          %ge3A_162 = arith.constant 1 : i32
          %ge3A_163 = arith.cmpi sge, %scan3A_142, %ge3A_162 : i32
          %convert_element_type3A_164 = arith.extui %ge3A_163 : i1 to i32
          %cond3A_165 = arith.constant 0 : i32
          %cond3A_166 = arith.cmpi ne, %convert_element_type3A_164, %cond3A_165 : i32
          scf.if %cond3A_166 {
            %dma_wait3A_199 = arith.constant 0 : i32
            %dma_wait3A_200 = arith.constant 0 : i32
            %dma_wait3A_201 = tpu.memref_slice %arg26[%dma_wait3A_199, %dma_wait3A_200] : memref<10016x128xf32, #tpu.memory_space<vmem_shared>> -> memref<10016x128xf32, #tpu.memory_space<vmem_shared>>
            tpu.wait_indirect_dma semaphore(%arg24 : memref<!tpu.dma_semaphore, #tpu.memory_space<semaphore_mem>>) src(%arg12 : memref<128x128xf32, #tpu.memory_space<vmem>>) dst(%dma_wait3A_201 : memref<10016x128xf32, #tpu.memory_space<vmem_shared>>)
          } else {
          }
          %add3A_167 = arith.constant 2 : i32
          %add3A_168 = arith.addi %scan3A_142, %add3A_167 : i32
          %lt3A_169 = arith.constant 80 : i32
          %lt3A_170 = arith.cmpi slt, %add3A_168, %lt3A_169 : i32
          %convert_element_type3A_171 = arith.extui %lt3A_170 : i1 to i32
          %cond3A_172 = arith.constant 0 : i32
          %cond3A_173 = arith.cmpi ne, %convert_element_type3A_171, %cond3A_172 : i32
          scf.if %cond3A_173 {
            %add3A_199 = arith.addi %select_n3A, %scan3A_142 : i32
            %add3A_200 = arith.constant 2 : i32
            %add3A_201 = arith.addi %add3A_199, %add3A_200 : i32
            %dma_wait3A_202 = arith.constant 0 : i32
            %dma_wait3A_203 = arith.constant 0 : i32
            %dma_wait3A_204 = tpu.memref_slice %arg3[%dma_wait3A_202, %add3A_201, %dma_wait3A_203] : memref<2x2500x128xi32, #tpu.memory_space<hbm>> -> memref<1x1x128xi32, #tpu.memory_space<hbm>>
            %dma_wait3A_205 = tpu.memref_squeeze %dma_wait3A_204 : memref<1x1x128xi32, #tpu.memory_space<hbm>> -> memref<128xi32, #tpu.memory_space<hbm>>
            %dma_wait3A_206 = arith.constant 0 : i32
            %dma_wait3A_207 = tpu.memref_slice %arg3[%dma_wait3A_202, %add3A_201, %dma_wait3A_206] : memref<2x2500x128xi32, #tpu.memory_space<hbm>> -> memref<1x1x128xi32, #tpu.memory_space<hbm>>
            %dma_wait3A_208 = tpu.memref_squeeze %dma_wait3A_207 : memref<1x1x128xi32, #tpu.memory_space<hbm>> -> memref<128xi32, #tpu.memory_space<hbm>>
            tpu.wait_dma2 semaphore(%arg15 : memref<!tpu.dma_semaphore, #tpu.memory_space<semaphore_mem>>) src(%dma_wait3A_208 : memref<128xi32, #tpu.memory_space<hbm>>) dst(%arg6 : memref<128xi32, #tpu.memory_space<vmem>>)
            %dma_start3A_209 = arith.constant 0 : i32
            %dma_start3A_210 = arith.constant 0 : i32
            %dma_start3A_211 = tpu.memref_slice %arg2[%dma_start3A_209, %dma_start3A_210] : memref<10000x128xf32, #tpu.memory_space<hbm>> -> memref<10000x128xf32, #tpu.memory_space<hbm>>
            tpu.enqueue_indirect_dma source(%dma_start3A_211 : memref<10000x128xf32, #tpu.memory_space<hbm>>) target(%arg12 : memref<128x128xf32, #tpu.memory_space<vmem>>) offsets(%arg6 : memref<128xi32, #tpu.memory_space<vmem>>) semaphore(%arg21 : memref<!tpu.dma_semaphore, #tpu.memory_space<semaphore_mem>>)
          } else {
          }
          %add3A_174 = arith.constant 3 : i32
          %add3A_175 = arith.addi %scan3A_142, %add3A_174 : i32
          %lt3A_176 = arith.constant 80 : i32
          %lt3A_177 = arith.cmpi slt, %add3A_175, %lt3A_176 : i32
          %convert_element_type3A_178 = arith.extui %lt3A_177 : i1 to i32
          %cond3A_179 = arith.constant 0 : i32
          %cond3A_180 = arith.cmpi ne, %convert_element_type3A_178, %cond3A_179 : i32
          scf.if %cond3A_180 {
            %add3A_199 = arith.addi %select_n3A, %scan3A_142 : i32
            %add3A_200 = arith.constant 3 : i32
            %add3A_201 = arith.addi %add3A_199, %add3A_200 : i32
            %dma_start3A_202 = arith.constant 0 : i32
            %dma_start3A_203 = arith.constant 0 : i32
            %dma_start3A_204 = tpu.memref_slice %arg3[%dma_start3A_202, %add3A_201, %dma_start3A_203] : memref<2x2500x128xi32, #tpu.memory_space<hbm>> -> memref<1x1x128xi32, #tpu.memory_space<hbm>>
            %dma_start3A_205 = tpu.memref_squeeze %dma_start3A_204 : memref<1x1x128xi32, #tpu.memory_space<hbm>> -> memref<128xi32, #tpu.memory_space<hbm>>
            %dma_start3A_206 = arith.constant 0 : i32
            %dma_start3A_207 = tpu.memref_slice %arg3[%dma_start3A_202, %add3A_201, %dma_start3A_206] : memref<2x2500x128xi32, #tpu.memory_space<hbm>> -> memref<1x1x128xi32, #tpu.memory_space<hbm>>
            %dma_start3A_208 = tpu.memref_squeeze %dma_start3A_207 : memref<1x1x128xi32, #tpu.memory_space<hbm>> -> memref<128xi32, #tpu.memory_space<hbm>>
            tpu.enqueue_dma source(%dma_start3A_208 : memref<128xi32, #tpu.memory_space<hbm>>) target(%arg7 : memref<128xi32, #tpu.memory_space<vmem>>) target_semaphore(%arg16 : memref<!tpu.dma_semaphore, #tpu.memory_space<semaphore_mem>>)
          } else {
          }
          %add3A_181 = arith.addi %select_n3A, %scan3A_142 : i32
          %dma_wait3A_182 = arith.constant 1 : i32
          %dma_wait3A_183 = arith.constant 0 : i32
          %dma_wait3A_184 = tpu.memref_slice %arg3[%dma_wait3A_182, %add3A_181, %dma_wait3A_183] : memref<2x2500x128xi32, #tpu.memory_space<hbm>> -> memref<1x1x128xi32, #tpu.memory_space<hbm>>
          %dma_wait3A_185 = tpu.memref_squeeze %dma_wait3A_184 : memref<1x1x128xi32, #tpu.memory_space<hbm>> -> memref<128xi32, #tpu.memory_space<hbm>>
          %dma_wait3A_186 = arith.constant 0 : i32
          %dma_wait3A_187 = tpu.memref_slice %arg3[%dma_wait3A_182, %add3A_181, %dma_wait3A_186] : memref<2x2500x128xi32, #tpu.memory_space<hbm>> -> memref<1x1x128xi32, #tpu.memory_space<hbm>>
          %dma_wait3A_188 = tpu.memref_squeeze %dma_wait3A_187 : memref<1x1x128xi32, #tpu.memory_space<hbm>> -> memref<128xi32, #tpu.memory_space<hbm>>
          tpu.wait_dma2 semaphore(%arg19 : memref<!tpu.dma_semaphore, #tpu.memory_space<semaphore_mem>>) src(%dma_wait3A_188 : memref<128xi32, #tpu.memory_space<hbm>>) dst(%arg10 : memref<128xi32, #tpu.memory_space<vmem>>)
          %dma_start3A_189 = arith.constant 0 : i32
          %dma_start3A_190 = arith.constant 0 : i32
          %dma_start3A_191 = tpu.memref_slice %arg26[%dma_start3A_189, %dma_start3A_190] : memref<10016x128xf32, #tpu.memory_space<vmem_shared>> -> memref<10016x128xf32, #tpu.memory_space<vmem_shared>>
          tpu.enqueue_indirect_dma source(%arg13 : memref<128x128xf32, #tpu.memory_space<vmem>>) target(%dma_start3A_191 : memref<10016x128xf32, #tpu.memory_space<vmem_shared>>) offsets(%arg10 : memref<128xi32, #tpu.memory_space<vmem>>) semaphore(%arg25 : memref<!tpu.dma_semaphore, #tpu.memory_space<semaphore_mem>>) {add = true}
          %add3A_192 = arith.constant 2 : i32
          %add3A_193 = arith.addi %scan3A_142, %add3A_192 : i32
          %lt3A_194 = arith.constant 80 : i32
          %lt3A_195 = arith.cmpi slt, %add3A_193, %lt3A_194 : i32
          %convert_element_type3A_196 = arith.extui %lt3A_195 : i1 to i32
          %cond3A_197 = arith.constant 0 : i32
          %cond3A_198 = arith.cmpi ne, %convert_element_type3A_196, %cond3A_197 : i32
          scf.if %cond3A_198 {
            %add3A_199 = arith.addi %select_n3A, %scan3A_142 : i32
            %add3A_200 = arith.constant 2 : i32
            %add3A_201 = arith.addi %add3A_199, %add3A_200 : i32
            %dma_start3A_202 = arith.constant 1 : i32
            %dma_start3A_203 = arith.constant 0 : i32
            %dma_start3A_204 = tpu.memref_slice %arg3[%dma_start3A_202, %add3A_201, %dma_start3A_203] : memref<2x2500x128xi32, #tpu.memory_space<hbm>> -> memref<1x1x128xi32, #tpu.memory_space<hbm>>
            %dma_start3A_205 = tpu.memref_squeeze %dma_start3A_204 : memref<1x1x128xi32, #tpu.memory_space<hbm>> -> memref<128xi32, #tpu.memory_space<hbm>>
            %dma_start3A_206 = arith.constant 0 : i32
            %dma_start3A_207 = tpu.memref_slice %arg3[%dma_start3A_202, %add3A_201, %dma_start3A_206] : memref<2x2500x128xi32, #tpu.memory_space<hbm>> -> memref<1x1x128xi32, #tpu.memory_space<hbm>>
            %dma_start3A_208 = tpu.memref_squeeze %dma_start3A_207 : memref<1x1x128xi32, #tpu.memory_space<hbm>> -> memref<128xi32, #tpu.memory_space<hbm>>
            tpu.enqueue_dma source(%dma_start3A_208 : memref<128xi32, #tpu.memory_space<hbm>>) target(%arg9 : memref<128xi32, #tpu.memory_space<vmem>>) target_semaphore(%arg18 : memref<!tpu.dma_semaphore, #tpu.memory_space<semaphore_mem>>)
          } else {
          }
        } else {
        }
      }
      %scan3A_138 = arith.constant 80 : i32
      %dma_wait3A_139 = arith.constant 0 : i32
      %dma_wait3A_140 = arith.constant 0 : i32
      %dma_wait3A_141 = tpu.memref_slice %arg26[%dma_wait3A_139, %dma_wait3A_140] : memref<10016x128xf32, #tpu.memory_space<vmem_shared>> -> memref<10016x128xf32, #tpu.memory_space<vmem_shared>>
      tpu.wait_indirect_dma semaphore(%arg24 : memref<!tpu.dma_semaphore, #tpu.memory_space<semaphore_mem>>) src(%arg12 : memref<128x128xf32, #tpu.memory_space<vmem>>) dst(%dma_wait3A_141 : memref<10016x128xf32, #tpu.memory_space<vmem_shared>>)
    } else {
    }
    %eq3A_41 = arith.constant 1 : i32
    %eq3A_42 = arith.cmpi eq, %arg0, %eq3A_41 : i32
    %lt3A_43 = arith.constant 4 : i32
    %lt3A_44 = arith.cmpi slt, %arg1, %lt3A_43 : i32
    %and3A = arith.andi %eq3A_42, %lt3A_44 : i1
    %convert_element_type3A_45 = arith.extui %and3A : i1 to i32
    %cond3A_46 = arith.constant 0 : i32
    %cond3A_47 = arith.cmpi ne, %convert_element_type3A_45, %cond3A_46 : i32
    scf.if %cond3A_47 {
      %add3A_66 = arith.constant 0 : i32
      %add3A_67 = arith.addi %select_n3A, %add3A_66 : i32
      %dma_start3A = arith.constant 0 : i32
      %dma_start3A_68 = arith.constant 0 : i32
      %dma_start3A_69 = tpu.memref_slice %arg3[%dma_start3A, %add3A_67, %dma_start3A_68] : memref<2x2500x128xi32, #tpu.memory_space<hbm>> -> memref<1x1x128xi32, #tpu.memory_space<hbm>>
      %dma_start3A_70 = tpu.memref_squeeze %dma_start3A_69 : memref<1x1x128xi32, #tpu.memory_space<hbm>> -> memref<128xi32, #tpu.memory_space<hbm>>
      %dma_start3A_71 = arith.constant 0 : i32
      %dma_start3A_72 = tpu.memref_slice %arg3[%dma_start3A, %add3A_67, %dma_start3A_71] : memref<2x2500x128xi32, #tpu.memory_space<hbm>> -> memref<1x1x128xi32, #tpu.memory_space<hbm>>
      %dma_start3A_73 = tpu.memref_squeeze %dma_start3A_72 : memref<1x1x128xi32, #tpu.memory_space<hbm>> -> memref<128xi32, #tpu.memory_space<hbm>>
      tpu.enqueue_dma source(%dma_start3A_73 : memref<128xi32, #tpu.memory_space<hbm>>) target(%arg5 : memref<128xi32, #tpu.memory_space<vmem>>) target_semaphore(%arg14 : memref<!tpu.dma_semaphore, #tpu.memory_space<semaphore_mem>>)
      %add3A_74 = arith.constant 1 : i32
      %add3A_75 = arith.addi %select_n3A, %add3A_74 : i32
      %dma_start3A_76 = arith.constant 0 : i32
      %dma_start3A_77 = arith.constant 0 : i32
      %dma_start3A_78 = tpu.memref_slice %arg3[%dma_start3A_76, %add3A_75, %dma_start3A_77] : memref<2x2500x128xi32, #tpu.memory_space<hbm>> -> memref<1x1x128xi32, #tpu.memory_space<hbm>>
      %dma_start3A_79 = tpu.memref_squeeze %dma_start3A_78 : memref<1x1x128xi32, #tpu.memory_space<hbm>> -> memref<128xi32, #tpu.memory_space<hbm>>
      %dma_start3A_80 = arith.constant 0 : i32
      %dma_start3A_81 = tpu.memref_slice %arg3[%dma_start3A_76, %add3A_75, %dma_start3A_80] : memref<2x2500x128xi32, #tpu.memory_space<hbm>> -> memref<1x1x128xi32, #tpu.memory_space<hbm>>
      %dma_start3A_82 = tpu.memref_squeeze %dma_start3A_81 : memref<1x1x128xi32, #tpu.memory_space<hbm>> -> memref<128xi32, #tpu.memory_space<hbm>>
      tpu.enqueue_dma source(%dma_start3A_82 : memref<128xi32, #tpu.memory_space<hbm>>) target(%arg6 : memref<128xi32, #tpu.memory_space<vmem>>) target_semaphore(%arg15 : memref<!tpu.dma_semaphore, #tpu.memory_space<semaphore_mem>>)
      %add3A_83 = arith.constant 2 : i32
      %add3A_84 = arith.addi %select_n3A, %add3A_83 : i32
      %dma_start3A_85 = arith.constant 0 : i32
      %dma_start3A_86 = arith.constant 0 : i32
      %dma_start3A_87 = tpu.memref_slice %arg3[%dma_start3A_85, %add3A_84, %dma_start3A_86] : memref<2x2500x128xi32, #tpu.memory_space<hbm>> -> memref<1x1x128xi32, #tpu.memory_space<hbm>>
      %dma_start3A_88 = tpu.memref_squeeze %dma_start3A_87 : memref<1x1x128xi32, #tpu.memory_space<hbm>> -> memref<128xi32, #tpu.memory_space<hbm>>
      %dma_start3A_89 = arith.constant 0 : i32
      %dma_start3A_90 = tpu.memref_slice %arg3[%dma_start3A_85, %add3A_84, %dma_start3A_89] : memref<2x2500x128xi32, #tpu.memory_space<hbm>> -> memref<1x1x128xi32, #tpu.memory_space<hbm>>
      %dma_start3A_91 = tpu.memref_squeeze %dma_start3A_90 : memref<1x1x128xi32, #tpu.memory_space<hbm>> -> memref<128xi32, #tpu.memory_space<hbm>>
      tpu.enqueue_dma source(%dma_start3A_91 : memref<128xi32, #tpu.memory_space<hbm>>) target(%arg7 : memref<128xi32, #tpu.memory_space<vmem>>) target_semaphore(%arg16 : memref<!tpu.dma_semaphore, #tpu.memory_space<semaphore_mem>>)
      %add3A_92 = arith.constant 0 : i32
      %add3A_93 = arith.addi %select_n3A, %add3A_92 : i32
      %dma_start3A_94 = arith.constant 1 : i32
      %dma_start3A_95 = arith.constant 0 : i32
      %dma_start3A_96 = tpu.memref_slice %arg3[%dma_start3A_94, %add3A_93, %dma_start3A_95] : memref<2x2500x128xi32, #tpu.memory_space<hbm>> -> memref<1x1x128xi32, #tpu.memory_space<hbm>>
      %dma_start3A_97 = tpu.memref_squeeze %dma_start3A_96 : memref<1x1x128xi32, #tpu.memory_space<hbm>> -> memref<128xi32, #tpu.memory_space<hbm>>
      %dma_start3A_98 = arith.constant 0 : i32
      %dma_start3A_99 = tpu.memref_slice %arg3[%dma_start3A_94, %add3A_93, %dma_start3A_98] : memref<2x2500x128xi32, #tpu.memory_space<hbm>> -> memref<1x1x128xi32, #tpu.memory_space<hbm>>
      %dma_start3A_100 = tpu.memref_squeeze %dma_start3A_99 : memref<1x1x128xi32, #tpu.memory_space<hbm>> -> memref<128xi32, #tpu.memory_space<hbm>>
      tpu.enqueue_dma source(%dma_start3A_100 : memref<128xi32, #tpu.memory_space<hbm>>) target(%arg8 : memref<128xi32, #tpu.memory_space<vmem>>) target_semaphore(%arg17 : memref<!tpu.dma_semaphore, #tpu.memory_space<semaphore_mem>>)
      %add3A_101 = arith.constant 1 : i32
      %add3A_102 = arith.addi %select_n3A, %add3A_101 : i32
      %dma_start3A_103 = arith.constant 1 : i32
      %dma_start3A_104 = arith.constant 0 : i32
      %dma_start3A_105 = tpu.memref_slice %arg3[%dma_start3A_103, %add3A_102, %dma_start3A_104] : memref<2x2500x128xi32, #tpu.memory_space<hbm>> -> memref<1x1x128xi32, #tpu.memory_space<hbm>>
      %dma_start3A_106 = tpu.memref_squeeze %dma_start3A_105 : memref<1x1x128xi32, #tpu.memory_space<hbm>> -> memref<128xi32, #tpu.memory_space<hbm>>
      %dma_start3A_107 = arith.constant 0 : i32
      %dma_start3A_108 = tpu.memref_slice %arg3[%dma_start3A_103, %add3A_102, %dma_start3A_107] : memref<2x2500x128xi32, #tpu.memory_space<hbm>> -> memref<1x1x128xi32, #tpu.memory_space<hbm>>
      %dma_start3A_109 = tpu.memref_squeeze %dma_start3A_108 : memref<1x1x128xi32, #tpu.memory_space<hbm>> -> memref<128xi32, #tpu.memory_space<hbm>>
      tpu.enqueue_dma source(%dma_start3A_109 : memref<128xi32, #tpu.memory_space<hbm>>) target(%arg9 : memref<128xi32, #tpu.memory_space<vmem>>) target_semaphore(%arg18 : memref<!tpu.dma_semaphore, #tpu.memory_space<semaphore_mem>>)
      %add3A_110 = arith.constant 0 : i32
      %add3A_111 = arith.addi %select_n3A, %add3A_110 : i32
      %dma_wait3A = arith.constant 0 : i32
      %dma_wait3A_112 = arith.constant 0 : i32
      %dma_wait3A_113 = tpu.memref_slice %arg3[%dma_wait3A, %add3A_111, %dma_wait3A_112] : memref<2x2500x128xi32, #tpu.memory_space<hbm>> -> memref<1x1x128xi32, #tpu.memory_space<hbm>>
      %dma_wait3A_114 = tpu.memref_squeeze %dma_wait3A_113 : memref<1x1x128xi32, #tpu.memory_space<hbm>> -> memref<128xi32, #tpu.memory_space<hbm>>
      %dma_wait3A_115 = arith.constant 0 : i32
      %dma_wait3A_116 = tpu.memref_slice %arg3[%dma_wait3A, %add3A_111, %dma_wait3A_115] : memref<2x2500x128xi32, #tpu.memory_space<hbm>> -> memref<1x1x128xi32, #tpu.memory_space<hbm>>
      %dma_wait3A_117 = tpu.memref_squeeze %dma_wait3A_116 : memref<1x1x128xi32, #tpu.memory_space<hbm>> -> memref<128xi32, #tpu.memory_space<hbm>>
      tpu.wait_dma2 semaphore(%arg14 : memref<!tpu.dma_semaphore, #tpu.memory_space<semaphore_mem>>) src(%dma_wait3A_117 : memref<128xi32, #tpu.memory_space<hbm>>) dst(%arg5 : memref<128xi32, #tpu.memory_space<vmem>>)
      %dma_start3A_118 = arith.constant 0 : i32
      %dma_start3A_119 = arith.constant 0 : i32
      %dma_start3A_120 = tpu.memref_slice %arg2[%dma_start3A_118, %dma_start3A_119] : memref<10000x128xf32, #tpu.memory_space<hbm>> -> memref<10000x128xf32, #tpu.memory_space<hbm>>
      tpu.enqueue_indirect_dma source(%dma_start3A_120 : memref<10000x128xf32, #tpu.memory_space<hbm>>) target(%arg11 : memref<128x128xf32, #tpu.memory_space<vmem>>) offsets(%arg5 : memref<128xi32, #tpu.memory_space<vmem>>) semaphore(%arg20 : memref<!tpu.dma_semaphore, #tpu.memory_space<semaphore_mem>>)
      %add3A_121 = arith.constant 1 : i32
      %add3A_122 = arith.addi %select_n3A, %add3A_121 : i32
      %dma_wait3A_123 = arith.constant 0 : i32
      %dma_wait3A_124 = arith.constant 0 : i32
      %dma_wait3A_125 = tpu.memref_slice %arg3[%dma_wait3A_123, %add3A_122, %dma_wait3A_124] : memref<2x2500x128xi32, #tpu.memory_space<hbm>> -> memref<1x1x128xi32, #tpu.memory_space<hbm>>
      %dma_wait3A_126 = tpu.memref_squeeze %dma_wait3A_125 : memref<1x1x128xi32, #tpu.memory_space<hbm>> -> memref<128xi32, #tpu.memory_space<hbm>>
      %dma_wait3A_127 = arith.constant 0 : i32
      %dma_wait3A_128 = tpu.memref_slice %arg3[%dma_wait3A_123, %add3A_122, %dma_wait3A_127] : memref<2x2500x128xi32, #tpu.memory_space<hbm>> -> memref<1x1x128xi32, #tpu.memory_space<hbm>>
      %dma_wait3A_129 = tpu.memref_squeeze %dma_wait3A_128 : memref<1x1x128xi32, #tpu.memory_space<hbm>> -> memref<128xi32, #tpu.memory_space<hbm>>
      tpu.wait_dma2 semaphore(%arg15 : memref<!tpu.dma_semaphore, #tpu.memory_space<semaphore_mem>>) src(%dma_wait3A_129 : memref<128xi32, #tpu.memory_space<hbm>>) dst(%arg6 : memref<128xi32, #tpu.memory_space<vmem>>)
      %dma_start3A_130 = arith.constant 0 : i32
      %dma_start3A_131 = arith.constant 0 : i32
      %dma_start3A_132 = tpu.memref_slice %arg2[%dma_start3A_130, %dma_start3A_131] : memref<10000x128xf32, #tpu.memory_space<hbm>> -> memref<10000x128xf32, #tpu.memory_space<hbm>>
      tpu.enqueue_indirect_dma source(%dma_start3A_132 : memref<10000x128xf32, #tpu.memory_space<hbm>>) target(%arg12 : memref<128x128xf32, #tpu.memory_space<vmem>>) offsets(%arg6 : memref<128xi32, #tpu.memory_space<vmem>>) semaphore(%arg21 : memref<!tpu.dma_semaphore, #tpu.memory_space<semaphore_mem>>)
      %scan3A_133 = arith.constant 0 : i32
      %scan3A_134 = arith.constant 0 : i32
      %scan3A_135 = arith.constant 77 : i32
      %scan3A_136 = arith.addi %scan3A_134, %scan3A_135 : i32
      %scan3A_137 = arith.constant 1 : i32
      scf.for %scan3A_142 = %scan3A_134 to %scan3A_136 step %scan3A_137  : i32 {
        %rem3A = arith.constant 3 : i32
        %rem3A_143 = arith.remsi %scan3A_142, %rem3A : i32
        %eq3A_144 = arith.constant 0 : i32
        %eq3A_145 = arith.cmpi eq, %rem3A_143, %eq3A_144 : i32
        %convert_element_type3A_146 = arith.extui %eq3A_145 : i1 to i32
        %cond3A_147 = arith.constant 0 : i32
        %cond3A_148 = arith.cmpi ne, %convert_element_type3A_146, %cond3A_147 : i32
        scf.if %cond3A_148 {
          %dma_wait3A_159 = arith.constant 0 : i32
          %dma_wait3A_160 = arith.constant 0 : i32
          %dma_wait3A_161 = tpu.memref_slice %arg2[%dma_wait3A_159, %dma_wait3A_160] : memref<10000x128xf32, #tpu.memory_space<hbm>> -> memref<10000x128xf32, #tpu.memory_space<hbm>>
          tpu.wait_indirect_dma semaphore(%arg20 : memref<!tpu.dma_semaphore, #tpu.memory_space<semaphore_mem>>) src(%dma_wait3A_161 : memref<10000x128xf32, #tpu.memory_space<hbm>>) dst(%arg11 : memref<128x128xf32, #tpu.memory_space<vmem>>)
          %ge3A_162 = arith.constant 1 : i32
          %ge3A_163 = arith.cmpi sge, %scan3A_142, %ge3A_162 : i32
          %convert_element_type3A_164 = arith.extui %ge3A_163 : i1 to i32
          %cond3A_165 = arith.constant 0 : i32
          %cond3A_166 = arith.cmpi ne, %convert_element_type3A_164, %cond3A_165 : i32
          scf.if %cond3A_166 {
            %dma_wait3A_199 = arith.constant 0 : i32
            %dma_wait3A_200 = arith.constant 0 : i32
            %dma_wait3A_201 = tpu.memref_slice %arg26[%dma_wait3A_199, %dma_wait3A_200] : memref<10016x128xf32, #tpu.memory_space<vmem_shared>> -> memref<10016x128xf32, #tpu.memory_space<vmem_shared>>
            tpu.wait_indirect_dma semaphore(%arg25 : memref<!tpu.dma_semaphore, #tpu.memory_space<semaphore_mem>>) src(%arg13 : memref<128x128xf32, #tpu.memory_space<vmem>>) dst(%dma_wait3A_201 : memref<10016x128xf32, #tpu.memory_space<vmem_shared>>)
          } else {
          }
          %add3A_167 = arith.constant 2 : i32
          %add3A_168 = arith.addi %scan3A_142, %add3A_167 : i32
          %lt3A_169 = arith.constant 77 : i32
          %lt3A_170 = arith.cmpi slt, %add3A_168, %lt3A_169 : i32
          %convert_element_type3A_171 = arith.extui %lt3A_170 : i1 to i32
          %cond3A_172 = arith.constant 0 : i32
          %cond3A_173 = arith.cmpi ne, %convert_element_type3A_171, %cond3A_172 : i32
          scf.if %cond3A_173 {
            %add3A_199 = arith.addi %select_n3A, %scan3A_142 : i32
            %add3A_200 = arith.constant 2 : i32
            %add3A_201 = arith.addi %add3A_199, %add3A_200 : i32
            %dma_wait3A_202 = arith.constant 0 : i32
            %dma_wait3A_203 = arith.constant 0 : i32
            %dma_wait3A_204 = tpu.memref_slice %arg3[%dma_wait3A_202, %add3A_201, %dma_wait3A_203] : memref<2x2500x128xi32, #tpu.memory_space<hbm>> -> memref<1x1x128xi32, #tpu.memory_space<hbm>>
            %dma_wait3A_205 = tpu.memref_squeeze %dma_wait3A_204 : memref<1x1x128xi32, #tpu.memory_space<hbm>> -> memref<128xi32, #tpu.memory_space<hbm>>
            %dma_wait3A_206 = arith.constant 0 : i32
            %dma_wait3A_207 = tpu.memref_slice %arg3[%dma_wait3A_202, %add3A_201, %dma_wait3A_206] : memref<2x2500x128xi32, #tpu.memory_space<hbm>> -> memref<1x1x128xi32, #tpu.memory_space<hbm>>
            %dma_wait3A_208 = tpu.memref_squeeze %dma_wait3A_207 : memref<1x1x128xi32, #tpu.memory_space<hbm>> -> memref<128xi32, #tpu.memory_space<hbm>>
            tpu.wait_dma2 semaphore(%arg16 : memref<!tpu.dma_semaphore, #tpu.memory_space<semaphore_mem>>) src(%dma_wait3A_208 : memref<128xi32, #tpu.memory_space<hbm>>) dst(%arg7 : memref<128xi32, #tpu.memory_space<vmem>>)
            %dma_start3A_209 = arith.constant 0 : i32
            %dma_start3A_210 = arith.constant 0 : i32
            %dma_start3A_211 = tpu.memref_slice %arg2[%dma_start3A_209, %dma_start3A_210] : memref<10000x128xf32, #tpu.memory_space<hbm>> -> memref<10000x128xf32, #tpu.memory_space<hbm>>
            tpu.enqueue_indirect_dma source(%dma_start3A_211 : memref<10000x128xf32, #tpu.memory_space<hbm>>) target(%arg13 : memref<128x128xf32, #tpu.memory_space<vmem>>) offsets(%arg7 : memref<128xi32, #tpu.memory_space<vmem>>) semaphore(%arg22 : memref<!tpu.dma_semaphore, #tpu.memory_space<semaphore_mem>>)
          } else {
          }
          %add3A_174 = arith.constant 3 : i32
          %add3A_175 = arith.addi %scan3A_142, %add3A_174 : i32
          %lt3A_176 = arith.constant 77 : i32
          %lt3A_177 = arith.cmpi slt, %add3A_175, %lt3A_176 : i32
          %convert_element_type3A_178 = arith.extui %lt3A_177 : i1 to i32
          %cond3A_179 = arith.constant 0 : i32
          %cond3A_180 = arith.cmpi ne, %convert_element_type3A_178, %cond3A_179 : i32
          scf.if %cond3A_180 {
            %add3A_199 = arith.addi %select_n3A, %scan3A_142 : i32
            %add3A_200 = arith.constant 3 : i32
            %add3A_201 = arith.addi %add3A_199, %add3A_200 : i32
            %dma_start3A_202 = arith.constant 0 : i32
            %dma_start3A_203 = arith.constant 0 : i32
            %dma_start3A_204 = tpu.memref_slice %arg3[%dma_start3A_202, %add3A_201, %dma_start3A_203] : memref<2x2500x128xi32, #tpu.memory_space<hbm>> -> memref<1x1x128xi32, #tpu.memory_space<hbm>>
            %dma_start3A_205 = tpu.memref_squeeze %dma_start3A_204 : memref<1x1x128xi32, #tpu.memory_space<hbm>> -> memref<128xi32, #tpu.memory_space<hbm>>
            %dma_start3A_206 = arith.constant 0 : i32
            %dma_start3A_207 = tpu.memref_slice %arg3[%dma_start3A_202, %add3A_201, %dma_start3A_206] : memref<2x2500x128xi32, #tpu.memory_space<hbm>> -> memref<1x1x128xi32, #tpu.memory_space<hbm>>
            %dma_start3A_208 = tpu.memref_squeeze %dma_start3A_207 : memref<1x1x128xi32, #tpu.memory_space<hbm>> -> memref<128xi32, #tpu.memory_space<hbm>>
            tpu.enqueue_dma source(%dma_start3A_208 : memref<128xi32, #tpu.memory_space<hbm>>) target(%arg5 : memref<128xi32, #tpu.memory_space<vmem>>) target_semaphore(%arg14 : memref<!tpu.dma_semaphore, #tpu.memory_space<semaphore_mem>>)
          } else {
          }
          %add3A_181 = arith.addi %select_n3A, %scan3A_142 : i32
          %dma_wait3A_182 = arith.constant 1 : i32
          %dma_wait3A_183 = arith.constant 0 : i32
          %dma_wait3A_184 = tpu.memref_slice %arg3[%dma_wait3A_182, %add3A_181, %dma_wait3A_183] : memref<2x2500x128xi32, #tpu.memory_space<hbm>> -> memref<1x1x128xi32, #tpu.memory_space<hbm>>
          %dma_wait3A_185 = tpu.memref_squeeze %dma_wait3A_184 : memref<1x1x128xi32, #tpu.memory_space<hbm>> -> memref<128xi32, #tpu.memory_space<hbm>>
          %dma_wait3A_186 = arith.constant 0 : i32
          %dma_wait3A_187 = tpu.memref_slice %arg3[%dma_wait3A_182, %add3A_181, %dma_wait3A_186] : memref<2x2500x128xi32, #tpu.memory_space<hbm>> -> memref<1x1x128xi32, #tpu.memory_space<hbm>>
          %dma_wait3A_188 = tpu.memref_squeeze %dma_wait3A_187 : memref<1x1x128xi32, #tpu.memory_space<hbm>> -> memref<128xi32, #tpu.memory_space<hbm>>
          tpu.wait_dma2 semaphore(%arg17 : memref<!tpu.dma_semaphore, #tpu.memory_space<semaphore_mem>>) src(%dma_wait3A_188 : memref<128xi32, #tpu.memory_space<hbm>>) dst(%arg8 : memref<128xi32, #tpu.memory_space<vmem>>)
          %dma_start3A_189 = arith.constant 0 : i32
          %dma_start3A_190 = arith.constant 0 : i32
          %dma_start3A_191 = tpu.memref_slice %arg26[%dma_start3A_189, %dma_start3A_190] : memref<10016x128xf32, #tpu.memory_space<vmem_shared>> -> memref<10016x128xf32, #tpu.memory_space<vmem_shared>>
          tpu.enqueue_indirect_dma source(%arg11 : memref<128x128xf32, #tpu.memory_space<vmem>>) target(%dma_start3A_191 : memref<10016x128xf32, #tpu.memory_space<vmem_shared>>) offsets(%arg8 : memref<128xi32, #tpu.memory_space<vmem>>) semaphore(%arg23 : memref<!tpu.dma_semaphore, #tpu.memory_space<semaphore_mem>>) {add = true}
          %add3A_192 = arith.constant 2 : i32
          %add3A_193 = arith.addi %scan3A_142, %add3A_192 : i32
          %lt3A_194 = arith.constant 77 : i32
          %lt3A_195 = arith.cmpi slt, %add3A_193, %lt3A_194 : i32
          %convert_element_type3A_196 = arith.extui %lt3A_195 : i1 to i32
          %cond3A_197 = arith.constant 0 : i32
          %cond3A_198 = arith.cmpi ne, %convert_element_type3A_196, %cond3A_197 : i32
          scf.if %cond3A_198 {
            %add3A_199 = arith.addi %select_n3A, %scan3A_142 : i32
            %add3A_200 = arith.constant 2 : i32
            %add3A_201 = arith.addi %add3A_199, %add3A_200 : i32
            %dma_start3A_202 = arith.constant 1 : i32
            %dma_start3A_203 = arith.constant 0 : i32
            %dma_start3A_204 = tpu.memref_slice %arg3[%dma_start3A_202, %add3A_201, %dma_start3A_203] : memref<2x2500x128xi32, #tpu.memory_space<hbm>> -> memref<1x1x128xi32, #tpu.memory_space<hbm>>
            %dma_start3A_205 = tpu.memref_squeeze %dma_start3A_204 : memref<1x1x128xi32, #tpu.memory_space<hbm>> -> memref<128xi32, #tpu.memory_space<hbm>>
            %dma_start3A_206 = arith.constant 0 : i32
            %dma_start3A_207 = tpu.memref_slice %arg3[%dma_start3A_202, %add3A_201, %dma_start3A_206] : memref<2x2500x128xi32, #tpu.memory_space<hbm>> -> memref<1x1x128xi32, #tpu.memory_space<hbm>>
            %dma_start3A_208 = tpu.memref_squeeze %dma_start3A_207 : memref<1x1x128xi32, #tpu.memory_space<hbm>> -> memref<128xi32, #tpu.memory_space<hbm>>
            tpu.enqueue_dma source(%dma_start3A_208 : memref<128xi32, #tpu.memory_space<hbm>>) target(%arg10 : memref<128xi32, #tpu.memory_space<vmem>>) target_semaphore(%arg19 : memref<!tpu.dma_semaphore, #tpu.memory_space<semaphore_mem>>)
          } else {
          }
        } else {
        }
        %eq3A_149 = arith.constant 1 : i32
        %eq3A_150 = arith.cmpi eq, %rem3A_143, %eq3A_149 : i32
        %convert_element_type3A_151 = arith.extui %eq3A_150 : i1 to i32
        %cond3A_152 = arith.constant 0 : i32
        %cond3A_153 = arith.cmpi ne, %convert_element_type3A_151, %cond3A_152 : i32
        scf.if %cond3A_153 {
          %dma_wait3A_159 = arith.constant 0 : i32
          %dma_wait3A_160 = arith.constant 0 : i32
          %dma_wait3A_161 = tpu.memref_slice %arg2[%dma_wait3A_159, %dma_wait3A_160] : memref<10000x128xf32, #tpu.memory_space<hbm>> -> memref<10000x128xf32, #tpu.memory_space<hbm>>
          tpu.wait_indirect_dma semaphore(%arg21 : memref<!tpu.dma_semaphore, #tpu.memory_space<semaphore_mem>>) src(%dma_wait3A_161 : memref<10000x128xf32, #tpu.memory_space<hbm>>) dst(%arg12 : memref<128x128xf32, #tpu.memory_space<vmem>>)
          %ge3A_162 = arith.constant 1 : i32
          %ge3A_163 = arith.cmpi sge, %scan3A_142, %ge3A_162 : i32
          %convert_element_type3A_164 = arith.extui %ge3A_163 : i1 to i32
          %cond3A_165 = arith.constant 0 : i32
          %cond3A_166 = arith.cmpi ne, %convert_element_type3A_164, %cond3A_165 : i32
          scf.if %cond3A_166 {
            %dma_wait3A_199 = arith.constant 0 : i32
            %dma_wait3A_200 = arith.constant 0 : i32
            %dma_wait3A_201 = tpu.memref_slice %arg26[%dma_wait3A_199, %dma_wait3A_200] : memref<10016x128xf32, #tpu.memory_space<vmem_shared>> -> memref<10016x128xf32, #tpu.memory_space<vmem_shared>>
            tpu.wait_indirect_dma semaphore(%arg23 : memref<!tpu.dma_semaphore, #tpu.memory_space<semaphore_mem>>) src(%arg11 : memref<128x128xf32, #tpu.memory_space<vmem>>) dst(%dma_wait3A_201 : memref<10016x128xf32, #tpu.memory_space<vmem_shared>>)
          } else {
          }
          %add3A_167 = arith.constant 2 : i32
          %add3A_168 = arith.addi %scan3A_142, %add3A_167 : i32
          %lt3A_169 = arith.constant 77 : i32
          %lt3A_170 = arith.cmpi slt, %add3A_168, %lt3A_169 : i32
          %convert_element_type3A_171 = arith.extui %lt3A_170 : i1 to i32
          %cond3A_172 = arith.constant 0 : i32
          %cond3A_173 = arith.cmpi ne, %convert_element_type3A_171, %cond3A_172 : i32
          scf.if %cond3A_173 {
            %add3A_199 = arith.addi %select_n3A, %scan3A_142 : i32
            %add3A_200 = arith.constant 2 : i32
            %add3A_201 = arith.addi %add3A_199, %add3A_200 : i32
            %dma_wait3A_202 = arith.constant 0 : i32
            %dma_wait3A_203 = arith.constant 0 : i32
            %dma_wait3A_204 = tpu.memref_slice %arg3[%dma_wait3A_202, %add3A_201, %dma_wait3A_203] : memref<2x2500x128xi32, #tpu.memory_space<hbm>> -> memref<1x1x128xi32, #tpu.memory_space<hbm>>
            %dma_wait3A_205 = tpu.memref_squeeze %dma_wait3A_204 : memref<1x1x128xi32, #tpu.memory_space<hbm>> -> memref<128xi32, #tpu.memory_space<hbm>>
            %dma_wait3A_206 = arith.constant 0 : i32
            %dma_wait3A_207 = tpu.memref_slice %arg3[%dma_wait3A_202, %add3A_201, %dma_wait3A_206] : memref<2x2500x128xi32, #tpu.memory_space<hbm>> -> memref<1x1x128xi32, #tpu.memory_space<hbm>>
            %dma_wait3A_208 = tpu.memref_squeeze %dma_wait3A_207 : memref<1x1x128xi32, #tpu.memory_space<hbm>> -> memref<128xi32, #tpu.memory_space<hbm>>
            tpu.wait_dma2 semaphore(%arg14 : memref<!tpu.dma_semaphore, #tpu.memory_space<semaphore_mem>>) src(%dma_wait3A_208 : memref<128xi32, #tpu.memory_space<hbm>>) dst(%arg5 : memref<128xi32, #tpu.memory_space<vmem>>)
            %dma_start3A_209 = arith.constant 0 : i32
            %dma_start3A_210 = arith.constant 0 : i32
            %dma_start3A_211 = tpu.memref_slice %arg2[%dma_start3A_209, %dma_start3A_210] : memref<10000x128xf32, #tpu.memory_space<hbm>> -> memref<10000x128xf32, #tpu.memory_space<hbm>>
            tpu.enqueue_indirect_dma source(%dma_start3A_211 : memref<10000x128xf32, #tpu.memory_space<hbm>>) target(%arg11 : memref<128x128xf32, #tpu.memory_space<vmem>>) offsets(%arg5 : memref<128xi32, #tpu.memory_space<vmem>>) semaphore(%arg20 : memref<!tpu.dma_semaphore, #tpu.memory_space<semaphore_mem>>)
          } else {
          }
          %add3A_174 = arith.constant 3 : i32
          %add3A_175 = arith.addi %scan3A_142, %add3A_174 : i32
          %lt3A_176 = arith.constant 77 : i32
          %lt3A_177 = arith.cmpi slt, %add3A_175, %lt3A_176 : i32
          %convert_element_type3A_178 = arith.extui %lt3A_177 : i1 to i32
          %cond3A_179 = arith.constant 0 : i32
          %cond3A_180 = arith.cmpi ne, %convert_element_type3A_178, %cond3A_179 : i32
          scf.if %cond3A_180 {
            %add3A_199 = arith.addi %select_n3A, %scan3A_142 : i32
            %add3A_200 = arith.constant 3 : i32
            %add3A_201 = arith.addi %add3A_199, %add3A_200 : i32
            %dma_start3A_202 = arith.constant 0 : i32
            %dma_start3A_203 = arith.constant 0 : i32
            %dma_start3A_204 = tpu.memref_slice %arg3[%dma_start3A_202, %add3A_201, %dma_start3A_203] : memref<2x2500x128xi32, #tpu.memory_space<hbm>> -> memref<1x1x128xi32, #tpu.memory_space<hbm>>
            %dma_start3A_205 = tpu.memref_squeeze %dma_start3A_204 : memref<1x1x128xi32, #tpu.memory_space<hbm>> -> memref<128xi32, #tpu.memory_space<hbm>>
            %dma_start3A_206 = arith.constant 0 : i32
            %dma_start3A_207 = tpu.memref_slice %arg3[%dma_start3A_202, %add3A_201, %dma_start3A_206] : memref<2x2500x128xi32, #tpu.memory_space<hbm>> -> memref<1x1x128xi32, #tpu.memory_space<hbm>>
            %dma_start3A_208 = tpu.memref_squeeze %dma_start3A_207 : memref<1x1x128xi32, #tpu.memory_space<hbm>> -> memref<128xi32, #tpu.memory_space<hbm>>
            tpu.enqueue_dma source(%dma_start3A_208 : memref<128xi32, #tpu.memory_space<hbm>>) target(%arg6 : memref<128xi32, #tpu.memory_space<vmem>>) target_semaphore(%arg15 : memref<!tpu.dma_semaphore, #tpu.memory_space<semaphore_mem>>)
          } else {
          }
          %add3A_181 = arith.addi %select_n3A, %scan3A_142 : i32
          %dma_wait3A_182 = arith.constant 1 : i32
          %dma_wait3A_183 = arith.constant 0 : i32
          %dma_wait3A_184 = tpu.memref_slice %arg3[%dma_wait3A_182, %add3A_181, %dma_wait3A_183] : memref<2x2500x128xi32, #tpu.memory_space<hbm>> -> memref<1x1x128xi32, #tpu.memory_space<hbm>>
          %dma_wait3A_185 = tpu.memref_squeeze %dma_wait3A_184 : memref<1x1x128xi32, #tpu.memory_space<hbm>> -> memref<128xi32, #tpu.memory_space<hbm>>
          %dma_wait3A_186 = arith.constant 0 : i32
          %dma_wait3A_187 = tpu.memref_slice %arg3[%dma_wait3A_182, %add3A_181, %dma_wait3A_186] : memref<2x2500x128xi32, #tpu.memory_space<hbm>> -> memref<1x1x128xi32, #tpu.memory_space<hbm>>
          %dma_wait3A_188 = tpu.memref_squeeze %dma_wait3A_187 : memref<1x1x128xi32, #tpu.memory_space<hbm>> -> memref<128xi32, #tpu.memory_space<hbm>>
          tpu.wait_dma2 semaphore(%arg18 : memref<!tpu.dma_semaphore, #tpu.memory_space<semaphore_mem>>) src(%dma_wait3A_188 : memref<128xi32, #tpu.memory_space<hbm>>) dst(%arg9 : memref<128xi32, #tpu.memory_space<vmem>>)
          %dma_start3A_189 = arith.constant 0 : i32
          %dma_start3A_190 = arith.constant 0 : i32
          %dma_start3A_191 = tpu.memref_slice %arg26[%dma_start3A_189, %dma_start3A_190] : memref<10016x128xf32, #tpu.memory_space<vmem_shared>> -> memref<10016x128xf32, #tpu.memory_space<vmem_shared>>
          tpu.enqueue_indirect_dma source(%arg12 : memref<128x128xf32, #tpu.memory_space<vmem>>) target(%dma_start3A_191 : memref<10016x128xf32, #tpu.memory_space<vmem_shared>>) offsets(%arg9 : memref<128xi32, #tpu.memory_space<vmem>>) semaphore(%arg24 : memref<!tpu.dma_semaphore, #tpu.memory_space<semaphore_mem>>) {add = true}
          %add3A_192 = arith.constant 2 : i32
          %add3A_193 = arith.addi %scan3A_142, %add3A_192 : i32
          %lt3A_194 = arith.constant 77 : i32
          %lt3A_195 = arith.cmpi slt, %add3A_193, %lt3A_194 : i32
          %convert_element_type3A_196 = arith.extui %lt3A_195 : i1 to i32
          %cond3A_197 = arith.constant 0 : i32
          %cond3A_198 = arith.cmpi ne, %convert_element_type3A_196, %cond3A_197 : i32
          scf.if %cond3A_198 {
            %add3A_199 = arith.addi %select_n3A, %scan3A_142 : i32
            %add3A_200 = arith.constant 2 : i32
            %add3A_201 = arith.addi %add3A_199, %add3A_200 : i32
            %dma_start3A_202 = arith.constant 1 : i32
            %dma_start3A_203 = arith.constant 0 : i32
            %dma_start3A_204 = tpu.memref_slice %arg3[%dma_start3A_202, %add3A_201, %dma_start3A_203] : memref<2x2500x128xi32, #tpu.memory_space<hbm>> -> memref<1x1x128xi32, #tpu.memory_space<hbm>>
            %dma_start3A_205 = tpu.memref_squeeze %dma_start3A_204 : memref<1x1x128xi32, #tpu.memory_space<hbm>> -> memref<128xi32, #tpu.memory_space<hbm>>
            %dma_start3A_206 = arith.constant 0 : i32
            %dma_start3A_207 = tpu.memref_slice %arg3[%dma_start3A_202, %add3A_201, %dma_start3A_206] : memref<2x2500x128xi32, #tpu.memory_space<hbm>> -> memref<1x1x128xi32, #tpu.memory_space<hbm>>
            %dma_start3A_208 = tpu.memref_squeeze %dma_start3A_207 : memref<1x1x128xi32, #tpu.memory_space<hbm>> -> memref<128xi32, #tpu.memory_space<hbm>>
            tpu.enqueue_dma source(%dma_start3A_208 : memref<128xi32, #tpu.memory_space<hbm>>) target(%arg8 : memref<128xi32, #tpu.memory_space<vmem>>) target_semaphore(%arg17 : memref<!tpu.dma_semaphore, #tpu.memory_space<semaphore_mem>>)
          } else {
          }
        } else {
        }
        %eq3A_154 = arith.constant 2 : i32
        %eq3A_155 = arith.cmpi eq, %rem3A_143, %eq3A_154 : i32
        %convert_element_type3A_156 = arith.extui %eq3A_155 : i1 to i32
        %cond3A_157 = arith.constant 0 : i32
        %cond3A_158 = arith.cmpi ne, %convert_element_type3A_156, %cond3A_157 : i32
        scf.if %cond3A_158 {
          %dma_wait3A_159 = arith.constant 0 : i32
          %dma_wait3A_160 = arith.constant 0 : i32
          %dma_wait3A_161 = tpu.memref_slice %arg2[%dma_wait3A_159, %dma_wait3A_160] : memref<10000x128xf32, #tpu.memory_space<hbm>> -> memref<10000x128xf32, #tpu.memory_space<hbm>>
          tpu.wait_indirect_dma semaphore(%arg22 : memref<!tpu.dma_semaphore, #tpu.memory_space<semaphore_mem>>) src(%dma_wait3A_161 : memref<10000x128xf32, #tpu.memory_space<hbm>>) dst(%arg13 : memref<128x128xf32, #tpu.memory_space<vmem>>)
          %ge3A_162 = arith.constant 1 : i32
          %ge3A_163 = arith.cmpi sge, %scan3A_142, %ge3A_162 : i32
          %convert_element_type3A_164 = arith.extui %ge3A_163 : i1 to i32
          %cond3A_165 = arith.constant 0 : i32
          %cond3A_166 = arith.cmpi ne, %convert_element_type3A_164, %cond3A_165 : i32
          scf.if %cond3A_166 {
            %dma_wait3A_199 = arith.constant 0 : i32
            %dma_wait3A_200 = arith.constant 0 : i32
            %dma_wait3A_201 = tpu.memref_slice %arg26[%dma_wait3A_199, %dma_wait3A_200] : memref<10016x128xf32, #tpu.memory_space<vmem_shared>> -> memref<10016x128xf32, #tpu.memory_space<vmem_shared>>
            tpu.wait_indirect_dma semaphore(%arg24 : memref<!tpu.dma_semaphore, #tpu.memory_space<semaphore_mem>>) src(%arg12 : memref<128x128xf32, #tpu.memory_space<vmem>>) dst(%dma_wait3A_201 : memref<10016x128xf32, #tpu.memory_space<vmem_shared>>)
          } else {
          }
          %add3A_167 = arith.constant 2 : i32
          %add3A_168 = arith.addi %scan3A_142, %add3A_167 : i32
          %lt3A_169 = arith.constant 77 : i32
          %lt3A_170 = arith.cmpi slt, %add3A_168, %lt3A_169 : i32
          %convert_element_type3A_171 = arith.extui %lt3A_170 : i1 to i32
          %cond3A_172 = arith.constant 0 : i32
          %cond3A_173 = arith.cmpi ne, %convert_element_type3A_171, %cond3A_172 : i32
          scf.if %cond3A_173 {
            %add3A_199 = arith.addi %select_n3A, %scan3A_142 : i32
            %add3A_200 = arith.constant 2 : i32
            %add3A_201 = arith.addi %add3A_199, %add3A_200 : i32
            %dma_wait3A_202 = arith.constant 0 : i32
            %dma_wait3A_203 = arith.constant 0 : i32
            %dma_wait3A_204 = tpu.memref_slice %arg3[%dma_wait3A_202, %add3A_201, %dma_wait3A_203] : memref<2x2500x128xi32, #tpu.memory_space<hbm>> -> memref<1x1x128xi32, #tpu.memory_space<hbm>>
            %dma_wait3A_205 = tpu.memref_squeeze %dma_wait3A_204 : memref<1x1x128xi32, #tpu.memory_space<hbm>> -> memref<128xi32, #tpu.memory_space<hbm>>
            %dma_wait3A_206 = arith.constant 0 : i32
            %dma_wait3A_207 = tpu.memref_slice %arg3[%dma_wait3A_202, %add3A_201, %dma_wait3A_206] : memref<2x2500x128xi32, #tpu.memory_space<hbm>> -> memref<1x1x128xi32, #tpu.memory_space<hbm>>
            %dma_wait3A_208 = tpu.memref_squeeze %dma_wait3A_207 : memref<1x1x128xi32, #tpu.memory_space<hbm>> -> memref<128xi32, #tpu.memory_space<hbm>>
            tpu.wait_dma2 semaphore(%arg15 : memref<!tpu.dma_semaphore, #tpu.memory_space<semaphore_mem>>) src(%dma_wait3A_208 : memref<128xi32, #tpu.memory_space<hbm>>) dst(%arg6 : memref<128xi32, #tpu.memory_space<vmem>>)
            %dma_start3A_209 = arith.constant 0 : i32
            %dma_start3A_210 = arith.constant 0 : i32
            %dma_start3A_211 = tpu.memref_slice %arg2[%dma_start3A_209, %dma_start3A_210] : memref<10000x128xf32, #tpu.memory_space<hbm>> -> memref<10000x128xf32, #tpu.memory_space<hbm>>
            tpu.enqueue_indirect_dma source(%dma_start3A_211 : memref<10000x128xf32, #tpu.memory_space<hbm>>) target(%arg12 : memref<128x128xf32, #tpu.memory_space<vmem>>) offsets(%arg6 : memref<128xi32, #tpu.memory_space<vmem>>) semaphore(%arg21 : memref<!tpu.dma_semaphore, #tpu.memory_space<semaphore_mem>>)
          } else {
          }
          %add3A_174 = arith.constant 3 : i32
          %add3A_175 = arith.addi %scan3A_142, %add3A_174 : i32
          %lt3A_176 = arith.constant 77 : i32
          %lt3A_177 = arith.cmpi slt, %add3A_175, %lt3A_176 : i32
          %convert_element_type3A_178 = arith.extui %lt3A_177 : i1 to i32
          %cond3A_179 = arith.constant 0 : i32
          %cond3A_180 = arith.cmpi ne, %convert_element_type3A_178, %cond3A_179 : i32
          scf.if %cond3A_180 {
            %add3A_199 = arith.addi %select_n3A, %scan3A_142 : i32
            %add3A_200 = arith.constant 3 : i32
            %add3A_201 = arith.addi %add3A_199, %add3A_200 : i32
            %dma_start3A_202 = arith.constant 0 : i32
            %dma_start3A_203 = arith.constant 0 : i32
            %dma_start3A_204 = tpu.memref_slice %arg3[%dma_start3A_202, %add3A_201, %dma_start3A_203] : memref<2x2500x128xi32, #tpu.memory_space<hbm>> -> memref<1x1x128xi32, #tpu.memory_space<hbm>>
            %dma_start3A_205 = tpu.memref_squeeze %dma_start3A_204 : memref<1x1x128xi32, #tpu.memory_space<hbm>> -> memref<128xi32, #tpu.memory_space<hbm>>
            %dma_start3A_206 = arith.constant 0 : i32
            %dma_start3A_207 = tpu.memref_slice %arg3[%dma_start3A_202, %add3A_201, %dma_start3A_206] : memref<2x2500x128xi32, #tpu.memory_space<hbm>> -> memref<1x1x128xi32, #tpu.memory_space<hbm>>
            %dma_start3A_208 = tpu.memref_squeeze %dma_start3A_207 : memref<1x1x128xi32, #tpu.memory_space<hbm>> -> memref<128xi32, #tpu.memory_space<hbm>>
            tpu.enqueue_dma source(%dma_start3A_208 : memref<128xi32, #tpu.memory_space<hbm>>) target(%arg7 : memref<128xi32, #tpu.memory_space<vmem>>) target_semaphore(%arg16 : memref<!tpu.dma_semaphore, #tpu.memory_space<semaphore_mem>>)
          } else {
          }
          %add3A_181 = arith.addi %select_n3A, %scan3A_142 : i32
          %dma_wait3A_182 = arith.constant 1 : i32
          %dma_wait3A_183 = arith.constant 0 : i32
          %dma_wait3A_184 = tpu.memref_slice %arg3[%dma_wait3A_182, %add3A_181, %dma_wait3A_183] : memref<2x2500x128xi32, #tpu.memory_space<hbm>> -> memref<1x1x128xi32, #tpu.memory_space<hbm>>
          %dma_wait3A_185 = tpu.memref_squeeze %dma_wait3A_184 : memref<1x1x128xi32, #tpu.memory_space<hbm>> -> memref<128xi32, #tpu.memory_space<hbm>>
          %dma_wait3A_186 = arith.constant 0 : i32
          %dma_wait3A_187 = tpu.memref_slice %arg3[%dma_wait3A_182, %add3A_181, %dma_wait3A_186] : memref<2x2500x128xi32, #tpu.memory_space<hbm>> -> memref<1x1x128xi32, #tpu.memory_space<hbm>>
          %dma_wait3A_188 = tpu.memref_squeeze %dma_wait3A_187 : memref<1x1x128xi32, #tpu.memory_space<hbm>> -> memref<128xi32, #tpu.memory_space<hbm>>
          tpu.wait_dma2 semaphore(%arg19 : memref<!tpu.dma_semaphore, #tpu.memory_space<semaphore_mem>>) src(%dma_wait3A_188 : memref<128xi32, #tpu.memory_space<hbm>>) dst(%arg10 : memref<128xi32, #tpu.memory_space<vmem>>)
          %dma_start3A_189 = arith.constant 0 : i32
          %dma_start3A_190 = arith.constant 0 : i32
          %dma_start3A_191 = tpu.memref_slice %arg26[%dma_start3A_189, %dma_start3A_190] : memref<10016x128xf32, #tpu.memory_space<vmem_shared>> -> memref<10016x128xf32, #tpu.memory_space<vmem_shared>>
          tpu.enqueue_indirect_dma source(%arg13 : memref<128x128xf32, #tpu.memory_space<vmem>>) target(%dma_start3A_191 : memref<10016x128xf32, #tpu.memory_space<vmem_shared>>) offsets(%arg10 : memref<128xi32, #tpu.memory_space<vmem>>) semaphore(%arg25 : memref<!tpu.dma_semaphore, #tpu.memory_space<semaphore_mem>>) {add = true}
          %add3A_192 = arith.constant 2 : i32
          %add3A_193 = arith.addi %scan3A_142, %add3A_192 : i32
          %lt3A_194 = arith.constant 77 : i32
          %lt3A_195 = arith.cmpi slt, %add3A_193, %lt3A_194 : i32
          %convert_element_type3A_196 = arith.extui %lt3A_195 : i1 to i32
          %cond3A_197 = arith.constant 0 : i32
          %cond3A_198 = arith.cmpi ne, %convert_element_type3A_196, %cond3A_197 : i32
          scf.if %cond3A_198 {
            %add3A_199 = arith.addi %select_n3A, %scan3A_142 : i32
            %add3A_200 = arith.constant 2 : i32
            %add3A_201 = arith.addi %add3A_199, %add3A_200 : i32
            %dma_start3A_202 = arith.constant 1 : i32
            %dma_start3A_203 = arith.constant 0 : i32
            %dma_start3A_204 = tpu.memref_slice %arg3[%dma_start3A_202, %add3A_201, %dma_start3A_203] : memref<2x2500x128xi32, #tpu.memory_space<hbm>> -> memref<1x1x128xi32, #tpu.memory_space<hbm>>
            %dma_start3A_205 = tpu.memref_squeeze %dma_start3A_204 : memref<1x1x128xi32, #tpu.memory_space<hbm>> -> memref<128xi32, #tpu.memory_space<hbm>>
            %dma_start3A_206 = arith.constant 0 : i32
            %dma_start3A_207 = tpu.memref_slice %arg3[%dma_start3A_202, %add3A_201, %dma_start3A_206] : memref<2x2500x128xi32, #tpu.memory_space<hbm>> -> memref<1x1x128xi32, #tpu.memory_space<hbm>>
            %dma_start3A_208 = tpu.memref_squeeze %dma_start3A_207 : memref<1x1x128xi32, #tpu.memory_space<hbm>> -> memref<128xi32, #tpu.memory_space<hbm>>
            tpu.enqueue_dma source(%dma_start3A_208 : memref<128xi32, #tpu.memory_space<hbm>>) target(%arg9 : memref<128xi32, #tpu.memory_space<vmem>>) target_semaphore(%arg18 : memref<!tpu.dma_semaphore, #tpu.memory_space<semaphore_mem>>)
          } else {
          }
        } else {
        }
      }
      %scan3A_138 = arith.constant 77 : i32
      %dma_wait3A_139 = arith.constant 0 : i32
      %dma_wait3A_140 = arith.constant 0 : i32
      %dma_wait3A_141 = tpu.memref_slice %arg26[%dma_wait3A_139, %dma_wait3A_140] : memref<10016x128xf32, #tpu.memory_space<vmem_shared>> -> memref<10016x128xf32, #tpu.memory_space<vmem_shared>>
      tpu.wait_indirect_dma semaphore(%arg24 : memref<!tpu.dma_semaphore, #tpu.memory_space<semaphore_mem>>) src(%arg12 : memref<128x128xf32, #tpu.memory_space<vmem>>) dst(%dma_wait3A_141 : memref<10016x128xf32, #tpu.memory_space<vmem_shared>>)
    } else {
    }
    %eq3A_48 = arith.constant 1 : i32
    %eq3A_49 = arith.cmpi eq, %arg0, %eq3A_48 : i32
    %ge3A = arith.constant 4 : i32
    %ge3A_50 = arith.cmpi sge, %arg1, %ge3A : i32
    %and3A_51 = arith.andi %eq3A_49, %ge3A_50 : i1
    %convert_element_type3A_52 = arith.extui %and3A_51 : i1 to i32
    %cond3A_53 = arith.constant 0 : i32
    %cond3A_54 = arith.cmpi ne, %convert_element_type3A_52, %cond3A_53 : i32
    scf.if %cond3A_54 {
      %add3A_66 = arith.constant 0 : i32
      %add3A_67 = arith.addi %select_n3A, %add3A_66 : i32
      %dma_start3A = arith.constant 0 : i32
      %dma_start3A_68 = arith.constant 0 : i32
      %dma_start3A_69 = tpu.memref_slice %arg3[%dma_start3A, %add3A_67, %dma_start3A_68] : memref<2x2500x128xi32, #tpu.memory_space<hbm>> -> memref<1x1x128xi32, #tpu.memory_space<hbm>>
      %dma_start3A_70 = tpu.memref_squeeze %dma_start3A_69 : memref<1x1x128xi32, #tpu.memory_space<hbm>> -> memref<128xi32, #tpu.memory_space<hbm>>
      %dma_start3A_71 = arith.constant 0 : i32
      %dma_start3A_72 = tpu.memref_slice %arg3[%dma_start3A, %add3A_67, %dma_start3A_71] : memref<2x2500x128xi32, #tpu.memory_space<hbm>> -> memref<1x1x128xi32, #tpu.memory_space<hbm>>
      %dma_start3A_73 = tpu.memref_squeeze %dma_start3A_72 : memref<1x1x128xi32, #tpu.memory_space<hbm>> -> memref<128xi32, #tpu.memory_space<hbm>>
      tpu.enqueue_dma source(%dma_start3A_73 : memref<128xi32, #tpu.memory_space<hbm>>) target(%arg5 : memref<128xi32, #tpu.memory_space<vmem>>) target_semaphore(%arg14 : memref<!tpu.dma_semaphore, #tpu.memory_space<semaphore_mem>>)
      %add3A_74 = arith.constant 1 : i32
      %add3A_75 = arith.addi %select_n3A, %add3A_74 : i32
      %dma_start3A_76 = arith.constant 0 : i32
      %dma_start3A_77 = arith.constant 0 : i32
      %dma_start3A_78 = tpu.memref_slice %arg3[%dma_start3A_76, %add3A_75, %dma_start3A_77] : memref<2x2500x128xi32, #tpu.memory_space<hbm>> -> memref<1x1x128xi32, #tpu.memory_space<hbm>>
      %dma_start3A_79 = tpu.memref_squeeze %dma_start3A_78 : memref<1x1x128xi32, #tpu.memory_space<hbm>> -> memref<128xi32, #tpu.memory_space<hbm>>
      %dma_start3A_80 = arith.constant 0 : i32
      %dma_start3A_81 = tpu.memref_slice %arg3[%dma_start3A_76, %add3A_75, %dma_start3A_80] : memref<2x2500x128xi32, #tpu.memory_space<hbm>> -> memref<1x1x128xi32, #tpu.memory_space<hbm>>
      %dma_start3A_82 = tpu.memref_squeeze %dma_start3A_81 : memref<1x1x128xi32, #tpu.memory_space<hbm>> -> memref<128xi32, #tpu.memory_space<hbm>>
      tpu.enqueue_dma source(%dma_start3A_82 : memref<128xi32, #tpu.memory_space<hbm>>) target(%arg6 : memref<128xi32, #tpu.memory_space<vmem>>) target_semaphore(%arg15 : memref<!tpu.dma_semaphore, #tpu.memory_space<semaphore_mem>>)
      %add3A_83 = arith.constant 2 : i32
      %add3A_84 = arith.addi %select_n3A, %add3A_83 : i32
      %dma_start3A_85 = arith.constant 0 : i32
      %dma_start3A_86 = arith.constant 0 : i32
      %dma_start3A_87 = tpu.memref_slice %arg3[%dma_start3A_85, %add3A_84, %dma_start3A_86] : memref<2x2500x128xi32, #tpu.memory_space<hbm>> -> memref<1x1x128xi32, #tpu.memory_space<hbm>>
      %dma_start3A_88 = tpu.memref_squeeze %dma_start3A_87 : memref<1x1x128xi32, #tpu.memory_space<hbm>> -> memref<128xi32, #tpu.memory_space<hbm>>
      %dma_start3A_89 = arith.constant 0 : i32
      %dma_start3A_90 = tpu.memref_slice %arg3[%dma_start3A_85, %add3A_84, %dma_start3A_89] : memref<2x2500x128xi32, #tpu.memory_space<hbm>> -> memref<1x1x128xi32, #tpu.memory_space<hbm>>
      %dma_start3A_91 = tpu.memref_squeeze %dma_start3A_90 : memref<1x1x128xi32, #tpu.memory_space<hbm>> -> memref<128xi32, #tpu.memory_space<hbm>>
      tpu.enqueue_dma source(%dma_start3A_91 : memref<128xi32, #tpu.memory_space<hbm>>) target(%arg7 : memref<128xi32, #tpu.memory_space<vmem>>) target_semaphore(%arg16 : memref<!tpu.dma_semaphore, #tpu.memory_space<semaphore_mem>>)
      %add3A_92 = arith.constant 0 : i32
      %add3A_93 = arith.addi %select_n3A, %add3A_92 : i32
      %dma_start3A_94 = arith.constant 1 : i32
      %dma_start3A_95 = arith.constant 0 : i32
      %dma_start3A_96 = tpu.memref_slice %arg3[%dma_start3A_94, %add3A_93, %dma_start3A_95] : memref<2x2500x128xi32, #tpu.memory_space<hbm>> -> memref<1x1x128xi32, #tpu.memory_space<hbm>>
      %dma_start3A_97 = tpu.memref_squeeze %dma_start3A_96 : memref<1x1x128xi32, #tpu.memory_space<hbm>> -> memref<128xi32, #tpu.memory_space<hbm>>
      %dma_start3A_98 = arith.constant 0 : i32
      %dma_start3A_99 = tpu.memref_slice %arg3[%dma_start3A_94, %add3A_93, %dma_start3A_98] : memref<2x2500x128xi32, #tpu.memory_space<hbm>> -> memref<1x1x128xi32, #tpu.memory_space<hbm>>
      %dma_start3A_100 = tpu.memref_squeeze %dma_start3A_99 : memref<1x1x128xi32, #tpu.memory_space<hbm>> -> memref<128xi32, #tpu.memory_space<hbm>>
      tpu.enqueue_dma source(%dma_start3A_100 : memref<128xi32, #tpu.memory_space<hbm>>) target(%arg8 : memref<128xi32, #tpu.memory_space<vmem>>) target_semaphore(%arg17 : memref<!tpu.dma_semaphore, #tpu.memory_space<semaphore_mem>>)
      %add3A_101 = arith.constant 1 : i32
      %add3A_102 = arith.addi %select_n3A, %add3A_101 : i32
      %dma_start3A_103 = arith.constant 1 : i32
      %dma_start3A_104 = arith.constant 0 : i32
      %dma_start3A_105 = tpu.memref_slice %arg3[%dma_start3A_103, %add3A_102, %dma_start3A_104] : memref<2x2500x128xi32, #tpu.memory_space<hbm>> -> memref<1x1x128xi32, #tpu.memory_space<hbm>>
      %dma_start3A_106 = tpu.memref_squeeze %dma_start3A_105 : memref<1x1x128xi32, #tpu.memory_space<hbm>> -> memref<128xi32, #tpu.memory_space<hbm>>
      %dma_start3A_107 = arith.constant 0 : i32
      %dma_start3A_108 = tpu.memref_slice %arg3[%dma_start3A_103, %add3A_102, %dma_start3A_107] : memref<2x2500x128xi32, #tpu.memory_space<hbm>> -> memref<1x1x128xi32, #tpu.memory_space<hbm>>
      %dma_start3A_109 = tpu.memref_squeeze %dma_start3A_108 : memref<1x1x128xi32, #tpu.memory_space<hbm>> -> memref<128xi32, #tpu.memory_space<hbm>>
      tpu.enqueue_dma source(%dma_start3A_109 : memref<128xi32, #tpu.memory_space<hbm>>) target(%arg9 : memref<128xi32, #tpu.memory_space<vmem>>) target_semaphore(%arg18 : memref<!tpu.dma_semaphore, #tpu.memory_space<semaphore_mem>>)
      %add3A_110 = arith.constant 0 : i32
      %add3A_111 = arith.addi %select_n3A, %add3A_110 : i32
      %dma_wait3A = arith.constant 0 : i32
      %dma_wait3A_112 = arith.constant 0 : i32
      %dma_wait3A_113 = tpu.memref_slice %arg3[%dma_wait3A, %add3A_111, %dma_wait3A_112] : memref<2x2500x128xi32, #tpu.memory_space<hbm>> -> memref<1x1x128xi32, #tpu.memory_space<hbm>>
      %dma_wait3A_114 = tpu.memref_squeeze %dma_wait3A_113 : memref<1x1x128xi32, #tpu.memory_space<hbm>> -> memref<128xi32, #tpu.memory_space<hbm>>
      %dma_wait3A_115 = arith.constant 0 : i32
      %dma_wait3A_116 = tpu.memref_slice %arg3[%dma_wait3A, %add3A_111, %dma_wait3A_115] : memref<2x2500x128xi32, #tpu.memory_space<hbm>> -> memref<1x1x128xi32, #tpu.memory_space<hbm>>
      %dma_wait3A_117 = tpu.memref_squeeze %dma_wait3A_116 : memref<1x1x128xi32, #tpu.memory_space<hbm>> -> memref<128xi32, #tpu.memory_space<hbm>>
      tpu.wait_dma2 semaphore(%arg14 : memref<!tpu.dma_semaphore, #tpu.memory_space<semaphore_mem>>) src(%dma_wait3A_117 : memref<128xi32, #tpu.memory_space<hbm>>) dst(%arg5 : memref<128xi32, #tpu.memory_space<vmem>>)
      %dma_start3A_118 = arith.constant 0 : i32
      %dma_start3A_119 = arith.constant 0 : i32
      %dma_start3A_120 = tpu.memref_slice %arg2[%dma_start3A_118, %dma_start3A_119] : memref<10000x128xf32, #tpu.memory_space<hbm>> -> memref<10000x128xf32, #tpu.memory_space<hbm>>
      tpu.enqueue_indirect_dma source(%dma_start3A_120 : memref<10000x128xf32, #tpu.memory_space<hbm>>) target(%arg11 : memref<128x128xf32, #tpu.memory_space<vmem>>) offsets(%arg5 : memref<128xi32, #tpu.memory_space<vmem>>) semaphore(%arg20 : memref<!tpu.dma_semaphore, #tpu.memory_space<semaphore_mem>>)
      %add3A_121 = arith.constant 1 : i32
      %add3A_122 = arith.addi %select_n3A, %add3A_121 : i32
      %dma_wait3A_123 = arith.constant 0 : i32
      %dma_wait3A_124 = arith.constant 0 : i32
      %dma_wait3A_125 = tpu.memref_slice %arg3[%dma_wait3A_123, %add3A_122, %dma_wait3A_124] : memref<2x2500x128xi32, #tpu.memory_space<hbm>> -> memref<1x1x128xi32, #tpu.memory_space<hbm>>
      %dma_wait3A_126 = tpu.memref_squeeze %dma_wait3A_125 : memref<1x1x128xi32, #tpu.memory_space<hbm>> -> memref<128xi32, #tpu.memory_space<hbm>>
      %dma_wait3A_127 = arith.constant 0 : i32
      %dma_wait3A_128 = tpu.memref_slice %arg3[%dma_wait3A_123, %add3A_122, %dma_wait3A_127] : memref<2x2500x128xi32, #tpu.memory_space<hbm>> -> memref<1x1x128xi32, #tpu.memory_space<hbm>>
      %dma_wait3A_129 = tpu.memref_squeeze %dma_wait3A_128 : memref<1x1x128xi32, #tpu.memory_space<hbm>> -> memref<128xi32, #tpu.memory_space<hbm>>
      tpu.wait_dma2 semaphore(%arg15 : memref<!tpu.dma_semaphore, #tpu.memory_space<semaphore_mem>>) src(%dma_wait3A_129 : memref<128xi32, #tpu.memory_space<hbm>>) dst(%arg6 : memref<128xi32, #tpu.memory_space<vmem>>)
      %dma_start3A_130 = arith.constant 0 : i32
      %dma_start3A_131 = arith.constant 0 : i32
      %dma_start3A_132 = tpu.memref_slice %arg2[%dma_start3A_130, %dma_start3A_131] : memref<10000x128xf32, #tpu.memory_space<hbm>> -> memref<10000x128xf32, #tpu.memory_space<hbm>>
      tpu.enqueue_indirect_dma source(%dma_start3A_132 : memref<10000x128xf32, #tpu.memory_space<hbm>>) target(%arg12 : memref<128x128xf32, #tpu.memory_space<vmem>>) offsets(%arg6 : memref<128xi32, #tpu.memory_space<vmem>>) semaphore(%arg21 : memref<!tpu.dma_semaphore, #tpu.memory_space<semaphore_mem>>)
      %scan3A_133 = arith.constant 0 : i32
      %scan3A_134 = arith.constant 0 : i32
      %scan3A_135 = arith.constant 76 : i32
      %scan3A_136 = arith.addi %scan3A_134, %scan3A_135 : i32
      %scan3A_137 = arith.constant 1 : i32
      scf.for %scan3A_142 = %scan3A_134 to %scan3A_136 step %scan3A_137  : i32 {
        %rem3A = arith.constant 3 : i32
        %rem3A_143 = arith.remsi %scan3A_142, %rem3A : i32
        %eq3A_144 = arith.constant 0 : i32
        %eq3A_145 = arith.cmpi eq, %rem3A_143, %eq3A_144 : i32
        %convert_element_type3A_146 = arith.extui %eq3A_145 : i1 to i32
        %cond3A_147 = arith.constant 0 : i32
        %cond3A_148 = arith.cmpi ne, %convert_element_type3A_146, %cond3A_147 : i32
        scf.if %cond3A_148 {
          %dma_wait3A_159 = arith.constant 0 : i32
          %dma_wait3A_160 = arith.constant 0 : i32
          %dma_wait3A_161 = tpu.memref_slice %arg2[%dma_wait3A_159, %dma_wait3A_160] : memref<10000x128xf32, #tpu.memory_space<hbm>> -> memref<10000x128xf32, #tpu.memory_space<hbm>>
          tpu.wait_indirect_dma semaphore(%arg20 : memref<!tpu.dma_semaphore, #tpu.memory_space<semaphore_mem>>) src(%dma_wait3A_161 : memref<10000x128xf32, #tpu.memory_space<hbm>>) dst(%arg11 : memref<128x128xf32, #tpu.memory_space<vmem>>)
          %ge3A_162 = arith.constant 1 : i32
          %ge3A_163 = arith.cmpi sge, %scan3A_142, %ge3A_162 : i32
          %convert_element_type3A_164 = arith.extui %ge3A_163 : i1 to i32
          %cond3A_165 = arith.constant 0 : i32
          %cond3A_166 = arith.cmpi ne, %convert_element_type3A_164, %cond3A_165 : i32
          scf.if %cond3A_166 {
            %dma_wait3A_199 = arith.constant 0 : i32
            %dma_wait3A_200 = arith.constant 0 : i32
            %dma_wait3A_201 = tpu.memref_slice %arg26[%dma_wait3A_199, %dma_wait3A_200] : memref<10016x128xf32, #tpu.memory_space<vmem_shared>> -> memref<10016x128xf32, #tpu.memory_space<vmem_shared>>
            tpu.wait_indirect_dma semaphore(%arg25 : memref<!tpu.dma_semaphore, #tpu.memory_space<semaphore_mem>>) src(%arg13 : memref<128x128xf32, #tpu.memory_space<vmem>>) dst(%dma_wait3A_201 : memref<10016x128xf32, #tpu.memory_space<vmem_shared>>)
          } else {
          }
          %add3A_167 = arith.constant 2 : i32
          %add3A_168 = arith.addi %scan3A_142, %add3A_167 : i32
          %lt3A_169 = arith.constant 76 : i32
          %lt3A_170 = arith.cmpi slt, %add3A_168, %lt3A_169 : i32
          %convert_element_type3A_171 = arith.extui %lt3A_170 : i1 to i32
          %cond3A_172 = arith.constant 0 : i32
          %cond3A_173 = arith.cmpi ne, %convert_element_type3A_171, %cond3A_172 : i32
          scf.if %cond3A_173 {
            %add3A_199 = arith.addi %select_n3A, %scan3A_142 : i32
            %add3A_200 = arith.constant 2 : i32
            %add3A_201 = arith.addi %add3A_199, %add3A_200 : i32
            %dma_wait3A_202 = arith.constant 0 : i32
            %dma_wait3A_203 = arith.constant 0 : i32
            %dma_wait3A_204 = tpu.memref_slice %arg3[%dma_wait3A_202, %add3A_201, %dma_wait3A_203] : memref<2x2500x128xi32, #tpu.memory_space<hbm>> -> memref<1x1x128xi32, #tpu.memory_space<hbm>>
            %dma_wait3A_205 = tpu.memref_squeeze %dma_wait3A_204 : memref<1x1x128xi32, #tpu.memory_space<hbm>> -> memref<128xi32, #tpu.memory_space<hbm>>
            %dma_wait3A_206 = arith.constant 0 : i32
            %dma_wait3A_207 = tpu.memref_slice %arg3[%dma_wait3A_202, %add3A_201, %dma_wait3A_206] : memref<2x2500x128xi32, #tpu.memory_space<hbm>> -> memref<1x1x128xi32, #tpu.memory_space<hbm>>
            %dma_wait3A_208 = tpu.memref_squeeze %dma_wait3A_207 : memref<1x1x128xi32, #tpu.memory_space<hbm>> -> memref<128xi32, #tpu.memory_space<hbm>>
            tpu.wait_dma2 semaphore(%arg16 : memref<!tpu.dma_semaphore, #tpu.memory_space<semaphore_mem>>) src(%dma_wait3A_208 : memref<128xi32, #tpu.memory_space<hbm>>) dst(%arg7 : memref<128xi32, #tpu.memory_space<vmem>>)
            %dma_start3A_209 = arith.constant 0 : i32
            %dma_start3A_210 = arith.constant 0 : i32
            %dma_start3A_211 = tpu.memref_slice %arg2[%dma_start3A_209, %dma_start3A_210] : memref<10000x128xf32, #tpu.memory_space<hbm>> -> memref<10000x128xf32, #tpu.memory_space<hbm>>
            tpu.enqueue_indirect_dma source(%dma_start3A_211 : memref<10000x128xf32, #tpu.memory_space<hbm>>) target(%arg13 : memref<128x128xf32, #tpu.memory_space<vmem>>) offsets(%arg7 : memref<128xi32, #tpu.memory_space<vmem>>) semaphore(%arg22 : memref<!tpu.dma_semaphore, #tpu.memory_space<semaphore_mem>>)
          } else {
          }
          %add3A_174 = arith.constant 3 : i32
          %add3A_175 = arith.addi %scan3A_142, %add3A_174 : i32
          %lt3A_176 = arith.constant 76 : i32
          %lt3A_177 = arith.cmpi slt, %add3A_175, %lt3A_176 : i32
          %convert_element_type3A_178 = arith.extui %lt3A_177 : i1 to i32
          %cond3A_179 = arith.constant 0 : i32
          %cond3A_180 = arith.cmpi ne, %convert_element_type3A_178, %cond3A_179 : i32
          scf.if %cond3A_180 {
            %add3A_199 = arith.addi %select_n3A, %scan3A_142 : i32
            %add3A_200 = arith.constant 3 : i32
            %add3A_201 = arith.addi %add3A_199, %add3A_200 : i32
            %dma_start3A_202 = arith.constant 0 : i32
            %dma_start3A_203 = arith.constant 0 : i32
            %dma_start3A_204 = tpu.memref_slice %arg3[%dma_start3A_202, %add3A_201, %dma_start3A_203] : memref<2x2500x128xi32, #tpu.memory_space<hbm>> -> memref<1x1x128xi32, #tpu.memory_space<hbm>>
            %dma_start3A_205 = tpu.memref_squeeze %dma_start3A_204 : memref<1x1x128xi32, #tpu.memory_space<hbm>> -> memref<128xi32, #tpu.memory_space<hbm>>
            %dma_start3A_206 = arith.constant 0 : i32
            %dma_start3A_207 = tpu.memref_slice %arg3[%dma_start3A_202, %add3A_201, %dma_start3A_206] : memref<2x2500x128xi32, #tpu.memory_space<hbm>> -> memref<1x1x128xi32, #tpu.memory_space<hbm>>
            %dma_start3A_208 = tpu.memref_squeeze %dma_start3A_207 : memref<1x1x128xi32, #tpu.memory_space<hbm>> -> memref<128xi32, #tpu.memory_space<hbm>>
            tpu.enqueue_dma source(%dma_start3A_208 : memref<128xi32, #tpu.memory_space<hbm>>) target(%arg5 : memref<128xi32, #tpu.memory_space<vmem>>) target_semaphore(%arg14 : memref<!tpu.dma_semaphore, #tpu.memory_space<semaphore_mem>>)
          } else {
          }
          %add3A_181 = arith.addi %select_n3A, %scan3A_142 : i32
          %dma_wait3A_182 = arith.constant 1 : i32
          %dma_wait3A_183 = arith.constant 0 : i32
          %dma_wait3A_184 = tpu.memref_slice %arg3[%dma_wait3A_182, %add3A_181, %dma_wait3A_183] : memref<2x2500x128xi32, #tpu.memory_space<hbm>> -> memref<1x1x128xi32, #tpu.memory_space<hbm>>
          %dma_wait3A_185 = tpu.memref_squeeze %dma_wait3A_184 : memref<1x1x128xi32, #tpu.memory_space<hbm>> -> memref<128xi32, #tpu.memory_space<hbm>>
          %dma_wait3A_186 = arith.constant 0 : i32
          %dma_wait3A_187 = tpu.memref_slice %arg3[%dma_wait3A_182, %add3A_181, %dma_wait3A_186] : memref<2x2500x128xi32, #tpu.memory_space<hbm>> -> memref<1x1x128xi32, #tpu.memory_space<hbm>>
          %dma_wait3A_188 = tpu.memref_squeeze %dma_wait3A_187 : memref<1x1x128xi32, #tpu.memory_space<hbm>> -> memref<128xi32, #tpu.memory_space<hbm>>
          tpu.wait_dma2 semaphore(%arg17 : memref<!tpu.dma_semaphore, #tpu.memory_space<semaphore_mem>>) src(%dma_wait3A_188 : memref<128xi32, #tpu.memory_space<hbm>>) dst(%arg8 : memref<128xi32, #tpu.memory_space<vmem>>)
          %dma_start3A_189 = arith.constant 0 : i32
          %dma_start3A_190 = arith.constant 0 : i32
          %dma_start3A_191 = tpu.memref_slice %arg26[%dma_start3A_189, %dma_start3A_190] : memref<10016x128xf32, #tpu.memory_space<vmem_shared>> -> memref<10016x128xf32, #tpu.memory_space<vmem_shared>>
          tpu.enqueue_indirect_dma source(%arg11 : memref<128x128xf32, #tpu.memory_space<vmem>>) target(%dma_start3A_191 : memref<10016x128xf32, #tpu.memory_space<vmem_shared>>) offsets(%arg8 : memref<128xi32, #tpu.memory_space<vmem>>) semaphore(%arg23 : memref<!tpu.dma_semaphore, #tpu.memory_space<semaphore_mem>>) {add = true}
          %add3A_192 = arith.constant 2 : i32
          %add3A_193 = arith.addi %scan3A_142, %add3A_192 : i32
          %lt3A_194 = arith.constant 76 : i32
          %lt3A_195 = arith.cmpi slt, %add3A_193, %lt3A_194 : i32
          %convert_element_type3A_196 = arith.extui %lt3A_195 : i1 to i32
          %cond3A_197 = arith.constant 0 : i32
          %cond3A_198 = arith.cmpi ne, %convert_element_type3A_196, %cond3A_197 : i32
          scf.if %cond3A_198 {
            %add3A_199 = arith.addi %select_n3A, %scan3A_142 : i32
            %add3A_200 = arith.constant 2 : i32
            %add3A_201 = arith.addi %add3A_199, %add3A_200 : i32
            %dma_start3A_202 = arith.constant 1 : i32
            %dma_start3A_203 = arith.constant 0 : i32
            %dma_start3A_204 = tpu.memref_slice %arg3[%dma_start3A_202, %add3A_201, %dma_start3A_203] : memref<2x2500x128xi32, #tpu.memory_space<hbm>> -> memref<1x1x128xi32, #tpu.memory_space<hbm>>
            %dma_start3A_205 = tpu.memref_squeeze %dma_start3A_204 : memref<1x1x128xi32, #tpu.memory_space<hbm>> -> memref<128xi32, #tpu.memory_space<hbm>>
            %dma_start3A_206 = arith.constant 0 : i32
            %dma_start3A_207 = tpu.memref_slice %arg3[%dma_start3A_202, %add3A_201, %dma_start3A_206] : memref<2x2500x128xi32, #tpu.memory_space<hbm>> -> memref<1x1x128xi32, #tpu.memory_space<hbm>>
            %dma_start3A_208 = tpu.memref_squeeze %dma_start3A_207 : memref<1x1x128xi32, #tpu.memory_space<hbm>> -> memref<128xi32, #tpu.memory_space<hbm>>
            tpu.enqueue_dma source(%dma_start3A_208 : memref<128xi32, #tpu.memory_space<hbm>>) target(%arg10 : memref<128xi32, #tpu.memory_space<vmem>>) target_semaphore(%arg19 : memref<!tpu.dma_semaphore, #tpu.memory_space<semaphore_mem>>)
          } else {
          }
        } else {
        }
        %eq3A_149 = arith.constant 1 : i32
        %eq3A_150 = arith.cmpi eq, %rem3A_143, %eq3A_149 : i32
        %convert_element_type3A_151 = arith.extui %eq3A_150 : i1 to i32
        %cond3A_152 = arith.constant 0 : i32
        %cond3A_153 = arith.cmpi ne, %convert_element_type3A_151, %cond3A_152 : i32
        scf.if %cond3A_153 {
          %dma_wait3A_159 = arith.constant 0 : i32
          %dma_wait3A_160 = arith.constant 0 : i32
          %dma_wait3A_161 = tpu.memref_slice %arg2[%dma_wait3A_159, %dma_wait3A_160] : memref<10000x128xf32, #tpu.memory_space<hbm>> -> memref<10000x128xf32, #tpu.memory_space<hbm>>
          tpu.wait_indirect_dma semaphore(%arg21 : memref<!tpu.dma_semaphore, #tpu.memory_space<semaphore_mem>>) src(%dma_wait3A_161 : memref<10000x128xf32, #tpu.memory_space<hbm>>) dst(%arg12 : memref<128x128xf32, #tpu.memory_space<vmem>>)
          %ge3A_162 = arith.constant 1 : i32
          %ge3A_163 = arith.cmpi sge, %scan3A_142, %ge3A_162 : i32
          %convert_element_type3A_164 = arith.extui %ge3A_163 : i1 to i32
          %cond3A_165 = arith.constant 0 : i32
          %cond3A_166 = arith.cmpi ne, %convert_element_type3A_164, %cond3A_165 : i32
          scf.if %cond3A_166 {
            %dma_wait3A_199 = arith.constant 0 : i32
            %dma_wait3A_200 = arith.constant 0 : i32
            %dma_wait3A_201 = tpu.memref_slice %arg26[%dma_wait3A_199, %dma_wait3A_200] : memref<10016x128xf32, #tpu.memory_space<vmem_shared>> -> memref<10016x128xf32, #tpu.memory_space<vmem_shared>>
            tpu.wait_indirect_dma semaphore(%arg23 : memref<!tpu.dma_semaphore, #tpu.memory_space<semaphore_mem>>) src(%arg11 : memref<128x128xf32, #tpu.memory_space<vmem>>) dst(%dma_wait3A_201 : memref<10016x128xf32, #tpu.memory_space<vmem_shared>>)
          } else {
          }
          %add3A_167 = arith.constant 2 : i32
          %add3A_168 = arith.addi %scan3A_142, %add3A_167 : i32
          %lt3A_169 = arith.constant 76 : i32
          %lt3A_170 = arith.cmpi slt, %add3A_168, %lt3A_169 : i32
          %convert_element_type3A_171 = arith.extui %lt3A_170 : i1 to i32
          %cond3A_172 = arith.constant 0 : i32
          %cond3A_173 = arith.cmpi ne, %convert_element_type3A_171, %cond3A_172 : i32
          scf.if %cond3A_173 {
            %add3A_199 = arith.addi %select_n3A, %scan3A_142 : i32
            %add3A_200 = arith.constant 2 : i32
            %add3A_201 = arith.addi %add3A_199, %add3A_200 : i32
            %dma_wait3A_202 = arith.constant 0 : i32
            %dma_wait3A_203 = arith.constant 0 : i32
            %dma_wait3A_204 = tpu.memref_slice %arg3[%dma_wait3A_202, %add3A_201, %dma_wait3A_203] : memref<2x2500x128xi32, #tpu.memory_space<hbm>> -> memref<1x1x128xi32, #tpu.memory_space<hbm>>
            %dma_wait3A_205 = tpu.memref_squeeze %dma_wait3A_204 : memref<1x1x128xi32, #tpu.memory_space<hbm>> -> memref<128xi32, #tpu.memory_space<hbm>>
            %dma_wait3A_206 = arith.constant 0 : i32
            %dma_wait3A_207 = tpu.memref_slice %arg3[%dma_wait3A_202, %add3A_201, %dma_wait3A_206] : memref<2x2500x128xi32, #tpu.memory_space<hbm>> -> memref<1x1x128xi32, #tpu.memory_space<hbm>>
            %dma_wait3A_208 = tpu.memref_squeeze %dma_wait3A_207 : memref<1x1x128xi32, #tpu.memory_space<hbm>> -> memref<128xi32, #tpu.memory_space<hbm>>
            tpu.wait_dma2 semaphore(%arg14 : memref<!tpu.dma_semaphore, #tpu.memory_space<semaphore_mem>>) src(%dma_wait3A_208 : memref<128xi32, #tpu.memory_space<hbm>>) dst(%arg5 : memref<128xi32, #tpu.memory_space<vmem>>)
            %dma_start3A_209 = arith.constant 0 : i32
            %dma_start3A_210 = arith.constant 0 : i32
            %dma_start3A_211 = tpu.memref_slice %arg2[%dma_start3A_209, %dma_start3A_210] : memref<10000x128xf32, #tpu.memory_space<hbm>> -> memref<10000x128xf32, #tpu.memory_space<hbm>>
            tpu.enqueue_indirect_dma source(%dma_start3A_211 : memref<10000x128xf32, #tpu.memory_space<hbm>>) target(%arg11 : memref<128x128xf32, #tpu.memory_space<vmem>>) offsets(%arg5 : memref<128xi32, #tpu.memory_space<vmem>>) semaphore(%arg20 : memref<!tpu.dma_semaphore, #tpu.memory_space<semaphore_mem>>)
          } else {
          }
          %add3A_174 = arith.constant 3 : i32
          %add3A_175 = arith.addi %scan3A_142, %add3A_174 : i32
          %lt3A_176 = arith.constant 76 : i32
          %lt3A_177 = arith.cmpi slt, %add3A_175, %lt3A_176 : i32
          %convert_element_type3A_178 = arith.extui %lt3A_177 : i1 to i32
          %cond3A_179 = arith.constant 0 : i32
          %cond3A_180 = arith.cmpi ne, %convert_element_type3A_178, %cond3A_179 : i32
          scf.if %cond3A_180 {
            %add3A_199 = arith.addi %select_n3A, %scan3A_142 : i32
            %add3A_200 = arith.constant 3 : i32
            %add3A_201 = arith.addi %add3A_199, %add3A_200 : i32
            %dma_start3A_202 = arith.constant 0 : i32
            %dma_start3A_203 = arith.constant 0 : i32
            %dma_start3A_204 = tpu.memref_slice %arg3[%dma_start3A_202, %add3A_201, %dma_start3A_203] : memref<2x2500x128xi32, #tpu.memory_space<hbm>> -> memref<1x1x128xi32, #tpu.memory_space<hbm>>
            %dma_start3A_205 = tpu.memref_squeeze %dma_start3A_204 : memref<1x1x128xi32, #tpu.memory_space<hbm>> -> memref<128xi32, #tpu.memory_space<hbm>>
            %dma_start3A_206 = arith.constant 0 : i32
            %dma_start3A_207 = tpu.memref_slice %arg3[%dma_start3A_202, %add3A_201, %dma_start3A_206] : memref<2x2500x128xi32, #tpu.memory_space<hbm>> -> memref<1x1x128xi32, #tpu.memory_space<hbm>>
            %dma_start3A_208 = tpu.memref_squeeze %dma_start3A_207 : memref<1x1x128xi32, #tpu.memory_space<hbm>> -> memref<128xi32, #tpu.memory_space<hbm>>
            tpu.enqueue_dma source(%dma_start3A_208 : memref<128xi32, #tpu.memory_space<hbm>>) target(%arg6 : memref<128xi32, #tpu.memory_space<vmem>>) target_semaphore(%arg15 : memref<!tpu.dma_semaphore, #tpu.memory_space<semaphore_mem>>)
          } else {
          }
          %add3A_181 = arith.addi %select_n3A, %scan3A_142 : i32
          %dma_wait3A_182 = arith.constant 1 : i32
          %dma_wait3A_183 = arith.constant 0 : i32
          %dma_wait3A_184 = tpu.memref_slice %arg3[%dma_wait3A_182, %add3A_181, %dma_wait3A_183] : memref<2x2500x128xi32, #tpu.memory_space<hbm>> -> memref<1x1x128xi32, #tpu.memory_space<hbm>>
          %dma_wait3A_185 = tpu.memref_squeeze %dma_wait3A_184 : memref<1x1x128xi32, #tpu.memory_space<hbm>> -> memref<128xi32, #tpu.memory_space<hbm>>
          %dma_wait3A_186 = arith.constant 0 : i32
          %dma_wait3A_187 = tpu.memref_slice %arg3[%dma_wait3A_182, %add3A_181, %dma_wait3A_186] : memref<2x2500x128xi32, #tpu.memory_space<hbm>> -> memref<1x1x128xi32, #tpu.memory_space<hbm>>
          %dma_wait3A_188 = tpu.memref_squeeze %dma_wait3A_187 : memref<1x1x128xi32, #tpu.memory_space<hbm>> -> memref<128xi32, #tpu.memory_space<hbm>>
          tpu.wait_dma2 semaphore(%arg18 : memref<!tpu.dma_semaphore, #tpu.memory_space<semaphore_mem>>) src(%dma_wait3A_188 : memref<128xi32, #tpu.memory_space<hbm>>) dst(%arg9 : memref<128xi32, #tpu.memory_space<vmem>>)
          %dma_start3A_189 = arith.constant 0 : i32
          %dma_start3A_190 = arith.constant 0 : i32
          %dma_start3A_191 = tpu.memref_slice %arg26[%dma_start3A_189, %dma_start3A_190] : memref<10016x128xf32, #tpu.memory_space<vmem_shared>> -> memref<10016x128xf32, #tpu.memory_space<vmem_shared>>
          tpu.enqueue_indirect_dma source(%arg12 : memref<128x128xf32, #tpu.memory_space<vmem>>) target(%dma_start3A_191 : memref<10016x128xf32, #tpu.memory_space<vmem_shared>>) offsets(%arg9 : memref<128xi32, #tpu.memory_space<vmem>>) semaphore(%arg24 : memref<!tpu.dma_semaphore, #tpu.memory_space<semaphore_mem>>) {add = true}
          %add3A_192 = arith.constant 2 : i32
          %add3A_193 = arith.addi %scan3A_142, %add3A_192 : i32
          %lt3A_194 = arith.constant 76 : i32
          %lt3A_195 = arith.cmpi slt, %add3A_193, %lt3A_194 : i32
          %convert_element_type3A_196 = arith.extui %lt3A_195 : i1 to i32
          %cond3A_197 = arith.constant 0 : i32
          %cond3A_198 = arith.cmpi ne, %convert_element_type3A_196, %cond3A_197 : i32
          scf.if %cond3A_198 {
            %add3A_199 = arith.addi %select_n3A, %scan3A_142 : i32
            %add3A_200 = arith.constant 2 : i32
            %add3A_201 = arith.addi %add3A_199, %add3A_200 : i32
            %dma_start3A_202 = arith.constant 1 : i32
            %dma_start3A_203 = arith.constant 0 : i32
            %dma_start3A_204 = tpu.memref_slice %arg3[%dma_start3A_202, %add3A_201, %dma_start3A_203] : memref<2x2500x128xi32, #tpu.memory_space<hbm>> -> memref<1x1x128xi32, #tpu.memory_space<hbm>>
            %dma_start3A_205 = tpu.memref_squeeze %dma_start3A_204 : memref<1x1x128xi32, #tpu.memory_space<hbm>> -> memref<128xi32, #tpu.memory_space<hbm>>
            %dma_start3A_206 = arith.constant 0 : i32
            %dma_start3A_207 = tpu.memref_slice %arg3[%dma_start3A_202, %add3A_201, %dma_start3A_206] : memref<2x2500x128xi32, #tpu.memory_space<hbm>> -> memref<1x1x128xi32, #tpu.memory_space<hbm>>
            %dma_start3A_208 = tpu.memref_squeeze %dma_start3A_207 : memref<1x1x128xi32, #tpu.memory_space<hbm>> -> memref<128xi32, #tpu.memory_space<hbm>>
            tpu.enqueue_dma source(%dma_start3A_208 : memref<128xi32, #tpu.memory_space<hbm>>) target(%arg8 : memref<128xi32, #tpu.memory_space<vmem>>) target_semaphore(%arg17 : memref<!tpu.dma_semaphore, #tpu.memory_space<semaphore_mem>>)
          } else {
          }
        } else {
        }
        %eq3A_154 = arith.constant 2 : i32
        %eq3A_155 = arith.cmpi eq, %rem3A_143, %eq3A_154 : i32
        %convert_element_type3A_156 = arith.extui %eq3A_155 : i1 to i32
        %cond3A_157 = arith.constant 0 : i32
        %cond3A_158 = arith.cmpi ne, %convert_element_type3A_156, %cond3A_157 : i32
        scf.if %cond3A_158 {
          %dma_wait3A_159 = arith.constant 0 : i32
          %dma_wait3A_160 = arith.constant 0 : i32
          %dma_wait3A_161 = tpu.memref_slice %arg2[%dma_wait3A_159, %dma_wait3A_160] : memref<10000x128xf32, #tpu.memory_space<hbm>> -> memref<10000x128xf32, #tpu.memory_space<hbm>>
          tpu.wait_indirect_dma semaphore(%arg22 : memref<!tpu.dma_semaphore, #tpu.memory_space<semaphore_mem>>) src(%dma_wait3A_161 : memref<10000x128xf32, #tpu.memory_space<hbm>>) dst(%arg13 : memref<128x128xf32, #tpu.memory_space<vmem>>)
          %ge3A_162 = arith.constant 1 : i32
          %ge3A_163 = arith.cmpi sge, %scan3A_142, %ge3A_162 : i32
          %convert_element_type3A_164 = arith.extui %ge3A_163 : i1 to i32
          %cond3A_165 = arith.constant 0 : i32
          %cond3A_166 = arith.cmpi ne, %convert_element_type3A_164, %cond3A_165 : i32
          scf.if %cond3A_166 {
            %dma_wait3A_199 = arith.constant 0 : i32
            %dma_wait3A_200 = arith.constant 0 : i32
            %dma_wait3A_201 = tpu.memref_slice %arg26[%dma_wait3A_199, %dma_wait3A_200] : memref<10016x128xf32, #tpu.memory_space<vmem_shared>> -> memref<10016x128xf32, #tpu.memory_space<vmem_shared>>
            tpu.wait_indirect_dma semaphore(%arg24 : memref<!tpu.dma_semaphore, #tpu.memory_space<semaphore_mem>>) src(%arg12 : memref<128x128xf32, #tpu.memory_space<vmem>>) dst(%dma_wait3A_201 : memref<10016x128xf32, #tpu.memory_space<vmem_shared>>)
          } else {
          }
          %add3A_167 = arith.constant 2 : i32
          %add3A_168 = arith.addi %scan3A_142, %add3A_167 : i32
          %lt3A_169 = arith.constant 76 : i32
          %lt3A_170 = arith.cmpi slt, %add3A_168, %lt3A_169 : i32
          %convert_element_type3A_171 = arith.extui %lt3A_170 : i1 to i32
          %cond3A_172 = arith.constant 0 : i32
          %cond3A_173 = arith.cmpi ne, %convert_element_type3A_171, %cond3A_172 : i32
          scf.if %cond3A_173 {
            %add3A_199 = arith.addi %select_n3A, %scan3A_142 : i32
            %add3A_200 = arith.constant 2 : i32
            %add3A_201 = arith.addi %add3A_199, %add3A_200 : i32
            %dma_wait3A_202 = arith.constant 0 : i32
            %dma_wait3A_203 = arith.constant 0 : i32
            %dma_wait3A_204 = tpu.memref_slice %arg3[%dma_wait3A_202, %add3A_201, %dma_wait3A_203] : memref<2x2500x128xi32, #tpu.memory_space<hbm>> -> memref<1x1x128xi32, #tpu.memory_space<hbm>>
            %dma_wait3A_205 = tpu.memref_squeeze %dma_wait3A_204 : memref<1x1x128xi32, #tpu.memory_space<hbm>> -> memref<128xi32, #tpu.memory_space<hbm>>
            %dma_wait3A_206 = arith.constant 0 : i32
            %dma_wait3A_207 = tpu.memref_slice %arg3[%dma_wait3A_202, %add3A_201, %dma_wait3A_206] : memref<2x2500x128xi32, #tpu.memory_space<hbm>> -> memref<1x1x128xi32, #tpu.memory_space<hbm>>
            %dma_wait3A_208 = tpu.memref_squeeze %dma_wait3A_207 : memref<1x1x128xi32, #tpu.memory_space<hbm>> -> memref<128xi32, #tpu.memory_space<hbm>>
            tpu.wait_dma2 semaphore(%arg15 : memref<!tpu.dma_semaphore, #tpu.memory_space<semaphore_mem>>) src(%dma_wait3A_208 : memref<128xi32, #tpu.memory_space<hbm>>) dst(%arg6 : memref<128xi32, #tpu.memory_space<vmem>>)
            %dma_start3A_209 = arith.constant 0 : i32
            %dma_start3A_210 = arith.constant 0 : i32
            %dma_start3A_211 = tpu.memref_slice %arg2[%dma_start3A_209, %dma_start3A_210] : memref<10000x128xf32, #tpu.memory_space<hbm>> -> memref<10000x128xf32, #tpu.memory_space<hbm>>
            tpu.enqueue_indirect_dma source(%dma_start3A_211 : memref<10000x128xf32, #tpu.memory_space<hbm>>) target(%arg12 : memref<128x128xf32, #tpu.memory_space<vmem>>) offsets(%arg6 : memref<128xi32, #tpu.memory_space<vmem>>) semaphore(%arg21 : memref<!tpu.dma_semaphore, #tpu.memory_space<semaphore_mem>>)
          } else {
          }
          %add3A_174 = arith.constant 3 : i32
          %add3A_175 = arith.addi %scan3A_142, %add3A_174 : i32
          %lt3A_176 = arith.constant 76 : i32
          %lt3A_177 = arith.cmpi slt, %add3A_175, %lt3A_176 : i32
          %convert_element_type3A_178 = arith.extui %lt3A_177 : i1 to i32
          %cond3A_179 = arith.constant 0 : i32
          %cond3A_180 = arith.cmpi ne, %convert_element_type3A_178, %cond3A_179 : i32
          scf.if %cond3A_180 {
            %add3A_199 = arith.addi %select_n3A, %scan3A_142 : i32
            %add3A_200 = arith.constant 3 : i32
            %add3A_201 = arith.addi %add3A_199, %add3A_200 : i32
            %dma_start3A_202 = arith.constant 0 : i32
            %dma_start3A_203 = arith.constant 0 : i32
            %dma_start3A_204 = tpu.memref_slice %arg3[%dma_start3A_202, %add3A_201, %dma_start3A_203] : memref<2x2500x128xi32, #tpu.memory_space<hbm>> -> memref<1x1x128xi32, #tpu.memory_space<hbm>>
            %dma_start3A_205 = tpu.memref_squeeze %dma_start3A_204 : memref<1x1x128xi32, #tpu.memory_space<hbm>> -> memref<128xi32, #tpu.memory_space<hbm>>
            %dma_start3A_206 = arith.constant 0 : i32
            %dma_start3A_207 = tpu.memref_slice %arg3[%dma_start3A_202, %add3A_201, %dma_start3A_206] : memref<2x2500x128xi32, #tpu.memory_space<hbm>> -> memref<1x1x128xi32, #tpu.memory_space<hbm>>
            %dma_start3A_208 = tpu.memref_squeeze %dma_start3A_207 : memref<1x1x128xi32, #tpu.memory_space<hbm>> -> memref<128xi32, #tpu.memory_space<hbm>>
            tpu.enqueue_dma source(%dma_start3A_208 : memref<128xi32, #tpu.memory_space<hbm>>) target(%arg7 : memref<128xi32, #tpu.memory_space<vmem>>) target_semaphore(%arg16 : memref<!tpu.dma_semaphore, #tpu.memory_space<semaphore_mem>>)
          } else {
          }
          %add3A_181 = arith.addi %select_n3A, %scan3A_142 : i32
          %dma_wait3A_182 = arith.constant 1 : i32
          %dma_wait3A_183 = arith.constant 0 : i32
          %dma_wait3A_184 = tpu.memref_slice %arg3[%dma_wait3A_182, %add3A_181, %dma_wait3A_183] : memref<2x2500x128xi32, #tpu.memory_space<hbm>> -> memref<1x1x128xi32, #tpu.memory_space<hbm>>
          %dma_wait3A_185 = tpu.memref_squeeze %dma_wait3A_184 : memref<1x1x128xi32, #tpu.memory_space<hbm>> -> memref<128xi32, #tpu.memory_space<hbm>>
          %dma_wait3A_186 = arith.constant 0 : i32
          %dma_wait3A_187 = tpu.memref_slice %arg3[%dma_wait3A_182, %add3A_181, %dma_wait3A_186] : memref<2x2500x128xi32, #tpu.memory_space<hbm>> -> memref<1x1x128xi32, #tpu.memory_space<hbm>>
          %dma_wait3A_188 = tpu.memref_squeeze %dma_wait3A_187 : memref<1x1x128xi32, #tpu.memory_space<hbm>> -> memref<128xi32, #tpu.memory_space<hbm>>
          tpu.wait_dma2 semaphore(%arg19 : memref<!tpu.dma_semaphore, #tpu.memory_space<semaphore_mem>>) src(%dma_wait3A_188 : memref<128xi32, #tpu.memory_space<hbm>>) dst(%arg10 : memref<128xi32, #tpu.memory_space<vmem>>)
          %dma_start3A_189 = arith.constant 0 : i32
          %dma_start3A_190 = arith.constant 0 : i32
          %dma_start3A_191 = tpu.memref_slice %arg26[%dma_start3A_189, %dma_start3A_190] : memref<10016x128xf32, #tpu.memory_space<vmem_shared>> -> memref<10016x128xf32, #tpu.memory_space<vmem_shared>>
          tpu.enqueue_indirect_dma source(%arg13 : memref<128x128xf32, #tpu.memory_space<vmem>>) target(%dma_start3A_191 : memref<10016x128xf32, #tpu.memory_space<vmem_shared>>) offsets(%arg10 : memref<128xi32, #tpu.memory_space<vmem>>) semaphore(%arg25 : memref<!tpu.dma_semaphore, #tpu.memory_space<semaphore_mem>>) {add = true}
          %add3A_192 = arith.constant 2 : i32
          %add3A_193 = arith.addi %scan3A_142, %add3A_192 : i32
          %lt3A_194 = arith.constant 76 : i32
          %lt3A_195 = arith.cmpi slt, %add3A_193, %lt3A_194 : i32
          %convert_element_type3A_196 = arith.extui %lt3A_195 : i1 to i32
          %cond3A_197 = arith.constant 0 : i32
          %cond3A_198 = arith.cmpi ne, %convert_element_type3A_196, %cond3A_197 : i32
          scf.if %cond3A_198 {
            %add3A_199 = arith.addi %select_n3A, %scan3A_142 : i32
            %add3A_200 = arith.constant 2 : i32
            %add3A_201 = arith.addi %add3A_199, %add3A_200 : i32
            %dma_start3A_202 = arith.constant 1 : i32
            %dma_start3A_203 = arith.constant 0 : i32
            %dma_start3A_204 = tpu.memref_slice %arg3[%dma_start3A_202, %add3A_201, %dma_start3A_203] : memref<2x2500x128xi32, #tpu.memory_space<hbm>> -> memref<1x1x128xi32, #tpu.memory_space<hbm>>
            %dma_start3A_205 = tpu.memref_squeeze %dma_start3A_204 : memref<1x1x128xi32, #tpu.memory_space<hbm>> -> memref<128xi32, #tpu.memory_space<hbm>>
            %dma_start3A_206 = arith.constant 0 : i32
            %dma_start3A_207 = tpu.memref_slice %arg3[%dma_start3A_202, %add3A_201, %dma_start3A_206] : memref<2x2500x128xi32, #tpu.memory_space<hbm>> -> memref<1x1x128xi32, #tpu.memory_space<hbm>>
            %dma_start3A_208 = tpu.memref_squeeze %dma_start3A_207 : memref<1x1x128xi32, #tpu.memory_space<hbm>> -> memref<128xi32, #tpu.memory_space<hbm>>
            tpu.enqueue_dma source(%dma_start3A_208 : memref<128xi32, #tpu.memory_space<hbm>>) target(%arg9 : memref<128xi32, #tpu.memory_space<vmem>>) target_semaphore(%arg18 : memref<!tpu.dma_semaphore, #tpu.memory_space<semaphore_mem>>)
          } else {
          }
        } else {
        }
      }
      %scan3A_138 = arith.constant 76 : i32
      %dma_wait3A_139 = arith.constant 0 : i32
      %dma_wait3A_140 = arith.constant 0 : i32
      %dma_wait3A_141 = tpu.memref_slice %arg26[%dma_wait3A_139, %dma_wait3A_140] : memref<10016x128xf32, #tpu.memory_space<vmem_shared>> -> memref<10016x128xf32, #tpu.memory_space<vmem_shared>>
      tpu.wait_indirect_dma semaphore(%arg23 : memref<!tpu.dma_semaphore, #tpu.memory_space<semaphore_mem>>) src(%arg11 : memref<128x128xf32, #tpu.memory_space<vmem>>) dst(%dma_wait3A_141 : memref<10016x128xf32, #tpu.memory_space<vmem_shared>>)
    } else {
    }
    %barrier3A_55 = arith.constant 0 : index
    tpu.barrier barrier_id(%barrier3A_55)
    %lt3A_56 = arith.constant 15 : i32
    %lt3A_57 = arith.cmpi slt, %arg1, %lt3A_56 : i32
    %convert_element_type3A_58 = arith.extui %lt3A_57 : i1 to i32
    %cond3A_59 = arith.constant 0 : i32
    %cond3A_60 = arith.cmpi ne, %convert_element_type3A_58, %cond3A_59 : i32
    scf.if %cond3A_60 {
      %mul3A_66 = arith.constant 632 : i32
      %mul3A_67 = arith.muli %arg1, %mul3A_66 : i32
      %mul3A_68 = arith.constant 632 : i32
      %mul3A_69 = arith.muli %arg1, %mul3A_68 : i32
      "tpu.region"() ({
        %run_scoped3A = tpu.sem_alloc : memref<!tpu.dma_semaphore, #tpu.memory_space<semaphore_mem>>
        %dma_start3A = arith.constant 0 : i32
        %dma_start3A_70 = tpu.memref_slice %arg4[%arg0, %mul3A_69, %dma_start3A] : memref<2x10000x128xf32, #tpu.memory_space<hbm>> -> memref<1x632x128xf32, #tpu.memory_space<hbm>>
        %dma_start3A_71 = tpu.memref_squeeze %dma_start3A_70 : memref<1x632x128xf32, #tpu.memory_space<hbm>> -> memref<632x128xf32, #tpu.memory_space<hbm>>
        %dma_start3A_72 = arith.constant 0 : i32
        %dma_start3A_73 = tpu.memref_slice %arg26[%mul3A_67, %dma_start3A_72] : memref<10016x128xf32, #tpu.memory_space<vmem_shared>> -> memref<632x128xf32, #tpu.memory_space<vmem_shared>>
        tpu.enqueue_dma source(%dma_start3A_73 : memref<632x128xf32, #tpu.memory_space<vmem_shared>>) target(%dma_start3A_71 : memref<632x128xf32, #tpu.memory_space<hbm>>) target_semaphore(%run_scoped3A : memref<!tpu.dma_semaphore, #tpu.memory_space<semaphore_mem>>)
        %dma_wait3A = arith.constant 0 : i32
        %dma_wait3A_74 = tpu.memref_slice %arg4[%arg0, %mul3A_69, %dma_wait3A] : memref<2x10000x128xf32, #tpu.memory_space<hbm>> -> memref<1x632x128xf32, #tpu.memory_space<hbm>>
        %dma_wait3A_75 = tpu.memref_squeeze %dma_wait3A_74 : memref<1x632x128xf32, #tpu.memory_space<hbm>> -> memref<632x128xf32, #tpu.memory_space<hbm>>
        %dma_wait3A_76 = arith.constant 0 : i32
        %dma_wait3A_77 = tpu.memref_slice %arg26[%mul3A_67, %dma_wait3A_76] : memref<10016x128xf32, #tpu.memory_space<vmem_shared>> -> memref<632x128xf32, #tpu.memory_space<vmem_shared>>
        tpu.wait_dma2 semaphore(%run_scoped3A : memref<!tpu.dma_semaphore, #tpu.memory_space<semaphore_mem>>) src(%dma_wait3A_77 : memref<632x128xf32, #tpu.memory_space<vmem_shared>>) dst(%dma_wait3A_75 : memref<632x128xf32, #tpu.memory_space<hbm>>)
        tpu.yield
      }) : () -> ()
    } else {
    }
    %eq3A_61 = arith.constant 15 : i32
    %eq3A_62 = arith.cmpi eq, %arg1, %eq3A_61 : i32
    %convert_element_type3A_63 = arith.extui %eq3A_62 : i1 to i32
    %cond3A_64 = arith.constant 0 : i32
    %cond3A_65 = arith.cmpi ne, %convert_element_type3A_63, %cond3A_64 : i32
    scf.if %cond3A_65 {
      "tpu.region"() ({
        %run_scoped3A = tpu.sem_alloc : memref<!tpu.dma_semaphore, #tpu.memory_space<semaphore_mem>>
        %dma_start3A = arith.constant 9480 : i32
        %dma_start3A_66 = arith.constant 0 : i32
        %dma_start3A_67 = tpu.memref_slice %arg4[%arg0, %dma_start3A, %dma_start3A_66] : memref<2x10000x128xf32, #tpu.memory_space<hbm>> -> memref<1x520x128xf32, #tpu.memory_space<hbm>>
        %dma_start3A_68 = tpu.memref_squeeze %dma_start3A_67 : memref<1x520x128xf32, #tpu.memory_space<hbm>> -> memref<520x128xf32, #tpu.memory_space<hbm>>
        %dma_start3A_69 = arith.constant 9480 : i32
        %dma_start3A_70 = arith.constant 0 : i32
        %dma_start3A_71 = tpu.memref_slice %arg26[%dma_start3A_69, %dma_start3A_70] : memref<10016x128xf32, #tpu.memory_space<vmem_shared>> -> memref<520x128xf32, #tpu.memory_space<vmem_shared>>
        tpu.enqueue_dma source(%dma_start3A_71 : memref<520x128xf32, #tpu.memory_space<vmem_shared>>) target(%dma_start3A_68 : memref<520x128xf32, #tpu.memory_space<hbm>>) target_semaphore(%run_scoped3A : memref<!tpu.dma_semaphore, #tpu.memory_space<semaphore_mem>>)
        %dma_wait3A = arith.constant 9480 : i32
        %dma_wait3A_72 = arith.constant 0 : i32
        %dma_wait3A_73 = tpu.memref_slice %arg4[%arg0, %dma_wait3A, %dma_wait3A_72] : memref<2x10000x128xf32, #tpu.memory_space<hbm>> -> memref<1x520x128xf32, #tpu.memory_space<hbm>>
        %dma_wait3A_74 = tpu.memref_squeeze %dma_wait3A_73 : memref<1x520x128xf32, #tpu.memory_space<hbm>> -> memref<520x128xf32, #tpu.memory_space<hbm>>
        %dma_wait3A_75 = arith.constant 9480 : i32
        %dma_wait3A_76 = arith.constant 0 : i32
        %dma_wait3A_77 = tpu.memref_slice %arg26[%dma_wait3A_75, %dma_wait3A_76] : memref<10016x128xf32, #tpu.memory_space<vmem_shared>> -> memref<520x128xf32, #tpu.memory_space<vmem_shared>>
        tpu.wait_dma2 semaphore(%run_scoped3A : memref<!tpu.dma_semaphore, #tpu.memory_space<semaphore_mem>>) src(%dma_wait3A_77 : memref<520x128xf32, #tpu.memory_space<vmem_shared>>) dst(%dma_wait3A_74 : memref<520x128xf32, #tpu.memory_space<hbm>>)
        tpu.yield
      }) : () -> ()
    } else {
    }
    return
  }
}

module attributes {stable_mosaic.version = 14 : i64} {
  func.func @body(%arg0: i32, %arg1: memref<1x1000x128xf32, #tpu.memory_space<vmem>>, %arg2: memref<1x1000x128xf32, #tpu.memory_space<vmem>>, %arg3: memref<128x128xf32, #tpu.memory_space<vmem>>, %arg4: memref<1x128xf32, #tpu.memory_space<vmem>>, %arg5: memref<128x128xf32, #tpu.memory_space<vmem>>, %arg6: memref<1x128xf32, #tpu.memory_space<vmem>>, %arg7: memref<1000x128xf32, #tpu.memory_space<vmem>>) attributes {dimension_semantics = [#tpu.dimension_semantics<arbitrary>], iteration_bounds = array<i64: 10>, scalar_prefetch = 0 : i64, scratch_operands = 0 : i64, tpu.core_type = #tpu.core_type<tc>, window_params = [{transform_indices = @transform_0, window_bounds = array<i64: 1, 1000, 128>}, {transform_indices = @transform_1, window_bounds = array<i64: 1, 1000, 128>}, {pipeline_mode = #tpu.pipeline_mode<synchronous>, transform_indices = @transform_2, window_bounds = array<i64: 128, 128>}, {pipeline_mode = #tpu.pipeline_mode<synchronous>, transform_indices = @transform_3, window_bounds = array<i64: 1, 128>}, {pipeline_mode = #tpu.pipeline_mode<synchronous>, transform_indices = @transform_4, window_bounds = array<i64: 128, 128>}, {pipeline_mode = #tpu.pipeline_mode<synchronous>, transform_indices = @transform_5, window_bounds = array<i64: 1, 128>}, {transform_indices = @transform_6, window_bounds = array<i64: 1000, 128>}]} {
    %get3A = arith.constant 0 : index
    %get3A_0 = arith.constant 0 : index
    %get3A_1 = arith.constant 0 : index
    %get3A_2 = vector.load %arg1[%get3A, %get3A_0, %get3A_1] : memref<1x1000x128xf32, #tpu.memory_space<vmem>>, vector<1x1000x128xf32>
    %get3A_3 = vector.shape_cast %get3A_2 : vector<1x1000x128xf32> to vector<1000x128xf32>
    %get3A_4 = arith.constant 0 : index
    %get3A_5 = arith.constant 0 : index
    %get3A_6 = arith.constant 0 : index
    %get3A_7 = vector.load %arg2[%get3A_4, %get3A_5, %get3A_6] : memref<1x1000x128xf32, #tpu.memory_space<vmem>>, vector<1x1000x128xf32>
    %get3A_8 = vector.shape_cast %get3A_7 : vector<1x1000x128xf32> to vector<1000x128xf32>
    %add3A = arith.addf %get3A_3, %get3A_8 : vector<1000x128xf32>
    %get3A_9 = arith.constant 0 : index
    %get3A_10 = arith.constant 0 : index
    %get3A_11 = vector.load %arg3[%get3A_9, %get3A_10] : memref<128x128xf32, #tpu.memory_space<vmem>>, vector<128x128xf32>
    %dot_general3A = arith.constant dense<0.000000e+00> : vector<1000x128xf32>
    %dot_general3A_12 = tpu.matmul %add3A, %get3A_11, %dot_general3A {dimension_numbers = #tpu.dot_dimension_numbers<[1], [0], [0], [1], [0, 0, 1, 1], [], []>, transpose_lhs_hint = false} : vector<1000x128xf32>, vector<128x128xf32>, vector<1000x128xf32> -> vector<1000x128xf32>
    %get3A_13 = arith.constant 0 : index
    %get3A_14 = arith.constant 0 : index
    %get3A_15 = vector.load %arg4[%get3A_13, %get3A_14] : memref<1x128xf32, #tpu.memory_space<vmem>>, vector<1x128xf32>
    %add3A_16 = vector.broadcast %get3A_15 : vector<1x128xf32> to vector<1000x128xf32>
    %add3A_17 = arith.addf %dot_general3A_12, %add3A_16 : vector<1000x128xf32>
    %max3A = arith.constant 0.000000e+00 : f32
    %max3A_18 = vector.broadcast %max3A : f32 to vector<1000x128xf32>
    %max3A_19 = arith.maximumf %add3A_17, %max3A_18 : vector<1000x128xf32>
    %get3A_20 = arith.constant 0 : index
    %get3A_21 = arith.constant 0 : index
    %get3A_22 = vector.load %arg5[%get3A_20, %get3A_21] : memref<128x128xf32, #tpu.memory_space<vmem>>, vector<128x128xf32>
    %dot_general3A_23 = arith.constant dense<0.000000e+00> : vector<1000x128xf32>
    %dot_general3A_24 = tpu.matmul %max3A_19, %get3A_22, %dot_general3A_23 {dimension_numbers = #tpu.dot_dimension_numbers<[1], [0], [0], [1], [0, 0, 1, 1], [], []>, transpose_lhs_hint = false} : vector<1000x128xf32>, vector<128x128xf32>, vector<1000x128xf32> -> vector<1000x128xf32>
    %get3A_25 = arith.constant 0 : index
    %get3A_26 = arith.constant 0 : index
    %get3A_27 = vector.load %arg6[%get3A_25, %get3A_26] : memref<1x128xf32, #tpu.memory_space<vmem>>, vector<1x128xf32>
    %add3A_28 = vector.broadcast %get3A_27 : vector<1x128xf32> to vector<1000x128xf32>
    %add3A_29 = arith.addf %dot_general3A_24, %add3A_28 : vector<1000x128xf32>
    %swap3A = arith.constant 0 : index
    %swap3A_30 = arith.constant 0 : index
    %swap3A_31 = vector.load %arg7[%swap3A, %swap3A_30] : memref<1000x128xf32, #tpu.memory_space<vmem>>, vector<1000x128xf32>
    tpu.vector_store %arg7[%swap3A, %swap3A_30], %add3A_29 {strides = array<i32>} : memref<1000x128xf32, #tpu.memory_space<vmem>>, vector<1000x128xf32>,
    return
  }
  func.func @transform_0(%arg0: i32) -> (i32, i32, i32) {
    %c0_i32 = arith.constant 0 : i32
    %c0_i32_0 = arith.constant 0 : i32
    %c0_i32_1 = arith.constant 0 : i32
    return %c0_i32, %arg0, %c0_i32_0 : i32, i32, i32
  }
  func.func @transform_1(%arg0: i32) -> (i32, i32, i32) {
    %c1_i32 = arith.constant 1 : i32
    %c0_i32 = arith.constant 0 : i32
    %c0_i32_0 = arith.constant 0 : i32
    return %c1_i32, %arg0, %c0_i32 : i32, i32, i32
  }
  func.func @transform_2(%arg0: i32) -> (i32, i32) {
    %c0_i32 = arith.constant 0 : i32
    %c0_i32_0 = arith.constant 0 : i32
    %c0_i32_1 = arith.constant 0 : i32
    return %c0_i32, %c0_i32_0 : i32, i32
  }
  func.func @transform_3(%arg0: i32) -> (i32, i32) {
    %c0_i32 = arith.constant 0 : i32
    %c0_i32_0 = arith.constant 0 : i32
    %c0_i32_1 = arith.constant 0 : i32
    return %c0_i32, %c0_i32_0 : i32, i32
  }
  func.func @transform_4(%arg0: i32) -> (i32, i32) {
    %c0_i32 = arith.constant 0 : i32
    %c0_i32_0 = arith.constant 0 : i32
    %c0_i32_1 = arith.constant 0 : i32
    return %c0_i32, %c0_i32_0 : i32, i32
  }
  func.func @transform_5(%arg0: i32) -> (i32, i32) {
    %c0_i32 = arith.constant 0 : i32
    %c0_i32_0 = arith.constant 0 : i32
    %c0_i32_1 = arith.constant 0 : i32
    return %c0_i32, %c0_i32_0 : i32, i32
  }
  func.func @transform_6(%arg0: i32) -> (i32, i32) {
    %c0_i32 = arith.constant 0 : i32
    %c0_i32_0 = arith.constant 0 : i32
    return %arg0, %c0_i32 : i32, i32
  }
}

module attributes {stable_mosaic.version = 14 : i64} {
  func.func @body(%arg0: i32, %arg1: memref<1x1000x128xf32, #tpu.memory_space<vmem>>, %arg2: memref<1x1000x128xf32, #tpu.memory_space<vmem>>, %arg3: memref<128x128xf32, #tpu.memory_space<vmem>>, %arg4: memref<1x128xf32, #tpu.memory_space<vmem>>, %arg5: memref<1000x128xf32, #tpu.memory_space<vmem>>) attributes {dimension_semantics = [#tpu.dimension_semantics<arbitrary>], iteration_bounds = array<i64: 10>, scalar_prefetch = 0 : i64, scratch_operands = 0 : i64, tpu.core_type = #tpu.core_type<tc>, window_params = [{transform_indices = @transform_0, window_bounds = array<i64: 1, 1000, 128>}, {transform_indices = @transform_1, window_bounds = array<i64: 1, 1000, 128>}, {pipeline_mode = #tpu.pipeline_mode<synchronous>, transform_indices = @transform_2, window_bounds = array<i64: 128, 128>}, {pipeline_mode = #tpu.pipeline_mode<synchronous>, transform_indices = @transform_3, window_bounds = array<i64: 1, 128>}, {transform_indices = @transform_4, window_bounds = array<i64: 1000, 128>}]} {
    %get3A = arith.constant 0 : index
    %get3A_0 = arith.constant 0 : index
    %get3A_1 = arith.constant 0 : index
    %get3A_2 = vector.load %arg1[%get3A, %get3A_0, %get3A_1] : memref<1x1000x128xf32, #tpu.memory_space<vmem>>, vector<1x1000x128xf32>
    %get3A_3 = vector.shape_cast %get3A_2 : vector<1x1000x128xf32> to vector<1000x128xf32>
    %get3A_4 = arith.constant 0 : index
    %get3A_5 = arith.constant 0 : index
    %get3A_6 = arith.constant 0 : index
    %get3A_7 = vector.load %arg2[%get3A_4, %get3A_5, %get3A_6] : memref<1x1000x128xf32, #tpu.memory_space<vmem>>, vector<1x1000x128xf32>
    %get3A_8 = vector.shape_cast %get3A_7 : vector<1x1000x128xf32> to vector<1000x128xf32>
    %add3A = arith.addf %get3A_3, %get3A_8 : vector<1000x128xf32>
    %get3A_9 = arith.constant 0 : index
    %get3A_10 = arith.constant 0 : index
    %get3A_11 = vector.load %arg3[%get3A_9, %get3A_10] : memref<128x128xf32, #tpu.memory_space<vmem>>, vector<128x128xf32>
    %dot_general3A = arith.constant dense<0.000000e+00> : vector<1000x128xf32>
    %dot_general3A_12 = tpu.matmul %add3A, %get3A_11, %dot_general3A {dimension_numbers = #tpu.dot_dimension_numbers<[1], [0], [0], [1], [0, 0, 1, 1], [], []>, transpose_lhs_hint = false} : vector<1000x128xf32>, vector<128x128xf32>, vector<1000x128xf32> -> vector<1000x128xf32>
    %get3A_13 = arith.constant 0 : index
    %get3A_14 = arith.constant 0 : index
    %get3A_15 = vector.load %arg4[%get3A_13, %get3A_14] : memref<1x128xf32, #tpu.memory_space<vmem>>, vector<1x128xf32>
    %add3A_16 = vector.broadcast %get3A_15 : vector<1x128xf32> to vector<1000x128xf32>
    %add3A_17 = arith.addf %dot_general3A_12, %add3A_16 : vector<1000x128xf32>
    %max3A = arith.constant 0.000000e+00 : f32
    %max3A_18 = vector.broadcast %max3A : f32 to vector<1000x128xf32>
    %max3A_19 = arith.maximumf %add3A_17, %max3A_18 : vector<1000x128xf32>
    %swap3A = arith.constant 0 : index
    %swap3A_20 = arith.constant 0 : index
    %swap3A_21 = vector.load %arg5[%swap3A, %swap3A_20] : memref<1000x128xf32, #tpu.memory_space<vmem>>, vector<1000x128xf32>
    tpu.vector_store %arg5[%swap3A, %swap3A_20], %max3A_19 {strides = array<i32>} : memref<1000x128xf32, #tpu.memory_space<vmem>>, vector<1000x128xf32>,
    return
  }
  func.func @transform_0(%arg0: i32) -> (i32, i32, i32) {
    %c0_i32 = arith.constant 0 : i32
    %c0_i32_0 = arith.constant 0 : i32
    %c0_i32_1 = arith.constant 0 : i32
    return %c0_i32, %arg0, %c0_i32_0 : i32, i32, i32
  }
  func.func @transform_1(%arg0: i32) -> (i32, i32, i32) {
    %c1_i32 = arith.constant 1 : i32
    %c0_i32 = arith.constant 0 : i32
    %c0_i32_0 = arith.constant 0 : i32
    return %c1_i32, %arg0, %c0_i32 : i32, i32, i32
  }
  func.func @transform_2(%arg0: i32) -> (i32, i32) {
    %c0_i32 = arith.constant 0 : i32
    %c0_i32_0 = arith.constant 0 : i32
    %c0_i32_1 = arith.constant 0 : i32
    return %c0_i32, %c0_i32_0 : i32, i32
  }
  func.func @transform_3(%arg0: i32) -> (i32, i32) {
    %c0_i32 = arith.constant 0 : i32
    %c0_i32_0 = arith.constant 0 : i32
    %c0_i32_1 = arith.constant 0 : i32
    return %c0_i32, %c0_i32_0 : i32, i32
  }
  func.func @transform_4(%arg0: i32) -> (i32, i32) {
    %c0_i32 = arith.constant 0 : i32
    %c0_i32_0 = arith.constant 0 : i32
    return %arg0, %c0_i32 : i32, i32
  }
}

</mosaic_0001>

<sc_bundles>
// kernel: kernel.6.cloned.1.call-start
scs
__scs_entry_jumppad:
0x0: {  	(pc) =	sbr.rel $0x88, $3  }
0x1: {  	(tag) =	ssettag $0x0;
	lr =	simm.s32 $0x1  }
0x2: {  	[smem:$0x3F9B] =	sst lr;
	_ =	strace $0xD0000000  }
0x3: {  	_ = 	snop  }
0x4: {  	_ = 	snop  }
0x5: {  	_ = 	snop  }
0x6: {  	_ = 	snop  }
0x7: {  	_ = 	snop  }
__scs_overlays_trampoline_lowered:
0x8: {  	[smem:$0x3FAA] =	sst s0  }
0x9: {  	[smem:$0x3FAB] =	sst s1  }
0xa: {  	[smem:$0x3FAC] =	sst s2  }
0xb: {  	[smem:$0x3FAD] =	sst s3  }
0xc: {  	[smem:$0x3FAE] =	sst s4  }
0xd: {  	[smem:$0x3FAF] =	sst s5  }
0xe: {  	[smem:$0x3FB0] =	sst s6  }
0xf: {  	[smem:$0x3FB1] =	sst s7  }
0x10: {  	[smem:$0x3FB2] =	sst s8  }
0x11: {  	[smem:$0x3FB3] =	sst s9;
	s0 =	simm.s32 @!p0 $0x0  }
0x12: {  	s1 =	sld [smem:$0x3F99];
	s0 =	simm.s32 @p0 $0x1  }
0x13: {  	[smem:$0x3FB4] =	sst s0;
	s0 =	simm.s32 @!p1 $0x0  }
0x14: {  	s2 =	sld [smem:$0x3F98];
	s0 =	simm.s32 @p1 $0x1  }
0x15: {  	[smem:$0x3FB5] =	sst s0;
	s0 =	simm.s32 @!p2 $0x0  }
0x16: {  	s3 =	sld [smem:$0x3FDB];
	s0 =	simm.s32 @p2 $0x1  }
0x17: {  	s4 =	simm.s32 $0x1BF5;
	[smem:$0x3FB7] =	sst s0  }
0x18: {  	s0 =	sld [smem:$0x3F9A];
	_ =	swait.ge [sflag:s4], $0x0  }
0x19: {  	s7 =	sld [smem:$0x3F9B]  }
0x1a: {  	s8 =	sadd.s32 $0xFFFFE003, lr  }
0x1b: {  	s9 =	sadd.s32 $0xFFFFFEF7, lr;
	s5 =	simm.s32 $0xFFFFFFFF;
	p2 =	slt.u32 s8, $0xFFFFF086  }
0x1c: {  	p1 =	slt.u32 s9, $0xF7A;
	s5 =	simm.s32 @!p2 $0x0  }
0x1d: {  	s5 =	simm.s32 @p1 $0x1;
	p0 =	seq.s32 s7, s2  }
0x1e: {  	s7 =	smul.u32 @!p0 $0xF7A, s2;
	p2 =	seq.s32 @!p0 s5, $0x0  }
0x1f: {  	s9 =	smul.u32 $0xF7A, s1;
	s8 =	simm.s32 @!p0 $0x1BF5;
	p2 =	por !p2, p0  }
0x20: {  	[sflag:s8] =	ssyncset.s32 @!p0 $0xFFFFF086;
	s6 =	sadd.s32 @!p0 s3, s7;
	s7 =	simm.s32 @!p0 $0x108  }
0x21: {  	s3 =	sadd.s32 s3, s9;
	s6 =	sadd.s32 @!p0 $0x88, s6;
	s7 =	simm.s32 @p2 $0x1082  }
0x22: {  	[simem:s7], [sflag:s8] =	dma.local @!p0 [hbm:s6], $0xF7A  }
0x23: {  	s9 =	sor.u32 $0xD0000000, s2;
	s6 =	simm.s32 $0x108;
	_ =	swait.ge @!p0 [sflag:s8], $0x0  }
0x24: {  	s3 =	sadd.s32 $0x88, s3;
	s6 =	simm.s32 @!p1 $0x1082;
	[sflag:s4] =	ssyncset.s32 $0xFFFFF086  }
0x25: {  	[simem:s6], [sflag:s4] =	dma.local [hbm:s3], $0xF7A  }
0x26: {  	[smem:$0x3F9B] =	sst s1;
	(tag) =	ssettag s2;
	_ =	strace s9  }
0x27: {  	s1 =	sld [smem:$0x3FAB]  }
0x28: {  	s2 =	sld [smem:$0x3FAC]  }
0x29: {  	s4 =	sld [smem:$0x3FAE]  }
0x2a: {  	p0 =	seq.s32 s5, $0x0;
	s5 =	sld [smem:$0x3FAF]  }
0x2b: {  	s6 =	sld [smem:$0x3FB0]  }
0x2c: {  	s7 =	sld [smem:$0x3FB1]  }
0x2d: {  	s3 =	simm.s32 $0x108;
	s8 =	sld [smem:$0x3FB2]  }
0x2e: {  	s3 =	simm.s32 @!p0 $0x1082;
	s9 =	sld [smem:$0x3FB3]  }
0x2f: {  	lr =	sadd.s32 s0, s3;
	s0 =	sld [smem:$0x3FAA]  }
0x30: {  	s3 =	sld [smem:$0x3FAD]  }
0x31: {  	[smem:$0x3FB6] =	sst s10  }
0x32: {  	s10 =	sld [smem:$0x3FB4];
	_ =	sdelay $0x3  }
0x33: {  	p0 =	seq.s32 s10, $0x1;
	s10 =	sld [smem:$0x3FB6];
	_ =	sdelay $0x3  }
0x34: {  	[smem:$0x3FB6] =	sst s10  }
0x35: {  	s10 =	sld [smem:$0x3FB5];
	_ =	sdelay $0x3  }
0x36: {  	p1 =	seq.s32 s10, $0x1;
	s10 =	sld [smem:$0x3FB6];
	_ =	sdelay $0x3  }
0x37: {  	[smem:$0x3FB6] =	sst s10  }
0x38: {  	s10 =	sld [smem:$0x3FB7]  }
0x39: {  	_ = 	snop;
	(pc) =	sbr.ind lr, $3  }
0x3a: {  	_ = 	snop  }
0x3b: {  	_ = 	snop  }
0x3c: {  	p2 =	seq.s32 s10, $0x1;
	s10 =	sld [smem:$0x3FB6]  }
0x3d: {  	_ =	shalt  }
0x3e: {  	_ =	shalt  }
0x3f: {  	_ =	shalt  }
0x40: {  	_ =	shalt  }
0x41: {  	_ =	shalt  }
0x42: {  	_ =	shalt  }
0x43: {  	_ =	shalt  }
0x44: {  	_ =	shalt  }
0x45: {  	_ =	shalt  }
0x46: {  	_ =	shalt  }
0x47: {  	_ =	shalt  }
0x48: {  	_ =	shalt  }
0x49: {  	_ =	shalt  }
0x4a: {  	_ =	shalt  }
0x4b: {  	_ =	shalt  }
0x4c: {  	_ =	shalt  }
0x4d: {  	_ =	shalt  }
0x4e: {  	_ =	shalt  }
0x4f: {  	_ =	shalt  }
0x50: {  	_ =	shalt  }
0x51: {  	_ =	shalt  }
0x52: {  	_ =	shalt  }
0x53: {  	_ =	shalt  }
0x54: {  	_ =	shalt  }
0x55: {  	_ =	shalt  }
0x56: {  	_ =	shalt  }
0x57: {  	_ =	shalt  }
0x58: {  	_ =	shalt  }
0x59: {  	_ =	shalt  }
0x5a: {  	_ =	shalt  }
0x5b: {  	_ =	shalt  }
0x5c: {  	_ =	shalt  }
0x5d: {  	_ =	shalt  }
0x5e: {  	_ =	shalt  }
0x5f: {  	_ =	shalt  }
0x60: {  	_ =	shalt  }
0x61: {  	_ =	shalt  }
0x62: {  	_ =	shalt  }
0x63: {  	_ =	shalt  }
0x64: {  	_ =	shalt  }
0x65: {  	_ =	shalt  }
0x66: {  	_ =	shalt  }
0x67: {  	_ =	shalt  }
0x68: {  	_ =	shalt  }
0x69: {  	_ =	shalt  }
0x6a: {  	_ =	shalt  }
0x6b: {  	_ =	shalt  }
0x6c: {  	_ =	shalt  }
0x6d: {  	_ =	shalt  }
0x6e: {  	_ =	shalt  }
0x6f: {  	_ =	shalt  }
0x70: {  	_ =	shalt  }
0x71: {  	_ =	shalt  }
0x72: {  	_ =	shalt  }
0x73: {  	_ =	shalt  }
0x74: {  	_ =	shalt  }
0x75: {  	_ =	shalt  }
0x76: {  	_ =	shalt  }
0x77: {  	_ =	shalt  }
0x78: {  	_ =	shalt  }
0x79: {  	_ =	shalt  }
0x7a: {  	_ =	shalt  }
0x7b: {  	_ =	shalt  }
0x7c: {  	_ =	shalt  }
0x7d: {  	_ =	shalt  }
0x7e: {  	_ =	shalt  }
0x7f: {  	_ =	shalt  }
0x80: {  	_ =	shalt  }
0x81: {  	_ =	shalt  }
0x82: {  	_ =	shalt  }
0x83: {  	_ =	shalt  }
0x84: {  	_ =	shalt  }
0x85: {  	_ =	shalt  }
0x86: {  	_ =	shalt  }
0x87: {  	_ =	shalt  }
.Lfunc_end0:
.L_simem_size_0:
called_computation_lowered:
.L_overlay_start_0:
0x88: {  	s2 =	sld [smem:$0x3FD9]  }
0x89: {  	s3 =	sld [smem:$0x3FFE];
	_ =	sdelay $0x1  }
0x8a: {  	s1 =	srdreg.scid  }
0x8b: {  	s0 =	sand.u32 $0x1, s1  }
0x8c: {  	s17 =	sshll.u32 s0, $0xA;
	s2 =	sadd.s32 s3, s2  }
0x8d: {  	s2 =	sadd.s32 s2, s17  }
0x8e: {  	[smem:$0x3FC2] =	sst s2  }
0x8f: {  	_ = 	snop  }
0x90: {  	s2 =	sld [smem:$0x3FC9];
	(tm) =	ssettm $0x1  }
0x91: {  	s18 =	sld [smem:$0x3FFB];
	_ =	sdelay $0x3  }
0x92: {  	_ =	strace s18  }
0x93: {  	s3 =	sld [smem:$0x3FFC];
	_ =	sdelay $0x3  }
0x94: {  	_ =	strace s3  }
0x95: {  	s3 =	sld [smem:$0x3FFD];
	_ =	sdelay $0x3  }
0x96: {  	_ =	strace s3  }
0x97: {  	_ =	strace $0x8FFFFFFF  }
0x98: {  	s19 =	sld [smem:$0x3FDB];
	_ =	sdelay $0x1  }
0x99: {  	s4 =	simm.s32 $_scs_section_size  }
0x9a: {  	s5 =	simm.s32 $_size__tile_overlayer_lowered;
	s6 =	simm.s32 $_tile_overlayer_lowered  }
0x9b: {  	s22 =	simm.s32 $0x1BFF;
	s21 =	sshll.u32 s6, $0x1;
	s3 =	sadd.s32 s4, s19  }
0x9c: {  	s7 =	simm.s32 $0x0;
	s20 =	sshll.u32 s5, $0x1;
	s5 =	sadd.s32 s21, s3  }
0x9d: {  	[timem:s7], [sflag:s22] =	dma.local [hbm:s5], s20  }
0x9e: {  	_ =	swait.ge [sflag:s22], s20  }
0x9f: {  	s4 =	ssub.s32 $0x0, s20;
	[sflag:s22] =	ssyncset.done $0x0  }
0xa0: {  	[sflag:s22] =	ssyncadd.s32 s4;
	_ =	sdelay $0x1  }
0xa1: {  	s23 =	simm.s32 $0x1B8B  }
0xa2: {  	_ =	swait.ge [sflag:s23], $0x1  }
0xa3: {  	[sflag:s23] =	ssyncset.done $0x0  }
0xa4: {  	s25 =	simm.s32 $0x1B8E;
	s24 =	sld [smem:$0x3FFE];
	[sflag:s23] =	ssyncadd.s32 $0xFFFFFFFF  }
0xa5: {  	s26 =	simm.s32 $execute0_lowered;
	[smem:$0x3FD2] =	sst s25  }
0xa6: {  	s5 =	sshll.u32 s26, $0x1;
	_ =	strace $0x80000046;
	[dreg:$0x1] =	wrdreg $0xFFFFFFFF  }
0xa7: {  	s28 =	simm.s32 $_size_execute0_lowered;
	s3 =	sadd.s32 s3, s5;
	[dreg:$0x0] =	wrdreg $0x0  }
0xa8: {  	s5 =	sshll.u32 s28, $0x1;
	[dreg:$0x2] =	wrdreg s3  }
0xa9: {  	[dreg:$0x3] =	wrdreg s5  }
0xaa: {  	[dreg:$0x4] =	wrdreg $0xC0  }
0xab: {  	_ =	task [dreg:s7], $0x5FFFF  }
0xac: {  	[dreg:$0x1] =	wrdreg $0xFFFFFFFF  }
0xad: {  	[dreg:$0x0] =	wrdreg $0x60  }
0xae: {  	[dreg:$0x2] =	wrdreg s2  }
0xaf: {  	[dreg:$0x3] =	wrdreg s24  }
0xb0: {  	[dreg:$0x4] =	wrdreg $0xC3000  }
0xb1: {  	[dreg:$0x5] =	wrdreg $0x9  }
0xb2: {  	_ =	task.clear_ibuf [dreg:s7], $0x6FFFF;
	_ =	strace $0x90000046  }
0xb3: {  	s29 =	simm.s32 $0x9;
	_ =	strace $0x80000048  }
0xb4: {  	_ =	swait.ge [sflag:s29], $0x1  }
0xb5: {  	[sflag:s29] =	ssyncadd.s32 $0xFFFFFFFF  }
0xb6: {  	_ =	strace $0x90000048  }
0xb7: {  	_ =	sfence  }
0xb8: {  	s30 =	sld [smem:$0x0];
	_ =	sdelay $0x2  }
0xb9: {  	s31 =	sshll.u32 s1, $0xD;
	s1 =	sshrl.u32 s1, $0x2  }
0xba: {  	s3 =	sand.u32 $0x4000, s31;
	s1 =	sadd.s32 s1, s30  }
0xbb: {  	s0 =	sor.u32 s3, s0;
	s1 =	sshll.u32 s1, $0x11  }
0xbc: {  	s0 =	sor.u32 s1, s0  }
0xbd: {  	s0 =	sadd.s32 $0x8F2B, s0  }
0xbe: {  	[sflag:s0] =	ssyncadd.remote.s32 $0x1  }
0xbf: {  	_ =	sfence.sel $0xFFFF  }
0xc0: {  	[dreg:$0x0] =	wrdreg $0xFFFFFFFF;
	(pc) =	sbr.abs _section_cstart, $3  }
0xc1: {  	[dreg:$0x1] =	wrdreg $0xFFFFFFFF  }
0xc2: {  	_ =	task.clear_ibuf [dreg:s7], $0x2FFFF;
	_ =	strace $0x9FFFFFFF  }
0xc3: {  	(tm) =	ssettm $0x7FFFFFFF  }
tec
execute0_lowered:
.L_overlay_start_1:
0x0: {  	(tag) =	ssettag $0x1  }
0x1: {  	s1 =	rddreg [dreg:$0x0]  }
0x2: {  	s0 =	rddreg [dreg:$0x1];
	s14 =	stileid.u32  }
0x3: {  	s3 =	rddreg [dreg:$0x2];
	s6 =	smul.u32 $0x4F000, s14  }
0x4: {  	s4 =	simm.s32 $0x0;
	s2 =	srdreg.scid;
	s21 =	smul.u32 $0x4C, s14  }
0x5: {  	[smem:$0x7FF] =	sst s4;
	s2 =	sand.u32 $0x1, s2;
	s10 =	smul.u32 $0x2800, s14  }
0x6: {  	s5 =	sadd.s32 $0x1600, s0;
	s9 =	sadd.s32 $0x15000, s0;
	s12 =	smul.u32 $0x50, s14  }
0x7: {  	s23 =	smin.u32 s14, $0x4;
	s25 =	sadd.s32 $0x138400, s3;
	s26 =	smul.u32 $0x500, s14  }
0x8: {  	s0 =	sadd.s32 $0x1620, s0;
	p6 =	slt.u32 s14, $0x4;
	s29 =	smul.u32 $0x13C00, s14  }
0x9: {  	p2 =	sgt.u32 s14, $0x3;
	p3 =	seq.s32 s14, $0xF;
	s14 =	simm.s32 $0x300  }
0xa: {  	_ =	strace $0x80000047;
	s7 =	ssub.s32 $0x2, s2;
	p0 =	seq.s32 s2, $0x0  }
0xb: {  	[dreg:$0x9] =	wrdreg s25;
	p1 =	seq.s32 s2, $0x1;
	s6 =	sshrl.u32 s6, $0x2  }
0xc: {  	s28 =	smul.u32 $0x138800, s2;
	s24 =	sshrl.u32 s10, $0x3;
	s11 =	sadd.s32 s6, s3  }
0xd: {  	s8 =	sshrl.u32 s7, $0x1;
	s15 =	sadd.s32 s5, s24;
	[dreg:$0x4] =	wrdreg s11  }
0xe: {  	s10 =	simm.s32 $0x9;
	s6 =	sadd.s32 $0x4000, s11;
	[dreg:$0xa] =	wrdreg s15  }
0xf: {  	s7 =	ssub.s32 s7, s8;
	s20 =	sadd.s32 $0x8000, s11;
	[dreg:$0x5] =	wrdreg s6  }
0x10: {  	s19 =	sshrl.u32 s28, $0x3;
	s22 =	sadd.s32 $0xC000, s11;
	[dreg:$0x6] =	wrdreg s20  }
0x11: {  	s11 =	sadd.s32 $0x10000, s11;
	s25 =	sadd.s32 $0x9C80, s15;
	[dreg:$0x7] =	wrdreg s22  }
0x12: {  	[dreg:$0x8] =	wrdreg s11;
	s6 =	sadd.s32 s23, s21;
	s23 =	smax.u32 s7, $0x1  }
0x13: {  	[dreg:$0x17] =	wrdreg s25;
	s7 =	simm.s32 $0x1;
	s25 =	simm.s32 $0x4  }
0x14: {  	s11 =	sadd.s32 $0x500, s6;
	s6 =	sadd.s32 $0x10, s15;
	[dreg:$0x14] =	wrdreg s23  }
0x15: {  	s23 =	simm.s32 $0x3;
	s11 =	smov.u32 @p0 s12;
	[dreg:$0xb] =	wrdreg s6  }
0x16: {  	s6 =	sadd.s32 s26, s0;
	p0 =	por !p6, !p1;
	p1 =	por !p2, !p1  }
0x17: {  	p2 =	sne.s32 s2, $0x0;
	s26 =	sadd.s32 $0x9C90, s15;
	s15 =	simm.s32 $0xD  }
0x18: {  	s2 =	simm.s32 $0x200;
	[dreg:$0xc] =	wrdreg s6;
	p0 =	por !p0, !p0  }
0x19: {  	s30 =	sshll.u32 s11, $0x7;
	s12 =	sshll.u32 s11, $0x4;
	s6 =	sadd.s32 s29, s28  }
0x1a: {  	p1 =	por !p1, !p1;
	[dreg:$0x18] =	wrdreg s26;
	s28 =	sadd.s32 $0x4D, s11  }
0x1b: {  	s29 =	sadd.s32 $0x4A, s11;
	s31 =	sadd.s32 $0x49, s11;
	s26 =	simm.s32 $0x80  }
0x1c: {  	s16 =	sadd.s32 s5, s12;
	s13 =	sadd.s32 $0x80, s30;
	s0 =	sadd.s32 s12, s0  }
0x1d: {  	s6 =	sshrl.u32 s6, $0x3;
	s20 =	sadd.s32 $0x4E400, s30;
	[dreg:$0x19] =	wrdreg s28  }
0x1e: {  	s24 =	sadd.s32 $0x100, s30;
	[dreg:$0x1a] =	wrdreg s29;
	s12 =	simm.s32 $0xB  }
0x1f: {  	[dreg:$0xe] =	wrdreg s0;
	s17 =	sshrl.u32 s13, $0x3;
	s18 =	sadd.s32 s9, s6  }
0x20: {  	s21 =	sand.u32 $0x7FFFFF80, s13;
	s6 =	sshrl.u32 s20, $0x3;
	[dreg:$0x15] =	wrdreg s24  }
0x21: {  	[dreg:$0xd] =	wrdreg s16;
	s30 =	sadd.s32 $0x30, s16;
	s13 =	simm.s32 $0x180  }
0x22: {  	s20 =	simm.s32 $0x8;
	s16 =	simm.s32 $0x5;
	s24 =	simm.s32 $0x0  }
0x23: {  	s0 =	sadd.s32 s5, s17;
	[dreg:$0x10] =	wrdreg s18;
	s8 =	sadd.s32 $0x4E400, s21  }
0x24: {  	s6 =	sadd.s32 s5, s6;
	[dreg:$0x1b] =	wrdreg s30;
	s17 =	simm.s32 $0x6  }
0x25: {  	s18 =	simm.s32 $0x280;
	s21 =	simm.s32 $0xA;
	[dreg:$0xf] =	wrdreg s0  }
.Ltmp0:
0x26: {  	s0 =	sadd.s32 s9, s19;
	[dreg:$0x11] =	wrdreg s6;
	(pc) =	sbr.rel .LBB2_1-.Ltmp0, $4  }
0x27: {  	s22 =	sshrl.u32 s8, $0x3;
	s8 =	simm.s32 $0x2;
	s0 =	sadd.s32 $0x25080, s0  }
0x28: {  	s6 =	sadd.s32 s5, s22;
	[dreg:$0x13] =	wrdreg s0;
	s0 =	sadd.s32 $0x128400, s3  }
0x29: {  	s9 =	simm.s32 $0x4300;
	[dreg:$0x12] =	wrdreg s6;
	s0 =	sshrl.u32 @p3 s0, $0x3  }
0x2a: {  	v0 =	vimm.f32 $0.0e+00;
	s19 =	simm.s32 $0x8300;
	s22 =	simm.s32 $0x7;
	[dreg:$0x16] =	wrdreg s0  }
.LBB2_38:
0x2b: {  	_ =	swait.ge [sflag:s21], $0x4000  }
0x2c: {  	[sflag:s21] =	ssyncset.done $0x0  }
0x2d: {  	[sflag:s21] =	ssyncadd.s32 $0xFFFFC000  }
.LBB2_39:
0x2e: {  	[bflag:$0x0] =	sbarrier.arrive $0xFFFF  }
0x2f: {  	s6 =	rddreg [dreg:$0x13]  }
0x30: {  	s0 =	simm.s32 @p3 $0x1FCD;
	s28 =	rddreg [dreg:$0x16]  }
0x31: {  	[hbm:s6], [sflag:s0] =	dma.local @p3 [spmem:s28], $0x2080  }
0x32: {  	s0 =	simm.s32 @p3 $0xD  }
0x33: {  	s6 =	stileid.u32;
	_ =	swait.ge @p3 [sflag:s0], $0x2080  }
0x34: {  	s6 =	sshll.u32 @!p3 s6, $0x6;
	[sflag:s0] =	ssyncset.done @p3 $0x0  }
0x35: {  	[sflag:s0] =	ssyncadd.s32 @p3 $0xFFFFDF80;
	s0 =	sor.u32 @!p3 $0x1C0D, s6;
	s6 =	rddreg [dreg:$0x4]  }
0x36: {  	s28 =	rddreg [dreg:$0x10];
	s6 =	sshrl.u32 @!p3 s6, $0x3  }
0x37: {  	[hbm:s28], [sflag:s0] =	dma.local @!p3 [spmem:s6], $0x2780  }
0x38: {  	s0 =	simm.s32 @!p3 $0xD  }
0x39: {  	_ =	swait.ge @!p3 [sflag:s0], $0x2780  }
0x3a: {  	s24 =	sadd.s32 $0x1, s24;
	s30 =	rddreg [dreg:$0x14]  }
0x3b: {  	p4 =	sne.s32 s24, s30  }
.Ltmp1:
0x3c: {  	_ = 	snop;
	(pc) =	sbr.rel @!p4 .LBB2_40-.Ltmp1, $3  }
0x3d: {  	_ =	sdelay $0x1  }
0x3e: {  	[sflag:s0] =	ssyncset.done @!p3 $0x0  }
0x3f: {  	[sflag:s0] =	ssyncadd.s32 @!p3 $0xFFFFD880  }
.LBB2_1:
0x40: {  	s0 =	simm.s32 $0x0;
	s6 =	simm.s32 $0x200  }
.LBB2_2:
0x41: {  	p4 =	sne.s32 s6, $0xFE00;
	[tilespmem:s0+$0x370] =	vst v0  }
0x42: {  	[tilespmem:s0+$0x300] =	vst v0  }
0x43: {  	[tilespmem:s0+$0x310] =	vst v0  }
.Ltmp2:
0x44: {  	[tilespmem:s0+$0x320] =	vst v0;
	(pc) =	sbr.rel @p4 .LBB2_2-.Ltmp2, $4  }
0x45: {  	[tilespmem:s0+$0x330] =	vst v0  }
0x46: {  	[tilespmem:s0+$0x340] =	vst v0  }
0x47: {  	[tilespmem:s0+$0x350] =	vst v0  }
0x48: {  	[tilespmem:s0+$0x360] =	vst v0;
	s0 =	sshra.s32 s6, $0x2;
	s6 =	sadd.s32 $0x200, s6  }
0x49: {  	[tilespmem:s0+$0x370] =	vst v0  }
0x4a: {  	[tilespmem:s0+$0x300] =	vst v0  }
0x4b: {  	[tilespmem:s0+$0x310] =	vst v0  }
0x4c: {  	[tilespmem:s0+$0x320] =	vst v0  }
0x4d: {  	[tilespmem:s0+$0x330] =	vst v0  }
0x4e: {  	[tilespmem:s0+$0x340] =	vst v0  }
0x4f: {  	[tilespmem:s0+$0x350] =	vst v0  }
0x50: {  	[tilespmem:s0+$0x360] =	vst v0;
	s6 =	rddreg [dreg:$0x4]  }
0x51: {  	[spmem:s6] =	stream.linear.scatter [tilespmem:s14], [sflag:$0xD], $0x4000, $0x38;
	[tilespmem:$0x1FC00] =	vst v63  }
0x52: {  	_ =	swait.ge [sflag:s15], $0x4000  }
0x53: {  	[sflag:s15] =	ssyncset.done $0x0  }
0x54: {  	s28 =	rddreg [dreg:$0x5];
	[sflag:s15] =	ssyncadd.s32 $0xFFFFC000  }
0x55: {  	[spmem:s28] =	stream.linear.scatter [tilespmem:s14], [sflag:$0xD], $0x4000, $0x38;
	[tilespmem:$0x1FC00] =	vst v63  }
0x56: {  	_ =	swait.ge [sflag:s15], $0x4000  }
0x57: {  	[sflag:s15] =	ssyncset.done $0x0  }
0x58: {  	s29 =	rddreg [dreg:$0x6];
	[sflag:s15] =	ssyncadd.s32 $0xFFFFC000  }
0x59: {  	[spmem:s29] =	stream.linear.scatter [tilespmem:s14], [sflag:$0xD], $0x4000, $0x38;
	[tilespmem:$0x1FC00] =	vst v63  }
0x5a: {  	_ =	swait.ge [sflag:s15], $0x4000  }
0x5b: {  	[sflag:s15] =	ssyncset.done $0x0  }
0x5c: {  	s30 =	rddreg [dreg:$0x7];
	[sflag:s15] =	ssyncadd.s32 $0xFFFFC000  }
0x5d: {  	[spmem:s30] =	stream.linear.scatter [tilespmem:s14], [sflag:$0xD], $0x4000, $0x38;
	[tilespmem:$0x1FC00] =	vst v63  }
0x5e: {  	_ =	swait.ge [sflag:s15], $0x4000  }
0x5f: {  	[sflag:s15] =	ssyncset.done $0x0  }
0x60: {  	s0 =	simm.s32 @p3 $0x300;
	s6 =	rddreg [dreg:$0x9];
	[sflag:s15] =	ssyncadd.s32 $0xFFFFC000  }
0x61: {  	[spmem:s6] =	stream.linear.scatter @p3 [tilespmem:s0], [sflag:$0xD], $0xC00, $0x38;
	[tilespmem:$0x1FC00] =	vst v63  }
0x62: {  	s0 =	simm.s32 @p3 $0xD  }
0x63: {  	_ =	swait.ge @p3 [sflag:s0], $0xC00  }
0x64: {  	[sflag:s0] =	ssyncset.done @p3 $0x0  }
0x65: {  	s6 =	rddreg [dreg:$0x8];
	[sflag:s0] =	ssyncadd.s32 @p3 $0xFFFFF400;
	s0 =	simm.s32 @!p3 $0x300  }
0x66: {  	[spmem:s6] =	stream.linear.scatter @!p3 [tilespmem:s0], [sflag:$0xD], $0x3C00, $0x38;
	[tilespmem:$0x1FC00] =	vst v63  }
0x67: {  	s0 =	simm.s32 @!p3 $0xD  }
.Ltmp3:
0x68: {  	_ =	swait.ge @!p3 [sflag:s0], $0x3C00;
	(pc) =	sbr.rel @p2 .LBB2_15-.Ltmp3, $3  }
0x69: {  	[sflag:s0] =	ssyncset.done @!p3 $0x0  }
0x6a: {  	[sflag:s0] =	ssyncadd.s32 @!p3 $0xFFFFC400  }
0x6b: {  	[bflag:$0x0] =	sbarrier.arrive $0xFFFF;
	_ =	sdelay $0x1  }
0x6c: {  	s0 =	simm.s32 $0x0;
	s6 =	rddreg [dreg:$0xa]  }
0x6d: {  	[tilespmem:s0], [sflag:$0x1] =	stream.linear.gather [hbm4b:s6+s0], $0x80, $0x38;
	[tilespmem:$0x1FC00] =	vst v63  }
0x6e: {  	s29 =	rddreg [dreg:$0xb]  }
0x6f: {  	[tilespmem:s26], [sflag:$0x2] =	stream.linear.gather [hbm4b:s29+s0], $0x80, $0x38;
	[tilespmem:$0x1FC00] =	vst v63  }
0x70: {  	s30 =	rddreg [dreg:$0xc];
	s28 =	simm.s32 $0x100  }
0x71: {  	[tilespmem:s28], [sflag:$0x3] =	stream.linear.gather [hbm4b:s30+s0], $0x80, $0x38;
	[tilespmem:$0x1FC00] =	vst v63  }
0x72: {  	s29 =	rddreg [dreg:$0x17]  }
0x73: {  	[tilespmem:s13], [sflag:$0x4] =	stream.linear.gather [hbm4b:s29+s0], $0x80, $0x38;
	[tilespmem:$0x1FC00] =	vst v63  }
0x74: {  	s30 =	rddreg [dreg:$0x18]  }
0x75: {  	[tilespmem:s2], [sflag:$0x5] =	stream.linear.gather [hbm4b:s30+s0], $0x80, $0x38;
	[tilespmem:$0x1FC00] =	vst v63  }
0x76: {  	_ =	swait.ge [sflag:s7], $0x80  }
0x77: {  	[sflag:s7] =	ssyncset.done $0x0  }
0x78: {  	[sflag:s7] =	ssyncadd.s32 $0xFFFFFF80  }
0x79: {  	[tilespmem:s14], [sflag:$0x7] =	stream.indirect.gather [hbm4b:s1+s26], $0x80, s0, s26, $0xb8;
	[tilespmem:$0x1FC00] =	vst v63  }
.Ltmp4:
0x7a: {  	_ = 	snop;
	(pc) =	sbr.rel .LBB2_5-.Ltmp4, $4  }
0x7b: {  	_ =	swait.ge [sflag:s8], $0x80  }
0x7c: {  	[sflag:s8] =	ssyncset.done $0x0;
	s6 =	rddreg [dreg:$0x15]  }
0x7d: {  	s28 =	rddreg [dreg:$0x1b];
	[sflag:s8] =	ssyncadd.s32 $0xFFFFFF80  }
0x7e: {  	[tilespmem:s9], [sflag:$0x8] =	stream.indirect.gather [hbm4b:s1+s26], $0x80, s26, s26, $0xb8;
	[tilespmem:$0x1FC00] =	vst v63  }
.LBB2_42:
0x7f: {  	_ =	swait.ge [sflag:s16], $0x80  }
0x80: {  	[sflag:s16] =	ssyncset.done $0x0  }
0x81: {  	[sflag:s16] =	ssyncadd.s32 $0xFFFFFF80  }
0x82: {  	[spmem:s3] =	stream.indirect.scatter.add.f32 [tilespmem:s9], [sflag:$0xB], $0x80, s2, s26, $0xb8;
	[tilespmem:$0x1FC00] =	vst v63  }
.LBB2_13:
0x83: {  	s0 =	sadd.s32 $0x1, s0  }
0x84: {  	p4 =	sne.s32 s0, $0x50  }
.Ltmp5:
0x85: {  	_ = 	snop;
	(pc) =	sbr.rel @!p4 .LBB2_14-.Ltmp5, $2  }
0x86: {  	_ =	sdelay $0x2  }
0x87: {  	s28 =	sadd.s32 $0x10, s28;
	s6 =	sadd.s32 $0x80, s6  }
.LBB2_5:
0x88: {  	s29 =	smul.u32 $0xAB, s0;
	_ =	sdelay $0x1  }
0x89: {  	s29 =	sshrl.u32 s29, $0x9  }
0x8a: {  	s29 =	sand.u32 $0x7F, s29  }
0x8b: {  	s29 =	smul.u32 $0x3, s29;
	_ =	sdelay $0x1  }
0x8c: {  	s29 =	ssub.s32 s0, s29  }
0x8d: {  	s29 =	sand.u32 $0xFF, s29  }
0x8e: {  	p4 =	seq.s32 s29, $0x2  }
.Ltmp6:
0x8f: {  	_ = 	snop;
	(pc) =	sbr.rel @p4 .LBB2_11-.Ltmp6, $1  }
0x90: {  	_ =	sdelay $0x3  }
0x91: {  	p4 =	seq.s32 s29, $0x1  }
.Ltmp7:
0x92: {  	_ = 	snop;
	(pc) =	sbr.rel @!p4 .LBB2_7-.Ltmp7, $1  }
0x93: {  	_ =	sdelay $0x3  }
0x94: {  	_ =	swait.ge [sflag:s20], $0x4000;
	p4 =	sgt.u32 s0, $0x4D  }
.Ltmp8:
0x95: {  	[sflag:s20] =	ssyncset.done $0x0;
	(pc) =	sbr.rel @p4 .LBB2_42-.Ltmp8, $4  }
0x96: {  	[sflag:s20] =	ssyncadd.s32 $0xFFFFC000  }
0x97: {  	_ =	swait.ge [sflag:s21], $0x4000  }
0x98: {  	[sflag:s21] =	ssyncset.done $0x0  }
0x99: {  	[sflag:s21] =	ssyncadd.s32 $0xFFFFC000  }
0x9a: {  	_ =	swait.ge [sflag:s7], $0x80  }
0x9b: {  	[sflag:s7] =	ssyncset.done $0x0  }
0x9c: {  	p4 =	seq.s32 s0, $0x4D;
	[sflag:s7] =	ssyncadd.s32 $0xFFFFFF80  }
0x9d: {  	[tilespmem:s14], [sflag:$0x7] =	stream.indirect.gather [hbm4b:s1+s26], $0x80, s4, s26, $0xb8;
	[tilespmem:$0x1FC00] =	vst v63  }
0x9e: {  	s29 =	simm.s32 @!p4 $0x0;
	s30 =	simm.s32 @!p4 $0x80  }
0x9f: {  	[tilespmem:s30], [sflag:$0x2] =	stream.linear.gather @!p4 [hbm4b:s28+s29], $0x80, $0x38;
	[tilespmem:$0x1FC00] =	vst v63  }
0xa0: {  	s29 =	sadd.s32 @!p4 s0, s11;
	s30 =	rddreg [dreg:$0x19]  }
0xa1: {  	s29 =	smov.u32 @p4 s30;
	_ =	swait.ge [sflag:s16], $0x80  }
0xa2: {  	[sflag:s16] =	ssyncset.done $0x0;
	s29 =	sshll.u32 s29, $0x7  }
.Ltmp9:
0xa3: {  	[sflag:s16] =	ssyncadd.s32 $0xFFFFFF80;
	s29 =	sadd.s32 $0x4E500, s29;
	(pc) =	sbr.rel .LBB2_13-.Ltmp9, $4  }
0xa4: {  	[spmem:s3] =	stream.indirect.scatter.add.f32 [tilespmem:s9], [sflag:$0xB], $0x80, s2, s26, $0xb8;
	[tilespmem:$0x1FC00] =	vst v63  }
0xa5: {  	s29 =	sshrl.u32 s29, $0x3  }
0xa6: {  	s29 =	sadd.s32 s5, s29  }
0xa7: {  	[tilespmem:s13], [sflag:$0x4] =	stream.linear.gather [hbm4b:s29+s4], $0x80, $0x38;
	[tilespmem:$0x1FC00] =	vst v63  }
.LBB2_11:
0xa8: {  	_ =	swait.ge [sflag:s10], $0x4000;
	p4 =	sgt.u32 s0, $0x4D  }
.Ltmp10:
0xa9: {  	[sflag:s10] =	ssyncset.done $0x0;
	(pc) =	sbr.rel @p4 .LBB2_43-.Ltmp10, $4  }
0xaa: {  	[sflag:s10] =	ssyncadd.s32 $0xFFFFC000  }
0xab: {  	_ =	swait.ge [sflag:s12], $0x4000  }
0xac: {  	[sflag:s12] =	ssyncset.done $0x0  }
0xad: {  	[sflag:s12] =	ssyncadd.s32 $0xFFFFC000  }
0xae: {  	_ =	swait.ge [sflag:s8], $0x80  }
0xaf: {  	[sflag:s8] =	ssyncset.done $0x0  }
0xb0: {  	p4 =	seq.s32 s0, $0x4D;
	[sflag:s8] =	ssyncadd.s32 $0xFFFFFF80  }
0xb1: {  	[tilespmem:s9], [sflag:$0x8] =	stream.indirect.gather [hbm4b:s1+s26], $0x80, s26, s26, $0xb8;
	[tilespmem:$0x1FC00] =	vst v63  }
0xb2: {  	s29 =	simm.s32 @!p4 $0x0;
	s30 =	simm.s32 @!p4 $0x100  }
0xb3: {  	[tilespmem:s30], [sflag:$0x3] =	stream.linear.gather @!p4 [hbm4b:s28+s29], $0x80, $0x38;
	[tilespmem:$0x1FC00] =	vst v63  }
0xb4: {  	s29 =	sadd.s32 @!p4 s0, s11;
	s30 =	rddreg [dreg:$0x19]  }
0xb5: {  	s29 =	smov.u32 @p4 s30;
	_ =	swait.ge [sflag:s17], $0x80  }
0xb6: {  	[sflag:s17] =	ssyncset.done $0x0;
	s29 =	sshll.u32 s29, $0x7  }
.Ltmp11:
0xb7: {  	[sflag:s17] =	ssyncadd.s32 $0xFFFFFF80;
	s29 =	sadd.s32 $0x4E500, s29;
	(pc) =	sbr.rel .LBB2_13-.Ltmp11, $4  }
0xb8: {  	[spmem:s3] =	stream.indirect.scatter.add.f32 [tilespmem:s19], [sflag:$0xC], $0x80, s18, s26, $0xb8;
	[tilespmem:$0x1FC00] =	vst v63  }
0xb9: {  	s29 =	sshrl.u32 s29, $0x3  }
0xba: {  	s29 =	sadd.s32 s5, s29  }
0xbb: {  	[tilespmem:s2], [sflag:$0x5] =	stream.linear.gather [hbm4b:s29+s4], $0x80, $0x38;
	[tilespmem:$0x1FC00] =	vst v63  }
.LBB2_7:
0xbc: {  	p4 =	seq.s32 s0, $0x0  }
0xbd: {  	p5 =	sgt.u32 @!p4 s0, $0x4D  }
0xbe: {  	_ =	swait.ge [sflag:s22], $0x4000;
	p5 =	por p4, !p5  }
.Ltmp12:
0xbf: {  	[sflag:s22] =	ssyncset.done $0x0;
	(pc) =	sbr.rel @!p5 .LBB2_41-.Ltmp12, $4  }
0xc0: {  	s29 =	simm.s32 @!p4 $0xC;
	[sflag:s22] =	ssyncadd.s32 $0xFFFFC000  }
0xc1: {  	_ =	swait.ge @!p4 [sflag:s29], $0x4000  }
0xc2: {  	[sflag:s29] =	ssyncset.done @!p4 $0x0  }
0xc3: {  	[sflag:s29] =	ssyncadd.s32 @!p4 $0xFFFFC000  }
0xc4: {  	_ =	swait.ge [sflag:s23], $0x80  }
0xc5: {  	[sflag:s23] =	ssyncset.done $0x0  }
0xc6: {  	s29 =	simm.s32 $0x100;
	p4 =	sgt.u32 s0, $0x4C;
	[sflag:s23] =	ssyncadd.s32 $0xFFFFFF80  }
0xc7: {  	[tilespmem:s19], [sflag:$0x9] =	stream.indirect.gather [hbm4b:s1+s26], $0x80, s29, s26, $0xb8;
	[tilespmem:$0x1FC00] =	vst v63  }
0xc8: {  	s29 =	simm.s32 @!p4 $0x0  }
0xc9: {  	[tilespmem:s29], [sflag:$0x1] =	stream.linear.gather @!p4 [hbm4b:s28+s29], $0x80, $0x38;
	[tilespmem:$0x1FC00] =	vst v63  }
0xca: {  	s30 =	sand.u32 $0x7FFFFF80, s6;
	_ =	swait.ge [sflag:s25], $0x80  }
.Ltmp13:
0xcb: {  	s29 =	sadd.s32 $0x4E400, s30;
	[sflag:s25] =	ssyncset.done $0x0;
	(pc) =	sbr.rel .LBB2_13-.Ltmp13, $4  }
0xcc: {  	s29 =	sshrl.u32 s29, $0x3;
	[sflag:s25] =	ssyncadd.s32 $0xFFFFFF80  }
0xcd: {  	[spmem:s3] =	stream.indirect.scatter.add.f32 [tilespmem:s14], [sflag:$0xA], $0x80, s13, s26, $0xb8;
	[tilespmem:$0x1FC00] =	vst v63  }
0xce: {  	s29 =	sadd.s32 s5, s29  }
0xcf: {  	[tilespmem:s18], [sflag:$0x6] =	stream.linear.gather [hbm4b:s29+s4], $0x80, $0x38;
	[tilespmem:$0x1FC00] =	vst v63  }
.LBB2_43:
.Ltmp14:
0xd0: {  	(pc) =	sbr.rel .LBB2_13-.Ltmp14, $4  }
0xd1: {  	_ =	swait.ge [sflag:s17], $0x80  }
0xd2: {  	[sflag:s17] =	ssyncset.done $0x0  }
0xd3: {  	[sflag:s17] =	ssyncadd.s32 $0xFFFFFF80  }
0xd4: {  	[spmem:s3] =	stream.indirect.scatter.add.f32 [tilespmem:s19], [sflag:$0xC], $0x80, s18, s26, $0xb8;
	[tilespmem:$0x1FC00] =	vst v63  }
.LBB2_41:
.Ltmp15:
0xd5: {  	(pc) =	sbr.rel .LBB2_13-.Ltmp15, $4  }
0xd6: {  	_ =	swait.ge [sflag:s25], $0x80  }
0xd7: {  	[sflag:s25] =	ssyncset.done $0x0  }
0xd8: {  	[sflag:s25] =	ssyncadd.s32 $0xFFFFFF80  }
0xd9: {  	[spmem:s3] =	stream.indirect.scatter.add.f32 [tilespmem:s14], [sflag:$0xA], $0x80, s13, s26, $0xb8;
	[tilespmem:$0x1FC00] =	vst v63  }
.LBB2_14:
0xda: {  	_ =	swait.ge [sflag:s12], $0x4000  }
0xdb: {  	[sflag:s12] =	ssyncset.done $0x0  }
0xdc: {  	[sflag:s12] =	ssyncadd.s32 $0xFFFFC000  }
.LBB2_15:
.Ltmp16:
0xdd: {  	(pc) =	sbr.rel @!p0 .LBB2_27-.Ltmp16, $1  }
0xde: {  	_ =	sdelay $0x3  }
0xdf: {  	s0 =	simm.s32 $0x0;
	s6 =	rddreg [dreg:$0xd]  }
0xe0: {  	[tilespmem:s0], [sflag:$0x1] =	stream.linear.gather [hbm4b:s6+s0], $0x80, $0x38;
	[tilespmem:$0x1FC00] =	vst v63  }
0xe1: {  	s29 =	rddreg [dreg:$0xf]  }
0xe2: {  	[tilespmem:s26], [sflag:$0x2] =	stream.linear.gather [hbm4b:s29+s0], $0x80, $0x38;
	[tilespmem:$0x1FC00] =	vst v63  }
0xe3: {  	s30 =	rddreg [dreg:$0xe];
	s28 =	simm.s32 $0x100  }
0xe4: {  	[tilespmem:s28], [sflag:$0x3] =	stream.linear.gather [hbm4b:s30+s0], $0x80, $0x38;
	[tilespmem:$0x1FC00] =	vst v63  }
0xe5: {  	s29 =	rddreg [dreg:$0x11]  }
0xe6: {  	[tilespmem:s13], [sflag:$0x4] =	stream.linear.gather [hbm4b:s29+s0], $0x80, $0x38;
	[tilespmem:$0x1FC00] =	vst v63  }
0xe7: {  	s30 =	rddreg [dreg:$0x12]  }
0xe8: {  	[tilespmem:s2], [sflag:$0x5] =	stream.linear.gather [hbm4b:s30+s0], $0x80, $0x38;
	[tilespmem:$0x1FC00] =	vst v63  }
0xe9: {  	_ =	swait.ge [sflag:s7], $0x80  }
0xea: {  	[sflag:s7] =	ssyncset.done $0x0  }
0xeb: {  	[sflag:s7] =	ssyncadd.s32 $0xFFFFFF80  }
0xec: {  	[tilespmem:s14], [sflag:$0x7] =	stream.indirect.gather [hbm4b:s1+s26], $0x80, s0, s26, $0xb8;
	[tilespmem:$0x1FC00] =	vst v63  }
.Ltmp17:
0xed: {  	_ = 	snop;
	(pc) =	sbr.rel .LBB2_17-.Ltmp17, $4  }
0xee: {  	_ =	swait.ge [sflag:s8], $0x80  }
0xef: {  	[sflag:s8] =	ssyncset.done $0x0;
	s6 =	rddreg [dreg:$0x15]  }
0xf0: {  	s28 =	rddreg [dreg:$0x1b];
	[sflag:s8] =	ssyncadd.s32 $0xFFFFFF80  }
0xf1: {  	[tilespmem:s9], [sflag:$0x8] =	stream.indirect.gather [hbm4b:s1+s26], $0x80, s26, s26, $0xb8;
	[tilespmem:$0x1FC00] =	vst v63  }
.LBB2_45:
0xf2: {  	_ =	swait.ge [sflag:s16], $0x80  }
0xf3: {  	[sflag:s16] =	ssyncset.done $0x0  }
0xf4: {  	[sflag:s16] =	ssyncadd.s32 $0xFFFFFF80  }
0xf5: {  	[spmem:s3] =	stream.indirect.scatter.add.f32 [tilespmem:s9], [sflag:$0xB], $0x80, s2, s26, $0xb8;
	[tilespmem:$0x1FC00] =	vst v63  }
.LBB2_25:
0xf6: {  	s0 =	sadd.s32 $0x1, s0  }
0xf7: {  	p4 =	sne.s32 s0, $0x4D  }
.Ltmp18:
0xf8: {  	_ = 	snop;
	(pc) =	sbr.rel @!p4 .LBB2_26-.Ltmp18, $2  }
0xf9: {  	_ =	sdelay $0x2  }
0xfa: {  	s28 =	sadd.s32 $0x10, s28;
	s6 =	sadd.s32 $0x80, s6  }
.LBB2_17:
0xfb: {  	s29 =	smul.u32 $0xAB, s0;
	_ =	sdelay $0x1  }
0xfc: {  	s29 =	sshrl.u32 s29, $0x9  }
0xfd: {  	s29 =	sand.u32 $0x7F, s29  }
0xfe: {  	s29 =	smul.u32 $0x3, s29;
	_ =	sdelay $0x1  }
0xff: {  	s29 =	ssub.s32 s0, s29  }
0x100: {  	s29 =	sand.u32 $0xFF, s29  }
0x101: {  	p4 =	seq.s32 s29, $0x2  }
.Ltmp19:
0x102: {  	_ = 	snop;
	(pc) =	sbr.rel @p4 .LBB2_23-.Ltmp19, $1  }
0x103: {  	_ =	sdelay $0x3  }
0x104: {  	p4 =	seq.s32 s29, $0x1  }
.Ltmp20:
0x105: {  	_ = 	snop;
	(pc) =	sbr.rel @!p4 .LBB2_19-.Ltmp20, $1  }
0x106: {  	_ =	sdelay $0x3  }
0x107: {  	_ =	swait.ge [sflag:s20], $0x4000;
	p4 =	sgt.u32 s0, $0x4A  }
.Ltmp21:
0x108: {  	[sflag:s20] =	ssyncset.done $0x0;
	(pc) =	sbr.rel @p4 .LBB2_45-.Ltmp21, $4  }
0x109: {  	[sflag:s20] =	ssyncadd.s32 $0xFFFFC000  }
0x10a: {  	_ =	swait.ge [sflag:s21], $0x4000  }
0x10b: {  	[sflag:s21] =	ssyncset.done $0x0  }
0x10c: {  	[sflag:s21] =	ssyncadd.s32 $0xFFFFC000  }
0x10d: {  	_ =	swait.ge [sflag:s7], $0x80  }
0x10e: {  	[sflag:s7] =	ssyncset.done $0x0  }
0x10f: {  	p4 =	seq.s32 s0, $0x4A;
	[sflag:s7] =	ssyncadd.s32 $0xFFFFFF80  }
0x110: {  	[tilespmem:s14], [sflag:$0x7] =	stream.indirect.gather [hbm4b:s1+s26], $0x80, s4, s26, $0xb8;
	[tilespmem:$0x1FC00] =	vst v63  }
0x111: {  	s29 =	simm.s32 @!p4 $0x0;
	s30 =	simm.s32 @!p4 $0x80  }
0x112: {  	[tilespmem:s30], [sflag:$0x2] =	stream.linear.gather @!p4 [hbm4b:s28+s29], $0x80, $0x38;
	[tilespmem:$0x1FC00] =	vst v63  }
0x113: {  	s29 =	sadd.s32 @!p4 s0, s11;
	s30 =	rddreg [dreg:$0x1a]  }
0x114: {  	s29 =	smov.u32 @p4 s30;
	_ =	swait.ge [sflag:s16], $0x80  }
0x115: {  	[sflag:s16] =	ssyncset.done $0x0;
	s29 =	sshll.u32 s29, $0x7  }
.Ltmp22:
0x116: {  	[sflag:s16] =	ssyncadd.s32 $0xFFFFFF80;
	s29 =	sadd.s32 $0x4E500, s29;
	(pc) =	sbr.rel .LBB2_25-.Ltmp22, $4  }
0x117: {  	[spmem:s3] =	stream.indirect.scatter.add.f32 [tilespmem:s9], [sflag:$0xB], $0x80, s2, s26, $0xb8;
	[tilespmem:$0x1FC00] =	vst v63  }
0x118: {  	s29 =	sshrl.u32 s29, $0x3  }
0x119: {  	s29 =	sadd.s32 s5, s29  }
0x11a: {  	[tilespmem:s13], [sflag:$0x4] =	stream.linear.gather [hbm4b:s29+s4], $0x80, $0x38;
	[tilespmem:$0x1FC00] =	vst v63  }
.LBB2_23:
0x11b: {  	_ =	swait.ge [sflag:s10], $0x4000;
	p4 =	sgt.u32 s0, $0x4A  }
.Ltmp23:
0x11c: {  	[sflag:s10] =	ssyncset.done $0x0;
	(pc) =	sbr.rel @p4 .LBB2_46-.Ltmp23, $4  }
0x11d: {  	[sflag:s10] =	ssyncadd.s32 $0xFFFFC000  }
0x11e: {  	_ =	swait.ge [sflag:s12], $0x4000  }
0x11f: {  	[sflag:s12] =	ssyncset.done $0x0  }
0x120: {  	[sflag:s12] =	ssyncadd.s32 $0xFFFFC000  }
0x121: {  	_ =	swait.ge [sflag:s8], $0x80  }
0x122: {  	[sflag:s8] =	ssyncset.done $0x0  }
0x123: {  	p4 =	seq.s32 s0, $0x4A;
	[sflag:s8] =	ssyncadd.s32 $0xFFFFFF80  }
0x124: {  	[tilespmem:s9], [sflag:$0x8] =	stream.indirect.gather [hbm4b:s1+s26], $0x80, s26, s26, $0xb8;
	[tilespmem:$0x1FC00] =	vst v63  }
0x125: {  	s29 =	simm.s32 @!p4 $0x0;
	s30 =	simm.s32 @!p4 $0x100  }
0x126: {  	[tilespmem:s30], [sflag:$0x3] =	stream.linear.gather @!p4 [hbm4b:s28+s29], $0x80, $0x38;
	[tilespmem:$0x1FC00] =	vst v63  }
0x127: {  	s29 =	sadd.s32 @!p4 s0, s11;
	s30 =	rddreg [dreg:$0x1a]  }
0x128: {  	s29 =	smov.u32 @p4 s30;
	_ =	swait.ge [sflag:s17], $0x80  }
0x129: {  	[sflag:s17] =	ssyncset.done $0x0;
	s29 =	sshll.u32 s29, $0x7  }
.Ltmp24:
0x12a: {  	[sflag:s17] =	ssyncadd.s32 $0xFFFFFF80;
	s29 =	sadd.s32 $0x4E500, s29;
	(pc) =	sbr.rel .LBB2_25-.Ltmp24, $4  }
0x12b: {  	[spmem:s3] =	stream.indirect.scatter.add.f32 [tilespmem:s19], [sflag:$0xC], $0x80, s18, s26, $0xb8;
	[tilespmem:$0x1FC00] =	vst v63  }
0x12c: {  	s29 =	sshrl.u32 s29, $0x3  }
0x12d: {  	s29 =	sadd.s32 s5, s29  }
0x12e: {  	[tilespmem:s2], [sflag:$0x5] =	stream.linear.gather [hbm4b:s29+s4], $0x80, $0x38;
	[tilespmem:$0x1FC00] =	vst v63  }
.LBB2_19:
0x12f: {  	p4 =	seq.s32 s0, $0x0  }
0x130: {  	p5 =	sgt.u32 @!p4 s0, $0x4A  }
0x131: {  	_ =	swait.ge [sflag:s22], $0x4000;
	p5 =	por p4, !p5  }
.Ltmp25:
0x132: {  	[sflag:s22] =	ssyncset.done $0x0;
	(pc) =	sbr.rel @!p5 .LBB2_44-.Ltmp25, $4  }
0x133: {  	s29 =	simm.s32 @!p4 $0xC;
	[sflag:s22] =	ssyncadd.s32 $0xFFFFC000  }
0x134: {  	_ =	swait.ge @!p4 [sflag:s29], $0x4000  }
0x135: {  	[sflag:s29] =	ssyncset.done @!p4 $0x0  }
0x136: {  	[sflag:s29] =	ssyncadd.s32 @!p4 $0xFFFFC000  }
0x137: {  	_ =	swait.ge [sflag:s23], $0x80  }
0x138: {  	[sflag:s23] =	ssyncset.done $0x0  }
0x139: {  	s29 =	simm.s32 $0x100;
	p4 =	sgt.u32 s0, $0x49;
	[sflag:s23] =	ssyncadd.s32 $0xFFFFFF80  }
0x13a: {  	[tilespmem:s19], [sflag:$0x9] =	stream.indirect.gather [hbm4b:s1+s26], $0x80, s29, s26, $0xb8;
	[tilespmem:$0x1FC00] =	vst v63  }
0x13b: {  	s29 =	simm.s32 @!p4 $0x0  }
0x13c: {  	[tilespmem:s29], [sflag:$0x1] =	stream.linear.gather @!p4 [hbm4b:s28+s29], $0x80, $0x38;
	[tilespmem:$0x1FC00] =	vst v63  }
0x13d: {  	s30 =	sand.u32 $0x7FFFFF80, s6;
	_ =	swait.ge [sflag:s25], $0x80  }
.Ltmp26:
0x13e: {  	s29 =	sadd.s32 $0x4E400, s30;
	[sflag:s25] =	ssyncset.done $0x0;
	(pc) =	sbr.rel .LBB2_25-.Ltmp26, $4  }
0x13f: {  	s29 =	sshrl.u32 s29, $0x3;
	[sflag:s25] =	ssyncadd.s32 $0xFFFFFF80  }
0x140: {  	[spmem:s3] =	stream.indirect.scatter.add.f32 [tilespmem:s14], [sflag:$0xA], $0x80, s13, s26, $0xb8;
	[tilespmem:$0x1FC00] =	vst v63  }
0x141: {  	s29 =	sadd.s32 s5, s29  }
0x142: {  	[tilespmem:s18], [sflag:$0x6] =	stream.linear.gather [hbm4b:s29+s4], $0x80, $0x38;
	[tilespmem:$0x1FC00] =	vst v63  }
.LBB2_46:
.Ltmp27:
0x143: {  	(pc) =	sbr.rel .LBB2_25-.Ltmp27, $4  }
0x144: {  	_ =	swait.ge [sflag:s17], $0x80  }
0x145: {  	[sflag:s17] =	ssyncset.done $0x0  }
0x146: {  	[sflag:s17] =	ssyncadd.s32 $0xFFFFFF80  }
0x147: {  	[spmem:s3] =	stream.indirect.scatter.add.f32 [tilespmem:s19], [sflag:$0xC], $0x80, s18, s26, $0xb8;
	[tilespmem:$0x1FC00] =	vst v63  }
.LBB2_44:
.Ltmp28:
0x148: {  	(pc) =	sbr.rel .LBB2_25-.Ltmp28, $4  }
0x149: {  	_ =	swait.ge [sflag:s25], $0x80  }
0x14a: {  	[sflag:s25] =	ssyncset.done $0x0  }
0x14b: {  	[sflag:s25] =	ssyncadd.s32 $0xFFFFFF80  }
0x14c: {  	[spmem:s3] =	stream.indirect.scatter.add.f32 [tilespmem:s14], [sflag:$0xA], $0x80, s13, s26, $0xb8;
	[tilespmem:$0x1FC00] =	vst v63  }
.LBB2_26:
0x14d: {  	_ =	swait.ge [sflag:s12], $0x4000  }
0x14e: {  	[sflag:s12] =	ssyncset.done $0x0  }
0x14f: {  	[sflag:s12] =	ssyncadd.s32 $0xFFFFC000  }
.LBB2_27:
.Ltmp29:
0x150: {  	(pc) =	sbr.rel @!p1 .LBB2_39-.Ltmp29, $1  }
0x151: {  	_ =	sdelay $0x3  }
0x152: {  	s0 =	simm.s32 $0x0;
	s6 =	rddreg [dreg:$0xd]  }
0x153: {  	[tilespmem:s0], [sflag:$0x1] =	stream.linear.gather [hbm4b:s6+s0], $0x80, $0x38;
	[tilespmem:$0x1FC00] =	vst v63  }
0x154: {  	s29 =	rddreg [dreg:$0xf]  }
0x155: {  	[tilespmem:s26], [sflag:$0x2] =	stream.linear.gather [hbm4b:s29+s0], $0x80, $0x38;
	[tilespmem:$0x1FC00] =	vst v63  }
0x156: {  	s30 =	rddreg [dreg:$0xe];
	s28 =	simm.s32 $0x100  }
0x157: {  	[tilespmem:s28], [sflag:$0x3] =	stream.linear.gather [hbm4b:s30+s0], $0x80, $0x38;
	[tilespmem:$0x1FC00] =	vst v63  }
0x158: {  	s29 =	rddreg [dreg:$0x11]  }
0x159: {  	[tilespmem:s13], [sflag:$0x4] =	stream.linear.gather [hbm4b:s29+s0], $0x80, $0x38;
	[tilespmem:$0x1FC00] =	vst v63  }
0x15a: {  	s30 =	rddreg [dreg:$0x12]  }
0x15b: {  	[tilespmem:s2], [sflag:$0x5] =	stream.linear.gather [hbm4b:s30+s0], $0x80, $0x38;
	[tilespmem:$0x1FC00] =	vst v63  }
0x15c: {  	_ =	swait.ge [sflag:s7], $0x80  }
0x15d: {  	[sflag:s7] =	ssyncset.done $0x0  }
0x15e: {  	[sflag:s7] =	ssyncadd.s32 $0xFFFFFF80  }
0x15f: {  	[tilespmem:s14], [sflag:$0x7] =	stream.indirect.gather [hbm4b:s1+s26], $0x80, s0, s26, $0xb8;
	[tilespmem:$0x1FC00] =	vst v63  }
.Ltmp30:
0x160: {  	_ = 	snop;
	(pc) =	sbr.rel .LBB2_29-.Ltmp30, $4  }
0x161: {  	_ =	swait.ge [sflag:s8], $0x80  }
0x162: {  	[sflag:s8] =	ssyncset.done $0x0;
	s6 =	rddreg [dreg:$0x15]  }
0x163: {  	s28 =	rddreg [dreg:$0x1b];
	[sflag:s8] =	ssyncadd.s32 $0xFFFFFF80  }
0x164: {  	[tilespmem:s9], [sflag:$0x8] =	stream.indirect.gather [hbm4b:s1+s26], $0x80, s26, s26, $0xb8;
	[tilespmem:$0x1FC00] =	vst v63  }
.LBB2_48:
0x165: {  	_ =	swait.ge [sflag:s16], $0x80  }
0x166: {  	[sflag:s16] =	ssyncset.done $0x0  }
0x167: {  	[sflag:s16] =	ssyncadd.s32 $0xFFFFFF80  }
0x168: {  	[spmem:s3] =	stream.indirect.scatter.add.f32 [tilespmem:s9], [sflag:$0xB], $0x80, s2, s26, $0xb8;
	[tilespmem:$0x1FC00] =	vst v63  }
.LBB2_37:
0x169: {  	s0 =	sadd.s32 $0x1, s0  }
0x16a: {  	p4 =	sne.s32 s0, $0x4C  }
.Ltmp31:
0x16b: {  	_ = 	snop;
	(pc) =	sbr.rel @!p4 .LBB2_38-.Ltmp31, $2  }
0x16c: {  	_ =	sdelay $0x2  }
0x16d: {  	s28 =	sadd.s32 $0x10, s28;
	s6 =	sadd.s32 $0x80, s6  }
.LBB2_29:
0x16e: {  	s29 =	smul.u32 $0xAB, s0;
	_ =	sdelay $0x1  }
0x16f: {  	s29 =	sshrl.u32 s29, $0x9  }
0x170: {  	s29 =	sand.u32 $0x7F, s29  }
0x171: {  	s29 =	smul.u32 $0x3, s29;
	_ =	sdelay $0x1  }
0x172: {  	s29 =	ssub.s32 s0, s29  }
0x173: {  	s29 =	sand.u32 $0xFF, s29  }
0x174: {  	p4 =	seq.s32 s29, $0x2  }
.Ltmp32:
0x175: {  	_ = 	snop;
	(pc) =	sbr.rel @p4 .LBB2_35-.Ltmp32, $1  }
0x176: {  	_ =	sdelay $0x3  }
0x177: {  	p4 =	seq.s32 s29, $0x1  }
.Ltmp33:
0x178: {  	_ = 	snop;
	(pc) =	sbr.rel @!p4 .LBB2_31-.Ltmp33, $1  }
0x179: {  	_ =	sdelay $0x3  }
0x17a: {  	_ =	swait.ge [sflag:s20], $0x4000;
	p4 =	sgt.u32 s0, $0x49  }
.Ltmp34:
0x17b: {  	[sflag:s20] =	ssyncset.done $0x0;
	(pc) =	sbr.rel @p4 .LBB2_48-.Ltmp34, $4  }
0x17c: {  	[sflag:s20] =	ssyncadd.s32 $0xFFFFC000  }
0x17d: {  	_ =	swait.ge [sflag:s21], $0x4000  }
0x17e: {  	[sflag:s21] =	ssyncset.done $0x0  }
0x17f: {  	[sflag:s21] =	ssyncadd.s32 $0xFFFFC000  }
0x180: {  	_ =	swait.ge [sflag:s7], $0x80  }
0x181: {  	[sflag:s7] =	ssyncset.done $0x0  }
0x182: {  	p4 =	seq.s32 s0, $0x49;
	[sflag:s7] =	ssyncadd.s32 $0xFFFFFF80  }
0x183: {  	[tilespmem:s14], [sflag:$0x7] =	stream.indirect.gather [hbm4b:s1+s26], $0x80, s4, s26, $0xb8;
	[tilespmem:$0x1FC00] =	vst v63  }
0x184: {  	s29 =	simm.s32 @!p4 $0x0;
	s30 =	simm.s32 @!p4 $0x80  }
0x185: {  	[tilespmem:s30], [sflag:$0x2] =	stream.linear.gather @!p4 [hbm4b:s28+s29], $0x80, $0x38;
	[tilespmem:$0x1FC00] =	vst v63  }
0x186: {  	s29 =	sadd.s32 @!p4 s0, s11  }
0x187: {  	s29 =	smov.u32 @p4 s31;
	_ =	swait.ge [sflag:s16], $0x80  }
0x188: {  	[sflag:s16] =	ssyncset.done $0x0;
	s29 =	sshll.u32 s29, $0x7  }
.Ltmp35:
0x189: {  	[sflag:s16] =	ssyncadd.s32 $0xFFFFFF80;
	s29 =	sadd.s32 $0x4E500, s29;
	(pc) =	sbr.rel .LBB2_37-.Ltmp35, $4  }
0x18a: {  	[spmem:s3] =	stream.indirect.scatter.add.f32 [tilespmem:s9], [sflag:$0xB], $0x80, s2, s26, $0xb8;
	[tilespmem:$0x1FC00] =	vst v63  }
0x18b: {  	s29 =	sshrl.u32 s29, $0x3  }
0x18c: {  	s29 =	sadd.s32 s5, s29  }
0x18d: {  	[tilespmem:s13], [sflag:$0x4] =	stream.linear.gather [hbm4b:s29+s4], $0x80, $0x38;
	[tilespmem:$0x1FC00] =	vst v63  }
.LBB2_35:
0x18e: {  	_ =	swait.ge [sflag:s10], $0x4000;
	p4 =	sgt.u32 s0, $0x49  }
.Ltmp36:
0x18f: {  	[sflag:s10] =	ssyncset.done $0x0;
	(pc) =	sbr.rel @p4 .LBB2_49-.Ltmp36, $4  }
0x190: {  	[sflag:s10] =	ssyncadd.s32 $0xFFFFC000  }
0x191: {  	_ =	swait.ge [sflag:s12], $0x4000  }
0x192: {  	[sflag:s12] =	ssyncset.done $0x0  }
0x193: {  	[sflag:s12] =	ssyncadd.s32 $0xFFFFC000  }
0x194: {  	_ =	swait.ge [sflag:s8], $0x80  }
0x195: {  	[sflag:s8] =	ssyncset.done $0x0  }
0x196: {  	p4 =	seq.s32 s0, $0x49;
	[sflag:s8] =	ssyncadd.s32 $0xFFFFFF80  }
0x197: {  	[tilespmem:s9], [sflag:$0x8] =	stream.indirect.gather [hbm4b:s1+s26], $0x80, s26, s26, $0xb8;
	[tilespmem:$0x1FC00] =	vst v63  }
0x198: {  	s29 =	simm.s32 @!p4 $0x0;
	s30 =	simm.s32 @!p4 $0x100  }
0x199: {  	[tilespmem:s30], [sflag:$0x3] =	stream.linear.gather @!p4 [hbm4b:s28+s29], $0x80, $0x38;
	[tilespmem:$0x1FC00] =	vst v63  }
0x19a: {  	s29 =	sadd.s32 @!p4 s0, s11  }
0x19b: {  	s29 =	smov.u32 @p4 s31;
	_ =	swait.ge [sflag:s17], $0x80  }
0x19c: {  	[sflag:s17] =	ssyncset.done $0x0;
	s29 =	sshll.u32 s29, $0x7  }
.Ltmp37:
0x19d: {  	[sflag:s17] =	ssyncadd.s32 $0xFFFFFF80;
	s29 =	sadd.s32 $0x4E500, s29;
	(pc) =	sbr.rel .LBB2_37-.Ltmp37, $4  }
0x19e: {  	[spmem:s3] =	stream.indirect.scatter.add.f32 [tilespmem:s19], [sflag:$0xC], $0x80, s18, s26, $0xb8;
	[tilespmem:$0x1FC00] =	vst v63  }
0x19f: {  	s29 =	sshrl.u32 s29, $0x3  }
0x1a0: {  	s29 =	sadd.s32 s5, s29  }
0x1a1: {  	[tilespmem:s2], [sflag:$0x5] =	stream.linear.gather [hbm4b:s29+s4], $0x80, $0x38;
	[tilespmem:$0x1FC00] =	vst v63  }
.LBB2_31:
0x1a2: {  	p4 =	seq.s32 s0, $0x0  }
0x1a3: {  	p5 =	sgt.u32 @!p4 s0, $0x49  }
0x1a4: {  	_ =	swait.ge [sflag:s22], $0x4000;
	p5 =	por p4, !p5  }
.Ltmp38:
0x1a5: {  	[sflag:s22] =	ssyncset.done $0x0;
	(pc) =	sbr.rel @!p5 .LBB2_47-.Ltmp38, $4  }
0x1a6: {  	s29 =	simm.s32 @!p4 $0xC;
	[sflag:s22] =	ssyncadd.s32 $0xFFFFC000  }
0x1a7: {  	_ =	swait.ge @!p4 [sflag:s29], $0x4000  }
0x1a8: {  	[sflag:s29] =	ssyncset.done @!p4 $0x0  }
0x1a9: {  	[sflag:s29] =	ssyncadd.s32 @!p4 $0xFFFFC000  }
0x1aa: {  	_ =	swait.ge [sflag:s23], $0x80  }
0x1ab: {  	[sflag:s23] =	ssyncset.done $0x0  }
0x1ac: {  	s29 =	simm.s32 $0x100;
	p4 =	sgt.u32 s0, $0x48;
	[sflag:s23] =	ssyncadd.s32 $0xFFFFFF80  }
0x1ad: {  	[tilespmem:s19], [sflag:$0x9] =	stream.indirect.gather [hbm4b:s1+s26], $0x80, s29, s26, $0xb8;
	[tilespmem:$0x1FC00] =	vst v63  }
0x1ae: {  	s29 =	simm.s32 @!p4 $0x0  }
0x1af: {  	[tilespmem:s29], [sflag:$0x1] =	stream.linear.gather @!p4 [hbm4b:s28+s29], $0x80, $0x38;
	[tilespmem:$0x1FC00] =	vst v63  }
0x1b0: {  	s30 =	sand.u32 $0x7FFFFF80, s6;
	_ =	swait.ge [sflag:s25], $0x80  }
.Ltmp39:
0x1b1: {  	s29 =	sadd.s32 $0x4E400, s30;
	[sflag:s25] =	ssyncset.done $0x0;
	(pc) =	sbr.rel .LBB2_37-.Ltmp39, $4  }
0x1b2: {  	s29 =	sshrl.u32 s29, $0x3;
	[sflag:s25] =	ssyncadd.s32 $0xFFFFFF80  }
0x1b3: {  	[spmem:s3] =	stream.indirect.scatter.add.f32 [tilespmem:s14], [sflag:$0xA], $0x80, s13, s26, $0xb8;
	[tilespmem:$0x1FC00] =	vst v63  }
0x1b4: {  	s29 =	sadd.s32 s5, s29  }
0x1b5: {  	[tilespmem:s18], [sflag:$0x6] =	stream.linear.gather [hbm4b:s29+s4], $0x80, $0x38;
	[tilespmem:$0x1FC00] =	vst v63  }
.LBB2_49:
.Ltmp40:
0x1b6: {  	(pc) =	sbr.rel .LBB2_37-.Ltmp40, $4  }
0x1b7: {  	_ =	swait.ge [sflag:s17], $0x80  }
0x1b8: {  	[sflag:s17] =	ssyncset.done $0x0  }
0x1b9: {  	[sflag:s17] =	ssyncadd.s32 $0xFFFFFF80  }
0x1ba: {  	[spmem:s3] =	stream.indirect.scatter.add.f32 [tilespmem:s19], [sflag:$0xC], $0x80, s18, s26, $0xb8;
	[tilespmem:$0x1FC00] =	vst v63  }
.LBB2_47:
.Ltmp41:
0x1bb: {  	(pc) =	sbr.rel .LBB2_37-.Ltmp41, $4  }
0x1bc: {  	_ =	swait.ge [sflag:s25], $0x80  }
0x1bd: {  	[sflag:s25] =	ssyncset.done $0x0  }
0x1be: {  	[sflag:s25] =	ssyncadd.s32 $0xFFFFFF80  }
0x1bf: {  	[spmem:s3] =	stream.indirect.scatter.add.f32 [tilespmem:s14], [sflag:$0xA], $0x80, s13, s26, $0xb8;
	[tilespmem:$0x1FC00] =	vst v63  }
.LBB2_40:
0x1c0: {  	_ =	sfence.sel $0x180000  }
0x1c1: {  	[bflag:$0x0] =	sbarrier.arrive $0xFFFF  }
0x1c2: {  	_ =	strace $0x90000047  }
0x1c3: {  	s0 =	stileid.u32;
	[bflag:$0x2] =	sbarrier.arrive $0xFFFF  }
0x1c4: {  	p0 =	sne.s32 s0, $0x0;
	s0 =	rddreg [dreg:$0x3]  }
0x1c5: {  	s0 =	sadd.s32 @!p0 $0x100000, s0  }
0x1c6: {  	[sflag:s0] =	ssyncadd.tile.s32 @!p0 $0x1;
	_ =	shalt  }
.Lfunc_end2:
_tile_overlayer_lowered:
.L_overlay_start_2:
0x1c7: {  	(tag) =	ssettag $0x2  }
0x1c8: {  	s0 =	rddreg [dreg:$0x0];
	s2 =	stileid.u32  }
0x1c9: {  	s1 =	rddreg [dreg:$0x1];
	p0 =	sne.s32 s2, $0x0  }
0x1ca: {  	s3 =	rddreg [dreg:$0x2];
	[bflag:$0x3] =	sbarrier.arrive $0xFFFF;
	s2 =	simm.s32 @!p0 $0x1C0D  }
0x1cb: {  	[timem:s3], [sflag:s2] =	dma.local @!p0 [hbm:s0], s1  }
0x1cc: {  	s0 =	simm.s32 @!p0 $0xD  }
0x1cd: {  	_ =	swait.ge @!p0 [sflag:s0], s1  }
0x1ce: {  	s1 =	ssub.s32 @!p0 $0x0, s1;
	[sflag:s0] =	ssyncset.done @!p0 $0x0  }
0x1cf: {  	[sflag:s0] =	ssyncadd.s32 @!p0 s1  }
0x1d0: {  	[bflag:$0x3] =	sbarrier.arrive $0xFFFF  }
0x1d1: {  	_ =	shalt  }

// kernel: kernel.9.cloned.1.call-start
scs
__scs_entry_jumppad:
0x0: {  	(pc) =	sbr.rel $0x88, $3  }
0x1: {  	(tag) =	ssettag $0x0;
	lr =	simm.s32 $0x1  }
0x2: {  	[smem:$0x3F9B] =	sst lr;
	_ =	strace $0xD0000000  }
0x3: {  	_ = 	snop  }
0x4: {  	_ = 	snop  }
0x5: {  	_ = 	snop  }
0x6: {  	_ = 	snop  }
0x7: {  	_ = 	snop  }
__scs_overlays_trampoline_lowered:
0x8: {  	[smem:$0x3FAA] =	sst s0  }
0x9: {  	[smem:$0x3FAB] =	sst s1  }
0xa: {  	[smem:$0x3FAC] =	sst s2  }
0xb: {  	[smem:$0x3FAD] =	sst s3  }
0xc: {  	[smem:$0x3FAE] =	sst s4  }
0xd: {  	[smem:$0x3FAF] =	sst s5  }
0xe: {  	[smem:$0x3FB0] =	sst s6  }
0xf: {  	[smem:$0x3FB1] =	sst s7  }
0x10: {  	[smem:$0x3FB2] =	sst s8  }
0x11: {  	[smem:$0x3FB3] =	sst s9;
	s0 =	simm.s32 @!p0 $0x0  }
0x12: {  	s1 =	sld [smem:$0x3F99];
	s0 =	simm.s32 @p0 $0x1  }
0x13: {  	[smem:$0x3FB4] =	sst s0;
	s0 =	simm.s32 @!p1 $0x0  }
0x14: {  	s2 =	sld [smem:$0x3F98];
	s0 =	simm.s32 @p1 $0x1  }
0x15: {  	[smem:$0x3FB5] =	sst s0;
	s0 =	simm.s32 @!p2 $0x0  }
0x16: {  	s3 =	sld [smem:$0x3FDB];
	s0 =	simm.s32 @p2 $0x1  }
0x17: {  	s4 =	simm.s32 $0x1BF5;
	[smem:$0x3FB7] =	sst s0  }
0x18: {  	s0 =	sld [smem:$0x3F9A];
	_ =	swait.ge [sflag:s4], $0x0  }
0x19: {  	s7 =	sld [smem:$0x3F9B]  }
0x1a: {  	s8 =	sadd.s32 $0xFFFFE003, lr  }
0x1b: {  	s9 =	sadd.s32 $0xFFFFFEF7, lr;
	s5 =	simm.s32 $0xFFFFFFFF;
	p2 =	slt.u32 s8, $0xFFFFF086  }
0x1c: {  	p1 =	slt.u32 s9, $0xF7A;
	s5 =	simm.s32 @!p2 $0x0  }
0x1d: {  	s5 =	simm.s32 @p1 $0x1;
	p0 =	seq.s32 s7, s2  }
0x1e: {  	s7 =	smul.u32 @!p0 $0xF7A, s2;
	p2 =	seq.s32 @!p0 s5, $0x0  }
0x1f: {  	s9 =	smul.u32 $0xF7A, s1;
	s8 =	simm.s32 @!p0 $0x1BF5;
	p2 =	por !p2, p0  }
0x20: {  	[sflag:s8] =	ssyncset.s32 @!p0 $0xFFFFF086;
	s6 =	sadd.s32 @!p0 s3, s7;
	s7 =	simm.s32 @!p0 $0x108  }
0x21: {  	s3 =	sadd.s32 s3, s9;
	s6 =	sadd.s32 @!p0 $0x88, s6;
	s7 =	simm.s32 @p2 $0x1082  }
0x22: {  	[simem:s7], [sflag:s8] =	dma.local @!p0 [hbm:s6], $0xF7A  }
0x23: {  	s9 =	sor.u32 $0xD0000000, s2;
	s6 =	simm.s32 $0x108;
	_ =	swait.ge @!p0 [sflag:s8], $0x0  }
0x24: {  	s3 =	sadd.s32 $0x88, s3;
	s6 =	simm.s32 @!p1 $0x1082;
	[sflag:s4] =	ssyncset.s32 $0xFFFFF086  }
0x25: {  	[simem:s6], [sflag:s4] =	dma.local [hbm:s3], $0xF7A  }
0x26: {  	[smem:$0x3F9B] =	sst s1;
	(tag) =	ssettag s2;
	_ =	strace s9  }
0x27: {  	s1 =	sld [smem:$0x3FAB]  }
0x28: {  	s2 =	sld [smem:$0x3FAC]  }
0x29: {  	s4 =	sld [smem:$0x3FAE]  }
0x2a: {  	p0 =	seq.s32 s5, $0x0;
	s5 =	sld [smem:$0x3FAF]  }
0x2b: {  	s6 =	sld [smem:$0x3FB0]  }
0x2c: {  	s7 =	sld [smem:$0x3FB1]  }
0x2d: {  	s3 =	simm.s32 $0x108;
	s8 =	sld [smem:$0x3FB2]  }
0x2e: {  	s3 =	simm.s32 @!p0 $0x1082;
	s9 =	sld [smem:$0x3FB3]  }
0x2f: {  	lr =	sadd.s32 s0, s3;
	s0 =	sld [smem:$0x3FAA]  }
0x30: {  	s3 =	sld [smem:$0x3FAD]  }
0x31: {  	[smem:$0x3FB6] =	sst s10  }
0x32: {  	s10 =	sld [smem:$0x3FB4];
	_ =	sdelay $0x3  }
0x33: {  	p0 =	seq.s32 s10, $0x1;
	s10 =	sld [smem:$0x3FB6];
	_ =	sdelay $0x3  }
0x34: {  	[smem:$0x3FB6] =	sst s10  }
0x35: {  	s10 =	sld [smem:$0x3FB5];
	_ =	sdelay $0x3  }
0x36: {  	p1 =	seq.s32 s10, $0x1;
	s10 =	sld [smem:$0x3FB6];
	_ =	sdelay $0x3  }
0x37: {  	[smem:$0x3FB6] =	sst s10  }
0x38: {  	s10 =	sld [smem:$0x3FB7]  }
0x39: {  	_ = 	snop;
	(pc) =	sbr.ind lr, $3  }
0x3a: {  	_ = 	snop  }
0x3b: {  	_ = 	snop  }
0x3c: {  	p2 =	seq.s32 s10, $0x1;
	s10 =	sld [smem:$0x3FB6]  }
0x3d: {  	_ =	shalt  }
0x3e: {  	_ =	shalt  }
0x3f: {  	_ =	shalt  }
0x40: {  	_ =	shalt  }
0x41: {  	_ =	shalt  }
0x42: {  	_ =	shalt  }
0x43: {  	_ =	shalt  }
0x44: {  	_ =	shalt  }
0x45: {  	_ =	shalt  }
0x46: {  	_ =	shalt  }
0x47: {  	_ =	shalt  }
0x48: {  	_ =	shalt  }
0x49: {  	_ =	shalt  }
0x4a: {  	_ =	shalt  }
0x4b: {  	_ =	shalt  }
0x4c: {  	_ =	shalt  }
0x4d: {  	_ =	shalt  }
0x4e: {  	_ =	shalt  }
0x4f: {  	_ =	shalt  }
0x50: {  	_ =	shalt  }
0x51: {  	_ =	shalt  }
0x52: {  	_ =	shalt  }
0x53: {  	_ =	shalt  }
0x54: {  	_ =	shalt  }
0x55: {  	_ =	shalt  }
0x56: {  	_ =	shalt  }
0x57: {  	_ =	shalt  }
0x58: {  	_ =	shalt  }
0x59: {  	_ =	shalt  }
0x5a: {  	_ =	shalt  }
0x5b: {  	_ =	shalt  }
0x5c: {  	_ =	shalt  }
0x5d: {  	_ =	shalt  }
0x5e: {  	_ =	shalt  }
0x5f: {  	_ =	shalt  }
0x60: {  	_ =	shalt  }
0x61: {  	_ =	shalt  }
0x62: {  	_ =	shalt  }
0x63: {  	_ =	shalt  }
0x64: {  	_ =	shalt  }
0x65: {  	_ =	shalt  }
0x66: {  	_ =	shalt  }
0x67: {  	_ =	shalt  }
0x68: {  	_ =	shalt  }
0x69: {  	_ =	shalt  }
0x6a: {  	_ =	shalt  }
0x6b: {  	_ =	shalt  }
0x6c: {  	_ =	shalt  }
0x6d: {  	_ =	shalt  }
0x6e: {  	_ =	shalt  }
0x6f: {  	_ =	shalt  }
0x70: {  	_ =	shalt  }
0x71: {  	_ =	shalt  }
0x72: {  	_ =	shalt  }
0x73: {  	_ =	shalt  }
0x74: {  	_ =	shalt  }
0x75: {  	_ =	shalt  }
0x76: {  	_ =	shalt  }
0x77: {  	_ =	shalt  }
0x78: {  	_ =	shalt  }
0x79: {  	_ =	shalt  }
0x7a: {  	_ =	shalt  }
0x7b: {  	_ =	shalt  }
0x7c: {  	_ =	shalt  }
0x7d: {  	_ =	shalt  }
0x7e: {  	_ =	shalt  }
0x7f: {  	_ =	shalt  }
0x80: {  	_ =	shalt  }
0x81: {  	_ =	shalt  }
0x82: {  	_ =	shalt  }
0x83: {  	_ =	shalt  }
0x84: {  	_ =	shalt  }
0x85: {  	_ =	shalt  }
0x86: {  	_ =	shalt  }
0x87: {  	_ =	shalt  }
.Lfunc_end0:
.L_simem_size_0:
called_computation.1_lowered:
.L_overlay_start_0:
0x88: {  	s2 =	sld [smem:$0x3FD9]  }
0x89: {  	s3 =	sld [smem:$0x3FFE];
	_ =	sdelay $0x1  }
0x8a: {  	s1 =	srdreg.scid  }
0x8b: {  	s0 =	sand.u32 $0x1, s1  }
0x8c: {  	s17 =	sshll.u32 s0, $0xA;
	s2 =	sadd.s32 s3, s2  }
0x8d: {  	s2 =	sadd.s32 s2, s17  }
0x8e: {  	[smem:$0x3FC2] =	sst s2  }
0x8f: {  	_ = 	snop  }
0x90: {  	s2 =	sld [smem:$0x3FD0];
	(tm) =	ssettm $0x1  }
0x91: {  	s18 =	sld [smem:$0x3FFB];
	_ =	sdelay $0x3  }
0x92: {  	_ =	strace s18  }
0x93: {  	s3 =	sld [smem:$0x3FFC];
	_ =	sdelay $0x3  }
0x94: {  	_ =	strace s3  }
0x95: {  	s3 =	sld [smem:$0x3FFD];
	_ =	sdelay $0x3  }
0x96: {  	_ =	strace s3  }
0x97: {  	_ =	strace $0x8FFFFFFF  }
0x98: {  	s19 =	sld [smem:$0x3FDB];
	_ =	sdelay $0x1  }
0x99: {  	s4 =	simm.s32 $_scs_section_size  }
0x9a: {  	s5 =	simm.s32 $_size__tile_overlayer_lowered;
	s6 =	simm.s32 $_tile_overlayer_lowered  }
0x9b: {  	s22 =	simm.s32 $0x1BFF;
	s21 =	sshll.u32 s6, $0x1;
	s3 =	sadd.s32 s4, s19  }
0x9c: {  	s7 =	simm.s32 $0x0;
	s20 =	sshll.u32 s5, $0x1;
	s5 =	sadd.s32 s21, s3  }
0x9d: {  	[timem:s7], [sflag:s22] =	dma.local [hbm:s5], s20  }
0x9e: {  	_ =	swait.ge [sflag:s22], s20  }
0x9f: {  	s4 =	ssub.s32 $0x0, s20;
	[sflag:s22] =	ssyncset.done $0x0  }
0xa0: {  	[sflag:s22] =	ssyncadd.s32 s4;
	_ =	sdelay $0x1  }
0xa1: {  	s23 =	simm.s32 $0x1B8B  }
0xa2: {  	_ =	swait.ge [sflag:s23], $0x1  }
0xa3: {  	[sflag:s23] =	ssyncset.done $0x0  }
0xa4: {  	s25 =	simm.s32 $0x1B8E;
	s24 =	sld [smem:$0x3FFE];
	[sflag:s23] =	ssyncadd.s32 $0xFFFFFFFF  }
0xa5: {  	s26 =	simm.s32 $execute0_lowered;
	[smem:$0x3FD2] =	sst s25  }
0xa6: {  	s5 =	sshll.u32 s26, $0x1;
	_ =	strace $0x80000049;
	[dreg:$0x1] =	wrdreg $0xFFFFFFFF  }
0xa7: {  	s28 =	simm.s32 $_size_execute0_lowered;
	s3 =	sadd.s32 s3, s5;
	[dreg:$0x0] =	wrdreg $0x0  }
0xa8: {  	s5 =	sshll.u32 s28, $0x1;
	[dreg:$0x2] =	wrdreg s3  }
0xa9: {  	[dreg:$0x3] =	wrdreg s5  }
0xaa: {  	[dreg:$0x4] =	wrdreg $0xC0  }
0xab: {  	_ =	task [dreg:s7], $0x5FFFF  }
0xac: {  	[dreg:$0x1] =	wrdreg $0xFFFFFFFF  }
0xad: {  	[dreg:$0x0] =	wrdreg $0x60  }
0xae: {  	[dreg:$0x2] =	wrdreg s2  }
0xaf: {  	[dreg:$0x3] =	wrdreg s24  }
0xb0: {  	[dreg:$0x4] =	wrdreg $0xC3000  }
0xb1: {  	[dreg:$0x5] =	wrdreg $0x9  }
0xb2: {  	_ =	task.clear_ibuf [dreg:s7], $0x6FFFF;
	_ =	strace $0x90000049  }
0xb3: {  	s29 =	simm.s32 $0x9;
	_ =	strace $0x8000004B  }
0xb4: {  	_ =	swait.ge [sflag:s29], $0x1  }
0xb5: {  	[sflag:s29] =	ssyncadd.s32 $0xFFFFFFFF  }
0xb6: {  	_ =	strace $0x9000004B  }
0xb7: {  	_ =	sfence  }
0xb8: {  	s30 =	sld [smem:$0x0];
	_ =	sdelay $0x2  }
0xb9: {  	s31 =	sshll.u32 s1, $0xD;
	s1 =	sshrl.u32 s1, $0x2  }
0xba: {  	s3 =	sand.u32 $0x4000, s31;
	s1 =	sadd.s32 s1, s30  }
0xbb: {  	s0 =	sor.u32 s3, s0;
	s1 =	sshll.u32 s1, $0x11  }
0xbc: {  	s0 =	sor.u32 s1, s0  }
0xbd: {  	s0 =	sadd.s32 $0x8F2B, s0  }
0xbe: {  	[sflag:s0] =	ssyncadd.remote.s32 $0x1  }
0xbf: {  	_ =	sfence.sel $0xFFFF  }
0xc0: {  	[dreg:$0x0] =	wrdreg $0xFFFFFFFF;
	(pc) =	sbr.abs _section_cstart, $3  }
0xc1: {  	[dreg:$0x1] =	wrdreg $0xFFFFFFFF  }
0xc2: {  	_ =	task.clear_ibuf [dreg:s7], $0x2FFFF;
	_ =	strace $0x9FFFFFFF  }
0xc3: {  	(tm) =	ssettm $0x7FFFFFFF  }
tec
execute0_lowered:
.L_overlay_start_1:
0x0: {  	(tag) =	ssettag $0x1  }
0x1: {  	s1 =	rddreg [dreg:$0x0]  }
0x2: {  	s0 =	rddreg [dreg:$0x1];
	s14 =	stileid.u32  }
0x3: {  	s3 =	rddreg [dreg:$0x2];
	s6 =	smul.u32 $0x4F000, s14  }
0x4: {  	s4 =	simm.s32 $0x0;
	s2 =	srdreg.scid;
	s21 =	smul.u32 $0x4C, s14  }
0x5: {  	[smem:$0x7FF] =	sst s4;
	s2 =	sand.u32 $0x1, s2;
	s10 =	smul.u32 $0x2800, s14  }
0x6: {  	s5 =	sadd.s32 $0x1600, s0;
	s9 =	sadd.s32 $0x15000, s0;
	s12 =	smul.u32 $0x50, s14  }
0x7: {  	s23 =	smin.u32 s14, $0x4;
	s25 =	sadd.s32 $0x138400, s3;
	s26 =	smul.u32 $0x500, s14  }
0x8: {  	s0 =	sadd.s32 $0x1620, s0;
	p6 =	slt.u32 s14, $0x4;
	s29 =	smul.u32 $0x13C00, s14  }
0x9: {  	p2 =	sgt.u32 s14, $0x3;
	p3 =	seq.s32 s14, $0xF;
	s14 =	simm.s32 $0x300  }
0xa: {  	_ =	strace $0x8000004A;
	s7 =	ssub.s32 $0x2, s2;
	p0 =	seq.s32 s2, $0x0  }
0xb: {  	[dreg:$0x9] =	wrdreg s25;
	p1 =	seq.s32 s2, $0x1;
	s6 =	sshrl.u32 s6, $0x2  }
0xc: {  	s28 =	smul.u32 $0x138800, s2;
	s24 =	sshrl.u32 s10, $0x3;
	s11 =	sadd.s32 s6, s3  }
0xd: {  	s8 =	sshrl.u32 s7, $0x1;
	s15 =	sadd.s32 s5, s24;
	[dreg:$0x4] =	wrdreg s11  }
0xe: {  	s10 =	simm.s32 $0x9;
	s6 =	sadd.s32 $0x4000, s11;
	[dreg:$0xa] =	wrdreg s15  }
0xf: {  	s7 =	ssub.s32 s7, s8;
	s20 =	sadd.s32 $0x8000, s11;
	[dreg:$0x5] =	wrdreg s6  }
0x10: {  	s19 =	sshrl.u32 s28, $0x3;
	s22 =	sadd.s32 $0xC000, s11;
	[dreg:$0x6] =	wrdreg s20  }
0x11: {  	s11 =	sadd.s32 $0x10000, s11;
	s25 =	sadd.s32 $0x9C80, s15;
	[dreg:$0x7] =	wrdreg s22  }
0x12: {  	[dreg:$0x8] =	wrdreg s11;
	s6 =	sadd.s32 s23, s21;
	s23 =	smax.u32 s7, $0x1  }
0x13: {  	[dreg:$0x17] =	wrdreg s25;
	s7 =	simm.s32 $0x1;
	s25 =	simm.s32 $0x4  }
0x14: {  	s11 =	sadd.s32 $0x500, s6;
	s6 =	sadd.s32 $0x10, s15;
	[dreg:$0x14] =	wrdreg s23  }
0x15: {  	s23 =	simm.s32 $0x3;
	s11 =	smov.u32 @p0 s12;
	[dreg:$0xb] =	wrdreg s6  }
0x16: {  	s6 =	sadd.s32 s26, s0;
	p0 =	por !p6, !p1;
	p1 =	por !p2, !p1  }
0x17: {  	p2 =	sne.s32 s2, $0x0;
	s26 =	sadd.s32 $0x9C90, s15;
	s15 =	simm.s32 $0xD  }
0x18: {  	s2 =	simm.s32 $0x200;
	[dreg:$0xc] =	wrdreg s6;
	p0 =	por !p0, !p0  }
0x19: {  	s30 =	sshll.u32 s11, $0x7;
	s12 =	sshll.u32 s11, $0x4;
	s6 =	sadd.s32 s29, s28  }
0x1a: {  	p1 =	por !p1, !p1;
	[dreg:$0x18] =	wrdreg s26;
	s28 =	sadd.s32 $0x4D, s11  }
0x1b: {  	s29 =	sadd.s32 $0x4A, s11;
	s31 =	sadd.s32 $0x49, s11;
	s26 =	simm.s32 $0x80  }
0x1c: {  	s16 =	sadd.s32 s5, s12;
	s13 =	sadd.s32 $0x80, s30;
	s0 =	sadd.s32 s12, s0  }
0x1d: {  	s6 =	sshrl.u32 s6, $0x3;
	s20 =	sadd.s32 $0x4E400, s30;
	[dreg:$0x19] =	wrdreg s28  }
0x1e: {  	s24 =	sadd.s32 $0x100, s30;
	[dreg:$0x1a] =	wrdreg s29;
	s12 =	simm.s32 $0xB  }
0x1f: {  	[dreg:$0xe] =	wrdreg s0;
	s17 =	sshrl.u32 s13, $0x3;
	s18 =	sadd.s32 s9, s6  }
0x20: {  	s21 =	sand.u32 $0x7FFFFF80, s13;
	s6 =	sshrl.u32 s20, $0x3;
	[dreg:$0x15] =	wrdreg s24  }
0x21: {  	[dreg:$0xd] =	wrdreg s16;
	s30 =	sadd.s32 $0x30, s16;
	s13 =	simm.s32 $0x180  }
0x22: {  	s20 =	simm.s32 $0x8;
	s16 =	simm.s32 $0x5;
	s24 =	simm.s32 $0x0  }
0x23: {  	s0 =	sadd.s32 s5, s17;
	[dreg:$0x10] =	wrdreg s18;
	s8 =	sadd.s32 $0x4E400, s21  }
0x24: {  	s6 =	sadd.s32 s5, s6;
	[dreg:$0x1b] =	wrdreg s30;
	s17 =	simm.s32 $0x6  }
0x25: {  	s18 =	simm.s32 $0x280;
	s21 =	simm.s32 $0xA;
	[dreg:$0xf] =	wrdreg s0  }
.Ltmp0:
0x26: {  	s0 =	sadd.s32 s9, s19;
	[dreg:$0x11] =	wrdreg s6;
	(pc) =	sbr.rel .LBB2_1-.Ltmp0, $4  }
0x27: {  	s22 =	sshrl.u32 s8, $0x3;
	s8 =	simm.s32 $0x2;
	s0 =	sadd.s32 $0x25080, s0  }
0x28: {  	s6 =	sadd.s32 s5, s22;
	[dreg:$0x13] =	wrdreg s0;
	s0 =	sadd.s32 $0x128400, s3  }
0x29: {  	s9 =	simm.s32 $0x4300;
	[dreg:$0x12] =	wrdreg s6;
	s0 =	sshrl.u32 @p3 s0, $0x3  }
0x2a: {  	v0 =	vimm.f32 $0.0e+00;
	s19 =	simm.s32 $0x8300;
	s22 =	simm.s32 $0x7;
	[dreg:$0x16] =	wrdreg s0  }
.LBB2_38:
0x2b: {  	_ =	swait.ge [sflag:s21], $0x4000  }
0x2c: {  	[sflag:s21] =	ssyncset.done $0x0  }
0x2d: {  	[sflag:s21] =	ssyncadd.s32 $0xFFFFC000  }
.LBB2_39:
0x2e: {  	[bflag:$0x0] =	sbarrier.arrive $0xFFFF  }
0x2f: {  	s6 =	rddreg [dreg:$0x13]  }
0x30: {  	s0 =	simm.s32 @p3 $0x1FCD;
	s28 =	rddreg [dreg:$0x16]  }
0x31: {  	[hbm:s6], [sflag:s0] =	dma.local @p3 [spmem:s28], $0x2080  }
0x32: {  	s0 =	simm.s32 @p3 $0xD  }
0x33: {  	s6 =	stileid.u32;
	_ =	swait.ge @p3 [sflag:s0], $0x2080  }
0x34: {  	s6 =	sshll.u32 @!p3 s6, $0x6;
	[sflag:s0] =	ssyncset.done @p3 $0x0  }
0x35: {  	[sflag:s0] =	ssyncadd.s32 @p3 $0xFFFFDF80;
	s0 =	sor.u32 @!p3 $0x1C0D, s6;
	s6 =	rddreg [dreg:$0x4]  }
0x36: {  	s28 =	rddreg [dreg:$0x10];
	s6 =	sshrl.u32 @!p3 s6, $0x3  }
0x37: {  	[hbm:s28], [sflag:s0] =	dma.local @!p3 [spmem:s6], $0x2780  }
0x38: {  	s0 =	simm.s32 @!p3 $0xD  }
0x39: {  	_ =	swait.ge @!p3 [sflag:s0], $0x2780  }
0x3a: {  	s24 =	sadd.s32 $0x1, s24;
	s30 =	rddreg [dreg:$0x14]  }
0x3b: {  	p4 =	sne.s32 s24, s30  }
.Ltmp1:
0x3c: {  	_ = 	snop;
	(pc) =	sbr.rel @!p4 .LBB2_40-.Ltmp1, $3  }
0x3d: {  	_ =	sdelay $0x1  }
0x3e: {  	[sflag:s0] =	ssyncset.done @!p3 $0x0  }
0x3f: {  	[sflag:s0] =	ssyncadd.s32 @!p3 $0xFFFFD880  }
.LBB2_1:
0x40: {  	s0 =	simm.s32 $0x0;
	s6 =	simm.s32 $0x200  }
.LBB2_2:
0x41: {  	p4 =	sne.s32 s6, $0xFE00;
	[tilespmem:s0+$0x370] =	vst v0  }
0x42: {  	[tilespmem:s0+$0x300] =	vst v0  }
0x43: {  	[tilespmem:s0+$0x310] =	vst v0  }
.Ltmp2:
0x44: {  	[tilespmem:s0+$0x320] =	vst v0;
	(pc) =	sbr.rel @p4 .LBB2_2-.Ltmp2, $4  }
0x45: {  	[tilespmem:s0+$0x330] =	vst v0  }
0x46: {  	[tilespmem:s0+$0x340] =	vst v0  }
0x47: {  	[tilespmem:s0+$0x350] =	vst v0  }
0x48: {  	[tilespmem:s0+$0x360] =	vst v0;
	s0 =	sshra.s32 s6, $0x2;
	s6 =	sadd.s32 $0x200, s6  }
0x49: {  	[tilespmem:s0+$0x370] =	vst v0  }
0x4a: {  	[tilespmem:s0+$0x300] =	vst v0  }
0x4b: {  	[tilespmem:s0+$0x310] =	vst v0  }
0x4c: {  	[tilespmem:s0+$0x320] =	vst v0  }
0x4d: {  	[tilespmem:s0+$0x330] =	vst v0  }
0x4e: {  	[tilespmem:s0+$0x340] =	vst v0  }
0x4f: {  	[tilespmem:s0+$0x350] =	vst v0  }
0x50: {  	[tilespmem:s0+$0x360] =	vst v0;
	s6 =	rddreg [dreg:$0x4]  }
0x51: {  	[spmem:s6] =	stream.linear.scatter [tilespmem:s14], [sflag:$0xD], $0x4000, $0x38;
	[tilespmem:$0x1FC00] =	vst v63  }
0x52: {  	_ =	swait.ge [sflag:s15], $0x4000  }
0x53: {  	[sflag:s15] =	ssyncset.done $0x0  }
0x54: {  	s28 =	rddreg [dreg:$0x5];
	[sflag:s15] =	ssyncadd.s32 $0xFFFFC000  }
0x55: {  	[spmem:s28] =	stream.linear.scatter [tilespmem:s14], [sflag:$0xD], $0x4000, $0x38;
	[tilespmem:$0x1FC00] =	vst v63  }
0x56: {  	_ =	swait.ge [sflag:s15], $0x4000  }
0x57: {  	[sflag:s15] =	ssyncset.done $0x0  }
0x58: {  	s29 =	rddreg [dreg:$0x6];
	[sflag:s15] =	ssyncadd.s32 $0xFFFFC000  }
0x59: {  	[spmem:s29] =	stream.linear.scatter [tilespmem:s14], [sflag:$0xD], $0x4000, $0x38;
	[tilespmem:$0x1FC00] =	vst v63  }
0x5a: {  	_ =	swait.ge [sflag:s15], $0x4000  }
0x5b: {  	[sflag:s15] =	ssyncset.done $0x0  }
0x5c: {  	s30 =	rddreg [dreg:$0x7];
	[sflag:s15] =	ssyncadd.s32 $0xFFFFC000  }
0x5d: {  	[spmem:s30] =	stream.linear.scatter [tilespmem:s14], [sflag:$0xD], $0x4000, $0x38;
	[tilespmem:$0x1FC00] =	vst v63  }
0x5e: {  	_ =	swait.ge [sflag:s15], $0x4000  }
0x5f: {  	[sflag:s15] =	ssyncset.done $0x0  }
0x60: {  	s0 =	simm.s32 @p3 $0x300;
	s6 =	rddreg [dreg:$0x9];
	[sflag:s15] =	ssyncadd.s32 $0xFFFFC000  }
0x61: {  	[spmem:s6] =	stream.linear.scatter @p3 [tilespmem:s0], [sflag:$0xD], $0xC00, $0x38;
	[tilespmem:$0x1FC00] =	vst v63  }
0x62: {  	s0 =	simm.s32 @p3 $0xD  }
0x63: {  	_ =	swait.ge @p3 [sflag:s0], $0xC00  }
0x64: {  	[sflag:s0] =	ssyncset.done @p3 $0x0  }
0x65: {  	s6 =	rddreg [dreg:$0x8];
	[sflag:s0] =	ssyncadd.s32 @p3 $0xFFFFF400;
	s0 =	simm.s32 @!p3 $0x300  }
0x66: {  	[spmem:s6] =	stream.linear.scatter @!p3 [tilespmem:s0], [sflag:$0xD], $0x3C00, $0x38;
	[tilespmem:$0x1FC00] =	vst v63  }
0x67: {  	s0 =	simm.s32 @!p3 $0xD  }
.Ltmp3:
0x68: {  	_ =	swait.ge @!p3 [sflag:s0], $0x3C00;
	(pc) =	sbr.rel @p2 .LBB2_15-.Ltmp3, $3  }
0x69: {  	[sflag:s0] =	ssyncset.done @!p3 $0x0  }
0x6a: {  	[sflag:s0] =	ssyncadd.s32 @!p3 $0xFFFFC400  }
0x6b: {  	[bflag:$0x0] =	sbarrier.arrive $0xFFFF;
	_ =	sdelay $0x1  }
0x6c: {  	s0 =	simm.s32 $0x0;
	s6 =	rddreg [dreg:$0xa]  }
0x6d: {  	[tilespmem:s0], [sflag:$0x1] =	stream.linear.gather [hbm4b:s6+s0], $0x80, $0x38;
	[tilespmem:$0x1FC00] =	vst v63  }
0x6e: {  	s29 =	rddreg [dreg:$0xb]  }
0x6f: {  	[tilespmem:s26], [sflag:$0x2] =	stream.linear.gather [hbm4b:s29+s0], $0x80, $0x38;
	[tilespmem:$0x1FC00] =	vst v63  }
0x70: {  	s30 =	rddreg [dreg:$0xc];
	s28 =	simm.s32 $0x100  }
0x71: {  	[tilespmem:s28], [sflag:$0x3] =	stream.linear.gather [hbm4b:s30+s0], $0x80, $0x38;
	[tilespmem:$0x1FC00] =	vst v63  }
0x72: {  	s29 =	rddreg [dreg:$0x17]  }
0x73: {  	[tilespmem:s13], [sflag:$0x4] =	stream.linear.gather [hbm4b:s29+s0], $0x80, $0x38;
	[tilespmem:$0x1FC00] =	vst v63  }
0x74: {  	s30 =	rddreg [dreg:$0x18]  }
0x75: {  	[tilespmem:s2], [sflag:$0x5] =	stream.linear.gather [hbm4b:s30+s0], $0x80, $0x38;
	[tilespmem:$0x1FC00] =	vst v63  }
0x76: {  	_ =	swait.ge [sflag:s7], $0x80  }
0x77: {  	[sflag:s7] =	ssyncset.done $0x0  }
0x78: {  	[sflag:s7] =	ssyncadd.s32 $0xFFFFFF80  }
0x79: {  	[tilespmem:s14], [sflag:$0x7] =	stream.indirect.gather [hbm4b:s1+s26], $0x80, s0, s26, $0xb8;
	[tilespmem:$0x1FC00] =	vst v63  }
.Ltmp4:
0x7a: {  	_ = 	snop;
	(pc) =	sbr.rel .LBB2_5-.Ltmp4, $4  }
0x7b: {  	_ =	swait.ge [sflag:s8], $0x80  }
0x7c: {  	[sflag:s8] =	ssyncset.done $0x0;
	s6 =	rddreg [dreg:$0x15]  }
0x7d: {  	s28 =	rddreg [dreg:$0x1b];
	[sflag:s8] =	ssyncadd.s32 $0xFFFFFF80  }
0x7e: {  	[tilespmem:s9], [sflag:$0x8] =	stream.indirect.gather [hbm4b:s1+s26], $0x80, s26, s26, $0xb8;
	[tilespmem:$0x1FC00] =	vst v63  }
.LBB2_42:
0x7f: {  	_ =	swait.ge [sflag:s16], $0x80  }
0x80: {  	[sflag:s16] =	ssyncset.done $0x0  }
0x81: {  	[sflag:s16] =	ssyncadd.s32 $0xFFFFFF80  }
0x82: {  	[spmem:s3] =	stream.indirect.scatter.add.f32 [tilespmem:s9], [sflag:$0xB], $0x80, s2, s26, $0xb8;
	[tilespmem:$0x1FC00] =	vst v63  }
.LBB2_13:
0x83: {  	s0 =	sadd.s32 $0x1, s0  }
0x84: {  	p4 =	sne.s32 s0, $0x50  }
.Ltmp5:
0x85: {  	_ = 	snop;
	(pc) =	sbr.rel @!p4 .LBB2_14-.Ltmp5, $2  }
0x86: {  	_ =	sdelay $0x2  }
0x87: {  	s28 =	sadd.s32 $0x10, s28;
	s6 =	sadd.s32 $0x80, s6  }
.LBB2_5:
0x88: {  	s29 =	smul.u32 $0xAB, s0;
	_ =	sdelay $0x1  }
0x89: {  	s29 =	sshrl.u32 s29, $0x9  }
0x8a: {  	s29 =	sand.u32 $0x7F, s29  }
0x8b: {  	s29 =	smul.u32 $0x3, s29;
	_ =	sdelay $0x1  }
0x8c: {  	s29 =	ssub.s32 s0, s29  }
0x8d: {  	s29 =	sand.u32 $0xFF, s29  }
0x8e: {  	p4 =	seq.s32 s29, $0x2  }
.Ltmp6:
0x8f: {  	_ = 	snop;
	(pc) =	sbr.rel @p4 .LBB2_11-.Ltmp6, $1  }
0x90: {  	_ =	sdelay $0x3  }
0x91: {  	p4 =	seq.s32 s29, $0x1  }
.Ltmp7:
0x92: {  	_ = 	snop;
	(pc) =	sbr.rel @!p4 .LBB2_7-.Ltmp7, $1  }
0x93: {  	_ =	sdelay $0x3  }
0x94: {  	_ =	swait.ge [sflag:s20], $0x4000;
	p4 =	sgt.u32 s0, $0x4D  }
.Ltmp8:
0x95: {  	[sflag:s20] =	ssyncset.done $0x0;
	(pc) =	sbr.rel @p4 .LBB2_42-.Ltmp8, $4  }
0x96: {  	[sflag:s20] =	ssyncadd.s32 $0xFFFFC000  }
0x97: {  	_ =	swait.ge [sflag:s21], $0x4000  }
0x98: {  	[sflag:s21] =	ssyncset.done $0x0  }
0x99: {  	[sflag:s21] =	ssyncadd.s32 $0xFFFFC000  }
0x9a: {  	_ =	swait.ge [sflag:s7], $0x80  }
0x9b: {  	[sflag:s7] =	ssyncset.done $0x0  }
0x9c: {  	p4 =	seq.s32 s0, $0x4D;
	[sflag:s7] =	ssyncadd.s32 $0xFFFFFF80  }
0x9d: {  	[tilespmem:s14], [sflag:$0x7] =	stream.indirect.gather [hbm4b:s1+s26], $0x80, s4, s26, $0xb8;
	[tilespmem:$0x1FC00] =	vst v63  }
0x9e: {  	s29 =	simm.s32 @!p4 $0x0;
	s30 =	simm.s32 @!p4 $0x80  }
0x9f: {  	[tilespmem:s30], [sflag:$0x2] =	stream.linear.gather @!p4 [hbm4b:s28+s29], $0x80, $0x38;
	[tilespmem:$0x1FC00] =	vst v63  }
0xa0: {  	s29 =	sadd.s32 @!p4 s0, s11;
	s30 =	rddreg [dreg:$0x19]  }
0xa1: {  	s29 =	smov.u32 @p4 s30;
	_ =	swait.ge [sflag:s16], $0x80  }
0xa2: {  	[sflag:s16] =	ssyncset.done $0x0;
	s29 =	sshll.u32 s29, $0x7  }
.Ltmp9:
0xa3: {  	[sflag:s16] =	ssyncadd.s32 $0xFFFFFF80;
	s29 =	sadd.s32 $0x4E500, s29;
	(pc) =	sbr.rel .LBB2_13-.Ltmp9, $4  }
0xa4: {  	[spmem:s3] =	stream.indirect.scatter.add.f32 [tilespmem:s9], [sflag:$0xB], $0x80, s2, s26, $0xb8;
	[tilespmem:$0x1FC00] =	vst v63  }
0xa5: {  	s29 =	sshrl.u32 s29, $0x3  }
0xa6: {  	s29 =	sadd.s32 s5, s29  }
0xa7: {  	[tilespmem:s13], [sflag:$0x4] =	stream.linear.gather [hbm4b:s29+s4], $0x80, $0x38;
	[tilespmem:$0x1FC00] =	vst v63  }
.LBB2_11:
0xa8: {  	_ =	swait.ge [sflag:s10], $0x4000;
	p4 =	sgt.u32 s0, $0x4D  }
.Ltmp10:
0xa9: {  	[sflag:s10] =	ssyncset.done $0x0;
	(pc) =	sbr.rel @p4 .LBB2_43-.Ltmp10, $4  }
0xaa: {  	[sflag:s10] =	ssyncadd.s32 $0xFFFFC000  }
0xab: {  	_ =	swait.ge [sflag:s12], $0x4000  }
0xac: {  	[sflag:s12] =	ssyncset.done $0x0  }
0xad: {  	[sflag:s12] =	ssyncadd.s32 $0xFFFFC000  }
0xae: {  	_ =	swait.ge [sflag:s8], $0x80  }
0xaf: {  	[sflag:s8] =	ssyncset.done $0x0  }
0xb0: {  	p4 =	seq.s32 s0, $0x4D;
	[sflag:s8] =	ssyncadd.s32 $0xFFFFFF80  }
0xb1: {  	[tilespmem:s9], [sflag:$0x8] =	stream.indirect.gather [hbm4b:s1+s26], $0x80, s26, s26, $0xb8;
	[tilespmem:$0x1FC00] =	vst v63  }
0xb2: {  	s29 =	simm.s32 @!p4 $0x0;
	s30 =	simm.s32 @!p4 $0x100  }
0xb3: {  	[tilespmem:s30], [sflag:$0x3] =	stream.linear.gather @!p4 [hbm4b:s28+s29], $0x80, $0x38;
	[tilespmem:$0x1FC00] =	vst v63  }
0xb4: {  	s29 =	sadd.s32 @!p4 s0, s11;
	s30 =	rddreg [dreg:$0x19]  }
0xb5: {  	s29 =	smov.u32 @p4 s30;
	_ =	swait.ge [sflag:s17], $0x80  }
0xb6: {  	[sflag:s17] =	ssyncset.done $0x0;
	s29 =	sshll.u32 s29, $0x7  }
.Ltmp11:
0xb7: {  	[sflag:s17] =	ssyncadd.s32 $0xFFFFFF80;
	s29 =	sadd.s32 $0x4E500, s29;
	(pc) =	sbr.rel .LBB2_13-.Ltmp11, $4  }
0xb8: {  	[spmem:s3] =	stream.indirect.scatter.add.f32 [tilespmem:s19], [sflag:$0xC], $0x80, s18, s26, $0xb8;
	[tilespmem:$0x1FC00] =	vst v63  }
0xb9: {  	s29 =	sshrl.u32 s29, $0x3  }
0xba: {  	s29 =	sadd.s32 s5, s29  }
0xbb: {  	[tilespmem:s2], [sflag:$0x5] =	stream.linear.gather [hbm4b:s29+s4], $0x80, $0x38;
	[tilespmem:$0x1FC00] =	vst v63  }
.LBB2_7:
0xbc: {  	p4 =	seq.s32 s0, $0x0  }
0xbd: {  	p5 =	sgt.u32 @!p4 s0, $0x4D  }
0xbe: {  	_ =	swait.ge [sflag:s22], $0x4000;
	p5 =	por p4, !p5  }
.Ltmp12:
0xbf: {  	[sflag:s22] =	ssyncset.done $0x0;
	(pc) =	sbr.rel @!p5 .LBB2_41-.Ltmp12, $4  }
0xc0: {  	s29 =	simm.s32 @!p4 $0xC;
	[sflag:s22] =	ssyncadd.s32 $0xFFFFC000  }
0xc1: {  	_ =	swait.ge @!p4 [sflag:s29], $0x4000  }
0xc2: {  	[sflag:s29] =	ssyncset.done @!p4 $0x0  }
0xc3: {  	[sflag:s29] =	ssyncadd.s32 @!p4 $0xFFFFC000  }
0xc4: {  	_ =	swait.ge [sflag:s23], $0x80  }
0xc5: {  	[sflag:s23] =	ssyncset.done $0x0  }
0xc6: {  	s29 =	simm.s32 $0x100;
	p4 =	sgt.u32 s0, $0x4C;
	[sflag:s23] =	ssyncadd.s32 $0xFFFFFF80  }
0xc7: {  	[tilespmem:s19], [sflag:$0x9] =	stream.indirect.gather [hbm4b:s1+s26], $0x80, s29, s26, $0xb8;
	[tilespmem:$0x1FC00] =	vst v63  }
0xc8: {  	s29 =	simm.s32 @!p4 $0x0  }
0xc9: {  	[tilespmem:s29], [sflag:$0x1] =	stream.linear.gather @!p4 [hbm4b:s28+s29], $0x80, $0x38;
	[tilespmem:$0x1FC00] =	vst v63  }
0xca: {  	s30 =	sand.u32 $0x7FFFFF80, s6;
	_ =	swait.ge [sflag:s25], $0x80  }
.Ltmp13:
0xcb: {  	s29 =	sadd.s32 $0x4E400, s30;
	[sflag:s25] =	ssyncset.done $0x0;
	(pc) =	sbr.rel .LBB2_13-.Ltmp13, $4  }
0xcc: {  	s29 =	sshrl.u32 s29, $0x3;
	[sflag:s25] =	ssyncadd.s32 $0xFFFFFF80  }
0xcd: {  	[spmem:s3] =	stream.indirect.scatter.add.f32 [tilespmem:s14], [sflag:$0xA], $0x80, s13, s26, $0xb8;
	[tilespmem:$0x1FC00] =	vst v63  }
0xce: {  	s29 =	sadd.s32 s5, s29  }
0xcf: {  	[tilespmem:s18], [sflag:$0x6] =	stream.linear.gather [hbm4b:s29+s4], $0x80, $0x38;
	[tilespmem:$0x1FC00] =	vst v63  }
.LBB2_43:
.Ltmp14:
0xd0: {  	(pc) =	sbr.rel .LBB2_13-.Ltmp14, $4  }
0xd1: {  	_ =	swait.ge [sflag:s17], $0x80  }
0xd2: {  	[sflag:s17] =	ssyncset.done $0x0  }
0xd3: {  	[sflag:s17] =	ssyncadd.s32 $0xFFFFFF80  }
0xd4: {  	[spmem:s3] =	stream.indirect.scatter.add.f32 [tilespmem:s19], [sflag:$0xC], $0x80, s18, s26, $0xb8;
	[tilespmem:$0x1FC00] =	vst v63  }
.LBB2_41:
.Ltmp15:
0xd5: {  	(pc) =	sbr.rel .LBB2_13-.Ltmp15, $4  }
0xd6: {  	_ =	swait.ge [sflag:s25], $0x80  }
0xd7: {  	[sflag:s25] =	ssyncset.done $0x0  }
0xd8: {  	[sflag:s25] =	ssyncadd.s32 $0xFFFFFF80  }
0xd9: {  	[spmem:s3] =	stream.indirect.scatter.add.f32 [tilespmem:s14], [sflag:$0xA], $0x80, s13, s26, $0xb8;
	[tilespmem:$0x1FC00] =	vst v63  }
.LBB2_14:
0xda: {  	_ =	swait.ge [sflag:s12], $0x4000  }
0xdb: {  	[sflag:s12] =	ssyncset.done $0x0  }
0xdc: {  	[sflag:s12] =	ssyncadd.s32 $0xFFFFC000  }
.LBB2_15:
.Ltmp16:
0xdd: {  	(pc) =	sbr.rel @!p0 .LBB2_27-.Ltmp16, $1  }
0xde: {  	_ =	sdelay $0x3  }
0xdf: {  	s0 =	simm.s32 $0x0;
	s6 =	rddreg [dreg:$0xd]  }
0xe0: {  	[tilespmem:s0], [sflag:$0x1] =	stream.linear.gather [hbm4b:s6+s0], $0x80, $0x38;
	[tilespmem:$0x1FC00] =	vst v63  }
0xe1: {  	s29 =	rddreg [dreg:$0xf]  }
0xe2: {  	[tilespmem:s26], [sflag:$0x2] =	stream.linear.gather [hbm4b:s29+s0], $0x80, $0x38;
	[tilespmem:$0x1FC00] =	vst v63  }
0xe3: {  	s30 =	rddreg [dreg:$0xe];
	s28 =	simm.s32 $0x100  }
0xe4: {  	[tilespmem:s28], [sflag:$0x3] =	stream.linear.gather [hbm4b:s30+s0], $0x80, $0x38;
	[tilespmem:$0x1FC00] =	vst v63  }
0xe5: {  	s29 =	rddreg [dreg:$0x11]  }
0xe6: {  	[tilespmem:s13], [sflag:$0x4] =	stream.linear.gather [hbm4b:s29+s0], $0x80, $0x38;
	[tilespmem:$0x1FC00] =	vst v63  }
0xe7: {  	s30 =	rddreg [dreg:$0x12]  }
0xe8: {  	[tilespmem:s2], [sflag:$0x5] =	stream.linear.gather [hbm4b:s30+s0], $0x80, $0x38;
	[tilespmem:$0x1FC00] =	vst v63  }
0xe9: {  	_ =	swait.ge [sflag:s7], $0x80  }
0xea: {  	[sflag:s7] =	ssyncset.done $0x0  }
0xeb: {  	[sflag:s7] =	ssyncadd.s32 $0xFFFFFF80  }
0xec: {  	[tilespmem:s14], [sflag:$0x7] =	stream.indirect.gather [hbm4b:s1+s26], $0x80, s0, s26, $0xb8;
	[tilespmem:$0x1FC00] =	vst v63  }
.Ltmp17:
0xed: {  	_ = 	snop;
	(pc) =	sbr.rel .LBB2_17-.Ltmp17, $4  }
0xee: {  	_ =	swait.ge [sflag:s8], $0x80  }
0xef: {  	[sflag:s8] =	ssyncset.done $0x0;
	s6 =	rddreg [dreg:$0x15]  }
0xf0: {  	s28 =	rddreg [dreg:$0x1b];
	[sflag:s8] =	ssyncadd.s32 $0xFFFFFF80  }
0xf1: {  	[tilespmem:s9], [sflag:$0x8] =	stream.indirect.gather [hbm4b:s1+s26], $0x80, s26, s26, $0xb8;
	[tilespmem:$0x1FC00] =	vst v63  }
.LBB2_45:
0xf2: {  	_ =	swait.ge [sflag:s16], $0x80  }
0xf3: {  	[sflag:s16] =	ssyncset.done $0x0  }
0xf4: {  	[sflag:s16] =	ssyncadd.s32 $0xFFFFFF80  }
0xf5: {  	[spmem:s3] =	stream.indirect.scatter.add.f32 [tilespmem:s9], [sflag:$0xB], $0x80, s2, s26, $0xb8;
	[tilespmem:$0x1FC00] =	vst v63  }
.LBB2_25:
0xf6: {  	s0 =	sadd.s32 $0x1, s0  }
0xf7: {  	p4 =	sne.s32 s0, $0x4D  }
.Ltmp18:
0xf8: {  	_ = 	snop;
	(pc) =	sbr.rel @!p4 .LBB2_26-.Ltmp18, $2  }
0xf9: {  	_ =	sdelay $0x2  }
0xfa: {  	s28 =	sadd.s32 $0x10, s28;
	s6 =	sadd.s32 $0x80, s6  }
.LBB2_17:
0xfb: {  	s29 =	smul.u32 $0xAB, s0;
	_ =	sdelay $0x1  }
0xfc: {  	s29 =	sshrl.u32 s29, $0x9  }
0xfd: {  	s29 =	sand.u32 $0x7F, s29  }
0xfe: {  	s29 =	smul.u32 $0x3, s29;
	_ =	sdelay $0x1  }
0xff: {  	s29 =	ssub.s32 s0, s29  }
0x100: {  	s29 =	sand.u32 $0xFF, s29  }
0x101: {  	p4 =	seq.s32 s29, $0x2  }
.Ltmp19:
0x102: {  	_ = 	snop;
	(pc) =	sbr.rel @p4 .LBB2_23-.Ltmp19, $1  }
0x103: {  	_ =	sdelay $0x3  }
0x104: {  	p4 =	seq.s32 s29, $0x1  }
.Ltmp20:
0x105: {  	_ = 	snop;
	(pc) =	sbr.rel @!p4 .LBB2_19-.Ltmp20, $1  }
0x106: {  	_ =	sdelay $0x3  }
0x107: {  	_ =	swait.ge [sflag:s20], $0x4000;
	p4 =	sgt.u32 s0, $0x4A  }
.Ltmp21:
0x108: {  	[sflag:s20] =	ssyncset.done $0x0;
	(pc) =	sbr.rel @p4 .LBB2_45-.Ltmp21, $4  }
0x109: {  	[sflag:s20] =	ssyncadd.s32 $0xFFFFC000  }
0x10a: {  	_ =	swait.ge [sflag:s21], $0x4000  }
0x10b: {  	[sflag:s21] =	ssyncset.done $0x0  }
0x10c: {  	[sflag:s21] =	ssyncadd.s32 $0xFFFFC000  }
0x10d: {  	_ =	swait.ge [sflag:s7], $0x80  }
0x10e: {  	[sflag:s7] =	ssyncset.done $0x0  }
0x10f: {  	p4 =	seq.s32 s0, $0x4A;
	[sflag:s7] =	ssyncadd.s32 $0xFFFFFF80  }
0x110: {  	[tilespmem:s14], [sflag:$0x7] =	stream.indirect.gather [hbm4b:s1+s26], $0x80, s4, s26, $0xb8;
	[tilespmem:$0x1FC00] =	vst v63  }
0x111: {  	s29 =	simm.s32 @!p4 $0x0;
	s30 =	simm.s32 @!p4 $0x80  }
0x112: {  	[tilespmem:s30], [sflag:$0x2] =	stream.linear.gather @!p4 [hbm4b:s28+s29], $0x80, $0x38;
	[tilespmem:$0x1FC00] =	vst v63  }
0x113: {  	s29 =	sadd.s32 @!p4 s0, s11;
	s30 =	rddreg [dreg:$0x1a]  }
0x114: {  	s29 =	smov.u32 @p4 s30;
	_ =	swait.ge [sflag:s16], $0x80  }
0x115: {  	[sflag:s16] =	ssyncset.done $0x0;
	s29 =	sshll.u32 s29, $0x7  }
.Ltmp22:
0x116: {  	[sflag:s16] =	ssyncadd.s32 $0xFFFFFF80;
	s29 =	sadd.s32 $0x4E500, s29;
	(pc) =	sbr.rel .LBB2_25-.Ltmp22, $4  }
0x117: {  	[spmem:s3] =	stream.indirect.scatter.add.f32 [tilespmem:s9], [sflag:$0xB], $0x80, s2, s26, $0xb8;
	[tilespmem:$0x1FC00] =	vst v63  }
0x118: {  	s29 =	sshrl.u32 s29, $0x3  }
0x119: {  	s29 =	sadd.s32 s5, s29  }
0x11a: {  	[tilespmem:s13], [sflag:$0x4] =	stream.linear.gather [hbm4b:s29+s4], $0x80, $0x38;
	[tilespmem:$0x1FC00] =	vst v63  }
.LBB2_23:
0x11b: {  	_ =	swait.ge [sflag:s10], $0x4000;
	p4 =	sgt.u32 s0, $0x4A  }
.Ltmp23:
0x11c: {  	[sflag:s10] =	ssyncset.done $0x0;
	(pc) =	sbr.rel @p4 .LBB2_46-.Ltmp23, $4  }
0x11d: {  	[sflag:s10] =	ssyncadd.s32 $0xFFFFC000  }
0x11e: {  	_ =	swait.ge [sflag:s12], $0x4000  }
0x11f: {  	[sflag:s12] =	ssyncset.done $0x0  }
0x120: {  	[sflag:s12] =	ssyncadd.s32 $0xFFFFC000  }
0x121: {  	_ =	swait.ge [sflag:s8], $0x80  }
0x122: {  	[sflag:s8] =	ssyncset.done $0x0  }
0x123: {  	p4 =	seq.s32 s0, $0x4A;
	[sflag:s8] =	ssyncadd.s32 $0xFFFFFF80  }
0x124: {  	[tilespmem:s9], [sflag:$0x8] =	stream.indirect.gather [hbm4b:s1+s26], $0x80, s26, s26, $0xb8;
	[tilespmem:$0x1FC00] =	vst v63  }
0x125: {  	s29 =	simm.s32 @!p4 $0x0;
	s30 =	simm.s32 @!p4 $0x100  }
0x126: {  	[tilespmem:s30], [sflag:$0x3] =	stream.linear.gather @!p4 [hbm4b:s28+s29], $0x80, $0x38;
	[tilespmem:$0x1FC00] =	vst v63  }
0x127: {  	s29 =	sadd.s32 @!p4 s0, s11;
	s30 =	rddreg [dreg:$0x1a]  }
0x128: {  	s29 =	smov.u32 @p4 s30;
	_ =	swait.ge [sflag:s17], $0x80  }
0x129: {  	[sflag:s17] =	ssyncset.done $0x0;
	s29 =	sshll.u32 s29, $0x7  }
.Ltmp24:
0x12a: {  	[sflag:s17] =	ssyncadd.s32 $0xFFFFFF80;
	s29 =	sadd.s32 $0x4E500, s29;
	(pc) =	sbr.rel .LBB2_25-.Ltmp24, $4  }
0x12b: {  	[spmem:s3] =	stream.indirect.scatter.add.f32 [tilespmem:s19], [sflag:$0xC], $0x80, s18, s26, $0xb8;
	[tilespmem:$0x1FC00] =	vst v63  }
0x12c: {  	s29 =	sshrl.u32 s29, $0x3  }
0x12d: {  	s29 =	sadd.s32 s5, s29  }
0x12e: {  	[tilespmem:s2], [sflag:$0x5] =	stream.linear.gather [hbm4b:s29+s4], $0x80, $0x38;
	[tilespmem:$0x1FC00] =	vst v63  }
.LBB2_19:
0x12f: {  	p4 =	seq.s32 s0, $0x0  }
0x130: {  	p5 =	sgt.u32 @!p4 s0, $0x4A  }
0x131: {  	_ =	swait.ge [sflag:s22], $0x4000;
	p5 =	por p4, !p5  }
.Ltmp25:
0x132: {  	[sflag:s22] =	ssyncset.done $0x0;
	(pc) =	sbr.rel @!p5 .LBB2_44-.Ltmp25, $4  }
0x133: {  	s29 =	simm.s32 @!p4 $0xC;
	[sflag:s22] =	ssyncadd.s32 $0xFFFFC000  }
0x134: {  	_ =	swait.ge @!p4 [sflag:s29], $0x4000  }
0x135: {  	[sflag:s29] =	ssyncset.done @!p4 $0x0  }
0x136: {  	[sflag:s29] =	ssyncadd.s32 @!p4 $0xFFFFC000  }
0x137: {  	_ =	swait.ge [sflag:s23], $0x80  }
0x138: {  	[sflag:s23] =	ssyncset.done $0x0  }
0x139: {  	s29 =	simm.s32 $0x100;
	p4 =	sgt.u32 s0, $0x49;
	[sflag:s23] =	ssyncadd.s32 $0xFFFFFF80  }
0x13a: {  	[tilespmem:s19], [sflag:$0x9] =	stream.indirect.gather [hbm4b:s1+s26], $0x80, s29, s26, $0xb8;
	[tilespmem:$0x1FC00] =	vst v63  }
0x13b: {  	s29 =	simm.s32 @!p4 $0x0  }
0x13c: {  	[tilespmem:s29], [sflag:$0x1] =	stream.linear.gather @!p4 [hbm4b:s28+s29], $0x80, $0x38;
	[tilespmem:$0x1FC00] =	vst v63  }
0x13d: {  	s30 =	sand.u32 $0x7FFFFF80, s6;
	_ =	swait.ge [sflag:s25], $0x80  }
.Ltmp26:
0x13e: {  	s29 =	sadd.s32 $0x4E400, s30;
	[sflag:s25] =	ssyncset.done $0x0;
	(pc) =	sbr.rel .LBB2_25-.Ltmp26, $4  }
0x13f: {  	s29 =	sshrl.u32 s29, $0x3;
	[sflag:s25] =	ssyncadd.s32 $0xFFFFFF80  }
0x140: {  	[spmem:s3] =	stream.indirect.scatter.add.f32 [tilespmem:s14], [sflag:$0xA], $0x80, s13, s26, $0xb8;
	[tilespmem:$0x1FC00] =	vst v63  }
0x141: {  	s29 =	sadd.s32 s5, s29  }
0x142: {  	[tilespmem:s18], [sflag:$0x6] =	stream.linear.gather [hbm4b:s29+s4], $0x80, $0x38;
	[tilespmem:$0x1FC00] =	vst v63  }
.LBB2_46:
.Ltmp27:
0x143: {  	(pc) =	sbr.rel .LBB2_25-.Ltmp27, $4  }
0x144: {  	_ =	swait.ge [sflag:s17], $0x80  }
0x145: {  	[sflag:s17] =	ssyncset.done $0x0  }
0x146: {  	[sflag:s17] =	ssyncadd.s32 $0xFFFFFF80  }
0x147: {  	[spmem:s3] =	stream.indirect.scatter.add.f32 [tilespmem:s19], [sflag:$0xC], $0x80, s18, s26, $0xb8;
	[tilespmem:$0x1FC00] =	vst v63  }
.LBB2_44:
.Ltmp28:
0x148: {  	(pc) =	sbr.rel .LBB2_25-.Ltmp28, $4  }
0x149: {  	_ =	swait.ge [sflag:s25], $0x80  }
0x14a: {  	[sflag:s25] =	ssyncset.done $0x0  }
0x14b: {  	[sflag:s25] =	ssyncadd.s32 $0xFFFFFF80  }
0x14c: {  	[spmem:s3] =	stream.indirect.scatter.add.f32 [tilespmem:s14], [sflag:$0xA], $0x80, s13, s26, $0xb8;
	[tilespmem:$0x1FC00] =	vst v63  }
.LBB2_26:
0x14d: {  	_ =	swait.ge [sflag:s12], $0x4000  }
0x14e: {  	[sflag:s12] =	ssyncset.done $0x0  }
0x14f: {  	[sflag:s12] =	ssyncadd.s32 $0xFFFFC000  }
.LBB2_27:
.Ltmp29:
0x150: {  	(pc) =	sbr.rel @!p1 .LBB2_39-.Ltmp29, $1  }
0x151: {  	_ =	sdelay $0x3  }
0x152: {  	s0 =	simm.s32 $0x0;
	s6 =	rddreg [dreg:$0xd]  }
0x153: {  	[tilespmem:s0], [sflag:$0x1] =	stream.linear.gather [hbm4b:s6+s0], $0x80, $0x38;
	[tilespmem:$0x1FC00] =	vst v63  }
0x154: {  	s29 =	rddreg [dreg:$0xf]  }
0x155: {  	[tilespmem:s26], [sflag:$0x2] =	stream.linear.gather [hbm4b:s29+s0], $0x80, $0x38;
	[tilespmem:$0x1FC00] =	vst v63  }
0x156: {  	s30 =	rddreg [dreg:$0xe];
	s28 =	simm.s32 $0x100  }
0x157: {  	[tilespmem:s28], [sflag:$0x3] =	stream.linear.gather [hbm4b:s30+s0], $0x80, $0x38;
	[tilespmem:$0x1FC00] =	vst v63  }
0x158: {  	s29 =	rddreg [dreg:$0x11]  }
0x159: {  	[tilespmem:s13], [sflag:$0x4] =	stream.linear.gather [hbm4b:s29+s0], $0x80, $0x38;
	[tilespmem:$0x1FC00] =	vst v63  }
0x15a: {  	s30 =	rddreg [dreg:$0x12]  }
0x15b: {  	[tilespmem:s2], [sflag:$0x5] =	stream.linear.gather [hbm4b:s30+s0], $0x80, $0x38;
	[tilespmem:$0x1FC00] =	vst v63  }
0x15c: {  	_ =	swait.ge [sflag:s7], $0x80  }
0x15d: {  	[sflag:s7] =	ssyncset.done $0x0  }
0x15e: {  	[sflag:s7] =	ssyncadd.s32 $0xFFFFFF80  }
0x15f: {  	[tilespmem:s14], [sflag:$0x7] =	stream.indirect.gather [hbm4b:s1+s26], $0x80, s0, s26, $0xb8;
	[tilespmem:$0x1FC00] =	vst v63  }
.Ltmp30:
0x160: {  	_ = 	snop;
	(pc) =	sbr.rel .LBB2_29-.Ltmp30, $4  }
0x161: {  	_ =	swait.ge [sflag:s8], $0x80  }
0x162: {  	[sflag:s8] =	ssyncset.done $0x0;
	s6 =	rddreg [dreg:$0x15]  }
0x163: {  	s28 =	rddreg [dreg:$0x1b];
	[sflag:s8] =	ssyncadd.s32 $0xFFFFFF80  }
0x164: {  	[tilespmem:s9], [sflag:$0x8] =	stream.indirect.gather [hbm4b:s1+s26], $0x80, s26, s26, $0xb8;
	[tilespmem:$0x1FC00] =	vst v63  }
.LBB2_48:
0x165: {  	_ =	swait.ge [sflag:s16], $0x80  }
0x166: {  	[sflag:s16] =	ssyncset.done $0x0  }
0x167: {  	[sflag:s16] =	ssyncadd.s32 $0xFFFFFF80  }
0x168: {  	[spmem:s3] =	stream.indirect.scatter.add.f32 [tilespmem:s9], [sflag:$0xB], $0x80, s2, s26, $0xb8;
	[tilespmem:$0x1FC00] =	vst v63  }
.LBB2_37:
0x169: {  	s0 =	sadd.s32 $0x1, s0  }
0x16a: {  	p4 =	sne.s32 s0, $0x4C  }
.Ltmp31:
0x16b: {  	_ = 	snop;
	(pc) =	sbr.rel @!p4 .LBB2_38-.Ltmp31, $2  }
0x16c: {  	_ =	sdelay $0x2  }
0x16d: {  	s28 =	sadd.s32 $0x10, s28;
	s6 =	sadd.s32 $0x80, s6  }
.LBB2_29:
0x16e: {  	s29 =	smul.u32 $0xAB, s0;
	_ =	sdelay $0x1  }
0x16f: {  	s29 =	sshrl.u32 s29, $0x9  }
0x170: {  	s29 =	sand.u32 $0x7F, s29  }
0x171: {  	s29 =	smul.u32 $0x3, s29;
	_ =	sdelay $0x1  }
0x172: {  	s29 =	ssub.s32 s0, s29  }
0x173: {  	s29 =	sand.u32 $0xFF, s29  }
0x174: {  	p4 =	seq.s32 s29, $0x2  }
.Ltmp32:
0x175: {  	_ = 	snop;
	(pc) =	sbr.rel @p4 .LBB2_35-.Ltmp32, $1  }
0x176: {  	_ =	sdelay $0x3  }
0x177: {  	p4 =	seq.s32 s29, $0x1  }
.Ltmp33:
0x178: {  	_ = 	snop;
	(pc) =	sbr.rel @!p4 .LBB2_31-.Ltmp33, $1  }
0x179: {  	_ =	sdelay $0x3  }
0x17a: {  	_ =	swait.ge [sflag:s20], $0x4000;
	p4 =	sgt.u32 s0, $0x49  }
.Ltmp34:
0x17b: {  	[sflag:s20] =	ssyncset.done $0x0;
	(pc) =	sbr.rel @p4 .LBB2_48-.Ltmp34, $4  }
0x17c: {  	[sflag:s20] =	ssyncadd.s32 $0xFFFFC000  }
0x17d: {  	_ =	swait.ge [sflag:s21], $0x4000  }
0x17e: {  	[sflag:s21] =	ssyncset.done $0x0  }
0x17f: {  	[sflag:s21] =	ssyncadd.s32 $0xFFFFC000  }
0x180: {  	_ =	swait.ge [sflag:s7], $0x80  }
0x181: {  	[sflag:s7] =	ssyncset.done $0x0  }
0x182: {  	p4 =	seq.s32 s0, $0x49;
	[sflag:s7] =	ssyncadd.s32 $0xFFFFFF80  }
0x183: {  	[tilespmem:s14], [sflag:$0x7] =	stream.indirect.gather [hbm4b:s1+s26], $0x80, s4, s26, $0xb8;
	[tilespmem:$0x1FC00] =	vst v63  }
0x184: {  	s29 =	simm.s32 @!p4 $0x0;
	s30 =	simm.s32 @!p4 $0x80  }
0x185: {  	[tilespmem:s30], [sflag:$0x2] =	stream.linear.gather @!p4 [hbm4b:s28+s29], $0x80, $0x38;
	[tilespmem:$0x1FC00] =	vst v63  }
0x186: {  	s29 =	sadd.s32 @!p4 s0, s11  }
0x187: {  	s29 =	smov.u32 @p4 s31;
	_ =	swait.ge [sflag:s16], $0x80  }
0x188: {  	[sflag:s16] =	ssyncset.done $0x0;
	s29 =	sshll.u32 s29, $0x7  }
.Ltmp35:
0x189: {  	[sflag:s16] =	ssyncadd.s32 $0xFFFFFF80;
	s29 =	sadd.s32 $0x4E500, s29;
	(pc) =	sbr.rel .LBB2_37-.Ltmp35, $4  }
0x18a: {  	[spmem:s3] =	stream.indirect.scatter.add.f32 [tilespmem:s9], [sflag:$0xB], $0x80, s2, s26, $0xb8;
	[tilespmem:$0x1FC00] =	vst v63  }
0x18b: {  	s29 =	sshrl.u32 s29, $0x3  }
0x18c: {  	s29 =	sadd.s32 s5, s29  }
0x18d: {  	[tilespmem:s13], [sflag:$0x4] =	stream.linear.gather [hbm4b:s29+s4], $0x80, $0x38;
	[tilespmem:$0x1FC00] =	vst v63  }
.LBB2_35:
0x18e: {  	_ =	swait.ge [sflag:s10], $0x4000;
	p4 =	sgt.u32 s0, $0x49  }
.Ltmp36:
0x18f: {  	[sflag:s10] =	ssyncset.done $0x0;
	(pc) =	sbr.rel @p4 .LBB2_49-.Ltmp36, $4  }
0x190: {  	[sflag:s10] =	ssyncadd.s32 $0xFFFFC000  }
0x191: {  	_ =	swait.ge [sflag:s12], $0x4000  }
0x192: {  	[sflag:s12] =	ssyncset.done $0x0  }
0x193: {  	[sflag:s12] =	ssyncadd.s32 $0xFFFFC000  }
0x194: {  	_ =	swait.ge [sflag:s8], $0x80  }
0x195: {  	[sflag:s8] =	ssyncset.done $0x0  }
0x196: {  	p4 =	seq.s32 s0, $0x49;
	[sflag:s8] =	ssyncadd.s32 $0xFFFFFF80  }
0x197: {  	[tilespmem:s9], [sflag:$0x8] =	stream.indirect.gather [hbm4b:s1+s26], $0x80, s26, s26, $0xb8;
	[tilespmem:$0x1FC00] =	vst v63  }
0x198: {  	s29 =	simm.s32 @!p4 $0x0;
	s30 =	simm.s32 @!p4 $0x100  }
0x199: {  	[tilespmem:s30], [sflag:$0x3] =	stream.linear.gather @!p4 [hbm4b:s28+s29], $0x80, $0x38;
	[tilespmem:$0x1FC00] =	vst v63  }
0x19a: {  	s29 =	sadd.s32 @!p4 s0, s11  }
0x19b: {  	s29 =	smov.u32 @p4 s31;
	_ =	swait.ge [sflag:s17], $0x80  }
0x19c: {  	[sflag:s17] =	ssyncset.done $0x0;
	s29 =	sshll.u32 s29, $0x7  }
.Ltmp37:
0x19d: {  	[sflag:s17] =	ssyncadd.s32 $0xFFFFFF80;
	s29 =	sadd.s32 $0x4E500, s29;
	(pc) =	sbr.rel .LBB2_37-.Ltmp37, $4  }
0x19e: {  	[spmem:s3] =	stream.indirect.scatter.add.f32 [tilespmem:s19], [sflag:$0xC], $0x80, s18, s26, $0xb8;
	[tilespmem:$0x1FC00] =	vst v63  }
0x19f: {  	s29 =	sshrl.u32 s29, $0x3  }
0x1a0: {  	s29 =	sadd.s32 s5, s29  }
0x1a1: {  	[tilespmem:s2], [sflag:$0x5] =	stream.linear.gather [hbm4b:s29+s4], $0x80, $0x38;
	[tilespmem:$0x1FC00] =	vst v63  }
.LBB2_31:
0x1a2: {  	p4 =	seq.s32 s0, $0x0  }
0x1a3: {  	p5 =	sgt.u32 @!p4 s0, $0x49  }
0x1a4: {  	_ =	swait.ge [sflag:s22], $0x4000;
	p5 =	por p4, !p5  }
.Ltmp38:
0x1a5: {  	[sflag:s22] =	ssyncset.done $0x0;
	(pc) =	sbr.rel @!p5 .LBB2_47-.Ltmp38, $4  }
0x1a6: {  	s29 =	simm.s32 @!p4 $0xC;
	[sflag:s22] =	ssyncadd.s32 $0xFFFFC000  }
0x1a7: {  	_ =	swait.ge @!p4 [sflag:s29], $0x4000  }
0x1a8: {  	[sflag:s29] =	ssyncset.done @!p4 $0x0  }
0x1a9: {  	[sflag:s29] =	ssyncadd.s32 @!p4 $0xFFFFC000  }
0x1aa: {  	_ =	swait.ge [sflag:s23], $0x80  }
0x1ab: {  	[sflag:s23] =	ssyncset.done $0x0  }
0x1ac: {  	s29 =	simm.s32 $0x100;
	p4 =	sgt.u32 s0, $0x48;
	[sflag:s23] =	ssyncadd.s32 $0xFFFFFF80  }
0x1ad: {  	[tilespmem:s19], [sflag:$0x9] =	stream.indirect.gather [hbm4b:s1+s26], $0x80, s29, s26, $0xb8;
	[tilespmem:$0x1FC00] =	vst v63  }
0x1ae: {  	s29 =	simm.s32 @!p4 $0x0  }
0x1af: {  	[tilespmem:s29], [sflag:$0x1] =	stream.linear.gather @!p4 [hbm4b:s28+s29], $0x80, $0x38;
	[tilespmem:$0x1FC00] =	vst v63  }
0x1b0: {  	s30 =	sand.u32 $0x7FFFFF80, s6;
	_ =	swait.ge [sflag:s25], $0x80  }
.Ltmp39:
0x1b1: {  	s29 =	sadd.s32 $0x4E400, s30;
	[sflag:s25] =	ssyncset.done $0x0;
	(pc) =	sbr.rel .LBB2_37-.Ltmp39, $4  }
0x1b2: {  	s29 =	sshrl.u32 s29, $0x3;
	[sflag:s25] =	ssyncadd.s32 $0xFFFFFF80  }
0x1b3: {  	[spmem:s3] =	stream.indirect.scatter.add.f32 [tilespmem:s14], [sflag:$0xA], $0x80, s13, s26, $0xb8;
	[tilespmem:$0x1FC00] =	vst v63  }
0x1b4: {  	s29 =	sadd.s32 s5, s29  }
0x1b5: {  	[tilespmem:s18], [sflag:$0x6] =	stream.linear.gather [hbm4b:s29+s4], $0x80, $0x38;
	[tilespmem:$0x1FC00] =	vst v63  }
.LBB2_49:
.Ltmp40:
0x1b6: {  	(pc) =	sbr.rel .LBB2_37-.Ltmp40, $4  }
0x1b7: {  	_ =	swait.ge [sflag:s17], $0x80  }
0x1b8: {  	[sflag:s17] =	ssyncset.done $0x0  }
0x1b9: {  	[sflag:s17] =	ssyncadd.s32 $0xFFFFFF80  }
0x1ba: {  	[spmem:s3] =	stream.indirect.scatter.add.f32 [tilespmem:s19], [sflag:$0xC], $0x80, s18, s26, $0xb8;
	[tilespmem:$0x1FC00] =	vst v63  }
.LBB2_47:
.Ltmp41:
0x1bb: {  	(pc) =	sbr.rel .LBB2_37-.Ltmp41, $4  }
0x1bc: {  	_ =	swait.ge [sflag:s25], $0x80  }
0x1bd: {  	[sflag:s25] =	ssyncset.done $0x0  }
0x1be: {  	[sflag:s25] =	ssyncadd.s32 $0xFFFFFF80  }
0x1bf: {  	[spmem:s3] =	stream.indirect.scatter.add.f32 [tilespmem:s14], [sflag:$0xA], $0x80, s13, s26, $0xb8;
	[tilespmem:$0x1FC00] =	vst v63  }
.LBB2_40:
0x1c0: {  	_ =	sfence.sel $0x180000  }
0x1c1: {  	[bflag:$0x0] =	sbarrier.arrive $0xFFFF  }
0x1c2: {  	_ =	strace $0x9000004A  }
0x1c3: {  	s0 =	stileid.u32;
	[bflag:$0x2] =	sbarrier.arrive $0xFFFF  }
0x1c4: {  	p0 =	sne.s32 s0, $0x0;
	s0 =	rddreg [dreg:$0x3]  }
0x1c5: {  	s0 =	sadd.s32 @!p0 $0x100000, s0  }
0x1c6: {  	[sflag:s0] =	ssyncadd.tile.s32 @!p0 $0x1;
	_ =	shalt  }
.Lfunc_end2:
_tile_overlayer_lowered:
.L_overlay_start_2:
0x1c7: {  	(tag) =	ssettag $0x2  }
0x1c8: {  	s0 =	rddreg [dreg:$0x0];
	s2 =	stileid.u32  }
0x1c9: {  	s1 =	rddreg [dreg:$0x1];
	p0 =	sne.s32 s2, $0x0  }
0x1ca: {  	s3 =	rddreg [dreg:$0x2];
	[bflag:$0x3] =	sbarrier.arrive $0xFFFF;
	s2 =	simm.s32 @!p0 $0x1C0D  }
0x1cb: {  	[timem:s3], [sflag:s2] =	dma.local @!p0 [hbm:s0], s1  }
0x1cc: {  	s0 =	simm.s32 @!p0 $0xD  }
0x1cd: {  	_ =	swait.ge @!p0 [sflag:s0], s1  }
0x1ce: {  	s1 =	ssub.s32 @!p0 $0x0, s1;
	[sflag:s0] =	ssyncset.done @!p0 $0x0  }
0x1cf: {  	[sflag:s0] =	ssyncadd.s32 @!p0 s1  }
0x1d0: {  	[bflag:$0x3] =	sbarrier.arrive $0xFFFF  }
0x1d1: {  	_ =	shalt  }

</sc_bundles>
